<compile_context>
chip_gen: v7x
topology: tpu7x:2x2x1
jax: 0.10.2.dev20260603
libtpu: 0.0.44.dev20260713+nightly
codegen_flags: <defaults>
</compile_context>

<pallas_src>
import functools

import numpy as np
import jax
import jax.numpy as jnp
from jax import lax
from jax.experimental import pallas as pl
from jax.experimental.pallas import tpu as pltpu
from jax.experimental.pallas import tpu_sc as plsc

BEV = 200
NQ = BEV * BEV
E = 128
NH = 8
HD = 16
NPAIR = NQ * NH

BLK = 1000
VBLK = 2000
SPLITS = (8000, 32000)

NC, NS = 2, 16
NW = NC * NS
KP = 200
NJ = KP * 16 // 128

_PREC = jax.lax.Precision.DEFAULT
_EXACT = jax.lax.Precision.HIGHEST

_LANE = np.arange(128)
_LH = _LANE // 16
_LP = _LANE % 4
_SRCX = _LH * 8 + _LP * 2 + 0
_SRCY = _LH * 8 + _LP * 2 + 1
_SRCA = _LH * 4 + _LP
_SX = (np.arange(64)[:, None] == _SRCX[None, :]).astype(np.float32)
_SY = (np.arange(64)[:, None] == _SRCY[None, :]).astype(np.float32)
_SA = (np.arange(32)[:, None] == _SRCA[None, :]).astype(np.float32)
_G16 = np.kron(np.eye(NH, dtype=np.float32), np.ones((16, 16), np.float32))


def _dot(a, b, prec=None):
    return jax.lax.dot_general(a, b, (((1,), (0,)), ((), ())),
                               precision=prec or _PREC,
                               preferred_element_type=jnp.float32)


def _val_body(q_ref, wv_ref, bv_ref, woff_ref, boff_ref, wat_ref, bat_ref,
              sx_ref, sy_ref, sa_ref,
              val_ref, wox_ref, box_ref, woy_ref, boy_ref,
              watw_ref, batw_ref):
    val_ref[...] = _dot(q_ref[...], wv_ref[...]) + bv_ref[...]
    sx, sy, sa = sx_ref[...], sy_ref[...], sa_ref[...]
    wox_ref[...] = _dot(woff_ref[...], sx, _EXACT)
    woy_ref[...] = _dot(woff_ref[...], sy, _EXACT)
    box_ref[...] = _dot(boff_ref[...], sx, _EXACT)
    boy_ref[...] = _dot(boff_ref[...], sy, _EXACT)
    watw_ref[...] = _dot(wat_ref[...], sa, _EXACT)
    batw_ref[...] = _dot(bat_ref[...], sa, _EXACT)


_val_call = pl.pallas_call(
    _val_body,
    grid=(NQ // VBLK,),
    in_specs=[
        pl.BlockSpec((VBLK, E), lambda i: (i, 0)),
        pl.BlockSpec((E, E), lambda i: (0, 0)),
        pl.BlockSpec((1, E), lambda i: (0, 0)),
        pl.BlockSpec((E, 64), lambda i: (0, 0)),
        pl.BlockSpec((1, 64), lambda i: (0, 0)),
        pl.BlockSpec((E, 32), lambda i: (0, 0)),
        pl.BlockSpec((1, 32), lambda i: (0, 0)),
        pl.BlockSpec((64, E), lambda i: (0, 0)),
        pl.BlockSpec((64, E), lambda i: (0, 0)),
        pl.BlockSpec((32, E), lambda i: (0, 0)),
    ],
    out_specs=[
        pl.BlockSpec((VBLK, E), lambda i: (i, 0)),
        pl.BlockSpec((E, E), lambda i: (0, 0)),
        pl.BlockSpec((1, E), lambda i: (0, 0)),
        pl.BlockSpec((E, E), lambda i: (0, 0)),
        pl.BlockSpec((1, E), lambda i: (0, 0)),
        pl.BlockSpec((E, E), lambda i: (0, 0)),
        pl.BlockSpec((1, E), lambda i: (0, 0)),
    ],
    out_shape=[
        jax.ShapeDtypeStruct((NQ, E), jnp.float32),
        jax.ShapeDtypeStruct((E, E), jnp.float32),
        jax.ShapeDtypeStruct((1, E), jnp.float32),
        jax.ShapeDtypeStruct((E, E), jnp.float32),
        jax.ShapeDtypeStruct((1, E), jnp.float32),
        jax.ShapeDtypeStruct((E, E), jnp.float32),
        jax.ShapeDtypeStruct((1, E), jnp.float32),
    ],
)


def _pre_body(qbase, q_ref, wox_ref, box_ref, woy_ref, boy_ref,
              wat_ref, bat_ref, g16_ref, idx_ref, wts_ref):
    i = pl.program_id(0)
    q = q_ref[...]
    ox = _dot(q, wox_ref[...]) + box_ref[...]
    oy = _dot(q, woy_ref[...]) + boy_ref[...]
    lg = _dot(q, wat_ref[...]) + bat_ref[...]
    m = jnp.max(lg, axis=1, keepdims=True)
    e = jnp.exp(lg - m)
    aw = 4.0 * e / _dot(e, g16_ref[...])

    lane = lax.broadcasted_iota(jnp.int32, (BLK, E), 1)
    xsel = ((lane % 16) // 4 % 2).astype(jnp.float32)
    ysel = ((lane % 16) // 8).astype(jnp.float32)
    hf = (lane // 16).astype(jnp.float32)
    qi = qbase + i * BLK + lax.broadcasted_iota(jnp.int32, (BLK, E), 0)
    refx = (qi % BEV).astype(jnp.float32) * (1.0 / 199.0)
    refy = (qi // BEV).astype(jnp.float32) * (1.0 / 199.0)

    x = refx * 200.0 - 0.5 + ox
    y = refy * 200.0 - 0.5 + oy
    x0 = jnp.floor(x)
    y0 = jnp.floor(y)
    fx = x - x0
    fy = y - y0
    xf = x0 + xsel
    yf = y0 + ysel
    wx = (1.0 - xsel) + (2.0 * xsel - 1.0) * fx
    wy = (1.0 - ysel) + (2.0 * ysel - 1.0) * fy
    v = ((xf >= 0.0) & (xf <= 199.0) & (yf >= 0.0) & (yf <= 199.0))
    xc = jnp.clip(xf, 0.0, 199.0)
    yc = jnp.clip(yf, 0.0, 199.0)

    idx_ref[...] = ((yc * 200.0 + xc) * 8.0 + hf).astype(jnp.int32)
    wts_ref[...] = aw * wx * wy * v.astype(jnp.float32)


def _make_pre(qbase, nqh):
    qb = qbase // BLK
    return pl.pallas_call(
        functools.partial(_pre_body, qbase),
        grid=(nqh // BLK,),
        in_specs=[
            pl.BlockSpec((BLK, E), lambda i: (i + qb, 0)),
            pl.BlockSpec((E, E), lambda i: (0, 0)),
            pl.BlockSpec((1, E), lambda i: (0, 0)),
            pl.BlockSpec((E, E), lambda i: (0, 0)),
            pl.BlockSpec((1, E), lambda i: (0, 0)),
            pl.BlockSpec((E, E), lambda i: (0, 0)),
            pl.BlockSpec((1, E), lambda i: (0, 0)),
            pl.BlockSpec((E, E), lambda i: (0, 0)),
        ],
        out_specs=[
            pl.BlockSpec((BLK, E), lambda i: (i, 0)),
            pl.BlockSpec((BLK, E), lambda i: (i, 0)),
        ],
        out_shape=[
            jax.ShapeDtypeStruct((nqh, E), jnp.int32),
            jax.ShapeDtypeStruct((nqh, E), jnp.float32),
        ],
    )


def _post_body(s_ref, wo_ref, bo_ref, q_ref, out_ref):
    out_ref[...] = (_dot(s_ref[...], wo_ref[...]) + bo_ref[...]
                    + 2.0 * q_ref[...])


def _post_body_alias(s_ref, wo_ref, bo_ref, q_ref, prev_ref, out_ref):
    out_ref[...] = (_dot(s_ref[...], wo_ref[...]) + bo_ref[...]
                    + 2.0 * q_ref[...])


def _make_post(qbase, nqh, alias):
    qb = qbase // BLK
    in_specs = [
        pl.BlockSpec((BLK, E), lambda i: (i, 0)),
        pl.BlockSpec((E, E), lambda i: (0, 0)),
        pl.BlockSpec((1, E), lambda i: (0, 0)),
        pl.BlockSpec((BLK, E), lambda i: (i + qb, 0)),
    ]
    kwargs = {}
    body = _post_body
    if alias:
        body = _post_body_alias
        in_specs.append(pl.BlockSpec((8, E), lambda i: (0, 0)))
        kwargs["input_output_aliases"] = {4: 0}
    return pl.pallas_call(
        body,
        grid=(nqh // BLK,),
        in_specs=in_specs,
        out_specs=pl.BlockSpec((BLK, E), lambda i: (i + qb, 0)),
        out_shape=jax.ShapeDtypeStruct((NQ, E), jnp.float32),
        **kwargs,
    )


def _make_sc_body(npairh):
    pw = npairh // NW
    nch = pw // KP
    tile_idxrows = pw * 16 // 128

    def _sc_body(tab_ref, idx_ref, w_ref, out_ref,
                 idx_v, w_v, rows_v, out_v, sidx, sgat, sout):
        wid = lax.axis_index("s") * NC + lax.axis_index("c")
        pairbase = wid * pw
        idxbase = wid * tile_idxrows

        def fire_idx(g):
            r = lax.rem(g, 3)
            pltpu.async_copy(idx_ref.at[pl.ds(idxbase + g * NJ, NJ)],
                             idx_v.at[pl.ds(r * NJ, NJ)], sidx)
            pltpu.async_copy(w_ref.at[pl.ds(pairbase + g * KP, KP)],
                             w_v.at[pl.ds(r * KP, KP)], sidx)

        def drain_idx():
            pltpu.make_async_copy(idx_ref.at[pl.ds(0, NJ)],
                                  idx_v.at[pl.ds(0, NJ)], sidx).wait()
            pltpu.make_async_copy(w_ref.at[pl.ds(0, KP)],
                                  w_v.at[pl.ds(0, KP)], sidx).wait()

        def fire_gat(g, b):
            r = lax.rem(g, 3)
            for j in range(NJ):
                pltpu.async_copy(tab_ref.at[idx_v.at[r * NJ + j]],
                                 rows_v.at[pl.ds(b * KP * 16 + j * 128, 128)],
                                 sgat)

        def drain_gat():
            pltpu.make_async_copy(tab_ref.at[pl.ds(0, KP * 16)],
                                  rows_v.at[pl.ds(0, KP * 16)], sgat).wait()

        def drain_out():
            pltpu.make_async_copy(out_v.at[pl.ds(0, KP)],
                                  out_ref.at[pl.ds(0, KP)], sout).wait()

        fire_idx(0)
        drain_idx()
        fire_gat(0, 0)
        fire_idx(1)

        def loop(g, carry):
            b = lax.rem(g, 2)

            @pl.when(g + 1 < nch)
            def _():
                drain_idx()
                fire_gat(g + 1, 1 - b)

            @pl.when(g + 2 < nch)
            def _():
                fire_idx(g + 2)

            @pl.when(g >= 2)
            def _():
                drain_out()

            drain_gat()

            rbase = b * KP * 16
            wbase = lax.rem(g, 3) * KP
            obase = b * KP

            def pair2(i2, c2):
                i = 2 * i2
                base = rbase + i * 16
                wv0 = w_v[wbase + i]
                wv1 = w_v[wbase + i + 1]
                a0 = rows_v[base + 0] * wv0[0]
                a1 = rows_v[base + 1] * wv0[1]
                a2 = rows_v[base + 2] * wv0[2]
                a3 = rows_v[base + 3] * wv0[3]
                b0 = rows_v[base + 16] * wv1[0]
                b1 = rows_v[base + 17] * wv1[1]
                b2 = rows_v[base + 18] * wv1[2]
                b3 = rows_v[base + 19] * wv1[3]
                for l in range(4, 16, 4):
                    a0 = a0 + rows_v[base + l] * wv0[l]
                    a1 = a1 + rows_v[base + l + 1] * wv0[l + 1]
                    a2 = a2 + rows_v[base + l + 2] * wv0[l + 2]
                    a3 = a3 + rows_v[base + l + 3] * wv0[l + 3]
                    b0 = b0 + rows_v[base + 16 + l] * wv1[l]
                    b1 = b1 + rows_v[base + 17 + l] * wv1[l + 1]
                    b2 = b2 + rows_v[base + 18 + l] * wv1[l + 2]
                    b3 = b3 + rows_v[base + 19 + l] * wv1[l + 3]
                out_v[obase + i] = (a0 + a1) + (a2 + a3)
                out_v[obase + i + 1] = (b0 + b1) + (b2 + b3)
                return c2

            lax.fori_loop(0, KP // 2, pair2, 0)
            pltpu.async_copy(out_v.at[pl.ds(obase, KP)],
                             out_ref.at[pl.ds(pairbase + g * KP, KP)], sout)
            return carry

        lax.fori_loop(0, nch, loop, 0)
        drain_out()
        drain_out()

    return _sc_body


@functools.cache
def _sc_call(npairh):
    return functools.partial(
        pl.kernel,
        out_type=jax.ShapeDtypeStruct((npairh, HD), jnp.float32),
        mesh=plsc.VectorSubcoreMesh(core_axis_name="c", subcore_axis_name="s"),
        compiler_params=pltpu.CompilerParams(
            use_tc_tiling_on_sc=False,
            disable_bounds_checks=True,
            disable_semaphore_checks=True,
        ),
        scratch_types=[
            pltpu.VMEM((3 * NJ, 128), jnp.int32),
            pltpu.VMEM((3 * KP, HD), jnp.float32),
            pltpu.VMEM((2 * KP * 16, HD), jnp.float32),
            pltpu.VMEM((2 * KP, HD), jnp.float32),
            pltpu.SemaphoreType.DMA,
            pltpu.SemaphoreType.DMA,
            pltpu.SemaphoreType.DMA,
        ],
    )(_make_sc_body(npairh))


_pre_calls = []
_post_calls = []
_qb = 0
for _h, _nqh in enumerate(SPLITS):
    _pre_calls.append(_make_pre(_qb, _nqh))
    _post_calls.append(_make_post(_qb, _nqh, alias=_h > 0))
    _qb += _nqh


def kernel(query, Wv, bv, Woff, boff, Wattn, battn, Wout, bout):
    q2 = query[0]
    g16 = jnp.asarray(_G16)
    sx, sy, sa = jnp.asarray(_SX), jnp.asarray(_SY), jnp.asarray(_SA)

    value, wox, box, woy, boy, wat, bat = _val_call(
        q2, Wv, bv[None, :], Woff, boff[None, :], Wattn, battn[None, :],
        sx, sy, sa)
    tab = value.reshape(NPAIR, HD)

    out = None
    for h, nqh in enumerate(SPLITS):
        widx, wwts = _pre_calls[h](q2, wox, box, woy, boy, wat, bat, g16)
        srows = _sc_call(nqh * NH)(tab, widx, wwts.reshape(nqh * NH, HD))
        args = (srows.reshape(nqh, E), Wout, bout[None, :], q2)
        out = _post_calls[h](*args) if h == 0 else _post_calls[h](*args, out)
    return out[None]

# --- scband reference (transcript-rebuilt; emitter-appended) ---
"""Pipeline reference for scband-self-attention-84396107366867 (READ-ONLY COPY).

The authoritative reference and input builder live on the scoring server;
editing this copy changes nothing except your own understanding.
"""

import jax, jax.numpy as jnp
import numpy as np

BEV_RES = 200
EMBED = 128
HEADS = 8
POINTS = 4
BS = 1
HEAD_DIM = EMBED // HEADS
NQ = BEV_RES * BEV_RES


def _reference_points():
    lin = np.linspace(0.0, 1.0, BEV_RES)
    grd_row, grd_col = np.meshgrid(lin, lin, indexing='ij')
    ref = np.stack((grd_col, grd_row), axis=-1).reshape(-1, 2)
    return jnp.asarray(ref, dtype=jnp.float32)


def setup_inputs(seed: int = 0):
    key = jax.random.key(seed)
    ks = jax.random.split(key, 9)
    return {
        "query": jax.random.normal(ks[0], (BS, NQ, EMBED), dtype=jnp.float32),
        "Wv": jax.random.normal(ks[1], (EMBED, EMBED), dtype=jnp.float32) * 0.02,
        "bv": jnp.zeros((EMBED,), dtype=jnp.float32),
        "Woff": jax.random.normal(ks[2], (EMBED, HEADS * POINTS * 2), dtype=jnp.float32) * 0.01,
        "boff": jax.random.normal(ks[3], (HEADS * POINTS * 2,), dtype=jnp.float32) * 2.0,
        "Wattn": jax.random.normal(ks[4], (EMBED, HEADS * POINTS), dtype=jnp.float32) * 0.02,
        "battn": jnp.zeros((HEADS * POINTS,), dtype=jnp.float32),
        "Wout": jax.random.normal(ks[5], (EMBED, EMBED), dtype=jnp.float32) * 0.02,
        "bout": jnp.zeros((EMBED,), dtype=jnp.float32),
    }


def _bilinear_sample(value, grid, H, W):
    # value: [NB, C, H, W], grid: [NB, P, 2] in [-1, 1]; align_corners=False, zero padding
    NB, C = value.shape[0], value.shape[1]
    P = grid.shape[1]
    x = ((grid[..., 0] + 1.0) * W - 1.0) / 2.0
    y = ((grid[..., 1] + 1.0) * H - 1.0) / 2.0
    x0 = jnp.floor(x); y0 = jnp.floor(y)
    x1 = x0 + 1.0; y1 = y0 + 1.0
    wx1 = x - x0; wx0 = 1.0 - wx1
    wy1 = y - y0; wy0 = 1.0 - wy1
    vflat = value.reshape(NB, C, H * W)

    def gather(xi, yi):
        valid = (xi >= 0) & (xi <= W - 1) & (yi >= 0) & (yi <= H - 1)
        xc = jnp.clip(xi, 0, W - 1).astype(jnp.int32)
        yc = jnp.clip(yi, 0, H - 1).astype(jnp.int32)
        idx = yc * W + xc
        idx_b = jnp.broadcast_to(idx[:, None, :], (NB, C, P))
        g = jnp.take_along_axis(vflat, idx_b, axis=2)
        return g * valid[:, None, :].astype(value.dtype)

    return (gather(x0, y0) * (wx0 * wy0)[:, None, :]
            + gather(x1, y0) * (wx1 * wy0)[:, None, :]
            + gather(x0, y1) * (wx0 * wy1)[:, None, :]
            + gather(x1, y1) * (wx1 * wy1)[:, None, :])


def _msda(query, Wv, bv, Woff, boff, Wattn, battn, Wout, bout):
    # mmcv MultiScaleDeformableAttention, num_levels=1, num_points=4, batch_first=True, eval mode
    bs, nq, embed = query.shape
    H = W = BEV_RES
    value = (query @ Wv + bv).reshape(bs, nq, HEADS, HEAD_DIM)
    offsets = (query @ Woff + boff).reshape(bs, nq, HEADS, 1, POINTS, 2)
    attn = (query @ Wattn + battn).reshape(bs, nq, HEADS, 1 * POINTS)
    attn = jax.nn.softmax(attn, axis=-1).reshape(bs, nq, HEADS, 1, POINTS)
    ref = _reference_points()
    ref = jnp.broadcast_to(ref[None, :, None, :], (bs, nq, 1, 2))
    offset_normalizer = jnp.array([[W, H]], dtype=query.dtype)
    loc = ref[:, :, None, :, None, :] + offsets / offset_normalizer[None, None, None, :, None, :]
    loc = loc[:, :, :, 0]  # single level -> [bs, nq, heads, points, 2]
    grids = 2.0 * loc - 1.0
    grids = jnp.transpose(grids, (0, 2, 1, 3, 4)).reshape(bs * HEADS, nq * POINTS, 2)
    value_l = jnp.transpose(value, (0, 2, 3, 1)).reshape(bs * HEADS, HEAD_DIM, H, W)
    sampled = _bilinear_sample(value_l, grids, H, W).reshape(bs * HEADS, HEAD_DIM, nq, POINTS)
    w = jnp.transpose(attn[:, :, :, 0], (0, 2, 1, 3)).reshape(bs * HEADS, 1, nq, POINTS)
    out = (sampled * w).sum(-1)
    out = out.reshape(bs, HEADS * HEAD_DIM, nq)
    out = jnp.transpose(out, (0, 2, 1))
    out = out @ Wout + bout
    # mmcv MSDA adds identity (query) internally; dropout is identity in eval
    return out + query


def reference(query, Wv, bv, Woff, boff, Wattn, battn, Wout, bout):
    grd_bev = _msda(query, Wv, bv, Woff, boff, Wattn, battn, Wout, bout)
    return grd_bev + query  # SelfAttention outer residual

if __name__ == "__main__":
    import jax
    _d = setup_inputs()
    print(jax.jit(kernel)(*tuple(_d.values())))

</pallas_src>

<mosaic_0001>
#map = affine_map<(d0, d1) -> (0, 0)>
module attributes {stable_mosaic.version = 14 : i64} {
  func.func @_sc_body(%arg0: i32, %arg1: i32, %arg2: memref<320000x16xf32, #tpu.memory_space<hbm>>, %arg3: memref<32000x128xi32, #tpu.memory_space<hbm>>, %arg4: memref<256000x16xf32, #tpu.memory_space<hbm>>, %arg5: memref<256000x16xf32, #tpu.memory_space<hbm>>, %arg6: memref<75x128xi32, #tpu.memory_space<vmem>>, %arg7: memref<600x16xf32, #tpu.memory_space<vmem>>, %arg8: memref<6400x16xf32, #tpu.memory_space<vmem>>, %arg9: memref<400x16xf32, #tpu.memory_space<vmem>>, %arg10: memref<!tpu.dma_semaphore, #tpu.memory_space<semaphore_mem>>, %arg11: memref<!tpu.dma_semaphore, #tpu.memory_space<semaphore_mem>>, %arg12: memref<!tpu.dma_semaphore, #tpu.memory_space<semaphore_mem>>) attributes {dimension_semantics = [#tpu.dimension_semantics<core_parallel>, #tpu.dimension_semantics<subcore_parallel>], iteration_bounds = array<i64: 2, 16>, scalar_prefetch = 0 : i64, scratch_operands = 7 : i64, tpu.core_type = #tpu.core_type<sc_vector_subcore>, window_params = [{transform_indices = #map}, {transform_indices = #map}, {transform_indices = #map}, {transform_indices = #map}]} {
    %mul3A = arith.constant 2 : i32
    %mul3A_0 = arith.muli %arg1, %mul3A : i32
    %add3A = arith.addi %mul3A_0, %arg0 : i32
    %mul3A_1 = arith.constant 8000 : i32
    %mul3A_2 = arith.muli %add3A, %mul3A_1 : i32
    %mul3A_3 = arith.constant 1000 : i32
    %mul3A_4 = arith.muli %add3A, %mul3A_3 : i32
    %rem3A = arith.constant 0 : i32
    %rem3A_5 = arith.constant 3 : i32
    %rem3A_6 = arith.remsi %rem3A, %rem3A_5 : i32
    %add3A_7 = arith.constant 0 : i32
    %add3A_8 = arith.addi %mul3A_4, %add3A_7 : i32
    %mul3A_9 = arith.constant 25 : i32
    %mul3A_10 = arith.muli %rem3A_6, %mul3A_9 : i32
    %dma_start3A = arith.constant 0 : i32
    %dma_start3A_11 = tpu.memref_slice %arg6[%mul3A_10, %dma_start3A] : memref<75x128xi32, #tpu.memory_space<vmem>> -> memref<25x128xi32, #tpu.memory_space<vmem>>
    %dma_start3A_12 = arith.constant 0 : i32
    %dma_start3A_13 = tpu.memref_slice %arg3[%add3A_8, %dma_start3A_12] : memref<32000x128xi32, #tpu.memory_space<hbm>> -> memref<25x128xi32, #tpu.memory_space<hbm>>
    %dma_start3A_14 = arith.constant 0 : i32
    %dma_start3A_15 = tpu.memref_slice %arg6[%mul3A_10, %dma_start3A_14] : memref<75x128xi32, #tpu.memory_space<vmem>> -> memref<25x128xi32, #tpu.memory_space<vmem>>
    %dma_start3A_16 = arith.constant 0 : i32
    %dma_start3A_17 = tpu.memref_slice %arg3[%add3A_8, %dma_start3A_16] : memref<32000x128xi32, #tpu.memory_space<hbm>> -> memref<25x128xi32, #tpu.memory_space<hbm>>
    tpu.enqueue_dma source(%dma_start3A_17 : memref<25x128xi32, #tpu.memory_space<hbm>>) target(%dma_start3A_15 : memref<25x128xi32, #tpu.memory_space<vmem>>) target_semaphore(%arg10 : memref<!tpu.dma_semaphore, #tpu.memory_space<semaphore_mem>>)
    %add3A_18 = arith.constant 0 : i32
    %add3A_19 = arith.addi %mul3A_2, %add3A_18 : i32
    %mul3A_20 = arith.constant 200 : i32
    %mul3A_21 = arith.muli %rem3A_6, %mul3A_20 : i32
    %dma_start3A_22 = arith.constant 0 : i32
    %dma_start3A_23 = tpu.memref_slice %arg7[%mul3A_21, %dma_start3A_22] : memref<600x16xf32, #tpu.memory_space<vmem>> -> memref<200x16xf32, #tpu.memory_space<vmem>>
    %dma_start3A_24 = arith.constant 0 : i32
    %dma_start3A_25 = tpu.memref_slice %arg4[%add3A_19, %dma_start3A_24] : memref<256000x16xf32, #tpu.memory_space<hbm>> -> memref<200x16xf32, #tpu.memory_space<hbm>>
    %dma_start3A_26 = arith.constant 0 : i32
    %dma_start3A_27 = tpu.memref_slice %arg7[%mul3A_21, %dma_start3A_26] : memref<600x16xf32, #tpu.memory_space<vmem>> -> memref<200x16xf32, #tpu.memory_space<vmem>>
    %dma_start3A_28 = arith.constant 0 : i32
    %dma_start3A_29 = tpu.memref_slice %arg4[%add3A_19, %dma_start3A_28] : memref<256000x16xf32, #tpu.memory_space<hbm>> -> memref<200x16xf32, #tpu.memory_space<hbm>>
    tpu.enqueue_dma source(%dma_start3A_29 : memref<200x16xf32, #tpu.memory_space<hbm>>) target(%dma_start3A_27 : memref<200x16xf32, #tpu.memory_space<vmem>>) target_semaphore(%arg10 : memref<!tpu.dma_semaphore, #tpu.memory_space<semaphore_mem>>)
    %dma_wait3A = arith.constant 0 : i32
    %dma_wait3A_30 = arith.constant 0 : i32
    %dma_wait3A_31 = tpu.memref_slice %arg6[%dma_wait3A, %dma_wait3A_30] : memref<75x128xi32, #tpu.memory_space<vmem>> -> memref<25x128xi32, #tpu.memory_space<vmem>>
    %dma_wait3A_32 = arith.constant 0 : i32
    %dma_wait3A_33 = arith.constant 0 : i32
    %dma_wait3A_34 = tpu.memref_slice %arg3[%dma_wait3A_32, %dma_wait3A_33] : memref<32000x128xi32, #tpu.memory_space<hbm>> -> memref<25x128xi32, #tpu.memory_space<hbm>>
    %dma_wait3A_35 = arith.constant 0 : i32
    %dma_wait3A_36 = arith.constant 0 : i32
    %dma_wait3A_37 = tpu.memref_slice %arg6[%dma_wait3A_35, %dma_wait3A_36] : memref<75x128xi32, #tpu.memory_space<vmem>> -> memref<25x128xi32, #tpu.memory_space<vmem>>
    %dma_wait3A_38 = arith.constant 0 : i32
    %dma_wait3A_39 = arith.constant 0 : i32
    %dma_wait3A_40 = tpu.memref_slice %arg3[%dma_wait3A_38, %dma_wait3A_39] : memref<32000x128xi32, #tpu.memory_space<hbm>> -> memref<25x128xi32, #tpu.memory_space<hbm>>
    tpu.wait_dma2 semaphore(%arg10 : memref<!tpu.dma_semaphore, #tpu.memory_space<semaphore_mem>>) src(%dma_wait3A_40 : memref<25x128xi32, #tpu.memory_space<hbm>>) dst(%dma_wait3A_37 : memref<25x128xi32, #tpu.memory_space<vmem>>)
    %dma_wait3A_41 = arith.constant 0 : i32
    %dma_wait3A_42 = arith.constant 0 : i32
    %dma_wait3A_43 = tpu.memref_slice %arg7[%dma_wait3A_41, %dma_wait3A_42] : memref<600x16xf32, #tpu.memory_space<vmem>> -> memref<200x16xf32, #tpu.memory_space<vmem>>
    %dma_wait3A_44 = arith.constant 0 : i32
    %dma_wait3A_45 = arith.constant 0 : i32
    %dma_wait3A_46 = tpu.memref_slice %arg4[%dma_wait3A_44, %dma_wait3A_45] : memref<256000x16xf32, #tpu.memory_space<hbm>> -> memref<200x16xf32, #tpu.memory_space<hbm>>
    %dma_wait3A_47 = arith.constant 0 : i32
    %dma_wait3A_48 = arith.constant 0 : i32
    %dma_wait3A_49 = tpu.memref_slice %arg7[%dma_wait3A_47, %dma_wait3A_48] : memref<600x16xf32, #tpu.memory_space<vmem>> -> memref<200x16xf32, #tpu.memory_space<vmem>>
    %dma_wait3A_50 = arith.constant 0 : i32
    %dma_wait3A_51 = arith.constant 0 : i32
    %dma_wait3A_52 = tpu.memref_slice %arg4[%dma_wait3A_50, %dma_wait3A_51] : memref<256000x16xf32, #tpu.memory_space<hbm>> -> memref<200x16xf32, #tpu.memory_space<hbm>>
    tpu.wait_dma2 semaphore(%arg10 : memref<!tpu.dma_semaphore, #tpu.memory_space<semaphore_mem>>) src(%dma_wait3A_52 : memref<200x16xf32, #tpu.memory_space<hbm>>) dst(%dma_wait3A_49 : memref<200x16xf32, #tpu.memory_space<vmem>>)
    %rem3A_53 = arith.constant 0 : i32
    %rem3A_54 = arith.constant 3 : i32
    %rem3A_55 = arith.remsi %rem3A_53, %rem3A_54 : i32
    %mul3A_56 = arith.constant 25 : i32
    %mul3A_57 = arith.muli %rem3A_55, %mul3A_56 : i32
    %add3A_58 = arith.constant 0 : i32
    %add3A_59 = arith.addi %mul3A_57, %add3A_58 : i32
    %dma_start3A_60 = arith.constant 0 : i32
    %dma_start3A_61 = arith.constant 0 : i32
    %dma_start3A_62 = tpu.memref_slice %arg8[%dma_start3A_60, %dma_start3A_61] : memref<6400x16xf32, #tpu.memory_space<vmem>> -> memref<128x16xf32, #tpu.memory_space<vmem>>
    %dma_start3A_63 = arith.constant 0 : i32
    %dma_start3A_64 = tpu.memref_slice %arg6[%add3A_59, %dma_start3A_63] : memref<75x128xi32, #tpu.memory_space<vmem>> -> memref<1x128xi32, #tpu.memory_space<vmem>>
    %dma_start3A_65 = tpu.memref_squeeze %dma_start3A_64 : memref<1x128xi32, #tpu.memory_space<vmem>> -> memref<128xi32, #tpu.memory_space<vmem>>
    %dma_start3A_66 = arith.constant 0 : i32
    %dma_start3A_67 = arith.constant 0 : i32
    %dma_start3A_68 = tpu.memref_slice %arg2[%dma_start3A_66, %dma_start3A_67] : memref<320000x16xf32, #tpu.memory_space<hbm>> -> memref<320000x16xf32, #tpu.memory_space<hbm>>
    tpu.enqueue_indirect_dma source(%dma_start3A_68 : memref<320000x16xf32, #tpu.memory_space<hbm>>) target(%dma_start3A_62 : memref<128x16xf32, #tpu.memory_space<vmem>>) offsets(%dma_start3A_65 : memref<128xi32, #tpu.memory_space<vmem>>) semaphore(%arg11 : memref<!tpu.dma_semaphore, #tpu.memory_space<semaphore_mem>>)
    %mul3A_69 = arith.constant 25 : i32
    %mul3A_70 = arith.muli %rem3A_55, %mul3A_69 : i32
    %add3A_71 = arith.constant 1 : i32
    %add3A_72 = arith.addi %mul3A_70, %add3A_71 : i32
    %dma_start3A_73 = arith.constant 128 : i32
    %dma_start3A_74 = arith.constant 0 : i32
    %dma_start3A_75 = tpu.memref_slice %arg8[%dma_start3A_73, %dma_start3A_74] : memref<6400x16xf32, #tpu.memory_space<vmem>> -> memref<128x16xf32, #tpu.memory_space<vmem>>
    %dma_start3A_76 = arith.constant 0 : i32
    %dma_start3A_77 = tpu.memref_slice %arg6[%add3A_72, %dma_start3A_76] : memref<75x128xi32, #tpu.memory_space<vmem>> -> memref<1x128xi32, #tpu.memory_space<vmem>>
    %dma_start3A_78 = tpu.memref_squeeze %dma_start3A_77 : memref<1x128xi32, #tpu.memory_space<vmem>> -> memref<128xi32, #tpu.memory_space<vmem>>
    %dma_start3A_79 = arith.constant 0 : i32
    %dma_start3A_80 = arith.constant 0 : i32
    %dma_start3A_81 = tpu.memref_slice %arg2[%dma_start3A_79, %dma_start3A_80] : memref<320000x16xf32, #tpu.memory_space<hbm>> -> memref<320000x16xf32, #tpu.memory_space<hbm>>
    tpu.enqueue_indirect_dma source(%dma_start3A_81 : memref<320000x16xf32, #tpu.memory_space<hbm>>) target(%dma_start3A_75 : memref<128x16xf32, #tpu.memory_space<vmem>>) offsets(%dma_start3A_78 : memref<128xi32, #tpu.memory_space<vmem>>) semaphore(%arg11 : memref<!tpu.dma_semaphore, #tpu.memory_space<semaphore_mem>>)
    %mul3A_82 = arith.constant 25 : i32
    %mul3A_83 = arith.muli %rem3A_55, %mul3A_82 : i32
    %add3A_84 = arith.constant 2 : i32
    %add3A_85 = arith.addi %mul3A_83, %add3A_84 : i32
    %dma_start3A_86 = arith.constant 256 : i32
    %dma_start3A_87 = arith.constant 0 : i32
    %dma_start3A_88 = tpu.memref_slice %arg8[%dma_start3A_86, %dma_start3A_87] : memref<6400x16xf32, #tpu.memory_space<vmem>> -> memref<128x16xf32, #tpu.memory_space<vmem>>
    %dma_start3A_89 = arith.constant 0 : i32
    %dma_start3A_90 = tpu.memref_slice %arg6[%add3A_85, %dma_start3A_89] : memref<75x128xi32, #tpu.memory_space<vmem>> -> memref<1x128xi32, #tpu.memory_space<vmem>>
    %dma_start3A_91 = tpu.memref_squeeze %dma_start3A_90 : memref<1x128xi32, #tpu.memory_space<vmem>> -> memref<128xi32, #tpu.memory_space<vmem>>
    %dma_start3A_92 = arith.constant 0 : i32
    %dma_start3A_93 = arith.constant 0 : i32
    %dma_start3A_94 = tpu.memref_slice %arg2[%dma_start3A_92, %dma_start3A_93] : memref<320000x16xf32, #tpu.memory_space<hbm>> -> memref<320000x16xf32, #tpu.memory_space<hbm>>
    tpu.enqueue_indirect_dma source(%dma_start3A_94 : memref<320000x16xf32, #tpu.memory_space<hbm>>) target(%dma_start3A_88 : memref<128x16xf32, #tpu.memory_space<vmem>>) offsets(%dma_start3A_91 : memref<128xi32, #tpu.memory_space<vmem>>) semaphore(%arg11 : memref<!tpu.dma_semaphore, #tpu.memory_space<semaphore_mem>>)
    %mul3A_95 = arith.constant 25 : i32
    %mul3A_96 = arith.muli %rem3A_55, %mul3A_95 : i32
    %add3A_97 = arith.constant 3 : i32
    %add3A_98 = arith.addi %mul3A_96, %add3A_97 : i32
    %dma_start3A_99 = arith.constant 384 : i32
    %dma_start3A_100 = arith.constant 0 : i32
    %dma_start3A_101 = tpu.memref_slice %arg8[%dma_start3A_99, %dma_start3A_100] : memref<6400x16xf32, #tpu.memory_space<vmem>> -> memref<128x16xf32, #tpu.memory_space<vmem>>
    %dma_start3A_102 = arith.constant 0 : i32
    %dma_start3A_103 = tpu.memref_slice %arg6[%add3A_98, %dma_start3A_102] : memref<75x128xi32, #tpu.memory_space<vmem>> -> memref<1x128xi32, #tpu.memory_space<vmem>>
    %dma_start3A_104 = tpu.memref_squeeze %dma_start3A_103 : memref<1x128xi32, #tpu.memory_space<vmem>> -> memref<128xi32, #tpu.memory_space<vmem>>
    %dma_start3A_105 = arith.constant 0 : i32
    %dma_start3A_106 = arith.constant 0 : i32
    %dma_start3A_107 = tpu.memref_slice %arg2[%dma_start3A_105, %dma_start3A_106] : memref<320000x16xf32, #tpu.memory_space<hbm>> -> memref<320000x16xf32, #tpu.memory_space<hbm>>
    tpu.enqueue_indirect_dma source(%dma_start3A_107 : memref<320000x16xf32, #tpu.memory_space<hbm>>) target(%dma_start3A_101 : memref<128x16xf32, #tpu.memory_space<vmem>>) offsets(%dma_start3A_104 : memref<128xi32, #tpu.memory_space<vmem>>) semaphore(%arg11 : memref<!tpu.dma_semaphore, #tpu.memory_space<semaphore_mem>>)
    %mul3A_108 = arith.constant 25 : i32
    %mul3A_109 = arith.muli %rem3A_55, %mul3A_108 : i32
    %add3A_110 = arith.constant 4 : i32
    %add3A_111 = arith.addi %mul3A_109, %add3A_110 : i32
    %dma_start3A_112 = arith.constant 512 : i32
    %dma_start3A_113 = arith.constant 0 : i32
    %dma_start3A_114 = tpu.memref_slice %arg8[%dma_start3A_112, %dma_start3A_113] : memref<6400x16xf32, #tpu.memory_space<vmem>> -> memref<128x16xf32, #tpu.memory_space<vmem>>
    %dma_start3A_115 = arith.constant 0 : i32
    %dma_start3A_116 = tpu.memref_slice %arg6[%add3A_111, %dma_start3A_115] : memref<75x128xi32, #tpu.memory_space<vmem>> -> memref<1x128xi32, #tpu.memory_space<vmem>>
    %dma_start3A_117 = tpu.memref_squeeze %dma_start3A_116 : memref<1x128xi32, #tpu.memory_space<vmem>> -> memref<128xi32, #tpu.memory_space<vmem>>
    %dma_start3A_118 = arith.constant 0 : i32
    %dma_start3A_119 = arith.constant 0 : i32
    %dma_start3A_120 = tpu.memref_slice %arg2[%dma_start3A_118, %dma_start3A_119] : memref<320000x16xf32, #tpu.memory_space<hbm>> -> memref<320000x16xf32, #tpu.memory_space<hbm>>
    tpu.enqueue_indirect_dma source(%dma_start3A_120 : memref<320000x16xf32, #tpu.memory_space<hbm>>) target(%dma_start3A_114 : memref<128x16xf32, #tpu.memory_space<vmem>>) offsets(%dma_start3A_117 : memref<128xi32, #tpu.memory_space<vmem>>) semaphore(%arg11 : memref<!tpu.dma_semaphore, #tpu.memory_space<semaphore_mem>>)
    %mul3A_121 = arith.constant 25 : i32
    %mul3A_122 = arith.muli %rem3A_55, %mul3A_121 : i32
    %add3A_123 = arith.constant 5 : i32
    %add3A_124 = arith.addi %mul3A_122, %add3A_123 : i32
    %dma_start3A_125 = arith.constant 640 : i32
    %dma_start3A_126 = arith.constant 0 : i32
    %dma_start3A_127 = tpu.memref_slice %arg8[%dma_start3A_125, %dma_start3A_126] : memref<6400x16xf32, #tpu.memory_space<vmem>> -> memref<128x16xf32, #tpu.memory_space<vmem>>
    %dma_start3A_128 = arith.constant 0 : i32
    %dma_start3A_129 = tpu.memref_slice %arg6[%add3A_124, %dma_start3A_128] : memref<75x128xi32, #tpu.memory_space<vmem>> -> memref<1x128xi32, #tpu.memory_space<vmem>>
    %dma_start3A_130 = tpu.memref_squeeze %dma_start3A_129 : memref<1x128xi32, #tpu.memory_space<vmem>> -> memref<128xi32, #tpu.memory_space<vmem>>
    %dma_start3A_131 = arith.constant 0 : i32
    %dma_start3A_132 = arith.constant 0 : i32
    %dma_start3A_133 = tpu.memref_slice %arg2[%dma_start3A_131, %dma_start3A_132] : memref<320000x16xf32, #tpu.memory_space<hbm>> -> memref<320000x16xf32, #tpu.memory_space<hbm>>
    tpu.enqueue_indirect_dma source(%dma_start3A_133 : memref<320000x16xf32, #tpu.memory_space<hbm>>) target(%dma_start3A_127 : memref<128x16xf32, #tpu.memory_space<vmem>>) offsets(%dma_start3A_130 : memref<128xi32, #tpu.memory_space<vmem>>) semaphore(%arg11 : memref<!tpu.dma_semaphore, #tpu.memory_space<semaphore_mem>>)
    %mul3A_134 = arith.constant 25 : i32
    %mul3A_135 = arith.muli %rem3A_55, %mul3A_134 : i32
    %add3A_136 = arith.constant 6 : i32
    %add3A_137 = arith.addi %mul3A_135, %add3A_136 : i32
    %dma_start3A_138 = arith.constant 768 : i32
    %dma_start3A_139 = arith.constant 0 : i32
    %dma_start3A_140 = tpu.memref_slice %arg8[%dma_start3A_138, %dma_start3A_139] : memref<6400x16xf32, #tpu.memory_space<vmem>> -> memref<128x16xf32, #tpu.memory_space<vmem>>
    %dma_start3A_141 = arith.constant 0 : i32
    %dma_start3A_142 = tpu.memref_slice %arg6[%add3A_137, %dma_start3A_141] : memref<75x128xi32, #tpu.memory_space<vmem>> -> memref<1x128xi32, #tpu.memory_space<vmem>>
    %dma_start3A_143 = tpu.memref_squeeze %dma_start3A_142 : memref<1x128xi32, #tpu.memory_space<vmem>> -> memref<128xi32, #tpu.memory_space<vmem>>
    %dma_start3A_144 = arith.constant 0 : i32
    %dma_start3A_145 = arith.constant 0 : i32
    %dma_start3A_146 = tpu.memref_slice %arg2[%dma_start3A_144, %dma_start3A_145] : memref<320000x16xf32, #tpu.memory_space<hbm>> -> memref<320000x16xf32, #tpu.memory_space<hbm>>
    tpu.enqueue_indirect_dma source(%dma_start3A_146 : memref<320000x16xf32, #tpu.memory_space<hbm>>) target(%dma_start3A_140 : memref<128x16xf32, #tpu.memory_space<vmem>>) offsets(%dma_start3A_143 : memref<128xi32, #tpu.memory_space<vmem>>) semaphore(%arg11 : memref<!tpu.dma_semaphore, #tpu.memory_space<semaphore_mem>>)
    %mul3A_147 = arith.constant 25 : i32
    %mul3A_148 = arith.muli %rem3A_55, %mul3A_147 : i32
    %add3A_149 = arith.constant 7 : i32
    %add3A_150 = arith.addi %mul3A_148, %add3A_149 : i32
    %dma_start3A_151 = arith.constant 896 : i32
    %dma_start3A_152 = arith.constant 0 : i32
    %dma_start3A_153 = tpu.memref_slice %arg8[%dma_start3A_151, %dma_start3A_152] : memref<6400x16xf32, #tpu.memory_space<vmem>> -> memref<128x16xf32, #tpu.memory_space<vmem>>
    %dma_start3A_154 = arith.constant 0 : i32
    %dma_start3A_155 = tpu.memref_slice %arg6[%add3A_150, %dma_start3A_154] : memref<75x128xi32, #tpu.memory_space<vmem>> -> memref<1x128xi32, #tpu.memory_space<vmem>>
    %dma_start3A_156 = tpu.memref_squeeze %dma_start3A_155 : memref<1x128xi32, #tpu.memory_space<vmem>> -> memref<128xi32, #tpu.memory_space<vmem>>
    %dma_start3A_157 = arith.constant 0 : i32
    %dma_start3A_158 = arith.constant 0 : i32
    %dma_start3A_159 = tpu.memref_slice %arg2[%dma_start3A_157, %dma_start3A_158] : memref<320000x16xf32, #tpu.memory_space<hbm>> -> memref<320000x16xf32, #tpu.memory_space<hbm>>
    tpu.enqueue_indirect_dma source(%dma_start3A_159 : memref<320000x16xf32, #tpu.memory_space<hbm>>) target(%dma_start3A_153 : memref<128x16xf32, #tpu.memory_space<vmem>>) offsets(%dma_start3A_156 : memref<128xi32, #tpu.memory_space<vmem>>) semaphore(%arg11 : memref<!tpu.dma_semaphore, #tpu.memory_space<semaphore_mem>>)
    %mul3A_160 = arith.constant 25 : i32
    %mul3A_161 = arith.muli %rem3A_55, %mul3A_160 : i32
    %add3A_162 = arith.constant 8 : i32
    %add3A_163 = arith.addi %mul3A_161, %add3A_162 : i32
    %dma_start3A_164 = arith.constant 1024 : i32
    %dma_start3A_165 = arith.constant 0 : i32
    %dma_start3A_166 = tpu.memref_slice %arg8[%dma_start3A_164, %dma_start3A_165] : memref<6400x16xf32, #tpu.memory_space<vmem>> -> memref<128x16xf32, #tpu.memory_space<vmem>>
    %dma_start3A_167 = arith.constant 0 : i32
    %dma_start3A_168 = tpu.memref_slice %arg6[%add3A_163, %dma_start3A_167] : memref<75x128xi32, #tpu.memory_space<vmem>> -> memref<1x128xi32, #tpu.memory_space<vmem>>
    %dma_start3A_169 = tpu.memref_squeeze %dma_start3A_168 : memref<1x128xi32, #tpu.memory_space<vmem>> -> memref<128xi32, #tpu.memory_space<vmem>>
    %dma_start3A_170 = arith.constant 0 : i32
    %dma_start3A_171 = arith.constant 0 : i32
    %dma_start3A_172 = tpu.memref_slice %arg2[%dma_start3A_170, %dma_start3A_171] : memref<320000x16xf32, #tpu.memory_space<hbm>> -> memref<320000x16xf32, #tpu.memory_space<hbm>>
    tpu.enqueue_indirect_dma source(%dma_start3A_172 : memref<320000x16xf32, #tpu.memory_space<hbm>>) target(%dma_start3A_166 : memref<128x16xf32, #tpu.memory_space<vmem>>) offsets(%dma_start3A_169 : memref<128xi32, #tpu.memory_space<vmem>>) semaphore(%arg11 : memref<!tpu.dma_semaphore, #tpu.memory_space<semaphore_mem>>)
    %mul3A_173 = arith.constant 25 : i32
    %mul3A_174 = arith.muli %rem3A_55, %mul3A_173 : i32
    %add3A_175 = arith.constant 9 : i32
    %add3A_176 = arith.addi %mul3A_174, %add3A_175 : i32
    %dma_start3A_177 = arith.constant 1152 : i32
    %dma_start3A_178 = arith.constant 0 : i32
    %dma_start3A_179 = tpu.memref_slice %arg8[%dma_start3A_177, %dma_start3A_178] : memref<6400x16xf32, #tpu.memory_space<vmem>> -> memref<128x16xf32, #tpu.memory_space<vmem>>
    %dma_start3A_180 = arith.constant 0 : i32
    %dma_start3A_181 = tpu.memref_slice %arg6[%add3A_176, %dma_start3A_180] : memref<75x128xi32, #tpu.memory_space<vmem>> -> memref<1x128xi32, #tpu.memory_space<vmem>>
    %dma_start3A_182 = tpu.memref_squeeze %dma_start3A_181 : memref<1x128xi32, #tpu.memory_space<vmem>> -> memref<128xi32, #tpu.memory_space<vmem>>
    %dma_start3A_183 = arith.constant 0 : i32
    %dma_start3A_184 = arith.constant 0 : i32
    %dma_start3A_185 = tpu.memref_slice %arg2[%dma_start3A_183, %dma_start3A_184] : memref<320000x16xf32, #tpu.memory_space<hbm>> -> memref<320000x16xf32, #tpu.memory_space<hbm>>
    tpu.enqueue_indirect_dma source(%dma_start3A_185 : memref<320000x16xf32, #tpu.memory_space<hbm>>) target(%dma_start3A_179 : memref<128x16xf32, #tpu.memory_space<vmem>>) offsets(%dma_start3A_182 : memref<128xi32, #tpu.memory_space<vmem>>) semaphore(%arg11 : memref<!tpu.dma_semaphore, #tpu.memory_space<semaphore_mem>>)
    %mul3A_186 = arith.constant 25 : i32
    %mul3A_187 = arith.muli %rem3A_55, %mul3A_186 : i32
    %add3A_188 = arith.constant 10 : i32
    %add3A_189 = arith.addi %mul3A_187, %add3A_188 : i32
    %dma_start3A_190 = arith.constant 1280 : i32
    %dma_start3A_191 = arith.constant 0 : i32
    %dma_start3A_192 = tpu.memref_slice %arg8[%dma_start3A_190, %dma_start3A_191] : memref<6400x16xf32, #tpu.memory_space<vmem>> -> memref<128x16xf32, #tpu.memory_space<vmem>>
    %dma_start3A_193 = arith.constant 0 : i32
    %dma_start3A_194 = tpu.memref_slice %arg6[%add3A_189, %dma_start3A_193] : memref<75x128xi32, #tpu.memory_space<vmem>> -> memref<1x128xi32, #tpu.memory_space<vmem>>
    %dma_start3A_195 = tpu.memref_squeeze %dma_start3A_194 : memref<1x128xi32, #tpu.memory_space<vmem>> -> memref<128xi32, #tpu.memory_space<vmem>>
    %dma_start3A_196 = arith.constant 0 : i32
    %dma_start3A_197 = arith.constant 0 : i32
    %dma_start3A_198 = tpu.memref_slice %arg2[%dma_start3A_196, %dma_start3A_197] : memref<320000x16xf32, #tpu.memory_space<hbm>> -> memref<320000x16xf32, #tpu.memory_space<hbm>>
    tpu.enqueue_indirect_dma source(%dma_start3A_198 : memref<320000x16xf32, #tpu.memory_space<hbm>>) target(%dma_start3A_192 : memref<128x16xf32, #tpu.memory_space<vmem>>) offsets(%dma_start3A_195 : memref<128xi32, #tpu.memory_space<vmem>>) semaphore(%arg11 : memref<!tpu.dma_semaphore, #tpu.memory_space<semaphore_mem>>)
    %mul3A_199 = arith.constant 25 : i32
    %mul3A_200 = arith.muli %rem3A_55, %mul3A_199 : i32
    %add3A_201 = arith.constant 11 : i32
    %add3A_202 = arith.addi %mul3A_200, %add3A_201 : i32
    %dma_start3A_203 = arith.constant 1408 : i32
    %dma_start3A_204 = arith.constant 0 : i32
    %dma_start3A_205 = tpu.memref_slice %arg8[%dma_start3A_203, %dma_start3A_204] : memref<6400x16xf32, #tpu.memory_space<vmem>> -> memref<128x16xf32, #tpu.memory_space<vmem>>
    %dma_start3A_206 = arith.constant 0 : i32
    %dma_start3A_207 = tpu.memref_slice %arg6[%add3A_202, %dma_start3A_206] : memref<75x128xi32, #tpu.memory_space<vmem>> -> memref<1x128xi32, #tpu.memory_space<vmem>>
    %dma_start3A_208 = tpu.memref_squeeze %dma_start3A_207 : memref<1x128xi32, #tpu.memory_space<vmem>> -> memref<128xi32, #tpu.memory_space<vmem>>
    %dma_start3A_209 = arith.constant 0 : i32
    %dma_start3A_210 = arith.constant 0 : i32
    %dma_start3A_211 = tpu.memref_slice %arg2[%dma_start3A_209, %dma_start3A_210] : memref<320000x16xf32, #tpu.memory_space<hbm>> -> memref<320000x16xf32, #tpu.memory_space<hbm>>
    tpu.enqueue_indirect_dma source(%dma_start3A_211 : memref<320000x16xf32, #tpu.memory_space<hbm>>) target(%dma_start3A_205 : memref<128x16xf32, #tpu.memory_space<vmem>>) offsets(%dma_start3A_208 : memref<128xi32, #tpu.memory_space<vmem>>) semaphore(%arg11 : memref<!tpu.dma_semaphore, #tpu.memory_space<semaphore_mem>>)
    %mul3A_212 = arith.constant 25 : i32
    %mul3A_213 = arith.muli %rem3A_55, %mul3A_212 : i32
    %add3A_214 = arith.constant 12 : i32
    %add3A_215 = arith.addi %mul3A_213, %add3A_214 : i32
    %dma_start3A_216 = arith.constant 1536 : i32
    %dma_start3A_217 = arith.constant 0 : i32
    %dma_start3A_218 = tpu.memref_slice %arg8[%dma_start3A_216, %dma_start3A_217] : memref<6400x16xf32, #tpu.memory_space<vmem>> -> memref<128x16xf32, #tpu.memory_space<vmem>>
    %dma_start3A_219 = arith.constant 0 : i32
    %dma_start3A_220 = tpu.memref_slice %arg6[%add3A_215, %dma_start3A_219] : memref<75x128xi32, #tpu.memory_space<vmem>> -> memref<1x128xi32, #tpu.memory_space<vmem>>
    %dma_start3A_221 = tpu.memref_squeeze %dma_start3A_220 : memref<1x128xi32, #tpu.memory_space<vmem>> -> memref<128xi32, #tpu.memory_space<vmem>>
    %dma_start3A_222 = arith.constant 0 : i32
    %dma_start3A_223 = arith.constant 0 : i32
    %dma_start3A_224 = tpu.memref_slice %arg2[%dma_start3A_222, %dma_start3A_223] : memref<320000x16xf32, #tpu.memory_space<hbm>> -> memref<320000x16xf32, #tpu.memory_space<hbm>>
    tpu.enqueue_indirect_dma source(%dma_start3A_224 : memref<320000x16xf32, #tpu.memory_space<hbm>>) target(%dma_start3A_218 : memref<128x16xf32, #tpu.memory_space<vmem>>) offsets(%dma_start3A_221 : memref<128xi32, #tpu.memory_space<vmem>>) semaphore(%arg11 : memref<!tpu.dma_semaphore, #tpu.memory_space<semaphore_mem>>)
    %mul3A_225 = arith.constant 25 : i32
    %mul3A_226 = arith.muli %rem3A_55, %mul3A_225 : i32
    %add3A_227 = arith.constant 13 : i32
    %add3A_228 = arith.addi %mul3A_226, %add3A_227 : i32
    %dma_start3A_229 = arith.constant 1664 : i32
    %dma_start3A_230 = arith.constant 0 : i32
    %dma_start3A_231 = tpu.memref_slice %arg8[%dma_start3A_229, %dma_start3A_230] : memref<6400x16xf32, #tpu.memory_space<vmem>> -> memref<128x16xf32, #tpu.memory_space<vmem>>
    %dma_start3A_232 = arith.constant 0 : i32
    %dma_start3A_233 = tpu.memref_slice %arg6[%add3A_228, %dma_start3A_232] : memref<75x128xi32, #tpu.memory_space<vmem>> -> memref<1x128xi32, #tpu.memory_space<vmem>>
    %dma_start3A_234 = tpu.memref_squeeze %dma_start3A_233 : memref<1x128xi32, #tpu.memory_space<vmem>> -> memref<128xi32, #tpu.memory_space<vmem>>
    %dma_start3A_235 = arith.constant 0 : i32
    %dma_start3A_236 = arith.constant 0 : i32
    %dma_start3A_237 = tpu.memref_slice %arg2[%dma_start3A_235, %dma_start3A_236] : memref<320000x16xf32, #tpu.memory_space<hbm>> -> memref<320000x16xf32, #tpu.memory_space<hbm>>
    tpu.enqueue_indirect_dma source(%dma_start3A_237 : memref<320000x16xf32, #tpu.memory_space<hbm>>) target(%dma_start3A_231 : memref<128x16xf32, #tpu.memory_space<vmem>>) offsets(%dma_start3A_234 : memref<128xi32, #tpu.memory_space<vmem>>) semaphore(%arg11 : memref<!tpu.dma_semaphore, #tpu.memory_space<semaphore_mem>>)
    %mul3A_238 = arith.constant 25 : i32
    %mul3A_239 = arith.muli %rem3A_55, %mul3A_238 : i32
    %add3A_240 = arith.constant 14 : i32
    %add3A_241 = arith.addi %mul3A_239, %add3A_240 : i32
    %dma_start3A_242 = arith.constant 1792 : i32
    %dma_start3A_243 = arith.constant 0 : i32
    %dma_start3A_244 = tpu.memref_slice %arg8[%dma_start3A_242, %dma_start3A_243] : memref<6400x16xf32, #tpu.memory_space<vmem>> -> memref<128x16xf32, #tpu.memory_space<vmem>>
    %dma_start3A_245 = arith.constant 0 : i32
    %dma_start3A_246 = tpu.memref_slice %arg6[%add3A_241, %dma_start3A_245] : memref<75x128xi32, #tpu.memory_space<vmem>> -> memref<1x128xi32, #tpu.memory_space<vmem>>
    %dma_start3A_247 = tpu.memref_squeeze %dma_start3A_246 : memref<1x128xi32, #tpu.memory_space<vmem>> -> memref<128xi32, #tpu.memory_space<vmem>>
    %dma_start3A_248 = arith.constant 0 : i32
    %dma_start3A_249 = arith.constant 0 : i32
    %dma_start3A_250 = tpu.memref_slice %arg2[%dma_start3A_248, %dma_start3A_249] : memref<320000x16xf32, #tpu.memory_space<hbm>> -> memref<320000x16xf32, #tpu.memory_space<hbm>>
    tpu.enqueue_indirect_dma source(%dma_start3A_250 : memref<320000x16xf32, #tpu.memory_space<hbm>>) target(%dma_start3A_244 : memref<128x16xf32, #tpu.memory_space<vmem>>) offsets(%dma_start3A_247 : memref<128xi32, #tpu.memory_space<vmem>>) semaphore(%arg11 : memref<!tpu.dma_semaphore, #tpu.memory_space<semaphore_mem>>)
    %mul3A_251 = arith.constant 25 : i32
    %mul3A_252 = arith.muli %rem3A_55, %mul3A_251 : i32
    %add3A_253 = arith.constant 15 : i32
    %add3A_254 = arith.addi %mul3A_252, %add3A_253 : i32
    %dma_start3A_255 = arith.constant 1920 : i32
    %dma_start3A_256 = arith.constant 0 : i32
    %dma_start3A_257 = tpu.memref_slice %arg8[%dma_start3A_255, %dma_start3A_256] : memref<6400x16xf32, #tpu.memory_space<vmem>> -> memref<128x16xf32, #tpu.memory_space<vmem>>
    %dma_start3A_258 = arith.constant 0 : i32
    %dma_start3A_259 = tpu.memref_slice %arg6[%add3A_254, %dma_start3A_258] : memref<75x128xi32, #tpu.memory_space<vmem>> -> memref<1x128xi32, #tpu.memory_space<vmem>>
    %dma_start3A_260 = tpu.memref_squeeze %dma_start3A_259 : memref<1x128xi32, #tpu.memory_space<vmem>> -> memref<128xi32, #tpu.memory_space<vmem>>
    %dma_start3A_261 = arith.constant 0 : i32
    %dma_start3A_262 = arith.constant 0 : i32
    %dma_start3A_263 = tpu.memref_slice %arg2[%dma_start3A_261, %dma_start3A_262] : memref<320000x16xf32, #tpu.memory_space<hbm>> -> memref<320000x16xf32, #tpu.memory_space<hbm>>
    tpu.enqueue_indirect_dma source(%dma_start3A_263 : memref<320000x16xf32, #tpu.memory_space<hbm>>) target(%dma_start3A_257 : memref<128x16xf32, #tpu.memory_space<vmem>>) offsets(%dma_start3A_260 : memref<128xi32, #tpu.memory_space<vmem>>) semaphore(%arg11 : memref<!tpu.dma_semaphore, #tpu.memory_space<semaphore_mem>>)
    %mul3A_264 = arith.constant 25 : i32
    %mul3A_265 = arith.muli %rem3A_55, %mul3A_264 : i32
    %add3A_266 = arith.constant 16 : i32
    %add3A_267 = arith.addi %mul3A_265, %add3A_266 : i32
    %dma_start3A_268 = arith.constant 2048 : i32
    %dma_start3A_269 = arith.constant 0 : i32
    %dma_start3A_270 = tpu.memref_slice %arg8[%dma_start3A_268, %dma_start3A_269] : memref<6400x16xf32, #tpu.memory_space<vmem>> -> memref<128x16xf32, #tpu.memory_space<vmem>>
    %dma_start3A_271 = arith.constant 0 : i32
    %dma_start3A_272 = tpu.memref_slice %arg6[%add3A_267, %dma_start3A_271] : memref<75x128xi32, #tpu.memory_space<vmem>> -> memref<1x128xi32, #tpu.memory_space<vmem>>
    %dma_start3A_273 = tpu.memref_squeeze %dma_start3A_272 : memref<1x128xi32, #tpu.memory_space<vmem>> -> memref<128xi32, #tpu.memory_space<vmem>>
    %dma_start3A_274 = arith.constant 0 : i32
    %dma_start3A_275 = arith.constant 0 : i32
    %dma_start3A_276 = tpu.memref_slice %arg2[%dma_start3A_274, %dma_start3A_275] : memref<320000x16xf32, #tpu.memory_space<hbm>> -> memref<320000x16xf32, #tpu.memory_space<hbm>>
    tpu.enqueue_indirect_dma source(%dma_start3A_276 : memref<320000x16xf32, #tpu.memory_space<hbm>>) target(%dma_start3A_270 : memref<128x16xf32, #tpu.memory_space<vmem>>) offsets(%dma_start3A_273 : memref<128xi32, #tpu.memory_space<vmem>>) semaphore(%arg11 : memref<!tpu.dma_semaphore, #tpu.memory_space<semaphore_mem>>)
    %mul3A_277 = arith.constant 25 : i32
    %mul3A_278 = arith.muli %rem3A_55, %mul3A_277 : i32
    %add3A_279 = arith.constant 17 : i32
    %add3A_280 = arith.addi %mul3A_278, %add3A_279 : i32
    %dma_start3A_281 = arith.constant 2176 : i32
    %dma_start3A_282 = arith.constant 0 : i32
    %dma_start3A_283 = tpu.memref_slice %arg8[%dma_start3A_281, %dma_start3A_282] : memref<6400x16xf32, #tpu.memory_space<vmem>> -> memref<128x16xf32, #tpu.memory_space<vmem>>
    %dma_start3A_284 = arith.constant 0 : i32
    %dma_start3A_285 = tpu.memref_slice %arg6[%add3A_280, %dma_start3A_284] : memref<75x128xi32, #tpu.memory_space<vmem>> -> memref<1x128xi32, #tpu.memory_space<vmem>>
    %dma_start3A_286 = tpu.memref_squeeze %dma_start3A_285 : memref<1x128xi32, #tpu.memory_space<vmem>> -> memref<128xi32, #tpu.memory_space<vmem>>
    %dma_start3A_287 = arith.constant 0 : i32
    %dma_start3A_288 = arith.constant 0 : i32
    %dma_start3A_289 = tpu.memref_slice %arg2[%dma_start3A_287, %dma_start3A_288] : memref<320000x16xf32, #tpu.memory_space<hbm>> -> memref<320000x16xf32, #tpu.memory_space<hbm>>
    tpu.enqueue_indirect_dma source(%dma_start3A_289 : memref<320000x16xf32, #tpu.memory_space<hbm>>) target(%dma_start3A_283 : memref<128x16xf32, #tpu.memory_space<vmem>>) offsets(%dma_start3A_286 : memref<128xi32, #tpu.memory_space<vmem>>) semaphore(%arg11 : memref<!tpu.dma_semaphore, #tpu.memory_space<semaphore_mem>>)
    %mul3A_290 = arith.constant 25 : i32
    %mul3A_291 = arith.muli %rem3A_55, %mul3A_290 : i32
    %add3A_292 = arith.constant 18 : i32
    %add3A_293 = arith.addi %mul3A_291, %add3A_292 : i32
    %dma_start3A_294 = arith.constant 2304 : i32
    %dma_start3A_295 = arith.constant 0 : i32
    %dma_start3A_296 = tpu.memref_slice %arg8[%dma_start3A_294, %dma_start3A_295] : memref<6400x16xf32, #tpu.memory_space<vmem>> -> memref<128x16xf32, #tpu.memory_space<vmem>>
    %dma_start3A_297 = arith.constant 0 : i32
    %dma_start3A_298 = tpu.memref_slice %arg6[%add3A_293, %dma_start3A_297] : memref<75x128xi32, #tpu.memory_space<vmem>> -> memref<1x128xi32, #tpu.memory_space<vmem>>
    %dma_start3A_299 = tpu.memref_squeeze %dma_start3A_298 : memref<1x128xi32, #tpu.memory_space<vmem>> -> memref<128xi32, #tpu.memory_space<vmem>>
    %dma_start3A_300 = arith.constant 0 : i32
    %dma_start3A_301 = arith.constant 0 : i32
    %dma_start3A_302 = tpu.memref_slice %arg2[%dma_start3A_300, %dma_start3A_301] : memref<320000x16xf32, #tpu.memory_space<hbm>> -> memref<320000x16xf32, #tpu.memory_space<hbm>>
    tpu.enqueue_indirect_dma source(%dma_start3A_302 : memref<320000x16xf32, #tpu.memory_space<hbm>>) target(%dma_start3A_296 : memref<128x16xf32, #tpu.memory_space<vmem>>) offsets(%dma_start3A_299 : memref<128xi32, #tpu.memory_space<vmem>>) semaphore(%arg11 : memref<!tpu.dma_semaphore, #tpu.memory_space<semaphore_mem>>)
    %mul3A_303 = arith.constant 25 : i32
    %mul3A_304 = arith.muli %rem3A_55, %mul3A_303 : i32
    %add3A_305 = arith.constant 19 : i32
    %add3A_306 = arith.addi %mul3A_304, %add3A_305 : i32
    %dma_start3A_307 = arith.constant 2432 : i32
    %dma_start3A_308 = arith.constant 0 : i32
    %dma_start3A_309 = tpu.memref_slice %arg8[%dma_start3A_307, %dma_start3A_308] : memref<6400x16xf32, #tpu.memory_space<vmem>> -> memref<128x16xf32, #tpu.memory_space<vmem>>
    %dma_start3A_310 = arith.constant 0 : i32
    %dma_start3A_311 = tpu.memref_slice %arg6[%add3A_306, %dma_start3A_310] : memref<75x128xi32, #tpu.memory_space<vmem>> -> memref<1x128xi32, #tpu.memory_space<vmem>>
    %dma_start3A_312 = tpu.memref_squeeze %dma_start3A_311 : memref<1x128xi32, #tpu.memory_space<vmem>> -> memref<128xi32, #tpu.memory_space<vmem>>
    %dma_start3A_313 = arith.constant 0 : i32
    %dma_start3A_314 = arith.constant 0 : i32
    %dma_start3A_315 = tpu.memref_slice %arg2[%dma_start3A_313, %dma_start3A_314] : memref<320000x16xf32, #tpu.memory_space<hbm>> -> memref<320000x16xf32, #tpu.memory_space<hbm>>
    tpu.enqueue_indirect_dma source(%dma_start3A_315 : memref<320000x16xf32, #tpu.memory_space<hbm>>) target(%dma_start3A_309 : memref<128x16xf32, #tpu.memory_space<vmem>>) offsets(%dma_start3A_312 : memref<128xi32, #tpu.memory_space<vmem>>) semaphore(%arg11 : memref<!tpu.dma_semaphore, #tpu.memory_space<semaphore_mem>>)
    %mul3A_316 = arith.constant 25 : i32
    %mul3A_317 = arith.muli %rem3A_55, %mul3A_316 : i32
    %add3A_318 = arith.constant 20 : i32
    %add3A_319 = arith.addi %mul3A_317, %add3A_318 : i32
    %dma_start3A_320 = arith.constant 2560 : i32
    %dma_start3A_321 = arith.constant 0 : i32
    %dma_start3A_322 = tpu.memref_slice %arg8[%dma_start3A_320, %dma_start3A_321] : memref<6400x16xf32, #tpu.memory_space<vmem>> -> memref<128x16xf32, #tpu.memory_space<vmem>>
    %dma_start3A_323 = arith.constant 0 : i32
    %dma_start3A_324 = tpu.memref_slice %arg6[%add3A_319, %dma_start3A_323] : memref<75x128xi32, #tpu.memory_space<vmem>> -> memref<1x128xi32, #tpu.memory_space<vmem>>
    %dma_start3A_325 = tpu.memref_squeeze %dma_start3A_324 : memref<1x128xi32, #tpu.memory_space<vmem>> -> memref<128xi32, #tpu.memory_space<vmem>>
    %dma_start3A_326 = arith.constant 0 : i32
    %dma_start3A_327 = arith.constant 0 : i32
    %dma_start3A_328 = tpu.memref_slice %arg2[%dma_start3A_326, %dma_start3A_327] : memref<320000x16xf32, #tpu.memory_space<hbm>> -> memref<320000x16xf32, #tpu.memory_space<hbm>>
    tpu.enqueue_indirect_dma source(%dma_start3A_328 : memref<320000x16xf32, #tpu.memory_space<hbm>>) target(%dma_start3A_322 : memref<128x16xf32, #tpu.memory_space<vmem>>) offsets(%dma_start3A_325 : memref<128xi32, #tpu.memory_space<vmem>>) semaphore(%arg11 : memref<!tpu.dma_semaphore, #tpu.memory_space<semaphore_mem>>)
    %mul3A_329 = arith.constant 25 : i32
    %mul3A_330 = arith.muli %rem3A_55, %mul3A_329 : i32
    %add3A_331 = arith.constant 21 : i32
    %add3A_332 = arith.addi %mul3A_330, %add3A_331 : i32
    %dma_start3A_333 = arith.constant 2688 : i32
    %dma_start3A_334 = arith.constant 0 : i32
    %dma_start3A_335 = tpu.memref_slice %arg8[%dma_start3A_333, %dma_start3A_334] : memref<6400x16xf32, #tpu.memory_space<vmem>> -> memref<128x16xf32, #tpu.memory_space<vmem>>
    %dma_start3A_336 = arith.constant 0 : i32
    %dma_start3A_337 = tpu.memref_slice %arg6[%add3A_332, %dma_start3A_336] : memref<75x128xi32, #tpu.memory_space<vmem>> -> memref<1x128xi32, #tpu.memory_space<vmem>>
    %dma_start3A_338 = tpu.memref_squeeze %dma_start3A_337 : memref<1x128xi32, #tpu.memory_space<vmem>> -> memref<128xi32, #tpu.memory_space<vmem>>
    %dma_start3A_339 = arith.constant 0 : i32
    %dma_start3A_340 = arith.constant 0 : i32
    %dma_start3A_341 = tpu.memref_slice %arg2[%dma_start3A_339, %dma_start3A_340] : memref<320000x16xf32, #tpu.memory_space<hbm>> -> memref<320000x16xf32, #tpu.memory_space<hbm>>
    tpu.enqueue_indirect_dma source(%dma_start3A_341 : memref<320000x16xf32, #tpu.memory_space<hbm>>) target(%dma_start3A_335 : memref<128x16xf32, #tpu.memory_space<vmem>>) offsets(%dma_start3A_338 : memref<128xi32, #tpu.memory_space<vmem>>) semaphore(%arg11 : memref<!tpu.dma_semaphore, #tpu.memory_space<semaphore_mem>>)
    %mul3A_342 = arith.constant 25 : i32
    %mul3A_343 = arith.muli %rem3A_55, %mul3A_342 : i32
    %add3A_344 = arith.constant 22 : i32
    %add3A_345 = arith.addi %mul3A_343, %add3A_344 : i32
    %dma_start3A_346 = arith.constant 2816 : i32
    %dma_start3A_347 = arith.constant 0 : i32
    %dma_start3A_348 = tpu.memref_slice %arg8[%dma_start3A_346, %dma_start3A_347] : memref<6400x16xf32, #tpu.memory_space<vmem>> -> memref<128x16xf32, #tpu.memory_space<vmem>>
    %dma_start3A_349 = arith.constant 0 : i32
    %dma_start3A_350 = tpu.memref_slice %arg6[%add3A_345, %dma_start3A_349] : memref<75x128xi32, #tpu.memory_space<vmem>> -> memref<1x128xi32, #tpu.memory_space<vmem>>
    %dma_start3A_351 = tpu.memref_squeeze %dma_start3A_350 : memref<1x128xi32, #tpu.memory_space<vmem>> -> memref<128xi32, #tpu.memory_space<vmem>>
    %dma_start3A_352 = arith.constant 0 : i32
    %dma_start3A_353 = arith.constant 0 : i32
    %dma_start3A_354 = tpu.memref_slice %arg2[%dma_start3A_352, %dma_start3A_353] : memref<320000x16xf32, #tpu.memory_space<hbm>> -> memref<320000x16xf32, #tpu.memory_space<hbm>>
    tpu.enqueue_indirect_dma source(%dma_start3A_354 : memref<320000x16xf32, #tpu.memory_space<hbm>>) target(%dma_start3A_348 : memref<128x16xf32, #tpu.memory_space<vmem>>) offsets(%dma_start3A_351 : memref<128xi32, #tpu.memory_space<vmem>>) semaphore(%arg11 : memref<!tpu.dma_semaphore, #tpu.memory_space<semaphore_mem>>)
    %mul3A_355 = arith.constant 25 : i32
    %mul3A_356 = arith.muli %rem3A_55, %mul3A_355 : i32
    %add3A_357 = arith.constant 23 : i32
    %add3A_358 = arith.addi %mul3A_356, %add3A_357 : i32
    %dma_start3A_359 = arith.constant 2944 : i32
    %dma_start3A_360 = arith.constant 0 : i32
    %dma_start3A_361 = tpu.memref_slice %arg8[%dma_start3A_359, %dma_start3A_360] : memref<6400x16xf32, #tpu.memory_space<vmem>> -> memref<128x16xf32, #tpu.memory_space<vmem>>
    %dma_start3A_362 = arith.constant 0 : i32
    %dma_start3A_363 = tpu.memref_slice %arg6[%add3A_358, %dma_start3A_362] : memref<75x128xi32, #tpu.memory_space<vmem>> -> memref<1x128xi32, #tpu.memory_space<vmem>>
    %dma_start3A_364 = tpu.memref_squeeze %dma_start3A_363 : memref<1x128xi32, #tpu.memory_space<vmem>> -> memref<128xi32, #tpu.memory_space<vmem>>
    %dma_start3A_365 = arith.constant 0 : i32
    %dma_start3A_366 = arith.constant 0 : i32
    %dma_start3A_367 = tpu.memref_slice %arg2[%dma_start3A_365, %dma_start3A_366] : memref<320000x16xf32, #tpu.memory_space<hbm>> -> memref<320000x16xf32, #tpu.memory_space<hbm>>
    tpu.enqueue_indirect_dma source(%dma_start3A_367 : memref<320000x16xf32, #tpu.memory_space<hbm>>) target(%dma_start3A_361 : memref<128x16xf32, #tpu.memory_space<vmem>>) offsets(%dma_start3A_364 : memref<128xi32, #tpu.memory_space<vmem>>) semaphore(%arg11 : memref<!tpu.dma_semaphore, #tpu.memory_space<semaphore_mem>>)
    %mul3A_368 = arith.constant 25 : i32
    %mul3A_369 = arith.muli %rem3A_55, %mul3A_368 : i32
    %add3A_370 = arith.constant 24 : i32
    %add3A_371 = arith.addi %mul3A_369, %add3A_370 : i32
    %dma_start3A_372 = arith.constant 3072 : i32
    %dma_start3A_373 = arith.constant 0 : i32
    %dma_start3A_374 = tpu.memref_slice %arg8[%dma_start3A_372, %dma_start3A_373] : memref<6400x16xf32, #tpu.memory_space<vmem>> -> memref<128x16xf32, #tpu.memory_space<vmem>>
    %dma_start3A_375 = arith.constant 0 : i32
    %dma_start3A_376 = tpu.memref_slice %arg6[%add3A_371, %dma_start3A_375] : memref<75x128xi32, #tpu.memory_space<vmem>> -> memref<1x128xi32, #tpu.memory_space<vmem>>
    %dma_start3A_377 = tpu.memref_squeeze %dma_start3A_376 : memref<1x128xi32, #tpu.memory_space<vmem>> -> memref<128xi32, #tpu.memory_space<vmem>>
    %dma_start3A_378 = arith.constant 0 : i32
    %dma_start3A_379 = arith.constant 0 : i32
    %dma_start3A_380 = tpu.memref_slice %arg2[%dma_start3A_378, %dma_start3A_379] : memref<320000x16xf32, #tpu.memory_space<hbm>> -> memref<320000x16xf32, #tpu.memory_space<hbm>>
    tpu.enqueue_indirect_dma source(%dma_start3A_380 : memref<320000x16xf32, #tpu.memory_space<hbm>>) target(%dma_start3A_374 : memref<128x16xf32, #tpu.memory_space<vmem>>) offsets(%dma_start3A_377 : memref<128xi32, #tpu.memory_space<vmem>>) semaphore(%arg11 : memref<!tpu.dma_semaphore, #tpu.memory_space<semaphore_mem>>)
    %rem3A_381 = arith.constant 1 : i32
    %rem3A_382 = arith.constant 3 : i32
    %rem3A_383 = arith.remsi %rem3A_381, %rem3A_382 : i32
    %add3A_384 = arith.constant 25 : i32
    %add3A_385 = arith.addi %mul3A_4, %add3A_384 : i32
    %mul3A_386 = arith.constant 25 : i32
    %mul3A_387 = arith.muli %rem3A_383, %mul3A_386 : i32
    %dma_start3A_388 = arith.constant 0 : i32
    %dma_start3A_389 = tpu.memref_slice %arg6[%mul3A_387, %dma_start3A_388] : memref<75x128xi32, #tpu.memory_space<vmem>> -> memref<25x128xi32, #tpu.memory_space<vmem>>
    %dma_start3A_390 = arith.constant 0 : i32
    %dma_start3A_391 = tpu.memref_slice %arg3[%add3A_385, %dma_start3A_390] : memref<32000x128xi32, #tpu.memory_space<hbm>> -> memref<25x128xi32, #tpu.memory_space<hbm>>
    %dma_start3A_392 = arith.constant 0 : i32
    %dma_start3A_393 = tpu.memref_slice %arg6[%mul3A_387, %dma_start3A_392] : memref<75x128xi32, #tpu.memory_space<vmem>> -> memref<25x128xi32, #tpu.memory_space<vmem>>
    %dma_start3A_394 = arith.constant 0 : i32
    %dma_start3A_395 = tpu.memref_slice %arg3[%add3A_385, %dma_start3A_394] : memref<32000x128xi32, #tpu.memory_space<hbm>> -> memref<25x128xi32, #tpu.memory_space<hbm>>
    tpu.enqueue_dma source(%dma_start3A_395 : memref<25x128xi32, #tpu.memory_space<hbm>>) target(%dma_start3A_393 : memref<25x128xi32, #tpu.memory_space<vmem>>) target_semaphore(%arg10 : memref<!tpu.dma_semaphore, #tpu.memory_space<semaphore_mem>>)
    %add3A_396 = arith.constant 200 : i32
    %add3A_397 = arith.addi %mul3A_2, %add3A_396 : i32
    %mul3A_398 = arith.constant 200 : i32
    %mul3A_399 = arith.muli %rem3A_383, %mul3A_398 : i32
    %dma_start3A_400 = arith.constant 0 : i32
    %dma_start3A_401 = tpu.memref_slice %arg7[%mul3A_399, %dma_start3A_400] : memref<600x16xf32, #tpu.memory_space<vmem>> -> memref<200x16xf32, #tpu.memory_space<vmem>>
    %dma_start3A_402 = arith.constant 0 : i32
    %dma_start3A_403 = tpu.memref_slice %arg4[%add3A_397, %dma_start3A_402] : memref<256000x16xf32, #tpu.memory_space<hbm>> -> memref<200x16xf32, #tpu.memory_space<hbm>>
    %dma_start3A_404 = arith.constant 0 : i32
    %dma_start3A_405 = tpu.memref_slice %arg7[%mul3A_399, %dma_start3A_404] : memref<600x16xf32, #tpu.memory_space<vmem>> -> memref<200x16xf32, #tpu.memory_space<vmem>>
    %dma_start3A_406 = arith.constant 0 : i32
    %dma_start3A_407 = tpu.memref_slice %arg4[%add3A_397, %dma_start3A_406] : memref<256000x16xf32, #tpu.memory_space<hbm>> -> memref<200x16xf32, #tpu.memory_space<hbm>>
    tpu.enqueue_dma source(%dma_start3A_407 : memref<200x16xf32, #tpu.memory_space<hbm>>) target(%dma_start3A_405 : memref<200x16xf32, #tpu.memory_space<vmem>>) target_semaphore(%arg10 : memref<!tpu.dma_semaphore, #tpu.memory_space<semaphore_mem>>)
    %scan3A = arith.constant 0 : i32
    %scan3A_408 = arith.constant 0 : i32
    %scan3A_409 = arith.constant 40 : i32
    %scan3A_410 = arith.addi %scan3A_408, %scan3A_409 : i32
    %scan3A_411 = arith.constant 1 : i32
    scf.for %scan3A_437 = %scan3A_408 to %scan3A_410 step %scan3A_411  : i32 {
      %rem3A_438 = arith.constant 2 : i32
      %rem3A_439 = arith.remsi %scan3A_437, %rem3A_438 : i32
      %add3A_440 = arith.constant 1 : i32
      %add3A_441 = arith.addi %scan3A_437, %add3A_440 : i32
      %lt3A = arith.constant 40 : i32
      %lt3A_442 = arith.cmpi slt, %add3A_441, %lt3A : i32
      %convert_element_type3A = arith.extui %lt3A_442 : i1 to i32
      %cond3A = arith.constant 0 : i32
      %cond3A_443 = arith.cmpi ne, %convert_element_type3A, %cond3A : i32
      scf.if %cond3A_443 {
        %dma_wait3A_494 = arith.constant 0 : i32
        %dma_wait3A_495 = arith.constant 0 : i32
        %dma_wait3A_496 = tpu.memref_slice %arg6[%dma_wait3A_494, %dma_wait3A_495] : memref<75x128xi32, #tpu.memory_space<vmem>> -> memref<25x128xi32, #tpu.memory_space<vmem>>
        %dma_wait3A_497 = arith.constant 0 : i32
        %dma_wait3A_498 = arith.constant 0 : i32
        %dma_wait3A_499 = tpu.memref_slice %arg3[%dma_wait3A_497, %dma_wait3A_498] : memref<32000x128xi32, #tpu.memory_space<hbm>> -> memref<25x128xi32, #tpu.memory_space<hbm>>
        %dma_wait3A_500 = arith.constant 0 : i32
        %dma_wait3A_501 = arith.constant 0 : i32
        %dma_wait3A_502 = tpu.memref_slice %arg6[%dma_wait3A_500, %dma_wait3A_501] : memref<75x128xi32, #tpu.memory_space<vmem>> -> memref<25x128xi32, #tpu.memory_space<vmem>>
        %dma_wait3A_503 = arith.constant 0 : i32
        %dma_wait3A_504 = arith.constant 0 : i32
        %dma_wait3A_505 = tpu.memref_slice %arg3[%dma_wait3A_503, %dma_wait3A_504] : memref<32000x128xi32, #tpu.memory_space<hbm>> -> memref<25x128xi32, #tpu.memory_space<hbm>>
        tpu.wait_dma2 semaphore(%arg10 : memref<!tpu.dma_semaphore, #tpu.memory_space<semaphore_mem>>) src(%dma_wait3A_505 : memref<25x128xi32, #tpu.memory_space<hbm>>) dst(%dma_wait3A_502 : memref<25x128xi32, #tpu.memory_space<vmem>>)
        %dma_wait3A_506 = arith.constant 0 : i32
        %dma_wait3A_507 = arith.constant 0 : i32
        %dma_wait3A_508 = tpu.memref_slice %arg7[%dma_wait3A_506, %dma_wait3A_507] : memref<600x16xf32, #tpu.memory_space<vmem>> -> memref<200x16xf32, #tpu.memory_space<vmem>>
        %dma_wait3A_509 = arith.constant 0 : i32
        %dma_wait3A_510 = arith.constant 0 : i32
        %dma_wait3A_511 = tpu.memref_slice %arg4[%dma_wait3A_509, %dma_wait3A_510] : memref<256000x16xf32, #tpu.memory_space<hbm>> -> memref<200x16xf32, #tpu.memory_space<hbm>>
        %dma_wait3A_512 = arith.constant 0 : i32
        %dma_wait3A_513 = arith.constant 0 : i32
        %dma_wait3A_514 = tpu.memref_slice %arg7[%dma_wait3A_512, %dma_wait3A_513] : memref<600x16xf32, #tpu.memory_space<vmem>> -> memref<200x16xf32, #tpu.memory_space<vmem>>
        %dma_wait3A_515 = arith.constant 0 : i32
        %dma_wait3A_516 = arith.constant 0 : i32
        %dma_wait3A_517 = tpu.memref_slice %arg4[%dma_wait3A_515, %dma_wait3A_516] : memref<256000x16xf32, #tpu.memory_space<hbm>> -> memref<200x16xf32, #tpu.memory_space<hbm>>
        tpu.wait_dma2 semaphore(%arg10 : memref<!tpu.dma_semaphore, #tpu.memory_space<semaphore_mem>>) src(%dma_wait3A_517 : memref<200x16xf32, #tpu.memory_space<hbm>>) dst(%dma_wait3A_514 : memref<200x16xf32, #tpu.memory_space<vmem>>)
        %add3A_518 = arith.constant 1 : i32
        %add3A_519 = arith.addi %scan3A_437, %add3A_518 : i32
        %sub3A = arith.constant 1 : i32
        %sub3A_520 = arith.subi %sub3A, %rem3A_439 : i32
        %rem3A_521 = arith.constant 3 : i32
        %rem3A_522 = arith.remsi %add3A_519, %rem3A_521 : i32
        %mul3A_523 = arith.constant 25 : i32
        %mul3A_524 = arith.muli %rem3A_522, %mul3A_523 : i32
        %add3A_525 = arith.constant 0 : i32
        %add3A_526 = arith.addi %mul3A_524, %add3A_525 : i32
        %mul3A_527 = arith.constant 200 : i32
        %mul3A_528 = arith.muli %sub3A_520, %mul3A_527 : i32
        %mul3A_529 = arith.constant 16 : i32
        %mul3A_530 = arith.muli %mul3A_528, %mul3A_529 : i32
        %add3A_531 = arith.constant 0 : i32
        %add3A_532 = arith.addi %mul3A_530, %add3A_531 : i32
        %dma_start3A_533 = arith.constant 0 : i32
        %dma_start3A_534 = tpu.memref_slice %arg8[%add3A_532, %dma_start3A_533] : memref<6400x16xf32, #tpu.memory_space<vmem>> -> memref<128x16xf32, #tpu.memory_space<vmem>>
        %dma_start3A_535 = arith.constant 0 : i32
        %dma_start3A_536 = tpu.memref_slice %arg6[%add3A_526, %dma_start3A_535] : memref<75x128xi32, #tpu.memory_space<vmem>> -> memref<1x128xi32, #tpu.memory_space<vmem>>
        %dma_start3A_537 = tpu.memref_squeeze %dma_start3A_536 : memref<1x128xi32, #tpu.memory_space<vmem>> -> memref<128xi32, #tpu.memory_space<vmem>>
        %dma_start3A_538 = arith.constant 0 : i32
        %dma_start3A_539 = arith.constant 0 : i32
        %dma_start3A_540 = tpu.memref_slice %arg2[%dma_start3A_538, %dma_start3A_539] : memref<320000x16xf32, #tpu.memory_space<hbm>> -> memref<320000x16xf32, #tpu.memory_space<hbm>>
        tpu.enqueue_indirect_dma source(%dma_start3A_540 : memref<320000x16xf32, #tpu.memory_space<hbm>>) target(%dma_start3A_534 : memref<128x16xf32, #tpu.memory_space<vmem>>) offsets(%dma_start3A_537 : memref<128xi32, #tpu.memory_space<vmem>>) semaphore(%arg11 : memref<!tpu.dma_semaphore, #tpu.memory_space<semaphore_mem>>)
        %mul3A_541 = arith.constant 25 : i32
        %mul3A_542 = arith.muli %rem3A_522, %mul3A_541 : i32
        %add3A_543 = arith.constant 1 : i32
        %add3A_544 = arith.addi %mul3A_542, %add3A_543 : i32
        %mul3A_545 = arith.constant 200 : i32
        %mul3A_546 = arith.muli %sub3A_520, %mul3A_545 : i32
        %mul3A_547 = arith.constant 16 : i32
        %mul3A_548 = arith.muli %mul3A_546, %mul3A_547 : i32
        %add3A_549 = arith.constant 128 : i32
        %add3A_550 = arith.addi %mul3A_548, %add3A_549 : i32
        %dma_start3A_551 = arith.constant 0 : i32
        %dma_start3A_552 = tpu.memref_slice %arg8[%add3A_550, %dma_start3A_551] : memref<6400x16xf32, #tpu.memory_space<vmem>> -> memref<128x16xf32, #tpu.memory_space<vmem>>
        %dma_start3A_553 = arith.constant 0 : i32
        %dma_start3A_554 = tpu.memref_slice %arg6[%add3A_544, %dma_start3A_553] : memref<75x128xi32, #tpu.memory_space<vmem>> -> memref<1x128xi32, #tpu.memory_space<vmem>>
        %dma_start3A_555 = tpu.memref_squeeze %dma_start3A_554 : memref<1x128xi32, #tpu.memory_space<vmem>> -> memref<128xi32, #tpu.memory_space<vmem>>
        %dma_start3A_556 = arith.constant 0 : i32
        %dma_start3A_557 = arith.constant 0 : i32
        %dma_start3A_558 = tpu.memref_slice %arg2[%dma_start3A_556, %dma_start3A_557] : memref<320000x16xf32, #tpu.memory_space<hbm>> -> memref<320000x16xf32, #tpu.memory_space<hbm>>
        tpu.enqueue_indirect_dma source(%dma_start3A_558 : memref<320000x16xf32, #tpu.memory_space<hbm>>) target(%dma_start3A_552 : memref<128x16xf32, #tpu.memory_space<vmem>>) offsets(%dma_start3A_555 : memref<128xi32, #tpu.memory_space<vmem>>) semaphore(%arg11 : memref<!tpu.dma_semaphore, #tpu.memory_space<semaphore_mem>>)
        %mul3A_559 = arith.constant 25 : i32
        %mul3A_560 = arith.muli %rem3A_522, %mul3A_559 : i32
        %add3A_561 = arith.constant 2 : i32
        %add3A_562 = arith.addi %mul3A_560, %add3A_561 : i32
        %mul3A_563 = arith.constant 200 : i32
        %mul3A_564 = arith.muli %sub3A_520, %mul3A_563 : i32
        %mul3A_565 = arith.constant 16 : i32
        %mul3A_566 = arith.muli %mul3A_564, %mul3A_565 : i32
        %add3A_567 = arith.constant 256 : i32
        %add3A_568 = arith.addi %mul3A_566, %add3A_567 : i32
        %dma_start3A_569 = arith.constant 0 : i32
        %dma_start3A_570 = tpu.memref_slice %arg8[%add3A_568, %dma_start3A_569] : memref<6400x16xf32, #tpu.memory_space<vmem>> -> memref<128x16xf32, #tpu.memory_space<vmem>>
        %dma_start3A_571 = arith.constant 0 : i32
        %dma_start3A_572 = tpu.memref_slice %arg6[%add3A_562, %dma_start3A_571] : memref<75x128xi32, #tpu.memory_space<vmem>> -> memref<1x128xi32, #tpu.memory_space<vmem>>
        %dma_start3A_573 = tpu.memref_squeeze %dma_start3A_572 : memref<1x128xi32, #tpu.memory_space<vmem>> -> memref<128xi32, #tpu.memory_space<vmem>>
        %dma_start3A_574 = arith.constant 0 : i32
        %dma_start3A_575 = arith.constant 0 : i32
        %dma_start3A_576 = tpu.memref_slice %arg2[%dma_start3A_574, %dma_start3A_575] : memref<320000x16xf32, #tpu.memory_space<hbm>> -> memref<320000x16xf32, #tpu.memory_space<hbm>>
        tpu.enqueue_indirect_dma source(%dma_start3A_576 : memref<320000x16xf32, #tpu.memory_space<hbm>>) target(%dma_start3A_570 : memref<128x16xf32, #tpu.memory_space<vmem>>) offsets(%dma_start3A_573 : memref<128xi32, #tpu.memory_space<vmem>>) semaphore(%arg11 : memref<!tpu.dma_semaphore, #tpu.memory_space<semaphore_mem>>)
        %mul3A_577 = arith.constant 25 : i32
        %mul3A_578 = arith.muli %rem3A_522, %mul3A_577 : i32
        %add3A_579 = arith.constant 3 : i32
        %add3A_580 = arith.addi %mul3A_578, %add3A_579 : i32
        %mul3A_581 = arith.constant 200 : i32
        %mul3A_582 = arith.muli %sub3A_520, %mul3A_581 : i32
        %mul3A_583 = arith.constant 16 : i32
        %mul3A_584 = arith.muli %mul3A_582, %mul3A_583 : i32
        %add3A_585 = arith.constant 384 : i32
        %add3A_586 = arith.addi %mul3A_584, %add3A_585 : i32
        %dma_start3A_587 = arith.constant 0 : i32
        %dma_start3A_588 = tpu.memref_slice %arg8[%add3A_586, %dma_start3A_587] : memref<6400x16xf32, #tpu.memory_space<vmem>> -> memref<128x16xf32, #tpu.memory_space<vmem>>
        %dma_start3A_589 = arith.constant 0 : i32
        %dma_start3A_590 = tpu.memref_slice %arg6[%add3A_580, %dma_start3A_589] : memref<75x128xi32, #tpu.memory_space<vmem>> -> memref<1x128xi32, #tpu.memory_space<vmem>>
        %dma_start3A_591 = tpu.memref_squeeze %dma_start3A_590 : memref<1x128xi32, #tpu.memory_space<vmem>> -> memref<128xi32, #tpu.memory_space<vmem>>
        %dma_start3A_592 = arith.constant 0 : i32
        %dma_start3A_593 = arith.constant 0 : i32
        %dma_start3A_594 = tpu.memref_slice %arg2[%dma_start3A_592, %dma_start3A_593] : memref<320000x16xf32, #tpu.memory_space<hbm>> -> memref<320000x16xf32, #tpu.memory_space<hbm>>
        tpu.enqueue_indirect_dma source(%dma_start3A_594 : memref<320000x16xf32, #tpu.memory_space<hbm>>) target(%dma_start3A_588 : memref<128x16xf32, #tpu.memory_space<vmem>>) offsets(%dma_start3A_591 : memref<128xi32, #tpu.memory_space<vmem>>) semaphore(%arg11 : memref<!tpu.dma_semaphore, #tpu.memory_space<semaphore_mem>>)
        %mul3A_595 = arith.constant 25 : i32
        %mul3A_596 = arith.muli %rem3A_522, %mul3A_595 : i32
        %add3A_597 = arith.constant 4 : i32
        %add3A_598 = arith.addi %mul3A_596, %add3A_597 : i32
        %mul3A_599 = arith.constant 200 : i32
        %mul3A_600 = arith.muli %sub3A_520, %mul3A_599 : i32
        %mul3A_601 = arith.constant 16 : i32
        %mul3A_602 = arith.muli %mul3A_600, %mul3A_601 : i32
        %add3A_603 = arith.constant 512 : i32
        %add3A_604 = arith.addi %mul3A_602, %add3A_603 : i32
        %dma_start3A_605 = arith.constant 0 : i32
        %dma_start3A_606 = tpu.memref_slice %arg8[%add3A_604, %dma_start3A_605] : memref<6400x16xf32, #tpu.memory_space<vmem>> -> memref<128x16xf32, #tpu.memory_space<vmem>>
        %dma_start3A_607 = arith.constant 0 : i32
        %dma_start3A_608 = tpu.memref_slice %arg6[%add3A_598, %dma_start3A_607] : memref<75x128xi32, #tpu.memory_space<vmem>> -> memref<1x128xi32, #tpu.memory_space<vmem>>
        %dma_start3A_609 = tpu.memref_squeeze %dma_start3A_608 : memref<1x128xi32, #tpu.memory_space<vmem>> -> memref<128xi32, #tpu.memory_space<vmem>>
        %dma_start3A_610 = arith.constant 0 : i32
        %dma_start3A_611 = arith.constant 0 : i32
        %dma_start3A_612 = tpu.memref_slice %arg2[%dma_start3A_610, %dma_start3A_611] : memref<320000x16xf32, #tpu.memory_space<hbm>> -> memref<320000x16xf32, #tpu.memory_space<hbm>>
        tpu.enqueue_indirect_dma source(%dma_start3A_612 : memref<320000x16xf32, #tpu.memory_space<hbm>>) target(%dma_start3A_606 : memref<128x16xf32, #tpu.memory_space<vmem>>) offsets(%dma_start3A_609 : memref<128xi32, #tpu.memory_space<vmem>>) semaphore(%arg11 : memref<!tpu.dma_semaphore, #tpu.memory_space<semaphore_mem>>)
        %mul3A_613 = arith.constant 25 : i32
        %mul3A_614 = arith.muli %rem3A_522, %mul3A_613 : i32
        %add3A_615 = arith.constant 5 : i32
        %add3A_616 = arith.addi %mul3A_614, %add3A_615 : i32
        %mul3A_617 = arith.constant 200 : i32
        %mul3A_618 = arith.muli %sub3A_520, %mul3A_617 : i32
        %mul3A_619 = arith.constant 16 : i32
        %mul3A_620 = arith.muli %mul3A_618, %mul3A_619 : i32
        %add3A_621 = arith.constant 640 : i32
        %add3A_622 = arith.addi %mul3A_620, %add3A_621 : i32
        %dma_start3A_623 = arith.constant 0 : i32
        %dma_start3A_624 = tpu.memref_slice %arg8[%add3A_622, %dma_start3A_623] : memref<6400x16xf32, #tpu.memory_space<vmem>> -> memref<128x16xf32, #tpu.memory_space<vmem>>
        %dma_start3A_625 = arith.constant 0 : i32
        %dma_start3A_626 = tpu.memref_slice %arg6[%add3A_616, %dma_start3A_625] : memref<75x128xi32, #tpu.memory_space<vmem>> -> memref<1x128xi32, #tpu.memory_space<vmem>>
        %dma_start3A_627 = tpu.memref_squeeze %dma_start3A_626 : memref<1x128xi32, #tpu.memory_space<vmem>> -> memref<128xi32, #tpu.memory_space<vmem>>
        %dma_start3A_628 = arith.constant 0 : i32
        %dma_start3A_629 = arith.constant 0 : i32
        %dma_start3A_630 = tpu.memref_slice %arg2[%dma_start3A_628, %dma_start3A_629] : memref<320000x16xf32, #tpu.memory_space<hbm>> -> memref<320000x16xf32, #tpu.memory_space<hbm>>
        tpu.enqueue_indirect_dma source(%dma_start3A_630 : memref<320000x16xf32, #tpu.memory_space<hbm>>) target(%dma_start3A_624 : memref<128x16xf32, #tpu.memory_space<vmem>>) offsets(%dma_start3A_627 : memref<128xi32, #tpu.memory_space<vmem>>) semaphore(%arg11 : memref<!tpu.dma_semaphore, #tpu.memory_space<semaphore_mem>>)
        %mul3A_631 = arith.constant 25 : i32
        %mul3A_632 = arith.muli %rem3A_522, %mul3A_631 : i32
        %add3A_633 = arith.constant 6 : i32
        %add3A_634 = arith.addi %mul3A_632, %add3A_633 : i32
        %mul3A_635 = arith.constant 200 : i32
        %mul3A_636 = arith.muli %sub3A_520, %mul3A_635 : i32
        %mul3A_637 = arith.constant 16 : i32
        %mul3A_638 = arith.muli %mul3A_636, %mul3A_637 : i32
        %add3A_639 = arith.constant 768 : i32
        %add3A_640 = arith.addi %mul3A_638, %add3A_639 : i32
        %dma_start3A_641 = arith.constant 0 : i32
        %dma_start3A_642 = tpu.memref_slice %arg8[%add3A_640, %dma_start3A_641] : memref<6400x16xf32, #tpu.memory_space<vmem>> -> memref<128x16xf32, #tpu.memory_space<vmem>>
        %dma_start3A_643 = arith.constant 0 : i32
        %dma_start3A_644 = tpu.memref_slice %arg6[%add3A_634, %dma_start3A_643] : memref<75x128xi32, #tpu.memory_space<vmem>> -> memref<1x128xi32, #tpu.memory_space<vmem>>
        %dma_start3A_645 = tpu.memref_squeeze %dma_start3A_644 : memref<1x128xi32, #tpu.memory_space<vmem>> -> memref<128xi32, #tpu.memory_space<vmem>>
        %dma_start3A_646 = arith.constant 0 : i32
        %dma_start3A_647 = arith.constant 0 : i32
        %dma_start3A_648 = tpu.memref_slice %arg2[%dma_start3A_646, %dma_start3A_647] : memref<320000x16xf32, #tpu.memory_space<hbm>> -> memref<320000x16xf32, #tpu.memory_space<hbm>>
        tpu.enqueue_indirect_dma source(%dma_start3A_648 : memref<320000x16xf32, #tpu.memory_space<hbm>>) target(%dma_start3A_642 : memref<128x16xf32, #tpu.memory_space<vmem>>) offsets(%dma_start3A_645 : memref<128xi32, #tpu.memory_space<vmem>>) semaphore(%arg11 : memref<!tpu.dma_semaphore, #tpu.memory_space<semaphore_mem>>)
        %mul3A_649 = arith.constant 25 : i32
        %mul3A_650 = arith.muli %rem3A_522, %mul3A_649 : i32
        %add3A_651 = arith.constant 7 : i32
        %add3A_652 = arith.addi %mul3A_650, %add3A_651 : i32
        %mul3A_653 = arith.constant 200 : i32
        %mul3A_654 = arith.muli %sub3A_520, %mul3A_653 : i32
        %mul3A_655 = arith.constant 16 : i32
        %mul3A_656 = arith.muli %mul3A_654, %mul3A_655 : i32
        %add3A_657 = arith.constant 896 : i32
        %add3A_658 = arith.addi %mul3A_656, %add3A_657 : i32
        %dma_start3A_659 = arith.constant 0 : i32
        %dma_start3A_660 = tpu.memref_slice %arg8[%add3A_658, %dma_start3A_659] : memref<6400x16xf32, #tpu.memory_space<vmem>> -> memref<128x16xf32, #tpu.memory_space<vmem>>
        %dma_start3A_661 = arith.constant 0 : i32
        %dma_start3A_662 = tpu.memref_slice %arg6[%add3A_652, %dma_start3A_661] : memref<75x128xi32, #tpu.memory_space<vmem>> -> memref<1x128xi32, #tpu.memory_space<vmem>>
        %dma_start3A_663 = tpu.memref_squeeze %dma_start3A_662 : memref<1x128xi32, #tpu.memory_space<vmem>> -> memref<128xi32, #tpu.memory_space<vmem>>
        %dma_start3A_664 = arith.constant 0 : i32
        %dma_start3A_665 = arith.constant 0 : i32
        %dma_start3A_666 = tpu.memref_slice %arg2[%dma_start3A_664, %dma_start3A_665] : memref<320000x16xf32, #tpu.memory_space<hbm>> -> memref<320000x16xf32, #tpu.memory_space<hbm>>
        tpu.enqueue_indirect_dma source(%dma_start3A_666 : memref<320000x16xf32, #tpu.memory_space<hbm>>) target(%dma_start3A_660 : memref<128x16xf32, #tpu.memory_space<vmem>>) offsets(%dma_start3A_663 : memref<128xi32, #tpu.memory_space<vmem>>) semaphore(%arg11 : memref<!tpu.dma_semaphore, #tpu.memory_space<semaphore_mem>>)
        %mul3A_667 = arith.constant 25 : i32
        %mul3A_668 = arith.muli %rem3A_522, %mul3A_667 : i32
        %add3A_669 = arith.constant 8 : i32
        %add3A_670 = arith.addi %mul3A_668, %add3A_669 : i32
        %mul3A_671 = arith.constant 200 : i32
        %mul3A_672 = arith.muli %sub3A_520, %mul3A_671 : i32
        %mul3A_673 = arith.constant 16 : i32
        %mul3A_674 = arith.muli %mul3A_672, %mul3A_673 : i32
        %add3A_675 = arith.constant 1024 : i32
        %add3A_676 = arith.addi %mul3A_674, %add3A_675 : i32
        %dma_start3A_677 = arith.constant 0 : i32
        %dma_start3A_678 = tpu.memref_slice %arg8[%add3A_676, %dma_start3A_677] : memref<6400x16xf32, #tpu.memory_space<vmem>> -> memref<128x16xf32, #tpu.memory_space<vmem>>
        %dma_start3A_679 = arith.constant 0 : i32
        %dma_start3A_680 = tpu.memref_slice %arg6[%add3A_670, %dma_start3A_679] : memref<75x128xi32, #tpu.memory_space<vmem>> -> memref<1x128xi32, #tpu.memory_space<vmem>>
        %dma_start3A_681 = tpu.memref_squeeze %dma_start3A_680 : memref<1x128xi32, #tpu.memory_space<vmem>> -> memref<128xi32, #tpu.memory_space<vmem>>
        %dma_start3A_682 = arith.constant 0 : i32
        %dma_start3A_683 = arith.constant 0 : i32
        %dma_start3A_684 = tpu.memref_slice %arg2[%dma_start3A_682, %dma_start3A_683] : memref<320000x16xf32, #tpu.memory_space<hbm>> -> memref<320000x16xf32, #tpu.memory_space<hbm>>
        tpu.enqueue_indirect_dma source(%dma_start3A_684 : memref<320000x16xf32, #tpu.memory_space<hbm>>) target(%dma_start3A_678 : memref<128x16xf32, #tpu.memory_space<vmem>>) offsets(%dma_start3A_681 : memref<128xi32, #tpu.memory_space<vmem>>) semaphore(%arg11 : memref<!tpu.dma_semaphore, #tpu.memory_space<semaphore_mem>>)
        %mul3A_685 = arith.constant 25 : i32
        %mul3A_686 = arith.muli %rem3A_522, %mul3A_685 : i32
        %add3A_687 = arith.constant 9 : i32
        %add3A_688 = arith.addi %mul3A_686, %add3A_687 : i32
        %mul3A_689 = arith.constant 200 : i32
        %mul3A_690 = arith.muli %sub3A_520, %mul3A_689 : i32
        %mul3A_691 = arith.constant 16 : i32
        %mul3A_692 = arith.muli %mul3A_690, %mul3A_691 : i32
        %add3A_693 = arith.constant 1152 : i32
        %add3A_694 = arith.addi %mul3A_692, %add3A_693 : i32
        %dma_start3A_695 = arith.constant 0 : i32
        %dma_start3A_696 = tpu.memref_slice %arg8[%add3A_694, %dma_start3A_695] : memref<6400x16xf32, #tpu.memory_space<vmem>> -> memref<128x16xf32, #tpu.memory_space<vmem>>
        %dma_start3A_697 = arith.constant 0 : i32
        %dma_start3A_698 = tpu.memref_slice %arg6[%add3A_688, %dma_start3A_697] : memref<75x128xi32, #tpu.memory_space<vmem>> -> memref<1x128xi32, #tpu.memory_space<vmem>>
        %dma_start3A_699 = tpu.memref_squeeze %dma_start3A_698 : memref<1x128xi32, #tpu.memory_space<vmem>> -> memref<128xi32, #tpu.memory_space<vmem>>
        %dma_start3A_700 = arith.constant 0 : i32
        %dma_start3A_701 = arith.constant 0 : i32
        %dma_start3A_702 = tpu.memref_slice %arg2[%dma_start3A_700, %dma_start3A_701] : memref<320000x16xf32, #tpu.memory_space<hbm>> -> memref<320000x16xf32, #tpu.memory_space<hbm>>
        tpu.enqueue_indirect_dma source(%dma_start3A_702 : memref<320000x16xf32, #tpu.memory_space<hbm>>) target(%dma_start3A_696 : memref<128x16xf32, #tpu.memory_space<vmem>>) offsets(%dma_start3A_699 : memref<128xi32, #tpu.memory_space<vmem>>) semaphore(%arg11 : memref<!tpu.dma_semaphore, #tpu.memory_space<semaphore_mem>>)
        %mul3A_703 = arith.constant 25 : i32
        %mul3A_704 = arith.muli %rem3A_522, %mul3A_703 : i32
        %add3A_705 = arith.constant 10 : i32
        %add3A_706 = arith.addi %mul3A_704, %add3A_705 : i32
        %mul3A_707 = arith.constant 200 : i32
        %mul3A_708 = arith.muli %sub3A_520, %mul3A_707 : i32
        %mul3A_709 = arith.constant 16 : i32
        %mul3A_710 = arith.muli %mul3A_708, %mul3A_709 : i32
        %add3A_711 = arith.constant 1280 : i32
        %add3A_712 = arith.addi %mul3A_710, %add3A_711 : i32
        %dma_start3A_713 = arith.constant 0 : i32
        %dma_start3A_714 = tpu.memref_slice %arg8[%add3A_712, %dma_start3A_713] : memref<6400x16xf32, #tpu.memory_space<vmem>> -> memref<128x16xf32, #tpu.memory_space<vmem>>
        %dma_start3A_715 = arith.constant 0 : i32
        %dma_start3A_716 = tpu.memref_slice %arg6[%add3A_706, %dma_start3A_715] : memref<75x128xi32, #tpu.memory_space<vmem>> -> memref<1x128xi32, #tpu.memory_space<vmem>>
        %dma_start3A_717 = tpu.memref_squeeze %dma_start3A_716 : memref<1x128xi32, #tpu.memory_space<vmem>> -> memref<128xi32, #tpu.memory_space<vmem>>
        %dma_start3A_718 = arith.constant 0 : i32
        %dma_start3A_719 = arith.constant 0 : i32
        %dma_start3A_720 = tpu.memref_slice %arg2[%dma_start3A_718, %dma_start3A_719] : memref<320000x16xf32, #tpu.memory_space<hbm>> -> memref<320000x16xf32, #tpu.memory_space<hbm>>
        tpu.enqueue_indirect_dma source(%dma_start3A_720 : memref<320000x16xf32, #tpu.memory_space<hbm>>) target(%dma_start3A_714 : memref<128x16xf32, #tpu.memory_space<vmem>>) offsets(%dma_start3A_717 : memref<128xi32, #tpu.memory_space<vmem>>) semaphore(%arg11 : memref<!tpu.dma_semaphore, #tpu.memory_space<semaphore_mem>>)
        %mul3A_721 = arith.constant 25 : i32
        %mul3A_722 = arith.muli %rem3A_522, %mul3A_721 : i32
        %add3A_723 = arith.constant 11 : i32
        %add3A_724 = arith.addi %mul3A_722, %add3A_723 : i32
        %mul3A_725 = arith.constant 200 : i32
        %mul3A_726 = arith.muli %sub3A_520, %mul3A_725 : i32
        %mul3A_727 = arith.constant 16 : i32
        %mul3A_728 = arith.muli %mul3A_726, %mul3A_727 : i32
        %add3A_729 = arith.constant 1408 : i32
        %add3A_730 = arith.addi %mul3A_728, %add3A_729 : i32
        %dma_start3A_731 = arith.constant 0 : i32
        %dma_start3A_732 = tpu.memref_slice %arg8[%add3A_730, %dma_start3A_731] : memref<6400x16xf32, #tpu.memory_space<vmem>> -> memref<128x16xf32, #tpu.memory_space<vmem>>
        %dma_start3A_733 = arith.constant 0 : i32
        %dma_start3A_734 = tpu.memref_slice %arg6[%add3A_724, %dma_start3A_733] : memref<75x128xi32, #tpu.memory_space<vmem>> -> memref<1x128xi32, #tpu.memory_space<vmem>>
        %dma_start3A_735 = tpu.memref_squeeze %dma_start3A_734 : memref<1x128xi32, #tpu.memory_space<vmem>> -> memref<128xi32, #tpu.memory_space<vmem>>
        %dma_start3A_736 = arith.constant 0 : i32
        %dma_start3A_737 = arith.constant 0 : i32
        %dma_start3A_738 = tpu.memref_slice %arg2[%dma_start3A_736, %dma_start3A_737] : memref<320000x16xf32, #tpu.memory_space<hbm>> -> memref<320000x16xf32, #tpu.memory_space<hbm>>
        tpu.enqueue_indirect_dma source(%dma_start3A_738 : memref<320000x16xf32, #tpu.memory_space<hbm>>) target(%dma_start3A_732 : memref<128x16xf32, #tpu.memory_space<vmem>>) offsets(%dma_start3A_735 : memref<128xi32, #tpu.memory_space<vmem>>) semaphore(%arg11 : memref<!tpu.dma_semaphore, #tpu.memory_space<semaphore_mem>>)
        %mul3A_739 = arith.constant 25 : i32
        %mul3A_740 = arith.muli %rem3A_522, %mul3A_739 : i32
        %add3A_741 = arith.constant 12 : i32
        %add3A_742 = arith.addi %mul3A_740, %add3A_741 : i32
        %mul3A_743 = arith.constant 200 : i32
        %mul3A_744 = arith.muli %sub3A_520, %mul3A_743 : i32
        %mul3A_745 = arith.constant 16 : i32
        %mul3A_746 = arith.muli %mul3A_744, %mul3A_745 : i32
        %add3A_747 = arith.constant 1536 : i32
        %add3A_748 = arith.addi %mul3A_746, %add3A_747 : i32
        %dma_start3A_749 = arith.constant 0 : i32
        %dma_start3A_750 = tpu.memref_slice %arg8[%add3A_748, %dma_start3A_749] : memref<6400x16xf32, #tpu.memory_space<vmem>> -> memref<128x16xf32, #tpu.memory_space<vmem>>
        %dma_start3A_751 = arith.constant 0 : i32
        %dma_start3A_752 = tpu.memref_slice %arg6[%add3A_742, %dma_start3A_751] : memref<75x128xi32, #tpu.memory_space<vmem>> -> memref<1x128xi32, #tpu.memory_space<vmem>>
        %dma_start3A_753 = tpu.memref_squeeze %dma_start3A_752 : memref<1x128xi32, #tpu.memory_space<vmem>> -> memref<128xi32, #tpu.memory_space<vmem>>
        %dma_start3A_754 = arith.constant 0 : i32
        %dma_start3A_755 = arith.constant 0 : i32
        %dma_start3A_756 = tpu.memref_slice %arg2[%dma_start3A_754, %dma_start3A_755] : memref<320000x16xf32, #tpu.memory_space<hbm>> -> memref<320000x16xf32, #tpu.memory_space<hbm>>
        tpu.enqueue_indirect_dma source(%dma_start3A_756 : memref<320000x16xf32, #tpu.memory_space<hbm>>) target(%dma_start3A_750 : memref<128x16xf32, #tpu.memory_space<vmem>>) offsets(%dma_start3A_753 : memref<128xi32, #tpu.memory_space<vmem>>) semaphore(%arg11 : memref<!tpu.dma_semaphore, #tpu.memory_space<semaphore_mem>>)
        %mul3A_757 = arith.constant 25 : i32
        %mul3A_758 = arith.muli %rem3A_522, %mul3A_757 : i32
        %add3A_759 = arith.constant 13 : i32
        %add3A_760 = arith.addi %mul3A_758, %add3A_759 : i32
        %mul3A_761 = arith.constant 200 : i32
        %mul3A_762 = arith.muli %sub3A_520, %mul3A_761 : i32
        %mul3A_763 = arith.constant 16 : i32
        %mul3A_764 = arith.muli %mul3A_762, %mul3A_763 : i32
        %add3A_765 = arith.constant 1664 : i32
        %add3A_766 = arith.addi %mul3A_764, %add3A_765 : i32
        %dma_start3A_767 = arith.constant 0 : i32
        %dma_start3A_768 = tpu.memref_slice %arg8[%add3A_766, %dma_start3A_767] : memref<6400x16xf32, #tpu.memory_space<vmem>> -> memref<128x16xf32, #tpu.memory_space<vmem>>
        %dma_start3A_769 = arith.constant 0 : i32
        %dma_start3A_770 = tpu.memref_slice %arg6[%add3A_760, %dma_start3A_769] : memref<75x128xi32, #tpu.memory_space<vmem>> -> memref<1x128xi32, #tpu.memory_space<vmem>>
        %dma_start3A_771 = tpu.memref_squeeze %dma_start3A_770 : memref<1x128xi32, #tpu.memory_space<vmem>> -> memref<128xi32, #tpu.memory_space<vmem>>
        %dma_start3A_772 = arith.constant 0 : i32
        %dma_start3A_773 = arith.constant 0 : i32
        %dma_start3A_774 = tpu.memref_slice %arg2[%dma_start3A_772, %dma_start3A_773] : memref<320000x16xf32, #tpu.memory_space<hbm>> -> memref<320000x16xf32, #tpu.memory_space<hbm>>
        tpu.enqueue_indirect_dma source(%dma_start3A_774 : memref<320000x16xf32, #tpu.memory_space<hbm>>) target(%dma_start3A_768 : memref<128x16xf32, #tpu.memory_space<vmem>>) offsets(%dma_start3A_771 : memref<128xi32, #tpu.memory_space<vmem>>) semaphore(%arg11 : memref<!tpu.dma_semaphore, #tpu.memory_space<semaphore_mem>>)
        %mul3A_775 = arith.constant 25 : i32
        %mul3A_776 = arith.muli %rem3A_522, %mul3A_775 : i32
        %add3A_777 = arith.constant 14 : i32
        %add3A_778 = arith.addi %mul3A_776, %add3A_777 : i32
        %mul3A_779 = arith.constant 200 : i32
        %mul3A_780 = arith.muli %sub3A_520, %mul3A_779 : i32
        %mul3A_781 = arith.constant 16 : i32
        %mul3A_782 = arith.muli %mul3A_780, %mul3A_781 : i32
        %add3A_783 = arith.constant 1792 : i32
        %add3A_784 = arith.addi %mul3A_782, %add3A_783 : i32
        %dma_start3A_785 = arith.constant 0 : i32
        %dma_start3A_786 = tpu.memref_slice %arg8[%add3A_784, %dma_start3A_785] : memref<6400x16xf32, #tpu.memory_space<vmem>> -> memref<128x16xf32, #tpu.memory_space<vmem>>
        %dma_start3A_787 = arith.constant 0 : i32
        %dma_start3A_788 = tpu.memref_slice %arg6[%add3A_778, %dma_start3A_787] : memref<75x128xi32, #tpu.memory_space<vmem>> -> memref<1x128xi32, #tpu.memory_space<vmem>>
        %dma_start3A_789 = tpu.memref_squeeze %dma_start3A_788 : memref<1x128xi32, #tpu.memory_space<vmem>> -> memref<128xi32, #tpu.memory_space<vmem>>
        %dma_start3A_790 = arith.constant 0 : i32
        %dma_start3A_791 = arith.constant 0 : i32
        %dma_start3A_792 = tpu.memref_slice %arg2[%dma_start3A_790, %dma_start3A_791] : memref<320000x16xf32, #tpu.memory_space<hbm>> -> memref<320000x16xf32, #tpu.memory_space<hbm>>
        tpu.enqueue_indirect_dma source(%dma_start3A_792 : memref<320000x16xf32, #tpu.memory_space<hbm>>) target(%dma_start3A_786 : memref<128x16xf32, #tpu.memory_space<vmem>>) offsets(%dma_start3A_789 : memref<128xi32, #tpu.memory_space<vmem>>) semaphore(%arg11 : memref<!tpu.dma_semaphore, #tpu.memory_space<semaphore_mem>>)
        %mul3A_793 = arith.constant 25 : i32
        %mul3A_794 = arith.muli %rem3A_522, %mul3A_793 : i32
        %add3A_795 = arith.constant 15 : i32
        %add3A_796 = arith.addi %mul3A_794, %add3A_795 : i32
        %mul3A_797 = arith.constant 200 : i32
        %mul3A_798 = arith.muli %sub3A_520, %mul3A_797 : i32
        %mul3A_799 = arith.constant 16 : i32
        %mul3A_800 = arith.muli %mul3A_798, %mul3A_799 : i32
        %add3A_801 = arith.constant 1920 : i32
        %add3A_802 = arith.addi %mul3A_800, %add3A_801 : i32
        %dma_start3A_803 = arith.constant 0 : i32
        %dma_start3A_804 = tpu.memref_slice %arg8[%add3A_802, %dma_start3A_803] : memref<6400x16xf32, #tpu.memory_space<vmem>> -> memref<128x16xf32, #tpu.memory_space<vmem>>
        %dma_start3A_805 = arith.constant 0 : i32
        %dma_start3A_806 = tpu.memref_slice %arg6[%add3A_796, %dma_start3A_805] : memref<75x128xi32, #tpu.memory_space<vmem>> -> memref<1x128xi32, #tpu.memory_space<vmem>>
        %dma_start3A_807 = tpu.memref_squeeze %dma_start3A_806 : memref<1x128xi32, #tpu.memory_space<vmem>> -> memref<128xi32, #tpu.memory_space<vmem>>
        %dma_start3A_808 = arith.constant 0 : i32
        %dma_start3A_809 = arith.constant 0 : i32
        %dma_start3A_810 = tpu.memref_slice %arg2[%dma_start3A_808, %dma_start3A_809] : memref<320000x16xf32, #tpu.memory_space<hbm>> -> memref<320000x16xf32, #tpu.memory_space<hbm>>
        tpu.enqueue_indirect_dma source(%dma_start3A_810 : memref<320000x16xf32, #tpu.memory_space<hbm>>) target(%dma_start3A_804 : memref<128x16xf32, #tpu.memory_space<vmem>>) offsets(%dma_start3A_807 : memref<128xi32, #tpu.memory_space<vmem>>) semaphore(%arg11 : memref<!tpu.dma_semaphore, #tpu.memory_space<semaphore_mem>>)
        %mul3A_811 = arith.constant 25 : i32
        %mul3A_812 = arith.muli %rem3A_522, %mul3A_811 : i32
        %add3A_813 = arith.constant 16 : i32
        %add3A_814 = arith.addi %mul3A_812, %add3A_813 : i32
        %mul3A_815 = arith.constant 200 : i32
        %mul3A_816 = arith.muli %sub3A_520, %mul3A_815 : i32
        %mul3A_817 = arith.constant 16 : i32
        %mul3A_818 = arith.muli %mul3A_816, %mul3A_817 : i32
        %add3A_819 = arith.constant 2048 : i32
        %add3A_820 = arith.addi %mul3A_818, %add3A_819 : i32
        %dma_start3A_821 = arith.constant 0 : i32
        %dma_start3A_822 = tpu.memref_slice %arg8[%add3A_820, %dma_start3A_821] : memref<6400x16xf32, #tpu.memory_space<vmem>> -> memref<128x16xf32, #tpu.memory_space<vmem>>
        %dma_start3A_823 = arith.constant 0 : i32
        %dma_start3A_824 = tpu.memref_slice %arg6[%add3A_814, %dma_start3A_823] : memref<75x128xi32, #tpu.memory_space<vmem>> -> memref<1x128xi32, #tpu.memory_space<vmem>>
        %dma_start3A_825 = tpu.memref_squeeze %dma_start3A_824 : memref<1x128xi32, #tpu.memory_space<vmem>> -> memref<128xi32, #tpu.memory_space<vmem>>
        %dma_start3A_826 = arith.constant 0 : i32
        %dma_start3A_827 = arith.constant 0 : i32
        %dma_start3A_828 = tpu.memref_slice %arg2[%dma_start3A_826, %dma_start3A_827] : memref<320000x16xf32, #tpu.memory_space<hbm>> -> memref<320000x16xf32, #tpu.memory_space<hbm>>
        tpu.enqueue_indirect_dma source(%dma_start3A_828 : memref<320000x16xf32, #tpu.memory_space<hbm>>) target(%dma_start3A_822 : memref<128x16xf32, #tpu.memory_space<vmem>>) offsets(%dma_start3A_825 : memref<128xi32, #tpu.memory_space<vmem>>) semaphore(%arg11 : memref<!tpu.dma_semaphore, #tpu.memory_space<semaphore_mem>>)
        %mul3A_829 = arith.constant 25 : i32
        %mul3A_830 = arith.muli %rem3A_522, %mul3A_829 : i32
        %add3A_831 = arith.constant 17 : i32
        %add3A_832 = arith.addi %mul3A_830, %add3A_831 : i32
        %mul3A_833 = arith.constant 200 : i32
        %mul3A_834 = arith.muli %sub3A_520, %mul3A_833 : i32
        %mul3A_835 = arith.constant 16 : i32
        %mul3A_836 = arith.muli %mul3A_834, %mul3A_835 : i32
        %add3A_837 = arith.constant 2176 : i32
        %add3A_838 = arith.addi %mul3A_836, %add3A_837 : i32
        %dma_start3A_839 = arith.constant 0 : i32
        %dma_start3A_840 = tpu.memref_slice %arg8[%add3A_838, %dma_start3A_839] : memref<6400x16xf32, #tpu.memory_space<vmem>> -> memref<128x16xf32, #tpu.memory_space<vmem>>
        %dma_start3A_841 = arith.constant 0 : i32
        %dma_start3A_842 = tpu.memref_slice %arg6[%add3A_832, %dma_start3A_841] : memref<75x128xi32, #tpu.memory_space<vmem>> -> memref<1x128xi32, #tpu.memory_space<vmem>>
        %dma_start3A_843 = tpu.memref_squeeze %dma_start3A_842 : memref<1x128xi32, #tpu.memory_space<vmem>> -> memref<128xi32, #tpu.memory_space<vmem>>
        %dma_start3A_844 = arith.constant 0 : i32
        %dma_start3A_845 = arith.constant 0 : i32
        %dma_start3A_846 = tpu.memref_slice %arg2[%dma_start3A_844, %dma_start3A_845] : memref<320000x16xf32, #tpu.memory_space<hbm>> -> memref<320000x16xf32, #tpu.memory_space<hbm>>
        tpu.enqueue_indirect_dma source(%dma_start3A_846 : memref<320000x16xf32, #tpu.memory_space<hbm>>) target(%dma_start3A_840 : memref<128x16xf32, #tpu.memory_space<vmem>>) offsets(%dma_start3A_843 : memref<128xi32, #tpu.memory_space<vmem>>) semaphore(%arg11 : memref<!tpu.dma_semaphore, #tpu.memory_space<semaphore_mem>>)
        %mul3A_847 = arith.constant 25 : i32
        %mul3A_848 = arith.muli %rem3A_522, %mul3A_847 : i32
        %add3A_849 = arith.constant 18 : i32
        %add3A_850 = arith.addi %mul3A_848, %add3A_849 : i32
        %mul3A_851 = arith.constant 200 : i32
        %mul3A_852 = arith.muli %sub3A_520, %mul3A_851 : i32
        %mul3A_853 = arith.constant 16 : i32
        %mul3A_854 = arith.muli %mul3A_852, %mul3A_853 : i32
        %add3A_855 = arith.constant 2304 : i32
        %add3A_856 = arith.addi %mul3A_854, %add3A_855 : i32
        %dma_start3A_857 = arith.constant 0 : i32
        %dma_start3A_858 = tpu.memref_slice %arg8[%add3A_856, %dma_start3A_857] : memref<6400x16xf32, #tpu.memory_space<vmem>> -> memref<128x16xf32, #tpu.memory_space<vmem>>
        %dma_start3A_859 = arith.constant 0 : i32
        %dma_start3A_860 = tpu.memref_slice %arg6[%add3A_850, %dma_start3A_859] : memref<75x128xi32, #tpu.memory_space<vmem>> -> memref<1x128xi32, #tpu.memory_space<vmem>>
        %dma_start3A_861 = tpu.memref_squeeze %dma_start3A_860 : memref<1x128xi32, #tpu.memory_space<vmem>> -> memref<128xi32, #tpu.memory_space<vmem>>
        %dma_start3A_862 = arith.constant 0 : i32
        %dma_start3A_863 = arith.constant 0 : i32
        %dma_start3A_864 = tpu.memref_slice %arg2[%dma_start3A_862, %dma_start3A_863] : memref<320000x16xf32, #tpu.memory_space<hbm>> -> memref<320000x16xf32, #tpu.memory_space<hbm>>
        tpu.enqueue_indirect_dma source(%dma_start3A_864 : memref<320000x16xf32, #tpu.memory_space<hbm>>) target(%dma_start3A_858 : memref<128x16xf32, #tpu.memory_space<vmem>>) offsets(%dma_start3A_861 : memref<128xi32, #tpu.memory_space<vmem>>) semaphore(%arg11 : memref<!tpu.dma_semaphore, #tpu.memory_space<semaphore_mem>>)
        %mul3A_865 = arith.constant 25 : i32
        %mul3A_866 = arith.muli %rem3A_522, %mul3A_865 : i32
        %add3A_867 = arith.constant 19 : i32
        %add3A_868 = arith.addi %mul3A_866, %add3A_867 : i32
        %mul3A_869 = arith.constant 200 : i32
        %mul3A_870 = arith.muli %sub3A_520, %mul3A_869 : i32
        %mul3A_871 = arith.constant 16 : i32
        %mul3A_872 = arith.muli %mul3A_870, %mul3A_871 : i32
        %add3A_873 = arith.constant 2432 : i32
        %add3A_874 = arith.addi %mul3A_872, %add3A_873 : i32
        %dma_start3A_875 = arith.constant 0 : i32
        %dma_start3A_876 = tpu.memref_slice %arg8[%add3A_874, %dma_start3A_875] : memref<6400x16xf32, #tpu.memory_space<vmem>> -> memref<128x16xf32, #tpu.memory_space<vmem>>
        %dma_start3A_877 = arith.constant 0 : i32
        %dma_start3A_878 = tpu.memref_slice %arg6[%add3A_868, %dma_start3A_877] : memref<75x128xi32, #tpu.memory_space<vmem>> -> memref<1x128xi32, #tpu.memory_space<vmem>>
        %dma_start3A_879 = tpu.memref_squeeze %dma_start3A_878 : memref<1x128xi32, #tpu.memory_space<vmem>> -> memref<128xi32, #tpu.memory_space<vmem>>
        %dma_start3A_880 = arith.constant 0 : i32
        %dma_start3A_881 = arith.constant 0 : i32
        %dma_start3A_882 = tpu.memref_slice %arg2[%dma_start3A_880, %dma_start3A_881] : memref<320000x16xf32, #tpu.memory_space<hbm>> -> memref<320000x16xf32, #tpu.memory_space<hbm>>
        tpu.enqueue_indirect_dma source(%dma_start3A_882 : memref<320000x16xf32, #tpu.memory_space<hbm>>) target(%dma_start3A_876 : memref<128x16xf32, #tpu.memory_space<vmem>>) offsets(%dma_start3A_879 : memref<128xi32, #tpu.memory_space<vmem>>) semaphore(%arg11 : memref<!tpu.dma_semaphore, #tpu.memory_space<semaphore_mem>>)
        %mul3A_883 = arith.constant 25 : i32
        %mul3A_884 = arith.muli %rem3A_522, %mul3A_883 : i32
        %add3A_885 = arith.constant 20 : i32
        %add3A_886 = arith.addi %mul3A_884, %add3A_885 : i32
        %mul3A_887 = arith.constant 200 : i32
        %mul3A_888 = arith.muli %sub3A_520, %mul3A_887 : i32
        %mul3A_889 = arith.constant 16 : i32
        %mul3A_890 = arith.muli %mul3A_888, %mul3A_889 : i32
        %add3A_891 = arith.constant 2560 : i32
        %add3A_892 = arith.addi %mul3A_890, %add3A_891 : i32
        %dma_start3A_893 = arith.constant 0 : i32
        %dma_start3A_894 = tpu.memref_slice %arg8[%add3A_892, %dma_start3A_893] : memref<6400x16xf32, #tpu.memory_space<vmem>> -> memref<128x16xf32, #tpu.memory_space<vmem>>
        %dma_start3A_895 = arith.constant 0 : i32
        %dma_start3A_896 = tpu.memref_slice %arg6[%add3A_886, %dma_start3A_895] : memref<75x128xi32, #tpu.memory_space<vmem>> -> memref<1x128xi32, #tpu.memory_space<vmem>>
        %dma_start3A_897 = tpu.memref_squeeze %dma_start3A_896 : memref<1x128xi32, #tpu.memory_space<vmem>> -> memref<128xi32, #tpu.memory_space<vmem>>
        %dma_start3A_898 = arith.constant 0 : i32
        %dma_start3A_899 = arith.constant 0 : i32
        %dma_start3A_900 = tpu.memref_slice %arg2[%dma_start3A_898, %dma_start3A_899] : memref<320000x16xf32, #tpu.memory_space<hbm>> -> memref<320000x16xf32, #tpu.memory_space<hbm>>
        tpu.enqueue_indirect_dma source(%dma_start3A_900 : memref<320000x16xf32, #tpu.memory_space<hbm>>) target(%dma_start3A_894 : memref<128x16xf32, #tpu.memory_space<vmem>>) offsets(%dma_start3A_897 : memref<128xi32, #tpu.memory_space<vmem>>) semaphore(%arg11 : memref<!tpu.dma_semaphore, #tpu.memory_space<semaphore_mem>>)
        %mul3A_901 = arith.constant 25 : i32
        %mul3A_902 = arith.muli %rem3A_522, %mul3A_901 : i32
        %add3A_903 = arith.constant 21 : i32
        %add3A_904 = arith.addi %mul3A_902, %add3A_903 : i32
        %mul3A_905 = arith.constant 200 : i32
        %mul3A_906 = arith.muli %sub3A_520, %mul3A_905 : i32
        %mul3A_907 = arith.constant 16 : i32
        %mul3A_908 = arith.muli %mul3A_906, %mul3A_907 : i32
        %add3A_909 = arith.constant 2688 : i32
        %add3A_910 = arith.addi %mul3A_908, %add3A_909 : i32
        %dma_start3A_911 = arith.constant 0 : i32
        %dma_start3A_912 = tpu.memref_slice %arg8[%add3A_910, %dma_start3A_911] : memref<6400x16xf32, #tpu.memory_space<vmem>> -> memref<128x16xf32, #tpu.memory_space<vmem>>
        %dma_start3A_913 = arith.constant 0 : i32
        %dma_start3A_914 = tpu.memref_slice %arg6[%add3A_904, %dma_start3A_913] : memref<75x128xi32, #tpu.memory_space<vmem>> -> memref<1x128xi32, #tpu.memory_space<vmem>>
        %dma_start3A_915 = tpu.memref_squeeze %dma_start3A_914 : memref<1x128xi32, #tpu.memory_space<vmem>> -> memref<128xi32, #tpu.memory_space<vmem>>
        %dma_start3A_916 = arith.constant 0 : i32
        %dma_start3A_917 = arith.constant 0 : i32
        %dma_start3A_918 = tpu.memref_slice %arg2[%dma_start3A_916, %dma_start3A_917] : memref<320000x16xf32, #tpu.memory_space<hbm>> -> memref<320000x16xf32, #tpu.memory_space<hbm>>
        tpu.enqueue_indirect_dma source(%dma_start3A_918 : memref<320000x16xf32, #tpu.memory_space<hbm>>) target(%dma_start3A_912 : memref<128x16xf32, #tpu.memory_space<vmem>>) offsets(%dma_start3A_915 : memref<128xi32, #tpu.memory_space<vmem>>) semaphore(%arg11 : memref<!tpu.dma_semaphore, #tpu.memory_space<semaphore_mem>>)
        %mul3A_919 = arith.constant 25 : i32
        %mul3A_920 = arith.muli %rem3A_522, %mul3A_919 : i32
        %add3A_921 = arith.constant 22 : i32
        %add3A_922 = arith.addi %mul3A_920, %add3A_921 : i32
        %mul3A_923 = arith.constant 200 : i32
        %mul3A_924 = arith.muli %sub3A_520, %mul3A_923 : i32
        %mul3A_925 = arith.constant 16 : i32
        %mul3A_926 = arith.muli %mul3A_924, %mul3A_925 : i32
        %add3A_927 = arith.constant 2816 : i32
        %add3A_928 = arith.addi %mul3A_926, %add3A_927 : i32
        %dma_start3A_929 = arith.constant 0 : i32
        %dma_start3A_930 = tpu.memref_slice %arg8[%add3A_928, %dma_start3A_929] : memref<6400x16xf32, #tpu.memory_space<vmem>> -> memref<128x16xf32, #tpu.memory_space<vmem>>
        %dma_start3A_931 = arith.constant 0 : i32
        %dma_start3A_932 = tpu.memref_slice %arg6[%add3A_922, %dma_start3A_931] : memref<75x128xi32, #tpu.memory_space<vmem>> -> memref<1x128xi32, #tpu.memory_space<vmem>>
        %dma_start3A_933 = tpu.memref_squeeze %dma_start3A_932 : memref<1x128xi32, #tpu.memory_space<vmem>> -> memref<128xi32, #tpu.memory_space<vmem>>
        %dma_start3A_934 = arith.constant 0 : i32
        %dma_start3A_935 = arith.constant 0 : i32
        %dma_start3A_936 = tpu.memref_slice %arg2[%dma_start3A_934, %dma_start3A_935] : memref<320000x16xf32, #tpu.memory_space<hbm>> -> memref<320000x16xf32, #tpu.memory_space<hbm>>
        tpu.enqueue_indirect_dma source(%dma_start3A_936 : memref<320000x16xf32, #tpu.memory_space<hbm>>) target(%dma_start3A_930 : memref<128x16xf32, #tpu.memory_space<vmem>>) offsets(%dma_start3A_933 : memref<128xi32, #tpu.memory_space<vmem>>) semaphore(%arg11 : memref<!tpu.dma_semaphore, #tpu.memory_space<semaphore_mem>>)
        %mul3A_937 = arith.constant 25 : i32
        %mul3A_938 = arith.muli %rem3A_522, %mul3A_937 : i32
        %add3A_939 = arith.constant 23 : i32
        %add3A_940 = arith.addi %mul3A_938, %add3A_939 : i32
        %mul3A_941 = arith.constant 200 : i32
        %mul3A_942 = arith.muli %sub3A_520, %mul3A_941 : i32
        %mul3A_943 = arith.constant 16 : i32
        %mul3A_944 = arith.muli %mul3A_942, %mul3A_943 : i32
        %add3A_945 = arith.constant 2944 : i32
        %add3A_946 = arith.addi %mul3A_944, %add3A_945 : i32
        %dma_start3A_947 = arith.constant 0 : i32
        %dma_start3A_948 = tpu.memref_slice %arg8[%add3A_946, %dma_start3A_947] : memref<6400x16xf32, #tpu.memory_space<vmem>> -> memref<128x16xf32, #tpu.memory_space<vmem>>
        %dma_start3A_949 = arith.constant 0 : i32
        %dma_start3A_950 = tpu.memref_slice %arg6[%add3A_940, %dma_start3A_949] : memref<75x128xi32, #tpu.memory_space<vmem>> -> memref<1x128xi32, #tpu.memory_space<vmem>>
        %dma_start3A_951 = tpu.memref_squeeze %dma_start3A_950 : memref<1x128xi32, #tpu.memory_space<vmem>> -> memref<128xi32, #tpu.memory_space<vmem>>
        %dma_start3A_952 = arith.constant 0 : i32
        %dma_start3A_953 = arith.constant 0 : i32
        %dma_start3A_954 = tpu.memref_slice %arg2[%dma_start3A_952, %dma_start3A_953] : memref<320000x16xf32, #tpu.memory_space<hbm>> -> memref<320000x16xf32, #tpu.memory_space<hbm>>
        tpu.enqueue_indirect_dma source(%dma_start3A_954 : memref<320000x16xf32, #tpu.memory_space<hbm>>) target(%dma_start3A_948 : memref<128x16xf32, #tpu.memory_space<vmem>>) offsets(%dma_start3A_951 : memref<128xi32, #tpu.memory_space<vmem>>) semaphore(%arg11 : memref<!tpu.dma_semaphore, #tpu.memory_space<semaphore_mem>>)
        %mul3A_955 = arith.constant 25 : i32
        %mul3A_956 = arith.muli %rem3A_522, %mul3A_955 : i32
        %add3A_957 = arith.constant 24 : i32
        %add3A_958 = arith.addi %mul3A_956, %add3A_957 : i32
        %mul3A_959 = arith.constant 200 : i32
        %mul3A_960 = arith.muli %sub3A_520, %mul3A_959 : i32
        %mul3A_961 = arith.constant 16 : i32
        %mul3A_962 = arith.muli %mul3A_960, %mul3A_961 : i32
        %add3A_963 = arith.constant 3072 : i32
        %add3A_964 = arith.addi %mul3A_962, %add3A_963 : i32
        %dma_start3A_965 = arith.constant 0 : i32
        %dma_start3A_966 = tpu.memref_slice %arg8[%add3A_964, %dma_start3A_965] : memref<6400x16xf32, #tpu.memory_space<vmem>> -> memref<128x16xf32, #tpu.memory_space<vmem>>
        %dma_start3A_967 = arith.constant 0 : i32
        %dma_start3A_968 = tpu.memref_slice %arg6[%add3A_958, %dma_start3A_967] : memref<75x128xi32, #tpu.memory_space<vmem>> -> memref<1x128xi32, #tpu.memory_space<vmem>>
        %dma_start3A_969 = tpu.memref_squeeze %dma_start3A_968 : memref<1x128xi32, #tpu.memory_space<vmem>> -> memref<128xi32, #tpu.memory_space<vmem>>
        %dma_start3A_970 = arith.constant 0 : i32
        %dma_start3A_971 = arith.constant 0 : i32
        %dma_start3A_972 = tpu.memref_slice %arg2[%dma_start3A_970, %dma_start3A_971] : memref<320000x16xf32, #tpu.memory_space<hbm>> -> memref<320000x16xf32, #tpu.memory_space<hbm>>
        tpu.enqueue_indirect_dma source(%dma_start3A_972 : memref<320000x16xf32, #tpu.memory_space<hbm>>) target(%dma_start3A_966 : memref<128x16xf32, #tpu.memory_space<vmem>>) offsets(%dma_start3A_969 : memref<128xi32, #tpu.memory_space<vmem>>) semaphore(%arg11 : memref<!tpu.dma_semaphore, #tpu.memory_space<semaphore_mem>>)
      } else {
      }
      %add3A_444 = arith.constant 2 : i32
      %add3A_445 = arith.addi %scan3A_437, %add3A_444 : i32
      %lt3A_446 = arith.constant 40 : i32
      %lt3A_447 = arith.cmpi slt, %add3A_445, %lt3A_446 : i32
      %convert_element_type3A_448 = arith.extui %lt3A_447 : i1 to i32
      %cond3A_449 = arith.constant 0 : i32
      %cond3A_450 = arith.cmpi ne, %convert_element_type3A_448, %cond3A_449 : i32
      scf.if %cond3A_450 {
        %add3A_494 = arith.constant 2 : i32
        %add3A_495 = arith.addi %scan3A_437, %add3A_494 : i32
        %rem3A_496 = arith.constant 3 : i32
        %rem3A_497 = arith.remsi %add3A_495, %rem3A_496 : i32
        %mul3A_498 = arith.constant 25 : i32
        %mul3A_499 = arith.muli %add3A_495, %mul3A_498 : i32
        %add3A_500 = arith.addi %mul3A_4, %mul3A_499 : i32
        %mul3A_501 = arith.constant 25 : i32
        %mul3A_502 = arith.muli %rem3A_497, %mul3A_501 : i32
        %dma_start3A_503 = arith.constant 0 : i32
        %dma_start3A_504 = tpu.memref_slice %arg6[%mul3A_502, %dma_start3A_503] : memref<75x128xi32, #tpu.memory_space<vmem>> -> memref<25x128xi32, #tpu.memory_space<vmem>>
        %dma_start3A_505 = arith.constant 0 : i32
        %dma_start3A_506 = tpu.memref_slice %arg3[%add3A_500, %dma_start3A_505] : memref<32000x128xi32, #tpu.memory_space<hbm>> -> memref<25x128xi32, #tpu.memory_space<hbm>>
        %dma_start3A_507 = arith.constant 0 : i32
        %dma_start3A_508 = tpu.memref_slice %arg6[%mul3A_502, %dma_start3A_507] : memref<75x128xi32, #tpu.memory_space<vmem>> -> memref<25x128xi32, #tpu.memory_space<vmem>>
        %dma_start3A_509 = arith.constant 0 : i32
        %dma_start3A_510 = tpu.memref_slice %arg3[%add3A_500, %dma_start3A_509] : memref<32000x128xi32, #tpu.memory_space<hbm>> -> memref<25x128xi32, #tpu.memory_space<hbm>>
        tpu.enqueue_dma source(%dma_start3A_510 : memref<25x128xi32, #tpu.memory_space<hbm>>) target(%dma_start3A_508 : memref<25x128xi32, #tpu.memory_space<vmem>>) target_semaphore(%arg10 : memref<!tpu.dma_semaphore, #tpu.memory_space<semaphore_mem>>)
        %mul3A_511 = arith.constant 200 : i32
        %mul3A_512 = arith.muli %add3A_495, %mul3A_511 : i32
        %add3A_513 = arith.addi %mul3A_2, %mul3A_512 : i32
        %mul3A_514 = arith.constant 200 : i32
        %mul3A_515 = arith.muli %rem3A_497, %mul3A_514 : i32
        %dma_start3A_516 = arith.constant 0 : i32
        %dma_start3A_517 = tpu.memref_slice %arg7[%mul3A_515, %dma_start3A_516] : memref<600x16xf32, #tpu.memory_space<vmem>> -> memref<200x16xf32, #tpu.memory_space<vmem>>
        %dma_start3A_518 = arith.constant 0 : i32
        %dma_start3A_519 = tpu.memref_slice %arg4[%add3A_513, %dma_start3A_518] : memref<256000x16xf32, #tpu.memory_space<hbm>> -> memref<200x16xf32, #tpu.memory_space<hbm>>
        %dma_start3A_520 = arith.constant 0 : i32
        %dma_start3A_521 = tpu.memref_slice %arg7[%mul3A_515, %dma_start3A_520] : memref<600x16xf32, #tpu.memory_space<vmem>> -> memref<200x16xf32, #tpu.memory_space<vmem>>
        %dma_start3A_522 = arith.constant 0 : i32
        %dma_start3A_523 = tpu.memref_slice %arg4[%add3A_513, %dma_start3A_522] : memref<256000x16xf32, #tpu.memory_space<hbm>> -> memref<200x16xf32, #tpu.memory_space<hbm>>
        tpu.enqueue_dma source(%dma_start3A_523 : memref<200x16xf32, #tpu.memory_space<hbm>>) target(%dma_start3A_521 : memref<200x16xf32, #tpu.memory_space<vmem>>) target_semaphore(%arg10 : memref<!tpu.dma_semaphore, #tpu.memory_space<semaphore_mem>>)
      } else {
      }
      %ge3A = arith.constant 2 : i32
      %ge3A_451 = arith.cmpi sge, %scan3A_437, %ge3A : i32
      %convert_element_type3A_452 = arith.extui %ge3A_451 : i1 to i32
      %cond3A_453 = arith.constant 0 : i32
      %cond3A_454 = arith.cmpi ne, %convert_element_type3A_452, %cond3A_453 : i32
      scf.if %cond3A_454 {
        %dma_wait3A_494 = arith.constant 0 : i32
        %dma_wait3A_495 = arith.constant 0 : i32
        %dma_wait3A_496 = tpu.memref_slice %arg9[%dma_wait3A_494, %dma_wait3A_495] : memref<400x16xf32, #tpu.memory_space<vmem>> -> memref<200x16xf32, #tpu.memory_space<vmem>>
        %dma_wait3A_497 = arith.constant 0 : i32
        %dma_wait3A_498 = arith.constant 0 : i32
        %dma_wait3A_499 = tpu.memref_slice %arg5[%dma_wait3A_497, %dma_wait3A_498] : memref<256000x16xf32, #tpu.memory_space<hbm>> -> memref<200x16xf32, #tpu.memory_space<hbm>>
        %dma_wait3A_500 = arith.constant 0 : i32
        %dma_wait3A_501 = arith.constant 0 : i32
        %dma_wait3A_502 = tpu.memref_slice %arg5[%dma_wait3A_500, %dma_wait3A_501] : memref<256000x16xf32, #tpu.memory_space<hbm>> -> memref<200x16xf32, #tpu.memory_space<hbm>>
        %dma_wait3A_503 = arith.constant 0 : i32
        %dma_wait3A_504 = arith.constant 0 : i32
        %dma_wait3A_505 = tpu.memref_slice %arg9[%dma_wait3A_503, %dma_wait3A_504] : memref<400x16xf32, #tpu.memory_space<vmem>> -> memref<200x16xf32, #tpu.memory_space<vmem>>
        tpu.wait_dma2 semaphore(%arg12 : memref<!tpu.dma_semaphore, #tpu.memory_space<semaphore_mem>>) src(%dma_wait3A_505 : memref<200x16xf32, #tpu.memory_space<vmem>>) dst(%dma_wait3A_502 : memref<200x16xf32, #tpu.memory_space<hbm>>)
      } else {
      }
      %dma_wait3A_455 = arith.constant 0 : i32
      %dma_wait3A_456 = arith.constant 0 : i32
      %dma_wait3A_457 = tpu.memref_slice %arg8[%dma_wait3A_455, %dma_wait3A_456] : memref<6400x16xf32, #tpu.memory_space<vmem>> -> memref<3200x16xf32, #tpu.memory_space<vmem>>
      %dma_wait3A_458 = arith.constant 0 : i32
      %dma_wait3A_459 = arith.constant 0 : i32
      %dma_wait3A_460 = tpu.memref_slice %arg2[%dma_wait3A_458, %dma_wait3A_459] : memref<320000x16xf32, #tpu.memory_space<hbm>> -> memref<3200x16xf32, #tpu.memory_space<hbm>>
      %dma_wait3A_461 = arith.constant 0 : i32
      %dma_wait3A_462 = arith.constant 0 : i32
      %dma_wait3A_463 = tpu.memref_slice %arg8[%dma_wait3A_461, %dma_wait3A_462] : memref<6400x16xf32, #tpu.memory_space<vmem>> -> memref<3200x16xf32, #tpu.memory_space<vmem>>
      %dma_wait3A_464 = arith.constant 0 : i32
      %dma_wait3A_465 = arith.constant 0 : i32
      %dma_wait3A_466 = tpu.memref_slice %arg2[%dma_wait3A_464, %dma_wait3A_465] : memref<320000x16xf32, #tpu.memory_space<hbm>> -> memref<3200x16xf32, #tpu.memory_space<hbm>>
      tpu.wait_dma2 semaphore(%arg11 : memref<!tpu.dma_semaphore, #tpu.memory_space<semaphore_mem>>) src(%dma_wait3A_466 : memref<3200x16xf32, #tpu.memory_space<hbm>>) dst(%dma_wait3A_463 : memref<3200x16xf32, #tpu.memory_space<vmem>>)
      %mul3A_467 = arith.constant 200 : i32
      %mul3A_468 = arith.muli %rem3A_439, %mul3A_467 : i32
      %mul3A_469 = arith.constant 16 : i32
      %mul3A_470 = arith.muli %mul3A_468, %mul3A_469 : i32
      %rem3A_471 = arith.constant 3 : i32
      %rem3A_472 = arith.remsi %scan3A_437, %rem3A_471 : i32
      %mul3A_473 = arith.constant 200 : i32
      %mul3A_474 = arith.muli %rem3A_472, %mul3A_473 : i32
      %mul3A_475 = arith.constant 200 : i32
      %mul3A_476 = arith.muli %rem3A_439, %mul3A_475 : i32
      %scan3A_477 = arith.constant 0 : i32
      %scan3A_478 = arith.constant 0 : i32
      %scan3A_479 = arith.constant 100 : i32
      %scan3A_480 = arith.addi %scan3A_478, %scan3A_479 : i32
      %scan3A_481 = arith.constant 1 : i32
      scf.for %scan3A_494 = %scan3A_478 to %scan3A_480 step %scan3A_481  : i32 {
        %mul3A_495 = arith.constant 2 : i32
        %mul3A_496 = arith.muli %mul3A_495, %scan3A_494 : i32
        %mul3A_497 = arith.constant 16 : i32
        %mul3A_498 = arith.muli %mul3A_496, %mul3A_497 : i32
        %add3A_499 = arith.addi %mul3A_470, %mul3A_498 : i32
        %add3A_500 = arith.addi %mul3A_474, %mul3A_496 : i32
        %get3A = arith.index_cast %add3A_500 : i32 to index
        %get3A_501 = arith.constant 0 : index
        %get3A_502 = tpu.vector_load %arg7[%get3A, %get3A_501] {strides = array<i32>} : memref<600x16xf32, #tpu.memory_space<vmem>>, vector<1x16xf32>,
        %get3A_503 = vector.shape_cast %get3A_502 : vector<1x16xf32> to vector<16xf32>
        %add3A_504 = arith.addi %mul3A_474, %mul3A_496 : i32
        %add3A_505 = arith.constant 1 : i32
        %add3A_506 = arith.addi %add3A_504, %add3A_505 : i32
        %get3A_507 = arith.index_cast %add3A_506 : i32 to index
        %get3A_508 = arith.constant 0 : index
        %get3A_509 = tpu.vector_load %arg7[%get3A_507, %get3A_508] {strides = array<i32>} : memref<600x16xf32, #tpu.memory_space<vmem>>, vector<1x16xf32>,
        %get3A_510 = vector.shape_cast %get3A_509 : vector<1x16xf32> to vector<16xf32>
        %add3A_511 = arith.constant 0 : i32
        %add3A_512 = arith.addi %add3A_499, %add3A_511 : i32
        %get3A_513 = arith.index_cast %add3A_512 : i32 to index
        %get3A_514 = arith.constant 0 : index
        %get3A_515 = tpu.vector_load %arg8[%get3A_513, %get3A_514] {strides = array<i32>} : memref<6400x16xf32, #tpu.memory_space<vmem>>, vector<1x16xf32>,
        %get3A_516 = vector.shape_cast %get3A_515 : vector<1x16xf32> to vector<16xf32>
        %slice3A = vector.extract_strided_slice %get3A_503 {offsets = [0], sizes = [1], strides = [1]} : vector<16xf32> to vector<1xf32>
        %squeeze3A = vector.extract %slice3A[0] : f32 from vector<1xf32>
        %mul3A_517 = vector.broadcast %squeeze3A : f32 to vector<16xf32>
        %mul3A_518 = arith.mulf %get3A_516, %mul3A_517 : vector<16xf32>
        %add3A_519 = arith.constant 1 : i32
        %add3A_520 = arith.addi %add3A_499, %add3A_519 : i32
        %get3A_521 = arith.index_cast %add3A_520 : i32 to index
        %get3A_522 = arith.constant 0 : index
        %get3A_523 = tpu.vector_load %arg8[%get3A_521, %get3A_522] {strides = array<i32>} : memref<6400x16xf32, #tpu.memory_space<vmem>>, vector<1x16xf32>,
        %get3A_524 = vector.shape_cast %get3A_523 : vector<1x16xf32> to vector<16xf32>
        %slice3A_525 = vector.extract_strided_slice %get3A_503 {offsets = [1], sizes = [1], strides = [1]} : vector<16xf32> to vector<1xf32>
        %squeeze3A_526 = vector.extract %slice3A_525[0] : f32 from vector<1xf32>
        %mul3A_527 = vector.broadcast %squeeze3A_526 : f32 to vector<16xf32>
        %mul3A_528 = arith.mulf %get3A_524, %mul3A_527 : vector<16xf32>
        %add3A_529 = arith.constant 2 : i32
        %add3A_530 = arith.addi %add3A_499, %add3A_529 : i32
        %get3A_531 = arith.index_cast %add3A_530 : i32 to index
        %get3A_532 = arith.constant 0 : index
        %get3A_533 = tpu.vector_load %arg8[%get3A_531, %get3A_532] {strides = array<i32>} : memref<6400x16xf32, #tpu.memory_space<vmem>>, vector<1x16xf32>,
        %get3A_534 = vector.shape_cast %get3A_533 : vector<1x16xf32> to vector<16xf32>
        %slice3A_535 = vector.extract_strided_slice %get3A_503 {offsets = [2], sizes = [1], strides = [1]} : vector<16xf32> to vector<1xf32>
        %squeeze3A_536 = vector.extract %slice3A_535[0] : f32 from vector<1xf32>
        %mul3A_537 = vector.broadcast %squeeze3A_536 : f32 to vector<16xf32>
        %mul3A_538 = arith.mulf %get3A_534, %mul3A_537 : vector<16xf32>
        %add3A_539 = arith.constant 3 : i32
        %add3A_540 = arith.addi %add3A_499, %add3A_539 : i32
        %get3A_541 = arith.index_cast %add3A_540 : i32 to index
        %get3A_542 = arith.constant 0 : index
        %get3A_543 = tpu.vector_load %arg8[%get3A_541, %get3A_542] {strides = array<i32>} : memref<6400x16xf32, #tpu.memory_space<vmem>>, vector<1x16xf32>,
        %get3A_544 = vector.shape_cast %get3A_543 : vector<1x16xf32> to vector<16xf32>
        %slice3A_545 = vector.extract_strided_slice %get3A_503 {offsets = [3], sizes = [1], strides = [1]} : vector<16xf32> to vector<1xf32>
        %squeeze3A_546 = vector.extract %slice3A_545[0] : f32 from vector<1xf32>
        %mul3A_547 = vector.broadcast %squeeze3A_546 : f32 to vector<16xf32>
        %mul3A_548 = arith.mulf %get3A_544, %mul3A_547 : vector<16xf32>
        %add3A_549 = arith.constant 16 : i32
        %add3A_550 = arith.addi %add3A_499, %add3A_549 : i32
        %get3A_551 = arith.index_cast %add3A_550 : i32 to index
        %get3A_552 = arith.constant 0 : index
        %get3A_553 = tpu.vector_load %arg8[%get3A_551, %get3A_552] {strides = array<i32>} : memref<6400x16xf32, #tpu.memory_space<vmem>>, vector<1x16xf32>,
        %get3A_554 = vector.shape_cast %get3A_553 : vector<1x16xf32> to vector<16xf32>
        %slice3A_555 = vector.extract_strided_slice %get3A_510 {offsets = [0], sizes = [1], strides = [1]} : vector<16xf32> to vector<1xf32>
        %squeeze3A_556 = vector.extract %slice3A_555[0] : f32 from vector<1xf32>
        %mul3A_557 = vector.broadcast %squeeze3A_556 : f32 to vector<16xf32>
        %mul3A_558 = arith.mulf %get3A_554, %mul3A_557 : vector<16xf32>
        %add3A_559 = arith.constant 17 : i32
        %add3A_560 = arith.addi %add3A_499, %add3A_559 : i32
        %get3A_561 = arith.index_cast %add3A_560 : i32 to index
        %get3A_562 = arith.constant 0 : index
        %get3A_563 = tpu.vector_load %arg8[%get3A_561, %get3A_562] {strides = array<i32>} : memref<6400x16xf32, #tpu.memory_space<vmem>>, vector<1x16xf32>,
        %get3A_564 = vector.shape_cast %get3A_563 : vector<1x16xf32> to vector<16xf32>
        %slice3A_565 = vector.extract_strided_slice %get3A_510 {offsets = [1], sizes = [1], strides = [1]} : vector<16xf32> to vector<1xf32>
        %squeeze3A_566 = vector.extract %slice3A_565[0] : f32 from vector<1xf32>
        %mul3A_567 = vector.broadcast %squeeze3A_566 : f32 to vector<16xf32>
        %mul3A_568 = arith.mulf %get3A_564, %mul3A_567 : vector<16xf32>
        %add3A_569 = arith.constant 18 : i32
        %add3A_570 = arith.addi %add3A_499, %add3A_569 : i32
        %get3A_571 = arith.index_cast %add3A_570 : i32 to index
        %get3A_572 = arith.constant 0 : index
        %get3A_573 = tpu.vector_load %arg8[%get3A_571, %get3A_572] {strides = array<i32>} : memref<6400x16xf32, #tpu.memory_space<vmem>>, vector<1x16xf32>,
        %get3A_574 = vector.shape_cast %get3A_573 : vector<1x16xf32> to vector<16xf32>
        %slice3A_575 = vector.extract_strided_slice %get3A_510 {offsets = [2], sizes = [1], strides = [1]} : vector<16xf32> to vector<1xf32>
        %squeeze3A_576 = vector.extract %slice3A_575[0] : f32 from vector<1xf32>
        %mul3A_577 = vector.broadcast %squeeze3A_576 : f32 to vector<16xf32>
        %mul3A_578 = arith.mulf %get3A_574, %mul3A_577 : vector<16xf32>
        %add3A_579 = arith.constant 19 : i32
        %add3A_580 = arith.addi %add3A_499, %add3A_579 : i32
        %get3A_581 = arith.index_cast %add3A_580 : i32 to index
        %get3A_582 = arith.constant 0 : index
        %get3A_583 = tpu.vector_load %arg8[%get3A_581, %get3A_582] {strides = array<i32>} : memref<6400x16xf32, #tpu.memory_space<vmem>>, vector<1x16xf32>,
        %get3A_584 = vector.shape_cast %get3A_583 : vector<1x16xf32> to vector<16xf32>
        %slice3A_585 = vector.extract_strided_slice %get3A_510 {offsets = [3], sizes = [1], strides = [1]} : vector<16xf32> to vector<1xf32>
        %squeeze3A_586 = vector.extract %slice3A_585[0] : f32 from vector<1xf32>
        %mul3A_587 = vector.broadcast %squeeze3A_586 : f32 to vector<16xf32>
        %mul3A_588 = arith.mulf %get3A_584, %mul3A_587 : vector<16xf32>
        %add3A_589 = arith.constant 4 : i32
        %add3A_590 = arith.addi %add3A_499, %add3A_589 : i32
        %get3A_591 = arith.index_cast %add3A_590 : i32 to index
        %get3A_592 = arith.constant 0 : index
        %get3A_593 = tpu.vector_load %arg8[%get3A_591, %get3A_592] {strides = array<i32>} : memref<6400x16xf32, #tpu.memory_space<vmem>>, vector<1x16xf32>,
        %get3A_594 = vector.shape_cast %get3A_593 : vector<1x16xf32> to vector<16xf32>
        %slice3A_595 = vector.extract_strided_slice %get3A_503 {offsets = [4], sizes = [1], strides = [1]} : vector<16xf32> to vector<1xf32>
        %squeeze3A_596 = vector.extract %slice3A_595[0] : f32 from vector<1xf32>
        %mul3A_597 = vector.broadcast %squeeze3A_596 : f32 to vector<16xf32>
        %mul3A_598 = arith.mulf %get3A_594, %mul3A_597 : vector<16xf32>
        %add3A_599 = arith.addf %mul3A_518, %mul3A_598 : vector<16xf32>
        %add3A_600 = arith.constant 4 : i32
        %add3A_601 = arith.addi %add3A_499, %add3A_600 : i32
        %add3A_602 = arith.constant 1 : i32
        %add3A_603 = arith.addi %add3A_601, %add3A_602 : i32
        %get3A_604 = arith.index_cast %add3A_603 : i32 to index
        %get3A_605 = arith.constant 0 : index
        %get3A_606 = tpu.vector_load %arg8[%get3A_604, %get3A_605] {strides = array<i32>} : memref<6400x16xf32, #tpu.memory_space<vmem>>, vector<1x16xf32>,
        %get3A_607 = vector.shape_cast %get3A_606 : vector<1x16xf32> to vector<16xf32>
        %slice3A_608 = vector.extract_strided_slice %get3A_503 {offsets = [5], sizes = [1], strides = [1]} : vector<16xf32> to vector<1xf32>
        %squeeze3A_609 = vector.extract %slice3A_608[0] : f32 from vector<1xf32>
        %mul3A_610 = vector.broadcast %squeeze3A_609 : f32 to vector<16xf32>
        %mul3A_611 = arith.mulf %get3A_607, %mul3A_610 : vector<16xf32>
        %add3A_612 = arith.addf %mul3A_528, %mul3A_611 : vector<16xf32>
        %add3A_613 = arith.constant 4 : i32
        %add3A_614 = arith.addi %add3A_499, %add3A_613 : i32
        %add3A_615 = arith.constant 2 : i32
        %add3A_616 = arith.addi %add3A_614, %add3A_615 : i32
        %get3A_617 = arith.index_cast %add3A_616 : i32 to index
        %get3A_618 = arith.constant 0 : index
        %get3A_619 = tpu.vector_load %arg8[%get3A_617, %get3A_618] {strides = array<i32>} : memref<6400x16xf32, #tpu.memory_space<vmem>>, vector<1x16xf32>,
        %get3A_620 = vector.shape_cast %get3A_619 : vector<1x16xf32> to vector<16xf32>
        %slice3A_621 = vector.extract_strided_slice %get3A_503 {offsets = [6], sizes = [1], strides = [1]} : vector<16xf32> to vector<1xf32>
        %squeeze3A_622 = vector.extract %slice3A_621[0] : f32 from vector<1xf32>
        %mul3A_623 = vector.broadcast %squeeze3A_622 : f32 to vector<16xf32>
        %mul3A_624 = arith.mulf %get3A_620, %mul3A_623 : vector<16xf32>
        %add3A_625 = arith.addf %mul3A_538, %mul3A_624 : vector<16xf32>
        %add3A_626 = arith.constant 4 : i32
        %add3A_627 = arith.addi %add3A_499, %add3A_626 : i32
        %add3A_628 = arith.constant 3 : i32
        %add3A_629 = arith.addi %add3A_627, %add3A_628 : i32
        %get3A_630 = arith.index_cast %add3A_629 : i32 to index
        %get3A_631 = arith.constant 0 : index
        %get3A_632 = tpu.vector_load %arg8[%get3A_630, %get3A_631] {strides = array<i32>} : memref<6400x16xf32, #tpu.memory_space<vmem>>, vector<1x16xf32>,
        %get3A_633 = vector.shape_cast %get3A_632 : vector<1x16xf32> to vector<16xf32>
        %slice3A_634 = vector.extract_strided_slice %get3A_503 {offsets = [7], sizes = [1], strides = [1]} : vector<16xf32> to vector<1xf32>
        %squeeze3A_635 = vector.extract %slice3A_634[0] : f32 from vector<1xf32>
        %mul3A_636 = vector.broadcast %squeeze3A_635 : f32 to vector<16xf32>
        %mul3A_637 = arith.mulf %get3A_633, %mul3A_636 : vector<16xf32>
        %add3A_638 = arith.addf %mul3A_548, %mul3A_637 : vector<16xf32>
        %add3A_639 = arith.constant 16 : i32
        %add3A_640 = arith.addi %add3A_499, %add3A_639 : i32
        %add3A_641 = arith.constant 4 : i32
        %add3A_642 = arith.addi %add3A_640, %add3A_641 : i32
        %get3A_643 = arith.index_cast %add3A_642 : i32 to index
        %get3A_644 = arith.constant 0 : index
        %get3A_645 = tpu.vector_load %arg8[%get3A_643, %get3A_644] {strides = array<i32>} : memref<6400x16xf32, #tpu.memory_space<vmem>>, vector<1x16xf32>,
        %get3A_646 = vector.shape_cast %get3A_645 : vector<1x16xf32> to vector<16xf32>
        %slice3A_647 = vector.extract_strided_slice %get3A_510 {offsets = [4], sizes = [1], strides = [1]} : vector<16xf32> to vector<1xf32>
        %squeeze3A_648 = vector.extract %slice3A_647[0] : f32 from vector<1xf32>
        %mul3A_649 = vector.broadcast %squeeze3A_648 : f32 to vector<16xf32>
        %mul3A_650 = arith.mulf %get3A_646, %mul3A_649 : vector<16xf32>
        %add3A_651 = arith.addf %mul3A_558, %mul3A_650 : vector<16xf32>
        %add3A_652 = arith.constant 17 : i32
        %add3A_653 = arith.addi %add3A_499, %add3A_652 : i32
        %add3A_654 = arith.constant 4 : i32
        %add3A_655 = arith.addi %add3A_653, %add3A_654 : i32
        %get3A_656 = arith.index_cast %add3A_655 : i32 to index
        %get3A_657 = arith.constant 0 : index
        %get3A_658 = tpu.vector_load %arg8[%get3A_656, %get3A_657] {strides = array<i32>} : memref<6400x16xf32, #tpu.memory_space<vmem>>, vector<1x16xf32>,
        %get3A_659 = vector.shape_cast %get3A_658 : vector<1x16xf32> to vector<16xf32>
        %slice3A_660 = vector.extract_strided_slice %get3A_510 {offsets = [5], sizes = [1], strides = [1]} : vector<16xf32> to vector<1xf32>
        %squeeze3A_661 = vector.extract %slice3A_660[0] : f32 from vector<1xf32>
        %mul3A_662 = vector.broadcast %squeeze3A_661 : f32 to vector<16xf32>
        %mul3A_663 = arith.mulf %get3A_659, %mul3A_662 : vector<16xf32>
        %add3A_664 = arith.addf %mul3A_568, %mul3A_663 : vector<16xf32>
        %add3A_665 = arith.constant 18 : i32
        %add3A_666 = arith.addi %add3A_499, %add3A_665 : i32
        %add3A_667 = arith.constant 4 : i32
        %add3A_668 = arith.addi %add3A_666, %add3A_667 : i32
        %get3A_669 = arith.index_cast %add3A_668 : i32 to index
        %get3A_670 = arith.constant 0 : index
        %get3A_671 = tpu.vector_load %arg8[%get3A_669, %get3A_670] {strides = array<i32>} : memref<6400x16xf32, #tpu.memory_space<vmem>>, vector<1x16xf32>,
        %get3A_672 = vector.shape_cast %get3A_671 : vector<1x16xf32> to vector<16xf32>
        %slice3A_673 = vector.extract_strided_slice %get3A_510 {offsets = [6], sizes = [1], strides = [1]} : vector<16xf32> to vector<1xf32>
        %squeeze3A_674 = vector.extract %slice3A_673[0] : f32 from vector<1xf32>
        %mul3A_675 = vector.broadcast %squeeze3A_674 : f32 to vector<16xf32>
        %mul3A_676 = arith.mulf %get3A_672, %mul3A_675 : vector<16xf32>
        %add3A_677 = arith.addf %mul3A_578, %mul3A_676 : vector<16xf32>
        %add3A_678 = arith.constant 19 : i32
        %add3A_679 = arith.addi %add3A_499, %add3A_678 : i32
        %add3A_680 = arith.constant 4 : i32
        %add3A_681 = arith.addi %add3A_679, %add3A_680 : i32
        %get3A_682 = arith.index_cast %add3A_681 : i32 to index
        %get3A_683 = arith.constant 0 : index
        %get3A_684 = tpu.vector_load %arg8[%get3A_682, %get3A_683] {strides = array<i32>} : memref<6400x16xf32, #tpu.memory_space<vmem>>, vector<1x16xf32>,
        %get3A_685 = vector.shape_cast %get3A_684 : vector<1x16xf32> to vector<16xf32>
        %slice3A_686 = vector.extract_strided_slice %get3A_510 {offsets = [7], sizes = [1], strides = [1]} : vector<16xf32> to vector<1xf32>
        %squeeze3A_687 = vector.extract %slice3A_686[0] : f32 from vector<1xf32>
        %mul3A_688 = vector.broadcast %squeeze3A_687 : f32 to vector<16xf32>
        %mul3A_689 = arith.mulf %get3A_685, %mul3A_688 : vector<16xf32>
        %add3A_690 = arith.addf %mul3A_588, %mul3A_689 : vector<16xf32>
        %add3A_691 = arith.constant 8 : i32
        %add3A_692 = arith.addi %add3A_499, %add3A_691 : i32
        %get3A_693 = arith.index_cast %add3A_692 : i32 to index
        %get3A_694 = arith.constant 0 : index
        %get3A_695 = tpu.vector_load %arg8[%get3A_693, %get3A_694] {strides = array<i32>} : memref<6400x16xf32, #tpu.memory_space<vmem>>, vector<1x16xf32>,
        %get3A_696 = vector.shape_cast %get3A_695 : vector<1x16xf32> to vector<16xf32>
        %slice3A_697 = vector.extract_strided_slice %get3A_503 {offsets = [8], sizes = [1], strides = [1]} : vector<16xf32> to vector<1xf32>
        %squeeze3A_698 = vector.extract %slice3A_697[0] : f32 from vector<1xf32>
        %mul3A_699 = vector.broadcast %squeeze3A_698 : f32 to vector<16xf32>
        %mul3A_700 = arith.mulf %get3A_696, %mul3A_699 : vector<16xf32>
        %add3A_701 = arith.addf %add3A_599, %mul3A_700 : vector<16xf32>
        %add3A_702 = arith.constant 8 : i32
        %add3A_703 = arith.addi %add3A_499, %add3A_702 : i32
        %add3A_704 = arith.constant 1 : i32
        %add3A_705 = arith.addi %add3A_703, %add3A_704 : i32
        %get3A_706 = arith.index_cast %add3A_705 : i32 to index
        %get3A_707 = arith.constant 0 : index
        %get3A_708 = tpu.vector_load %arg8[%get3A_706, %get3A_707] {strides = array<i32>} : memref<6400x16xf32, #tpu.memory_space<vmem>>, vector<1x16xf32>,
        %get3A_709 = vector.shape_cast %get3A_708 : vector<1x16xf32> to vector<16xf32>
        %slice3A_710 = vector.extract_strided_slice %get3A_503 {offsets = [9], sizes = [1], strides = [1]} : vector<16xf32> to vector<1xf32>
        %squeeze3A_711 = vector.extract %slice3A_710[0] : f32 from vector<1xf32>
        %mul3A_712 = vector.broadcast %squeeze3A_711 : f32 to vector<16xf32>
        %mul3A_713 = arith.mulf %get3A_709, %mul3A_712 : vector<16xf32>
        %add3A_714 = arith.addf %add3A_612, %mul3A_713 : vector<16xf32>
        %add3A_715 = arith.constant 8 : i32
        %add3A_716 = arith.addi %add3A_499, %add3A_715 : i32
        %add3A_717 = arith.constant 2 : i32
        %add3A_718 = arith.addi %add3A_716, %add3A_717 : i32
        %get3A_719 = arith.index_cast %add3A_718 : i32 to index
        %get3A_720 = arith.constant 0 : index
        %get3A_721 = tpu.vector_load %arg8[%get3A_719, %get3A_720] {strides = array<i32>} : memref<6400x16xf32, #tpu.memory_space<vmem>>, vector<1x16xf32>,
        %get3A_722 = vector.shape_cast %get3A_721 : vector<1x16xf32> to vector<16xf32>
        %slice3A_723 = vector.extract_strided_slice %get3A_503 {offsets = [10], sizes = [1], strides = [1]} : vector<16xf32> to vector<1xf32>
        %squeeze3A_724 = vector.extract %slice3A_723[0] : f32 from vector<1xf32>
        %mul3A_725 = vector.broadcast %squeeze3A_724 : f32 to vector<16xf32>
        %mul3A_726 = arith.mulf %get3A_722, %mul3A_725 : vector<16xf32>
        %add3A_727 = arith.addf %add3A_625, %mul3A_726 : vector<16xf32>
        %add3A_728 = arith.constant 8 : i32
        %add3A_729 = arith.addi %add3A_499, %add3A_728 : i32
        %add3A_730 = arith.constant 3 : i32
        %add3A_731 = arith.addi %add3A_729, %add3A_730 : i32
        %get3A_732 = arith.index_cast %add3A_731 : i32 to index
        %get3A_733 = arith.constant 0 : index
        %get3A_734 = tpu.vector_load %arg8[%get3A_732, %get3A_733] {strides = array<i32>} : memref<6400x16xf32, #tpu.memory_space<vmem>>, vector<1x16xf32>,
        %get3A_735 = vector.shape_cast %get3A_734 : vector<1x16xf32> to vector<16xf32>
        %slice3A_736 = vector.extract_strided_slice %get3A_503 {offsets = [11], sizes = [1], strides = [1]} : vector<16xf32> to vector<1xf32>
        %squeeze3A_737 = vector.extract %slice3A_736[0] : f32 from vector<1xf32>
        %mul3A_738 = vector.broadcast %squeeze3A_737 : f32 to vector<16xf32>
        %mul3A_739 = arith.mulf %get3A_735, %mul3A_738 : vector<16xf32>
        %add3A_740 = arith.addf %add3A_638, %mul3A_739 : vector<16xf32>
        %add3A_741 = arith.constant 16 : i32
        %add3A_742 = arith.addi %add3A_499, %add3A_741 : i32
        %add3A_743 = arith.constant 8 : i32
        %add3A_744 = arith.addi %add3A_742, %add3A_743 : i32
        %get3A_745 = arith.index_cast %add3A_744 : i32 to index
        %get3A_746 = arith.constant 0 : index
        %get3A_747 = tpu.vector_load %arg8[%get3A_745, %get3A_746] {strides = array<i32>} : memref<6400x16xf32, #tpu.memory_space<vmem>>, vector<1x16xf32>,
        %get3A_748 = vector.shape_cast %get3A_747 : vector<1x16xf32> to vector<16xf32>
        %slice3A_749 = vector.extract_strided_slice %get3A_510 {offsets = [8], sizes = [1], strides = [1]} : vector<16xf32> to vector<1xf32>
        %squeeze3A_750 = vector.extract %slice3A_749[0] : f32 from vector<1xf32>
        %mul3A_751 = vector.broadcast %squeeze3A_750 : f32 to vector<16xf32>
        %mul3A_752 = arith.mulf %get3A_748, %mul3A_751 : vector<16xf32>
        %add3A_753 = arith.addf %add3A_651, %mul3A_752 : vector<16xf32>
        %add3A_754 = arith.constant 17 : i32
        %add3A_755 = arith.addi %add3A_499, %add3A_754 : i32
        %add3A_756 = arith.constant 8 : i32
        %add3A_757 = arith.addi %add3A_755, %add3A_756 : i32
        %get3A_758 = arith.index_cast %add3A_757 : i32 to index
        %get3A_759 = arith.constant 0 : index
        %get3A_760 = tpu.vector_load %arg8[%get3A_758, %get3A_759] {strides = array<i32>} : memref<6400x16xf32, #tpu.memory_space<vmem>>, vector<1x16xf32>,
        %get3A_761 = vector.shape_cast %get3A_760 : vector<1x16xf32> to vector<16xf32>
        %slice3A_762 = vector.extract_strided_slice %get3A_510 {offsets = [9], sizes = [1], strides = [1]} : vector<16xf32> to vector<1xf32>
        %squeeze3A_763 = vector.extract %slice3A_762[0] : f32 from vector<1xf32>
        %mul3A_764 = vector.broadcast %squeeze3A_763 : f32 to vector<16xf32>
        %mul3A_765 = arith.mulf %get3A_761, %mul3A_764 : vector<16xf32>
        %add3A_766 = arith.addf %add3A_664, %mul3A_765 : vector<16xf32>
        %add3A_767 = arith.constant 18 : i32
        %add3A_768 = arith.addi %add3A_499, %add3A_767 : i32
        %add3A_769 = arith.constant 8 : i32
        %add3A_770 = arith.addi %add3A_768, %add3A_769 : i32
        %get3A_771 = arith.index_cast %add3A_770 : i32 to index
        %get3A_772 = arith.constant 0 : index
        %get3A_773 = tpu.vector_load %arg8[%get3A_771, %get3A_772] {strides = array<i32>} : memref<6400x16xf32, #tpu.memory_space<vmem>>, vector<1x16xf32>,
        %get3A_774 = vector.shape_cast %get3A_773 : vector<1x16xf32> to vector<16xf32>
        %slice3A_775 = vector.extract_strided_slice %get3A_510 {offsets = [10], sizes = [1], strides = [1]} : vector<16xf32> to vector<1xf32>
        %squeeze3A_776 = vector.extract %slice3A_775[0] : f32 from vector<1xf32>
        %mul3A_777 = vector.broadcast %squeeze3A_776 : f32 to vector<16xf32>
        %mul3A_778 = arith.mulf %get3A_774, %mul3A_777 : vector<16xf32>
        %add3A_779 = arith.addf %add3A_677, %mul3A_778 : vector<16xf32>
        %add3A_780 = arith.constant 19 : i32
        %add3A_781 = arith.addi %add3A_499, %add3A_780 : i32
        %add3A_782 = arith.constant 8 : i32
        %add3A_783 = arith.addi %add3A_781, %add3A_782 : i32
        %get3A_784 = arith.index_cast %add3A_783 : i32 to index
        %get3A_785 = arith.constant 0 : index
        %get3A_786 = tpu.vector_load %arg8[%get3A_784, %get3A_785] {strides = array<i32>} : memref<6400x16xf32, #tpu.memory_space<vmem>>, vector<1x16xf32>,
        %get3A_787 = vector.shape_cast %get3A_786 : vector<1x16xf32> to vector<16xf32>
        %slice3A_788 = vector.extract_strided_slice %get3A_510 {offsets = [11], sizes = [1], strides = [1]} : vector<16xf32> to vector<1xf32>
        %squeeze3A_789 = vector.extract %slice3A_788[0] : f32 from vector<1xf32>
        %mul3A_790 = vector.broadcast %squeeze3A_789 : f32 to vector<16xf32>
        %mul3A_791 = arith.mulf %get3A_787, %mul3A_790 : vector<16xf32>
        %add3A_792 = arith.addf %add3A_690, %mul3A_791 : vector<16xf32>
        %add3A_793 = arith.constant 12 : i32
        %add3A_794 = arith.addi %add3A_499, %add3A_793 : i32
        %get3A_795 = arith.index_cast %add3A_794 : i32 to index
        %get3A_796 = arith.constant 0 : index
        %get3A_797 = tpu.vector_load %arg8[%get3A_795, %get3A_796] {strides = array<i32>} : memref<6400x16xf32, #tpu.memory_space<vmem>>, vector<1x16xf32>,
        %get3A_798 = vector.shape_cast %get3A_797 : vector<1x16xf32> to vector<16xf32>
        %slice3A_799 = vector.extract_strided_slice %get3A_503 {offsets = [12], sizes = [1], strides = [1]} : vector<16xf32> to vector<1xf32>
        %squeeze3A_800 = vector.extract %slice3A_799[0] : f32 from vector<1xf32>
        %mul3A_801 = vector.broadcast %squeeze3A_800 : f32 to vector<16xf32>
        %mul3A_802 = arith.mulf %get3A_798, %mul3A_801 : vector<16xf32>
        %add3A_803 = arith.addf %add3A_701, %mul3A_802 : vector<16xf32>
        %add3A_804 = arith.constant 12 : i32
        %add3A_805 = arith.addi %add3A_499, %add3A_804 : i32
        %add3A_806 = arith.constant 1 : i32
        %add3A_807 = arith.addi %add3A_805, %add3A_806 : i32
        %get3A_808 = arith.index_cast %add3A_807 : i32 to index
        %get3A_809 = arith.constant 0 : index
        %get3A_810 = tpu.vector_load %arg8[%get3A_808, %get3A_809] {strides = array<i32>} : memref<6400x16xf32, #tpu.memory_space<vmem>>, vector<1x16xf32>,
        %get3A_811 = vector.shape_cast %get3A_810 : vector<1x16xf32> to vector<16xf32>
        %slice3A_812 = vector.extract_strided_slice %get3A_503 {offsets = [13], sizes = [1], strides = [1]} : vector<16xf32> to vector<1xf32>
        %squeeze3A_813 = vector.extract %slice3A_812[0] : f32 from vector<1xf32>
        %mul3A_814 = vector.broadcast %squeeze3A_813 : f32 to vector<16xf32>
        %mul3A_815 = arith.mulf %get3A_811, %mul3A_814 : vector<16xf32>
        %add3A_816 = arith.addf %add3A_714, %mul3A_815 : vector<16xf32>
        %add3A_817 = arith.constant 12 : i32
        %add3A_818 = arith.addi %add3A_499, %add3A_817 : i32
        %add3A_819 = arith.constant 2 : i32
        %add3A_820 = arith.addi %add3A_818, %add3A_819 : i32
        %get3A_821 = arith.index_cast %add3A_820 : i32 to index
        %get3A_822 = arith.constant 0 : index
        %get3A_823 = tpu.vector_load %arg8[%get3A_821, %get3A_822] {strides = array<i32>} : memref<6400x16xf32, #tpu.memory_space<vmem>>, vector<1x16xf32>,
        %get3A_824 = vector.shape_cast %get3A_823 : vector<1x16xf32> to vector<16xf32>
        %slice3A_825 = vector.extract_strided_slice %get3A_503 {offsets = [14], sizes = [1], strides = [1]} : vector<16xf32> to vector<1xf32>
        %squeeze3A_826 = vector.extract %slice3A_825[0] : f32 from vector<1xf32>
        %mul3A_827 = vector.broadcast %squeeze3A_826 : f32 to vector<16xf32>
        %mul3A_828 = arith.mulf %get3A_824, %mul3A_827 : vector<16xf32>
        %add3A_829 = arith.addf %add3A_727, %mul3A_828 : vector<16xf32>
        %add3A_830 = arith.constant 12 : i32
        %add3A_831 = arith.addi %add3A_499, %add3A_830 : i32
        %add3A_832 = arith.constant 3 : i32
        %add3A_833 = arith.addi %add3A_831, %add3A_832 : i32
        %get3A_834 = arith.index_cast %add3A_833 : i32 to index
        %get3A_835 = arith.constant 0 : index
        %get3A_836 = tpu.vector_load %arg8[%get3A_834, %get3A_835] {strides = array<i32>} : memref<6400x16xf32, #tpu.memory_space<vmem>>, vector<1x16xf32>,
        %get3A_837 = vector.shape_cast %get3A_836 : vector<1x16xf32> to vector<16xf32>
        %slice3A_838 = vector.extract_strided_slice %get3A_503 {offsets = [15], sizes = [1], strides = [1]} : vector<16xf32> to vector<1xf32>
        %squeeze3A_839 = vector.extract %slice3A_838[0] : f32 from vector<1xf32>
        %mul3A_840 = vector.broadcast %squeeze3A_839 : f32 to vector<16xf32>
        %mul3A_841 = arith.mulf %get3A_837, %mul3A_840 : vector<16xf32>
        %add3A_842 = arith.addf %add3A_740, %mul3A_841 : vector<16xf32>
        %add3A_843 = arith.constant 16 : i32
        %add3A_844 = arith.addi %add3A_499, %add3A_843 : i32
        %add3A_845 = arith.constant 12 : i32
        %add3A_846 = arith.addi %add3A_844, %add3A_845 : i32
        %get3A_847 = arith.index_cast %add3A_846 : i32 to index
        %get3A_848 = arith.constant 0 : index
        %get3A_849 = tpu.vector_load %arg8[%get3A_847, %get3A_848] {strides = array<i32>} : memref<6400x16xf32, #tpu.memory_space<vmem>>, vector<1x16xf32>,
        %get3A_850 = vector.shape_cast %get3A_849 : vector<1x16xf32> to vector<16xf32>
        %slice3A_851 = vector.extract_strided_slice %get3A_510 {offsets = [12], sizes = [1], strides = [1]} : vector<16xf32> to vector<1xf32>
        %squeeze3A_852 = vector.extract %slice3A_851[0] : f32 from vector<1xf32>
        %mul3A_853 = vector.broadcast %squeeze3A_852 : f32 to vector<16xf32>
        %mul3A_854 = arith.mulf %get3A_850, %mul3A_853 : vector<16xf32>
        %add3A_855 = arith.addf %add3A_753, %mul3A_854 : vector<16xf32>
        %add3A_856 = arith.constant 17 : i32
        %add3A_857 = arith.addi %add3A_499, %add3A_856 : i32
        %add3A_858 = arith.constant 12 : i32
        %add3A_859 = arith.addi %add3A_857, %add3A_858 : i32
        %get3A_860 = arith.index_cast %add3A_859 : i32 to index
        %get3A_861 = arith.constant 0 : index
        %get3A_862 = tpu.vector_load %arg8[%get3A_860, %get3A_861] {strides = array<i32>} : memref<6400x16xf32, #tpu.memory_space<vmem>>, vector<1x16xf32>,
        %get3A_863 = vector.shape_cast %get3A_862 : vector<1x16xf32> to vector<16xf32>
        %slice3A_864 = vector.extract_strided_slice %get3A_510 {offsets = [13], sizes = [1], strides = [1]} : vector<16xf32> to vector<1xf32>
        %squeeze3A_865 = vector.extract %slice3A_864[0] : f32 from vector<1xf32>
        %mul3A_866 = vector.broadcast %squeeze3A_865 : f32 to vector<16xf32>
        %mul3A_867 = arith.mulf %get3A_863, %mul3A_866 : vector<16xf32>
        %add3A_868 = arith.addf %add3A_766, %mul3A_867 : vector<16xf32>
        %add3A_869 = arith.constant 18 : i32
        %add3A_870 = arith.addi %add3A_499, %add3A_869 : i32
        %add3A_871 = arith.constant 12 : i32
        %add3A_872 = arith.addi %add3A_870, %add3A_871 : i32
        %get3A_873 = arith.index_cast %add3A_872 : i32 to index
        %get3A_874 = arith.constant 0 : index
        %get3A_875 = tpu.vector_load %arg8[%get3A_873, %get3A_874] {strides = array<i32>} : memref<6400x16xf32, #tpu.memory_space<vmem>>, vector<1x16xf32>,
        %get3A_876 = vector.shape_cast %get3A_875 : vector<1x16xf32> to vector<16xf32>
        %slice3A_877 = vector.extract_strided_slice %get3A_510 {offsets = [14], sizes = [1], strides = [1]} : vector<16xf32> to vector<1xf32>
        %squeeze3A_878 = vector.extract %slice3A_877[0] : f32 from vector<1xf32>
        %mul3A_879 = vector.broadcast %squeeze3A_878 : f32 to vector<16xf32>
        %mul3A_880 = arith.mulf %get3A_876, %mul3A_879 : vector<16xf32>
        %add3A_881 = arith.addf %add3A_779, %mul3A_880 : vector<16xf32>
        %add3A_882 = arith.constant 19 : i32
        %add3A_883 = arith.addi %add3A_499, %add3A_882 : i32
        %add3A_884 = arith.constant 12 : i32
        %add3A_885 = arith.addi %add3A_883, %add3A_884 : i32
        %get3A_886 = arith.index_cast %add3A_885 : i32 to index
        %get3A_887 = arith.constant 0 : index
        %get3A_888 = tpu.vector_load %arg8[%get3A_886, %get3A_887] {strides = array<i32>} : memref<6400x16xf32, #tpu.memory_space<vmem>>, vector<1x16xf32>,
        %get3A_889 = vector.shape_cast %get3A_888 : vector<1x16xf32> to vector<16xf32>
        %slice3A_890 = vector.extract_strided_slice %get3A_510 {offsets = [15], sizes = [1], strides = [1]} : vector<16xf32> to vector<1xf32>
        %squeeze3A_891 = vector.extract %slice3A_890[0] : f32 from vector<1xf32>
        %mul3A_892 = vector.broadcast %squeeze3A_891 : f32 to vector<16xf32>
        %mul3A_893 = arith.mulf %get3A_889, %mul3A_892 : vector<16xf32>
        %add3A_894 = arith.addf %add3A_792, %mul3A_893 : vector<16xf32>
        %add3A_895 = arith.addf %add3A_803, %add3A_816 : vector<16xf32>
        %add3A_896 = arith.addf %add3A_829, %add3A_842 : vector<16xf32>
        %add3A_897 = arith.addf %add3A_895, %add3A_896 : vector<16xf32>
        %add3A_898 = arith.addi %mul3A_476, %mul3A_496 : i32
        %swap3A = arith.index_cast %add3A_898 : i32 to index
        %swap3A_899 = arith.constant 0 : index
        %swap3A_900 = tpu.vector_load %arg9[%swap3A, %swap3A_899] {strides = array<i32>} : memref<400x16xf32, #tpu.memory_space<vmem>>, vector<1x16xf32>,
        %swap3A_901 = vector.shape_cast %swap3A_900 : vector<1x16xf32> to vector<16xf32>
        %swap3A_902 = vector.shape_cast %add3A_897 : vector<16xf32> to vector<1x16xf32>
        tpu.vector_store %arg9[%swap3A, %swap3A_899], %swap3A_902 {strides = array<i32>} : memref<400x16xf32, #tpu.memory_space<vmem>>, vector<1x16xf32>,
        %add3A_903 = arith.addf %add3A_855, %add3A_868 : vector<16xf32>
        %add3A_904 = arith.addf %add3A_881, %add3A_894 : vector<16xf32>
        %add3A_905 = arith.addf %add3A_903, %add3A_904 : vector<16xf32>
        %add3A_906 = arith.addi %mul3A_476, %mul3A_496 : i32
        %add3A_907 = arith.constant 1 : i32
        %add3A_908 = arith.addi %add3A_906, %add3A_907 : i32
        %swap3A_909 = arith.index_cast %add3A_908 : i32 to index
        %swap3A_910 = arith.constant 0 : index
        %swap3A_911 = tpu.vector_load %arg9[%swap3A_909, %swap3A_910] {strides = array<i32>} : memref<400x16xf32, #tpu.memory_space<vmem>>, vector<1x16xf32>,
        %swap3A_912 = vector.shape_cast %swap3A_911 : vector<1x16xf32> to vector<16xf32>
        %swap3A_913 = vector.shape_cast %add3A_905 : vector<16xf32> to vector<1x16xf32>
        tpu.vector_store %arg9[%swap3A_909, %swap3A_910], %swap3A_913 {strides = array<i32>} : memref<400x16xf32, #tpu.memory_space<vmem>>, vector<1x16xf32>,
      }
      %scan3A_482 = arith.constant 100 : i32
      %mul3A_483 = arith.constant 200 : i32
      %mul3A_484 = arith.muli %scan3A_437, %mul3A_483 : i32
      %add3A_485 = arith.addi %mul3A_2, %mul3A_484 : i32
      %dma_start3A_486 = arith.constant 0 : i32
      %dma_start3A_487 = tpu.memref_slice %arg9[%mul3A_476, %dma_start3A_486] : memref<400x16xf32, #tpu.memory_space<vmem>> -> memref<200x16xf32, #tpu.memory_space<vmem>>
      %dma_start3A_488 = arith.constant 0 : i32
      %dma_start3A_489 = tpu.memref_slice %arg5[%add3A_485, %dma_start3A_488] : memref<256000x16xf32, #tpu.memory_space<hbm>> -> memref<200x16xf32, #tpu.memory_space<hbm>>
      %dma_start3A_490 = arith.constant 0 : i32
      %dma_start3A_491 = tpu.memref_slice %arg5[%add3A_485, %dma_start3A_490] : memref<256000x16xf32, #tpu.memory_space<hbm>> -> memref<200x16xf32, #tpu.memory_space<hbm>>
      %dma_start3A_492 = arith.constant 0 : i32
      %dma_start3A_493 = tpu.memref_slice %arg9[%mul3A_476, %dma_start3A_492] : memref<400x16xf32, #tpu.memory_space<vmem>> -> memref<200x16xf32, #tpu.memory_space<vmem>>
      tpu.enqueue_dma source(%dma_start3A_493 : memref<200x16xf32, #tpu.memory_space<vmem>>) target(%dma_start3A_491 : memref<200x16xf32, #tpu.memory_space<hbm>>) target_semaphore(%arg12 : memref<!tpu.dma_semaphore, #tpu.memory_space<semaphore_mem>>)
    }
    %scan3A_412 = arith.constant 40 : i32
    %dma_wait3A_413 = arith.constant 0 : i32
    %dma_wait3A_414 = arith.constant 0 : i32
    %dma_wait3A_415 = tpu.memref_slice %arg9[%dma_wait3A_413, %dma_wait3A_414] : memref<400x16xf32, #tpu.memory_space<vmem>> -> memref<200x16xf32, #tpu.memory_space<vmem>>
    %dma_wait3A_416 = arith.constant 0 : i32
    %dma_wait3A_417 = arith.constant 0 : i32
    %dma_wait3A_418 = tpu.memref_slice %arg5[%dma_wait3A_416, %dma_wait3A_417] : memref<256000x16xf32, #tpu.memory_space<hbm>> -> memref<200x16xf32, #tpu.memory_space<hbm>>
    %dma_wait3A_419 = arith.constant 0 : i32
    %dma_wait3A_420 = arith.constant 0 : i32
    %dma_wait3A_421 = tpu.memref_slice %arg5[%dma_wait3A_419, %dma_wait3A_420] : memref<256000x16xf32, #tpu.memory_space<hbm>> -> memref<200x16xf32, #tpu.memory_space<hbm>>
    %dma_wait3A_422 = arith.constant 0 : i32
    %dma_wait3A_423 = arith.constant 0 : i32
    %dma_wait3A_424 = tpu.memref_slice %arg9[%dma_wait3A_422, %dma_wait3A_423] : memref<400x16xf32, #tpu.memory_space<vmem>> -> memref<200x16xf32, #tpu.memory_space<vmem>>
    tpu.wait_dma2 semaphore(%arg12 : memref<!tpu.dma_semaphore, #tpu.memory_space<semaphore_mem>>) src(%dma_wait3A_424 : memref<200x16xf32, #tpu.memory_space<vmem>>) dst(%dma_wait3A_421 : memref<200x16xf32, #tpu.memory_space<hbm>>)
    %dma_wait3A_425 = arith.constant 0 : i32
    %dma_wait3A_426 = arith.constant 0 : i32
    %dma_wait3A_427 = tpu.memref_slice %arg9[%dma_wait3A_425, %dma_wait3A_426] : memref<400x16xf32, #tpu.memory_space<vmem>> -> memref<200x16xf32, #tpu.memory_space<vmem>>
    %dma_wait3A_428 = arith.constant 0 : i32
    %dma_wait3A_429 = arith.constant 0 : i32
    %dma_wait3A_430 = tpu.memref_slice %arg5[%dma_wait3A_428, %dma_wait3A_429] : memref<256000x16xf32, #tpu.memory_space<hbm>> -> memref<200x16xf32, #tpu.memory_space<hbm>>
    %dma_wait3A_431 = arith.constant 0 : i32
    %dma_wait3A_432 = arith.constant 0 : i32
    %dma_wait3A_433 = tpu.memref_slice %arg5[%dma_wait3A_431, %dma_wait3A_432] : memref<256000x16xf32, #tpu.memory_space<hbm>> -> memref<200x16xf32, #tpu.memory_space<hbm>>
    %dma_wait3A_434 = arith.constant 0 : i32
    %dma_wait3A_435 = arith.constant 0 : i32
    %dma_wait3A_436 = tpu.memref_slice %arg9[%dma_wait3A_434, %dma_wait3A_435] : memref<400x16xf32, #tpu.memory_space<vmem>> -> memref<200x16xf32, #tpu.memory_space<vmem>>
    tpu.wait_dma2 semaphore(%arg12 : memref<!tpu.dma_semaphore, #tpu.memory_space<semaphore_mem>>) src(%dma_wait3A_436 : memref<200x16xf32, #tpu.memory_space<vmem>>) dst(%dma_wait3A_433 : memref<200x16xf32, #tpu.memory_space<hbm>>)
    return
  }
}

#map = affine_map<(d0, d1) -> (0, 0)>
module attributes {stable_mosaic.version = 14 : i64} {
  func.func @_sc_body(%arg0: i32, %arg1: i32, %arg2: memref<320000x16xf32, #tpu.memory_space<hbm>>, %arg3: memref<8000x128xi32, #tpu.memory_space<hbm>>, %arg4: memref<64000x16xf32, #tpu.memory_space<hbm>>, %arg5: memref<64000x16xf32, #tpu.memory_space<hbm>>, %arg6: memref<75x128xi32, #tpu.memory_space<vmem>>, %arg7: memref<600x16xf32, #tpu.memory_space<vmem>>, %arg8: memref<6400x16xf32, #tpu.memory_space<vmem>>, %arg9: memref<400x16xf32, #tpu.memory_space<vmem>>, %arg10: memref<!tpu.dma_semaphore, #tpu.memory_space<semaphore_mem>>, %arg11: memref<!tpu.dma_semaphore, #tpu.memory_space<semaphore_mem>>, %arg12: memref<!tpu.dma_semaphore, #tpu.memory_space<semaphore_mem>>) attributes {dimension_semantics = [#tpu.dimension_semantics<core_parallel>, #tpu.dimension_semantics<subcore_parallel>], iteration_bounds = array<i64: 2, 16>, scalar_prefetch = 0 : i64, scratch_operands = 7 : i64, tpu.core_type = #tpu.core_type<sc_vector_subcore>, window_params = [{transform_indices = #map}, {transform_indices = #map}, {transform_indices = #map}, {transform_indices = #map}]} {
    %mul3A = arith.constant 2 : i32
    %mul3A_0 = arith.muli %arg1, %mul3A : i32
    %add3A = arith.addi %mul3A_0, %arg0 : i32
    %mul3A_1 = arith.constant 2000 : i32
    %mul3A_2 = arith.muli %add3A, %mul3A_1 : i32
    %mul3A_3 = arith.constant 250 : i32
    %mul3A_4 = arith.muli %add3A, %mul3A_3 : i32
    %rem3A = arith.constant 0 : i32
    %rem3A_5 = arith.constant 3 : i32
    %rem3A_6 = arith.remsi %rem3A, %rem3A_5 : i32
    %add3A_7 = arith.constant 0 : i32
    %add3A_8 = arith.addi %mul3A_4, %add3A_7 : i32
    %mul3A_9 = arith.constant 25 : i32
    %mul3A_10 = arith.muli %rem3A_6, %mul3A_9 : i32
    %dma_start3A = arith.constant 0 : i32
    %dma_start3A_11 = tpu.memref_slice %arg6[%mul3A_10, %dma_start3A] : memref<75x128xi32, #tpu.memory_space<vmem>> -> memref<25x128xi32, #tpu.memory_space<vmem>>
    %dma_start3A_12 = arith.constant 0 : i32
    %dma_start3A_13 = tpu.memref_slice %arg3[%add3A_8, %dma_start3A_12] : memref<8000x128xi32, #tpu.memory_space<hbm>> -> memref<25x128xi32, #tpu.memory_space<hbm>>
    %dma_start3A_14 = arith.constant 0 : i32
    %dma_start3A_15 = tpu.memref_slice %arg6[%mul3A_10, %dma_start3A_14] : memref<75x128xi32, #tpu.memory_space<vmem>> -> memref<25x128xi32, #tpu.memory_space<vmem>>
    %dma_start3A_16 = arith.constant 0 : i32
    %dma_start3A_17 = tpu.memref_slice %arg3[%add3A_8, %dma_start3A_16] : memref<8000x128xi32, #tpu.memory_space<hbm>> -> memref<25x128xi32, #tpu.memory_space<hbm>>
    tpu.enqueue_dma source(%dma_start3A_17 : memref<25x128xi32, #tpu.memory_space<hbm>>) target(%dma_start3A_15 : memref<25x128xi32, #tpu.memory_space<vmem>>) target_semaphore(%arg10 : memref<!tpu.dma_semaphore, #tpu.memory_space<semaphore_mem>>)
    %add3A_18 = arith.constant 0 : i32
    %add3A_19 = arith.addi %mul3A_2, %add3A_18 : i32
    %mul3A_20 = arith.constant 200 : i32
    %mul3A_21 = arith.muli %rem3A_6, %mul3A_20 : i32
    %dma_start3A_22 = arith.constant 0 : i32
    %dma_start3A_23 = tpu.memref_slice %arg7[%mul3A_21, %dma_start3A_22] : memref<600x16xf32, #tpu.memory_space<vmem>> -> memref<200x16xf32, #tpu.memory_space<vmem>>
    %dma_start3A_24 = arith.constant 0 : i32
    %dma_start3A_25 = tpu.memref_slice %arg4[%add3A_19, %dma_start3A_24] : memref<64000x16xf32, #tpu.memory_space<hbm>> -> memref<200x16xf32, #tpu.memory_space<hbm>>
    %dma_start3A_26 = arith.constant 0 : i32
    %dma_start3A_27 = tpu.memref_slice %arg7[%mul3A_21, %dma_start3A_26] : memref<600x16xf32, #tpu.memory_space<vmem>> -> memref<200x16xf32, #tpu.memory_space<vmem>>
    %dma_start3A_28 = arith.constant 0 : i32
    %dma_start3A_29 = tpu.memref_slice %arg4[%add3A_19, %dma_start3A_28] : memref<64000x16xf32, #tpu.memory_space<hbm>> -> memref<200x16xf32, #tpu.memory_space<hbm>>
    tpu.enqueue_dma source(%dma_start3A_29 : memref<200x16xf32, #tpu.memory_space<hbm>>) target(%dma_start3A_27 : memref<200x16xf32, #tpu.memory_space<vmem>>) target_semaphore(%arg10 : memref<!tpu.dma_semaphore, #tpu.memory_space<semaphore_mem>>)
    %dma_wait3A = arith.constant 0 : i32
    %dma_wait3A_30 = arith.constant 0 : i32
    %dma_wait3A_31 = tpu.memref_slice %arg6[%dma_wait3A, %dma_wait3A_30] : memref<75x128xi32, #tpu.memory_space<vmem>> -> memref<25x128xi32, #tpu.memory_space<vmem>>
    %dma_wait3A_32 = arith.constant 0 : i32
    %dma_wait3A_33 = arith.constant 0 : i32
    %dma_wait3A_34 = tpu.memref_slice %arg3[%dma_wait3A_32, %dma_wait3A_33] : memref<8000x128xi32, #tpu.memory_space<hbm>> -> memref<25x128xi32, #tpu.memory_space<hbm>>
    %dma_wait3A_35 = arith.constant 0 : i32
    %dma_wait3A_36 = arith.constant 0 : i32
    %dma_wait3A_37 = tpu.memref_slice %arg6[%dma_wait3A_35, %dma_wait3A_36] : memref<75x128xi32, #tpu.memory_space<vmem>> -> memref<25x128xi32, #tpu.memory_space<vmem>>
    %dma_wait3A_38 = arith.constant 0 : i32
    %dma_wait3A_39 = arith.constant 0 : i32
    %dma_wait3A_40 = tpu.memref_slice %arg3[%dma_wait3A_38, %dma_wait3A_39] : memref<8000x128xi32, #tpu.memory_space<hbm>> -> memref<25x128xi32, #tpu.memory_space<hbm>>
    tpu.wait_dma2 semaphore(%arg10 : memref<!tpu.dma_semaphore, #tpu.memory_space<semaphore_mem>>) src(%dma_wait3A_40 : memref<25x128xi32, #tpu.memory_space<hbm>>) dst(%dma_wait3A_37 : memref<25x128xi32, #tpu.memory_space<vmem>>)
    %dma_wait3A_41 = arith.constant 0 : i32
    %dma_wait3A_42 = arith.constant 0 : i32
    %dma_wait3A_43 = tpu.memref_slice %arg7[%dma_wait3A_41, %dma_wait3A_42] : memref<600x16xf32, #tpu.memory_space<vmem>> -> memref<200x16xf32, #tpu.memory_space<vmem>>
    %dma_wait3A_44 = arith.constant 0 : i32
    %dma_wait3A_45 = arith.constant 0 : i32
    %dma_wait3A_46 = tpu.memref_slice %arg4[%dma_wait3A_44, %dma_wait3A_45] : memref<64000x16xf32, #tpu.memory_space<hbm>> -> memref<200x16xf32, #tpu.memory_space<hbm>>
    %dma_wait3A_47 = arith.constant 0 : i32
    %dma_wait3A_48 = arith.constant 0 : i32
    %dma_wait3A_49 = tpu.memref_slice %arg7[%dma_wait3A_47, %dma_wait3A_48] : memref<600x16xf32, #tpu.memory_space<vmem>> -> memref<200x16xf32, #tpu.memory_space<vmem>>
    %dma_wait3A_50 = arith.constant 0 : i32
    %dma_wait3A_51 = arith.constant 0 : i32
    %dma_wait3A_52 = tpu.memref_slice %arg4[%dma_wait3A_50, %dma_wait3A_51] : memref<64000x16xf32, #tpu.memory_space<hbm>> -> memref<200x16xf32, #tpu.memory_space<hbm>>
    tpu.wait_dma2 semaphore(%arg10 : memref<!tpu.dma_semaphore, #tpu.memory_space<semaphore_mem>>) src(%dma_wait3A_52 : memref<200x16xf32, #tpu.memory_space<hbm>>) dst(%dma_wait3A_49 : memref<200x16xf32, #tpu.memory_space<vmem>>)
    %rem3A_53 = arith.constant 0 : i32
    %rem3A_54 = arith.constant 3 : i32
    %rem3A_55 = arith.remsi %rem3A_53, %rem3A_54 : i32
    %mul3A_56 = arith.constant 25 : i32
    %mul3A_57 = arith.muli %rem3A_55, %mul3A_56 : i32
    %add3A_58 = arith.constant 0 : i32
    %add3A_59 = arith.addi %mul3A_57, %add3A_58 : i32
    %dma_start3A_60 = arith.constant 0 : i32
    %dma_start3A_61 = arith.constant 0 : i32
    %dma_start3A_62 = tpu.memref_slice %arg8[%dma_start3A_60, %dma_start3A_61] : memref<6400x16xf32, #tpu.memory_space<vmem>> -> memref<128x16xf32, #tpu.memory_space<vmem>>
    %dma_start3A_63 = arith.constant 0 : i32
    %dma_start3A_64 = tpu.memref_slice %arg6[%add3A_59, %dma_start3A_63] : memref<75x128xi32, #tpu.memory_space<vmem>> -> memref<1x128xi32, #tpu.memory_space<vmem>>
    %dma_start3A_65 = tpu.memref_squeeze %dma_start3A_64 : memref<1x128xi32, #tpu.memory_space<vmem>> -> memref<128xi32, #tpu.memory_space<vmem>>
    %dma_start3A_66 = arith.constant 0 : i32
    %dma_start3A_67 = arith.constant 0 : i32
    %dma_start3A_68 = tpu.memref_slice %arg2[%dma_start3A_66, %dma_start3A_67] : memref<320000x16xf32, #tpu.memory_space<hbm>> -> memref<320000x16xf32, #tpu.memory_space<hbm>>
    tpu.enqueue_indirect_dma source(%dma_start3A_68 : memref<320000x16xf32, #tpu.memory_space<hbm>>) target(%dma_start3A_62 : memref<128x16xf32, #tpu.memory_space<vmem>>) offsets(%dma_start3A_65 : memref<128xi32, #tpu.memory_space<vmem>>) semaphore(%arg11 : memref<!tpu.dma_semaphore, #tpu.memory_space<semaphore_mem>>)
    %mul3A_69 = arith.constant 25 : i32
    %mul3A_70 = arith.muli %rem3A_55, %mul3A_69 : i32
    %add3A_71 = arith.constant 1 : i32
    %add3A_72 = arith.addi %mul3A_70, %add3A_71 : i32
    %dma_start3A_73 = arith.constant 128 : i32
    %dma_start3A_74 = arith.constant 0 : i32
    %dma_start3A_75 = tpu.memref_slice %arg8[%dma_start3A_73, %dma_start3A_74] : memref<6400x16xf32, #tpu.memory_space<vmem>> -> memref<128x16xf32, #tpu.memory_space<vmem>>
    %dma_start3A_76 = arith.constant 0 : i32
    %dma_start3A_77 = tpu.memref_slice %arg6[%add3A_72, %dma_start3A_76] : memref<75x128xi32, #tpu.memory_space<vmem>> -> memref<1x128xi32, #tpu.memory_space<vmem>>
    %dma_start3A_78 = tpu.memref_squeeze %dma_start3A_77 : memref<1x128xi32, #tpu.memory_space<vmem>> -> memref<128xi32, #tpu.memory_space<vmem>>
    %dma_start3A_79 = arith.constant 0 : i32
    %dma_start3A_80 = arith.constant 0 : i32
    %dma_start3A_81 = tpu.memref_slice %arg2[%dma_start3A_79, %dma_start3A_80] : memref<320000x16xf32, #tpu.memory_space<hbm>> -> memref<320000x16xf32, #tpu.memory_space<hbm>>
    tpu.enqueue_indirect_dma source(%dma_start3A_81 : memref<320000x16xf32, #tpu.memory_space<hbm>>) target(%dma_start3A_75 : memref<128x16xf32, #tpu.memory_space<vmem>>) offsets(%dma_start3A_78 : memref<128xi32, #tpu.memory_space<vmem>>) semaphore(%arg11 : memref<!tpu.dma_semaphore, #tpu.memory_space<semaphore_mem>>)
    %mul3A_82 = arith.constant 25 : i32
    %mul3A_83 = arith.muli %rem3A_55, %mul3A_82 : i32
    %add3A_84 = arith.constant 2 : i32
    %add3A_85 = arith.addi %mul3A_83, %add3A_84 : i32
    %dma_start3A_86 = arith.constant 256 : i32
    %dma_start3A_87 = arith.constant 0 : i32
    %dma_start3A_88 = tpu.memref_slice %arg8[%dma_start3A_86, %dma_start3A_87] : memref<6400x16xf32, #tpu.memory_space<vmem>> -> memref<128x16xf32, #tpu.memory_space<vmem>>
    %dma_start3A_89 = arith.constant 0 : i32
    %dma_start3A_90 = tpu.memref_slice %arg6[%add3A_85, %dma_start3A_89] : memref<75x128xi32, #tpu.memory_space<vmem>> -> memref<1x128xi32, #tpu.memory_space<vmem>>
    %dma_start3A_91 = tpu.memref_squeeze %dma_start3A_90 : memref<1x128xi32, #tpu.memory_space<vmem>> -> memref<128xi32, #tpu.memory_space<vmem>>
    %dma_start3A_92 = arith.constant 0 : i32
    %dma_start3A_93 = arith.constant 0 : i32
    %dma_start3A_94 = tpu.memref_slice %arg2[%dma_start3A_92, %dma_start3A_93] : memref<320000x16xf32, #tpu.memory_space<hbm>> -> memref<320000x16xf32, #tpu.memory_space<hbm>>
    tpu.enqueue_indirect_dma source(%dma_start3A_94 : memref<320000x16xf32, #tpu.memory_space<hbm>>) target(%dma_start3A_88 : memref<128x16xf32, #tpu.memory_space<vmem>>) offsets(%dma_start3A_91 : memref<128xi32, #tpu.memory_space<vmem>>) semaphore(%arg11 : memref<!tpu.dma_semaphore, #tpu.memory_space<semaphore_mem>>)
    %mul3A_95 = arith.constant 25 : i32
    %mul3A_96 = arith.muli %rem3A_55, %mul3A_95 : i32
    %add3A_97 = arith.constant 3 : i32
    %add3A_98 = arith.addi %mul3A_96, %add3A_97 : i32
    %dma_start3A_99 = arith.constant 384 : i32
    %dma_start3A_100 = arith.constant 0 : i32
    %dma_start3A_101 = tpu.memref_slice %arg8[%dma_start3A_99, %dma_start3A_100] : memref<6400x16xf32, #tpu.memory_space<vmem>> -> memref<128x16xf32, #tpu.memory_space<vmem>>
    %dma_start3A_102 = arith.constant 0 : i32
    %dma_start3A_103 = tpu.memref_slice %arg6[%add3A_98, %dma_start3A_102] : memref<75x128xi32, #tpu.memory_space<vmem>> -> memref<1x128xi32, #tpu.memory_space<vmem>>
    %dma_start3A_104 = tpu.memref_squeeze %dma_start3A_103 : memref<1x128xi32, #tpu.memory_space<vmem>> -> memref<128xi32, #tpu.memory_space<vmem>>
    %dma_start3A_105 = arith.constant 0 : i32
    %dma_start3A_106 = arith.constant 0 : i32
    %dma_start3A_107 = tpu.memref_slice %arg2[%dma_start3A_105, %dma_start3A_106] : memref<320000x16xf32, #tpu.memory_space<hbm>> -> memref<320000x16xf32, #tpu.memory_space<hbm>>
    tpu.enqueue_indirect_dma source(%dma_start3A_107 : memref<320000x16xf32, #tpu.memory_space<hbm>>) target(%dma_start3A_101 : memref<128x16xf32, #tpu.memory_space<vmem>>) offsets(%dma_start3A_104 : memref<128xi32, #tpu.memory_space<vmem>>) semaphore(%arg11 : memref<!tpu.dma_semaphore, #tpu.memory_space<semaphore_mem>>)
    %mul3A_108 = arith.constant 25 : i32
    %mul3A_109 = arith.muli %rem3A_55, %mul3A_108 : i32
    %add3A_110 = arith.constant 4 : i32
    %add3A_111 = arith.addi %mul3A_109, %add3A_110 : i32
    %dma_start3A_112 = arith.constant 512 : i32
    %dma_start3A_113 = arith.constant 0 : i32
    %dma_start3A_114 = tpu.memref_slice %arg8[%dma_start3A_112, %dma_start3A_113] : memref<6400x16xf32, #tpu.memory_space<vmem>> -> memref<128x16xf32, #tpu.memory_space<vmem>>
    %dma_start3A_115 = arith.constant 0 : i32
    %dma_start3A_116 = tpu.memref_slice %arg6[%add3A_111, %dma_start3A_115] : memref<75x128xi32, #tpu.memory_space<vmem>> -> memref<1x128xi32, #tpu.memory_space<vmem>>
    %dma_start3A_117 = tpu.memref_squeeze %dma_start3A_116 : memref<1x128xi32, #tpu.memory_space<vmem>> -> memref<128xi32, #tpu.memory_space<vmem>>
    %dma_start3A_118 = arith.constant 0 : i32
    %dma_start3A_119 = arith.constant 0 : i32
    %dma_start3A_120 = tpu.memref_slice %arg2[%dma_start3A_118, %dma_start3A_119] : memref<320000x16xf32, #tpu.memory_space<hbm>> -> memref<320000x16xf32, #tpu.memory_space<hbm>>
    tpu.enqueue_indirect_dma source(%dma_start3A_120 : memref<320000x16xf32, #tpu.memory_space<hbm>>) target(%dma_start3A_114 : memref<128x16xf32, #tpu.memory_space<vmem>>) offsets(%dma_start3A_117 : memref<128xi32, #tpu.memory_space<vmem>>) semaphore(%arg11 : memref<!tpu.dma_semaphore, #tpu.memory_space<semaphore_mem>>)
    %mul3A_121 = arith.constant 25 : i32
    %mul3A_122 = arith.muli %rem3A_55, %mul3A_121 : i32
    %add3A_123 = arith.constant 5 : i32
    %add3A_124 = arith.addi %mul3A_122, %add3A_123 : i32
    %dma_start3A_125 = arith.constant 640 : i32
    %dma_start3A_126 = arith.constant 0 : i32
    %dma_start3A_127 = tpu.memref_slice %arg8[%dma_start3A_125, %dma_start3A_126] : memref<6400x16xf32, #tpu.memory_space<vmem>> -> memref<128x16xf32, #tpu.memory_space<vmem>>
    %dma_start3A_128 = arith.constant 0 : i32
    %dma_start3A_129 = tpu.memref_slice %arg6[%add3A_124, %dma_start3A_128] : memref<75x128xi32, #tpu.memory_space<vmem>> -> memref<1x128xi32, #tpu.memory_space<vmem>>
    %dma_start3A_130 = tpu.memref_squeeze %dma_start3A_129 : memref<1x128xi32, #tpu.memory_space<vmem>> -> memref<128xi32, #tpu.memory_space<vmem>>
    %dma_start3A_131 = arith.constant 0 : i32
    %dma_start3A_132 = arith.constant 0 : i32
    %dma_start3A_133 = tpu.memref_slice %arg2[%dma_start3A_131, %dma_start3A_132] : memref<320000x16xf32, #tpu.memory_space<hbm>> -> memref<320000x16xf32, #tpu.memory_space<hbm>>
    tpu.enqueue_indirect_dma source(%dma_start3A_133 : memref<320000x16xf32, #tpu.memory_space<hbm>>) target(%dma_start3A_127 : memref<128x16xf32, #tpu.memory_space<vmem>>) offsets(%dma_start3A_130 : memref<128xi32, #tpu.memory_space<vmem>>) semaphore(%arg11 : memref<!tpu.dma_semaphore, #tpu.memory_space<semaphore_mem>>)
    %mul3A_134 = arith.constant 25 : i32
    %mul3A_135 = arith.muli %rem3A_55, %mul3A_134 : i32
    %add3A_136 = arith.constant 6 : i32
    %add3A_137 = arith.addi %mul3A_135, %add3A_136 : i32
    %dma_start3A_138 = arith.constant 768 : i32
    %dma_start3A_139 = arith.constant 0 : i32
    %dma_start3A_140 = tpu.memref_slice %arg8[%dma_start3A_138, %dma_start3A_139] : memref<6400x16xf32, #tpu.memory_space<vmem>> -> memref<128x16xf32, #tpu.memory_space<vmem>>
    %dma_start3A_141 = arith.constant 0 : i32
    %dma_start3A_142 = tpu.memref_slice %arg6[%add3A_137, %dma_start3A_141] : memref<75x128xi32, #tpu.memory_space<vmem>> -> memref<1x128xi32, #tpu.memory_space<vmem>>
    %dma_start3A_143 = tpu.memref_squeeze %dma_start3A_142 : memref<1x128xi32, #tpu.memory_space<vmem>> -> memref<128xi32, #tpu.memory_space<vmem>>
    %dma_start3A_144 = arith.constant 0 : i32
    %dma_start3A_145 = arith.constant 0 : i32
    %dma_start3A_146 = tpu.memref_slice %arg2[%dma_start3A_144, %dma_start3A_145] : memref<320000x16xf32, #tpu.memory_space<hbm>> -> memref<320000x16xf32, #tpu.memory_space<hbm>>
    tpu.enqueue_indirect_dma source(%dma_start3A_146 : memref<320000x16xf32, #tpu.memory_space<hbm>>) target(%dma_start3A_140 : memref<128x16xf32, #tpu.memory_space<vmem>>) offsets(%dma_start3A_143 : memref<128xi32, #tpu.memory_space<vmem>>) semaphore(%arg11 : memref<!tpu.dma_semaphore, #tpu.memory_space<semaphore_mem>>)
    %mul3A_147 = arith.constant 25 : i32
    %mul3A_148 = arith.muli %rem3A_55, %mul3A_147 : i32
    %add3A_149 = arith.constant 7 : i32
    %add3A_150 = arith.addi %mul3A_148, %add3A_149 : i32
    %dma_start3A_151 = arith.constant 896 : i32
    %dma_start3A_152 = arith.constant 0 : i32
    %dma_start3A_153 = tpu.memref_slice %arg8[%dma_start3A_151, %dma_start3A_152] : memref<6400x16xf32, #tpu.memory_space<vmem>> -> memref<128x16xf32, #tpu.memory_space<vmem>>
    %dma_start3A_154 = arith.constant 0 : i32
    %dma_start3A_155 = tpu.memref_slice %arg6[%add3A_150, %dma_start3A_154] : memref<75x128xi32, #tpu.memory_space<vmem>> -> memref<1x128xi32, #tpu.memory_space<vmem>>
    %dma_start3A_156 = tpu.memref_squeeze %dma_start3A_155 : memref<1x128xi32, #tpu.memory_space<vmem>> -> memref<128xi32, #tpu.memory_space<vmem>>
    %dma_start3A_157 = arith.constant 0 : i32
    %dma_start3A_158 = arith.constant 0 : i32
    %dma_start3A_159 = tpu.memref_slice %arg2[%dma_start3A_157, %dma_start3A_158] : memref<320000x16xf32, #tpu.memory_space<hbm>> -> memref<320000x16xf32, #tpu.memory_space<hbm>>
    tpu.enqueue_indirect_dma source(%dma_start3A_159 : memref<320000x16xf32, #tpu.memory_space<hbm>>) target(%dma_start3A_153 : memref<128x16xf32, #tpu.memory_space<vmem>>) offsets(%dma_start3A_156 : memref<128xi32, #tpu.memory_space<vmem>>) semaphore(%arg11 : memref<!tpu.dma_semaphore, #tpu.memory_space<semaphore_mem>>)
    %mul3A_160 = arith.constant 25 : i32
    %mul3A_161 = arith.muli %rem3A_55, %mul3A_160 : i32
    %add3A_162 = arith.constant 8 : i32
    %add3A_163 = arith.addi %mul3A_161, %add3A_162 : i32
    %dma_start3A_164 = arith.constant 1024 : i32
    %dma_start3A_165 = arith.constant 0 : i32
    %dma_start3A_166 = tpu.memref_slice %arg8[%dma_start3A_164, %dma_start3A_165] : memref<6400x16xf32, #tpu.memory_space<vmem>> -> memref<128x16xf32, #tpu.memory_space<vmem>>
    %dma_start3A_167 = arith.constant 0 : i32
    %dma_start3A_168 = tpu.memref_slice %arg6[%add3A_163, %dma_start3A_167] : memref<75x128xi32, #tpu.memory_space<vmem>> -> memref<1x128xi32, #tpu.memory_space<vmem>>
    %dma_start3A_169 = tpu.memref_squeeze %dma_start3A_168 : memref<1x128xi32, #tpu.memory_space<vmem>> -> memref<128xi32, #tpu.memory_space<vmem>>
    %dma_start3A_170 = arith.constant 0 : i32
    %dma_start3A_171 = arith.constant 0 : i32
    %dma_start3A_172 = tpu.memref_slice %arg2[%dma_start3A_170, %dma_start3A_171] : memref<320000x16xf32, #tpu.memory_space<hbm>> -> memref<320000x16xf32, #tpu.memory_space<hbm>>
    tpu.enqueue_indirect_dma source(%dma_start3A_172 : memref<320000x16xf32, #tpu.memory_space<hbm>>) target(%dma_start3A_166 : memref<128x16xf32, #tpu.memory_space<vmem>>) offsets(%dma_start3A_169 : memref<128xi32, #tpu.memory_space<vmem>>) semaphore(%arg11 : memref<!tpu.dma_semaphore, #tpu.memory_space<semaphore_mem>>)
    %mul3A_173 = arith.constant 25 : i32
    %mul3A_174 = arith.muli %rem3A_55, %mul3A_173 : i32
    %add3A_175 = arith.constant 9 : i32
    %add3A_176 = arith.addi %mul3A_174, %add3A_175 : i32
    %dma_start3A_177 = arith.constant 1152 : i32
    %dma_start3A_178 = arith.constant 0 : i32
    %dma_start3A_179 = tpu.memref_slice %arg8[%dma_start3A_177, %dma_start3A_178] : memref<6400x16xf32, #tpu.memory_space<vmem>> -> memref<128x16xf32, #tpu.memory_space<vmem>>
    %dma_start3A_180 = arith.constant 0 : i32
    %dma_start3A_181 = tpu.memref_slice %arg6[%add3A_176, %dma_start3A_180] : memref<75x128xi32, #tpu.memory_space<vmem>> -> memref<1x128xi32, #tpu.memory_space<vmem>>
    %dma_start3A_182 = tpu.memref_squeeze %dma_start3A_181 : memref<1x128xi32, #tpu.memory_space<vmem>> -> memref<128xi32, #tpu.memory_space<vmem>>
    %dma_start3A_183 = arith.constant 0 : i32
    %dma_start3A_184 = arith.constant 0 : i32
    %dma_start3A_185 = tpu.memref_slice %arg2[%dma_start3A_183, %dma_start3A_184] : memref<320000x16xf32, #tpu.memory_space<hbm>> -> memref<320000x16xf32, #tpu.memory_space<hbm>>
    tpu.enqueue_indirect_dma source(%dma_start3A_185 : memref<320000x16xf32, #tpu.memory_space<hbm>>) target(%dma_start3A_179 : memref<128x16xf32, #tpu.memory_space<vmem>>) offsets(%dma_start3A_182 : memref<128xi32, #tpu.memory_space<vmem>>) semaphore(%arg11 : memref<!tpu.dma_semaphore, #tpu.memory_space<semaphore_mem>>)
    %mul3A_186 = arith.constant 25 : i32
    %mul3A_187 = arith.muli %rem3A_55, %mul3A_186 : i32
    %add3A_188 = arith.constant 10 : i32
    %add3A_189 = arith.addi %mul3A_187, %add3A_188 : i32
    %dma_start3A_190 = arith.constant 1280 : i32
    %dma_start3A_191 = arith.constant 0 : i32
    %dma_start3A_192 = tpu.memref_slice %arg8[%dma_start3A_190, %dma_start3A_191] : memref<6400x16xf32, #tpu.memory_space<vmem>> -> memref<128x16xf32, #tpu.memory_space<vmem>>
    %dma_start3A_193 = arith.constant 0 : i32
    %dma_start3A_194 = tpu.memref_slice %arg6[%add3A_189, %dma_start3A_193] : memref<75x128xi32, #tpu.memory_space<vmem>> -> memref<1x128xi32, #tpu.memory_space<vmem>>
    %dma_start3A_195 = tpu.memref_squeeze %dma_start3A_194 : memref<1x128xi32, #tpu.memory_space<vmem>> -> memref<128xi32, #tpu.memory_space<vmem>>
    %dma_start3A_196 = arith.constant 0 : i32
    %dma_start3A_197 = arith.constant 0 : i32
    %dma_start3A_198 = tpu.memref_slice %arg2[%dma_start3A_196, %dma_start3A_197] : memref<320000x16xf32, #tpu.memory_space<hbm>> -> memref<320000x16xf32, #tpu.memory_space<hbm>>
    tpu.enqueue_indirect_dma source(%dma_start3A_198 : memref<320000x16xf32, #tpu.memory_space<hbm>>) target(%dma_start3A_192 : memref<128x16xf32, #tpu.memory_space<vmem>>) offsets(%dma_start3A_195 : memref<128xi32, #tpu.memory_space<vmem>>) semaphore(%arg11 : memref<!tpu.dma_semaphore, #tpu.memory_space<semaphore_mem>>)
    %mul3A_199 = arith.constant 25 : i32
    %mul3A_200 = arith.muli %rem3A_55, %mul3A_199 : i32
    %add3A_201 = arith.constant 11 : i32
    %add3A_202 = arith.addi %mul3A_200, %add3A_201 : i32
    %dma_start3A_203 = arith.constant 1408 : i32
    %dma_start3A_204 = arith.constant 0 : i32
    %dma_start3A_205 = tpu.memref_slice %arg8[%dma_start3A_203, %dma_start3A_204] : memref<6400x16xf32, #tpu.memory_space<vmem>> -> memref<128x16xf32, #tpu.memory_space<vmem>>
    %dma_start3A_206 = arith.constant 0 : i32
    %dma_start3A_207 = tpu.memref_slice %arg6[%add3A_202, %dma_start3A_206] : memref<75x128xi32, #tpu.memory_space<vmem>> -> memref<1x128xi32, #tpu.memory_space<vmem>>
    %dma_start3A_208 = tpu.memref_squeeze %dma_start3A_207 : memref<1x128xi32, #tpu.memory_space<vmem>> -> memref<128xi32, #tpu.memory_space<vmem>>
    %dma_start3A_209 = arith.constant 0 : i32
    %dma_start3A_210 = arith.constant 0 : i32
    %dma_start3A_211 = tpu.memref_slice %arg2[%dma_start3A_209, %dma_start3A_210] : memref<320000x16xf32, #tpu.memory_space<hbm>> -> memref<320000x16xf32, #tpu.memory_space<hbm>>
    tpu.enqueue_indirect_dma source(%dma_start3A_211 : memref<320000x16xf32, #tpu.memory_space<hbm>>) target(%dma_start3A_205 : memref<128x16xf32, #tpu.memory_space<vmem>>) offsets(%dma_start3A_208 : memref<128xi32, #tpu.memory_space<vmem>>) semaphore(%arg11 : memref<!tpu.dma_semaphore, #tpu.memory_space<semaphore_mem>>)
    %mul3A_212 = arith.constant 25 : i32
    %mul3A_213 = arith.muli %rem3A_55, %mul3A_212 : i32
    %add3A_214 = arith.constant 12 : i32
    %add3A_215 = arith.addi %mul3A_213, %add3A_214 : i32
    %dma_start3A_216 = arith.constant 1536 : i32
    %dma_start3A_217 = arith.constant 0 : i32
    %dma_start3A_218 = tpu.memref_slice %arg8[%dma_start3A_216, %dma_start3A_217] : memref<6400x16xf32, #tpu.memory_space<vmem>> -> memref<128x16xf32, #tpu.memory_space<vmem>>
    %dma_start3A_219 = arith.constant 0 : i32
    %dma_start3A_220 = tpu.memref_slice %arg6[%add3A_215, %dma_start3A_219] : memref<75x128xi32, #tpu.memory_space<vmem>> -> memref<1x128xi32, #tpu.memory_space<vmem>>
    %dma_start3A_221 = tpu.memref_squeeze %dma_start3A_220 : memref<1x128xi32, #tpu.memory_space<vmem>> -> memref<128xi32, #tpu.memory_space<vmem>>
    %dma_start3A_222 = arith.constant 0 : i32
    %dma_start3A_223 = arith.constant 0 : i32
    %dma_start3A_224 = tpu.memref_slice %arg2[%dma_start3A_222, %dma_start3A_223] : memref<320000x16xf32, #tpu.memory_space<hbm>> -> memref<320000x16xf32, #tpu.memory_space<hbm>>
    tpu.enqueue_indirect_dma source(%dma_start3A_224 : memref<320000x16xf32, #tpu.memory_space<hbm>>) target(%dma_start3A_218 : memref<128x16xf32, #tpu.memory_space<vmem>>) offsets(%dma_start3A_221 : memref<128xi32, #tpu.memory_space<vmem>>) semaphore(%arg11 : memref<!tpu.dma_semaphore, #tpu.memory_space<semaphore_mem>>)
    %mul3A_225 = arith.constant 25 : i32
    %mul3A_226 = arith.muli %rem3A_55, %mul3A_225 : i32
    %add3A_227 = arith.constant 13 : i32
    %add3A_228 = arith.addi %mul3A_226, %add3A_227 : i32
    %dma_start3A_229 = arith.constant 1664 : i32
    %dma_start3A_230 = arith.constant 0 : i32
    %dma_start3A_231 = tpu.memref_slice %arg8[%dma_start3A_229, %dma_start3A_230] : memref<6400x16xf32, #tpu.memory_space<vmem>> -> memref<128x16xf32, #tpu.memory_space<vmem>>
    %dma_start3A_232 = arith.constant 0 : i32
    %dma_start3A_233 = tpu.memref_slice %arg6[%add3A_228, %dma_start3A_232] : memref<75x128xi32, #tpu.memory_space<vmem>> -> memref<1x128xi32, #tpu.memory_space<vmem>>
    %dma_start3A_234 = tpu.memref_squeeze %dma_start3A_233 : memref<1x128xi32, #tpu.memory_space<vmem>> -> memref<128xi32, #tpu.memory_space<vmem>>
    %dma_start3A_235 = arith.constant 0 : i32
    %dma_start3A_236 = arith.constant 0 : i32
    %dma_start3A_237 = tpu.memref_slice %arg2[%dma_start3A_235, %dma_start3A_236] : memref<320000x16xf32, #tpu.memory_space<hbm>> -> memref<320000x16xf32, #tpu.memory_space<hbm>>
    tpu.enqueue_indirect_dma source(%dma_start3A_237 : memref<320000x16xf32, #tpu.memory_space<hbm>>) target(%dma_start3A_231 : memref<128x16xf32, #tpu.memory_space<vmem>>) offsets(%dma_start3A_234 : memref<128xi32, #tpu.memory_space<vmem>>) semaphore(%arg11 : memref<!tpu.dma_semaphore, #tpu.memory_space<semaphore_mem>>)
    %mul3A_238 = arith.constant 25 : i32
    %mul3A_239 = arith.muli %rem3A_55, %mul3A_238 : i32
    %add3A_240 = arith.constant 14 : i32
    %add3A_241 = arith.addi %mul3A_239, %add3A_240 : i32
    %dma_start3A_242 = arith.constant 1792 : i32
    %dma_start3A_243 = arith.constant 0 : i32
    %dma_start3A_244 = tpu.memref_slice %arg8[%dma_start3A_242, %dma_start3A_243] : memref<6400x16xf32, #tpu.memory_space<vmem>> -> memref<128x16xf32, #tpu.memory_space<vmem>>
    %dma_start3A_245 = arith.constant 0 : i32
    %dma_start3A_246 = tpu.memref_slice %arg6[%add3A_241, %dma_start3A_245] : memref<75x128xi32, #tpu.memory_space<vmem>> -> memref<1x128xi32, #tpu.memory_space<vmem>>
    %dma_start3A_247 = tpu.memref_squeeze %dma_start3A_246 : memref<1x128xi32, #tpu.memory_space<vmem>> -> memref<128xi32, #tpu.memory_space<vmem>>
    %dma_start3A_248 = arith.constant 0 : i32
    %dma_start3A_249 = arith.constant 0 : i32
    %dma_start3A_250 = tpu.memref_slice %arg2[%dma_start3A_248, %dma_start3A_249] : memref<320000x16xf32, #tpu.memory_space<hbm>> -> memref<320000x16xf32, #tpu.memory_space<hbm>>
    tpu.enqueue_indirect_dma source(%dma_start3A_250 : memref<320000x16xf32, #tpu.memory_space<hbm>>) target(%dma_start3A_244 : memref<128x16xf32, #tpu.memory_space<vmem>>) offsets(%dma_start3A_247 : memref<128xi32, #tpu.memory_space<vmem>>) semaphore(%arg11 : memref<!tpu.dma_semaphore, #tpu.memory_space<semaphore_mem>>)
    %mul3A_251 = arith.constant 25 : i32
    %mul3A_252 = arith.muli %rem3A_55, %mul3A_251 : i32
    %add3A_253 = arith.constant 15 : i32
    %add3A_254 = arith.addi %mul3A_252, %add3A_253 : i32
    %dma_start3A_255 = arith.constant 1920 : i32
    %dma_start3A_256 = arith.constant 0 : i32
    %dma_start3A_257 = tpu.memref_slice %arg8[%dma_start3A_255, %dma_start3A_256] : memref<6400x16xf32, #tpu.memory_space<vmem>> -> memref<128x16xf32, #tpu.memory_space<vmem>>
    %dma_start3A_258 = arith.constant 0 : i32
    %dma_start3A_259 = tpu.memref_slice %arg6[%add3A_254, %dma_start3A_258] : memref<75x128xi32, #tpu.memory_space<vmem>> -> memref<1x128xi32, #tpu.memory_space<vmem>>
    %dma_start3A_260 = tpu.memref_squeeze %dma_start3A_259 : memref<1x128xi32, #tpu.memory_space<vmem>> -> memref<128xi32, #tpu.memory_space<vmem>>
    %dma_start3A_261 = arith.constant 0 : i32
    %dma_start3A_262 = arith.constant 0 : i32
    %dma_start3A_263 = tpu.memref_slice %arg2[%dma_start3A_261, %dma_start3A_262] : memref<320000x16xf32, #tpu.memory_space<hbm>> -> memref<320000x16xf32, #tpu.memory_space<hbm>>
    tpu.enqueue_indirect_dma source(%dma_start3A_263 : memref<320000x16xf32, #tpu.memory_space<hbm>>) target(%dma_start3A_257 : memref<128x16xf32, #tpu.memory_space<vmem>>) offsets(%dma_start3A_260 : memref<128xi32, #tpu.memory_space<vmem>>) semaphore(%arg11 : memref<!tpu.dma_semaphore, #tpu.memory_space<semaphore_mem>>)
    %mul3A_264 = arith.constant 25 : i32
    %mul3A_265 = arith.muli %rem3A_55, %mul3A_264 : i32
    %add3A_266 = arith.constant 16 : i32
    %add3A_267 = arith.addi %mul3A_265, %add3A_266 : i32
    %dma_start3A_268 = arith.constant 2048 : i32
    %dma_start3A_269 = arith.constant 0 : i32
    %dma_start3A_270 = tpu.memref_slice %arg8[%dma_start3A_268, %dma_start3A_269] : memref<6400x16xf32, #tpu.memory_space<vmem>> -> memref<128x16xf32, #tpu.memory_space<vmem>>
    %dma_start3A_271 = arith.constant 0 : i32
    %dma_start3A_272 = tpu.memref_slice %arg6[%add3A_267, %dma_start3A_271] : memref<75x128xi32, #tpu.memory_space<vmem>> -> memref<1x128xi32, #tpu.memory_space<vmem>>
    %dma_start3A_273 = tpu.memref_squeeze %dma_start3A_272 : memref<1x128xi32, #tpu.memory_space<vmem>> -> memref<128xi32, #tpu.memory_space<vmem>>
    %dma_start3A_274 = arith.constant 0 : i32
    %dma_start3A_275 = arith.constant 0 : i32
    %dma_start3A_276 = tpu.memref_slice %arg2[%dma_start3A_274, %dma_start3A_275] : memref<320000x16xf32, #tpu.memory_space<hbm>> -> memref<320000x16xf32, #tpu.memory_space<hbm>>
    tpu.enqueue_indirect_dma source(%dma_start3A_276 : memref<320000x16xf32, #tpu.memory_space<hbm>>) target(%dma_start3A_270 : memref<128x16xf32, #tpu.memory_space<vmem>>) offsets(%dma_start3A_273 : memref<128xi32, #tpu.memory_space<vmem>>) semaphore(%arg11 : memref<!tpu.dma_semaphore, #tpu.memory_space<semaphore_mem>>)
    %mul3A_277 = arith.constant 25 : i32
    %mul3A_278 = arith.muli %rem3A_55, %mul3A_277 : i32
    %add3A_279 = arith.constant 17 : i32
    %add3A_280 = arith.addi %mul3A_278, %add3A_279 : i32
    %dma_start3A_281 = arith.constant 2176 : i32
    %dma_start3A_282 = arith.constant 0 : i32
    %dma_start3A_283 = tpu.memref_slice %arg8[%dma_start3A_281, %dma_start3A_282] : memref<6400x16xf32, #tpu.memory_space<vmem>> -> memref<128x16xf32, #tpu.memory_space<vmem>>
    %dma_start3A_284 = arith.constant 0 : i32
    %dma_start3A_285 = tpu.memref_slice %arg6[%add3A_280, %dma_start3A_284] : memref<75x128xi32, #tpu.memory_space<vmem>> -> memref<1x128xi32, #tpu.memory_space<vmem>>
    %dma_start3A_286 = tpu.memref_squeeze %dma_start3A_285 : memref<1x128xi32, #tpu.memory_space<vmem>> -> memref<128xi32, #tpu.memory_space<vmem>>
    %dma_start3A_287 = arith.constant 0 : i32
    %dma_start3A_288 = arith.constant 0 : i32
    %dma_start3A_289 = tpu.memref_slice %arg2[%dma_start3A_287, %dma_start3A_288] : memref<320000x16xf32, #tpu.memory_space<hbm>> -> memref<320000x16xf32, #tpu.memory_space<hbm>>
    tpu.enqueue_indirect_dma source(%dma_start3A_289 : memref<320000x16xf32, #tpu.memory_space<hbm>>) target(%dma_start3A_283 : memref<128x16xf32, #tpu.memory_space<vmem>>) offsets(%dma_start3A_286 : memref<128xi32, #tpu.memory_space<vmem>>) semaphore(%arg11 : memref<!tpu.dma_semaphore, #tpu.memory_space<semaphore_mem>>)
    %mul3A_290 = arith.constant 25 : i32
    %mul3A_291 = arith.muli %rem3A_55, %mul3A_290 : i32
    %add3A_292 = arith.constant 18 : i32
    %add3A_293 = arith.addi %mul3A_291, %add3A_292 : i32
    %dma_start3A_294 = arith.constant 2304 : i32
    %dma_start3A_295 = arith.constant 0 : i32
    %dma_start3A_296 = tpu.memref_slice %arg8[%dma_start3A_294, %dma_start3A_295] : memref<6400x16xf32, #tpu.memory_space<vmem>> -> memref<128x16xf32, #tpu.memory_space<vmem>>
    %dma_start3A_297 = arith.constant 0 : i32
    %dma_start3A_298 = tpu.memref_slice %arg6[%add3A_293, %dma_start3A_297] : memref<75x128xi32, #tpu.memory_space<vmem>> -> memref<1x128xi32, #tpu.memory_space<vmem>>
    %dma_start3A_299 = tpu.memref_squeeze %dma_start3A_298 : memref<1x128xi32, #tpu.memory_space<vmem>> -> memref<128xi32, #tpu.memory_space<vmem>>
    %dma_start3A_300 = arith.constant 0 : i32
    %dma_start3A_301 = arith.constant 0 : i32
    %dma_start3A_302 = tpu.memref_slice %arg2[%dma_start3A_300, %dma_start3A_301] : memref<320000x16xf32, #tpu.memory_space<hbm>> -> memref<320000x16xf32, #tpu.memory_space<hbm>>
    tpu.enqueue_indirect_dma source(%dma_start3A_302 : memref<320000x16xf32, #tpu.memory_space<hbm>>) target(%dma_start3A_296 : memref<128x16xf32, #tpu.memory_space<vmem>>) offsets(%dma_start3A_299 : memref<128xi32, #tpu.memory_space<vmem>>) semaphore(%arg11 : memref<!tpu.dma_semaphore, #tpu.memory_space<semaphore_mem>>)
    %mul3A_303 = arith.constant 25 : i32
    %mul3A_304 = arith.muli %rem3A_55, %mul3A_303 : i32
    %add3A_305 = arith.constant 19 : i32
    %add3A_306 = arith.addi %mul3A_304, %add3A_305 : i32
    %dma_start3A_307 = arith.constant 2432 : i32
    %dma_start3A_308 = arith.constant 0 : i32
    %dma_start3A_309 = tpu.memref_slice %arg8[%dma_start3A_307, %dma_start3A_308] : memref<6400x16xf32, #tpu.memory_space<vmem>> -> memref<128x16xf32, #tpu.memory_space<vmem>>
    %dma_start3A_310 = arith.constant 0 : i32
    %dma_start3A_311 = tpu.memref_slice %arg6[%add3A_306, %dma_start3A_310] : memref<75x128xi32, #tpu.memory_space<vmem>> -> memref<1x128xi32, #tpu.memory_space<vmem>>
    %dma_start3A_312 = tpu.memref_squeeze %dma_start3A_311 : memref<1x128xi32, #tpu.memory_space<vmem>> -> memref<128xi32, #tpu.memory_space<vmem>>
    %dma_start3A_313 = arith.constant 0 : i32
    %dma_start3A_314 = arith.constant 0 : i32
    %dma_start3A_315 = tpu.memref_slice %arg2[%dma_start3A_313, %dma_start3A_314] : memref<320000x16xf32, #tpu.memory_space<hbm>> -> memref<320000x16xf32, #tpu.memory_space<hbm>>
    tpu.enqueue_indirect_dma source(%dma_start3A_315 : memref<320000x16xf32, #tpu.memory_space<hbm>>) target(%dma_start3A_309 : memref<128x16xf32, #tpu.memory_space<vmem>>) offsets(%dma_start3A_312 : memref<128xi32, #tpu.memory_space<vmem>>) semaphore(%arg11 : memref<!tpu.dma_semaphore, #tpu.memory_space<semaphore_mem>>)
    %mul3A_316 = arith.constant 25 : i32
    %mul3A_317 = arith.muli %rem3A_55, %mul3A_316 : i32
    %add3A_318 = arith.constant 20 : i32
    %add3A_319 = arith.addi %mul3A_317, %add3A_318 : i32
    %dma_start3A_320 = arith.constant 2560 : i32
    %dma_start3A_321 = arith.constant 0 : i32
    %dma_start3A_322 = tpu.memref_slice %arg8[%dma_start3A_320, %dma_start3A_321] : memref<6400x16xf32, #tpu.memory_space<vmem>> -> memref<128x16xf32, #tpu.memory_space<vmem>>
    %dma_start3A_323 = arith.constant 0 : i32
    %dma_start3A_324 = tpu.memref_slice %arg6[%add3A_319, %dma_start3A_323] : memref<75x128xi32, #tpu.memory_space<vmem>> -> memref<1x128xi32, #tpu.memory_space<vmem>>
    %dma_start3A_325 = tpu.memref_squeeze %dma_start3A_324 : memref<1x128xi32, #tpu.memory_space<vmem>> -> memref<128xi32, #tpu.memory_space<vmem>>
    %dma_start3A_326 = arith.constant 0 : i32
    %dma_start3A_327 = arith.constant 0 : i32
    %dma_start3A_328 = tpu.memref_slice %arg2[%dma_start3A_326, %dma_start3A_327] : memref<320000x16xf32, #tpu.memory_space<hbm>> -> memref<320000x16xf32, #tpu.memory_space<hbm>>
    tpu.enqueue_indirect_dma source(%dma_start3A_328 : memref<320000x16xf32, #tpu.memory_space<hbm>>) target(%dma_start3A_322 : memref<128x16xf32, #tpu.memory_space<vmem>>) offsets(%dma_start3A_325 : memref<128xi32, #tpu.memory_space<vmem>>) semaphore(%arg11 : memref<!tpu.dma_semaphore, #tpu.memory_space<semaphore_mem>>)
    %mul3A_329 = arith.constant 25 : i32
    %mul3A_330 = arith.muli %rem3A_55, %mul3A_329 : i32
    %add3A_331 = arith.constant 21 : i32
    %add3A_332 = arith.addi %mul3A_330, %add3A_331 : i32
    %dma_start3A_333 = arith.constant 2688 : i32
    %dma_start3A_334 = arith.constant 0 : i32
    %dma_start3A_335 = tpu.memref_slice %arg8[%dma_start3A_333, %dma_start3A_334] : memref<6400x16xf32, #tpu.memory_space<vmem>> -> memref<128x16xf32, #tpu.memory_space<vmem>>
    %dma_start3A_336 = arith.constant 0 : i32
    %dma_start3A_337 = tpu.memref_slice %arg6[%add3A_332, %dma_start3A_336] : memref<75x128xi32, #tpu.memory_space<vmem>> -> memref<1x128xi32, #tpu.memory_space<vmem>>
    %dma_start3A_338 = tpu.memref_squeeze %dma_start3A_337 : memref<1x128xi32, #tpu.memory_space<vmem>> -> memref<128xi32, #tpu.memory_space<vmem>>
    %dma_start3A_339 = arith.constant 0 : i32
    %dma_start3A_340 = arith.constant 0 : i32
    %dma_start3A_341 = tpu.memref_slice %arg2[%dma_start3A_339, %dma_start3A_340] : memref<320000x16xf32, #tpu.memory_space<hbm>> -> memref<320000x16xf32, #tpu.memory_space<hbm>>
    tpu.enqueue_indirect_dma source(%dma_start3A_341 : memref<320000x16xf32, #tpu.memory_space<hbm>>) target(%dma_start3A_335 : memref<128x16xf32, #tpu.memory_space<vmem>>) offsets(%dma_start3A_338 : memref<128xi32, #tpu.memory_space<vmem>>) semaphore(%arg11 : memref<!tpu.dma_semaphore, #tpu.memory_space<semaphore_mem>>)
    %mul3A_342 = arith.constant 25 : i32
    %mul3A_343 = arith.muli %rem3A_55, %mul3A_342 : i32
    %add3A_344 = arith.constant 22 : i32
    %add3A_345 = arith.addi %mul3A_343, %add3A_344 : i32
    %dma_start3A_346 = arith.constant 2816 : i32
    %dma_start3A_347 = arith.constant 0 : i32
    %dma_start3A_348 = tpu.memref_slice %arg8[%dma_start3A_346, %dma_start3A_347] : memref<6400x16xf32, #tpu.memory_space<vmem>> -> memref<128x16xf32, #tpu.memory_space<vmem>>
    %dma_start3A_349 = arith.constant 0 : i32
    %dma_start3A_350 = tpu.memref_slice %arg6[%add3A_345, %dma_start3A_349] : memref<75x128xi32, #tpu.memory_space<vmem>> -> memref<1x128xi32, #tpu.memory_space<vmem>>
    %dma_start3A_351 = tpu.memref_squeeze %dma_start3A_350 : memref<1x128xi32, #tpu.memory_space<vmem>> -> memref<128xi32, #tpu.memory_space<vmem>>
    %dma_start3A_352 = arith.constant 0 : i32
    %dma_start3A_353 = arith.constant 0 : i32
    %dma_start3A_354 = tpu.memref_slice %arg2[%dma_start3A_352, %dma_start3A_353] : memref<320000x16xf32, #tpu.memory_space<hbm>> -> memref<320000x16xf32, #tpu.memory_space<hbm>>
    tpu.enqueue_indirect_dma source(%dma_start3A_354 : memref<320000x16xf32, #tpu.memory_space<hbm>>) target(%dma_start3A_348 : memref<128x16xf32, #tpu.memory_space<vmem>>) offsets(%dma_start3A_351 : memref<128xi32, #tpu.memory_space<vmem>>) semaphore(%arg11 : memref<!tpu.dma_semaphore, #tpu.memory_space<semaphore_mem>>)
    %mul3A_355 = arith.constant 25 : i32
    %mul3A_356 = arith.muli %rem3A_55, %mul3A_355 : i32
    %add3A_357 = arith.constant 23 : i32
    %add3A_358 = arith.addi %mul3A_356, %add3A_357 : i32
    %dma_start3A_359 = arith.constant 2944 : i32
    %dma_start3A_360 = arith.constant 0 : i32
    %dma_start3A_361 = tpu.memref_slice %arg8[%dma_start3A_359, %dma_start3A_360] : memref<6400x16xf32, #tpu.memory_space<vmem>> -> memref<128x16xf32, #tpu.memory_space<vmem>>
    %dma_start3A_362 = arith.constant 0 : i32
    %dma_start3A_363 = tpu.memref_slice %arg6[%add3A_358, %dma_start3A_362] : memref<75x128xi32, #tpu.memory_space<vmem>> -> memref<1x128xi32, #tpu.memory_space<vmem>>
    %dma_start3A_364 = tpu.memref_squeeze %dma_start3A_363 : memref<1x128xi32, #tpu.memory_space<vmem>> -> memref<128xi32, #tpu.memory_space<vmem>>
    %dma_start3A_365 = arith.constant 0 : i32
    %dma_start3A_366 = arith.constant 0 : i32
    %dma_start3A_367 = tpu.memref_slice %arg2[%dma_start3A_365, %dma_start3A_366] : memref<320000x16xf32, #tpu.memory_space<hbm>> -> memref<320000x16xf32, #tpu.memory_space<hbm>>
    tpu.enqueue_indirect_dma source(%dma_start3A_367 : memref<320000x16xf32, #tpu.memory_space<hbm>>) target(%dma_start3A_361 : memref<128x16xf32, #tpu.memory_space<vmem>>) offsets(%dma_start3A_364 : memref<128xi32, #tpu.memory_space<vmem>>) semaphore(%arg11 : memref<!tpu.dma_semaphore, #tpu.memory_space<semaphore_mem>>)
    %mul3A_368 = arith.constant 25 : i32
    %mul3A_369 = arith.muli %rem3A_55, %mul3A_368 : i32
    %add3A_370 = arith.constant 24 : i32
    %add3A_371 = arith.addi %mul3A_369, %add3A_370 : i32
    %dma_start3A_372 = arith.constant 3072 : i32
    %dma_start3A_373 = arith.constant 0 : i32
    %dma_start3A_374 = tpu.memref_slice %arg8[%dma_start3A_372, %dma_start3A_373] : memref<6400x16xf32, #tpu.memory_space<vmem>> -> memref<128x16xf32, #tpu.memory_space<vmem>>
    %dma_start3A_375 = arith.constant 0 : i32
    %dma_start3A_376 = tpu.memref_slice %arg6[%add3A_371, %dma_start3A_375] : memref<75x128xi32, #tpu.memory_space<vmem>> -> memref<1x128xi32, #tpu.memory_space<vmem>>
    %dma_start3A_377 = tpu.memref_squeeze %dma_start3A_376 : memref<1x128xi32, #tpu.memory_space<vmem>> -> memref<128xi32, #tpu.memory_space<vmem>>
    %dma_start3A_378 = arith.constant 0 : i32
    %dma_start3A_379 = arith.constant 0 : i32
    %dma_start3A_380 = tpu.memref_slice %arg2[%dma_start3A_378, %dma_start3A_379] : memref<320000x16xf32, #tpu.memory_space<hbm>> -> memref<320000x16xf32, #tpu.memory_space<hbm>>
    tpu.enqueue_indirect_dma source(%dma_start3A_380 : memref<320000x16xf32, #tpu.memory_space<hbm>>) target(%dma_start3A_374 : memref<128x16xf32, #tpu.memory_space<vmem>>) offsets(%dma_start3A_377 : memref<128xi32, #tpu.memory_space<vmem>>) semaphore(%arg11 : memref<!tpu.dma_semaphore, #tpu.memory_space<semaphore_mem>>)
    %rem3A_381 = arith.constant 1 : i32
    %rem3A_382 = arith.constant 3 : i32
    %rem3A_383 = arith.remsi %rem3A_381, %rem3A_382 : i32
    %add3A_384 = arith.constant 25 : i32
    %add3A_385 = arith.addi %mul3A_4, %add3A_384 : i32
    %mul3A_386 = arith.constant 25 : i32
    %mul3A_387 = arith.muli %rem3A_383, %mul3A_386 : i32
    %dma_start3A_388 = arith.constant 0 : i32
    %dma_start3A_389 = tpu.memref_slice %arg6[%mul3A_387, %dma_start3A_388] : memref<75x128xi32, #tpu.memory_space<vmem>> -> memref<25x128xi32, #tpu.memory_space<vmem>>
    %dma_start3A_390 = arith.constant 0 : i32
    %dma_start3A_391 = tpu.memref_slice %arg3[%add3A_385, %dma_start3A_390] : memref<8000x128xi32, #tpu.memory_space<hbm>> -> memref<25x128xi32, #tpu.memory_space<hbm>>
    %dma_start3A_392 = arith.constant 0 : i32
    %dma_start3A_393 = tpu.memref_slice %arg6[%mul3A_387, %dma_start3A_392] : memref<75x128xi32, #tpu.memory_space<vmem>> -> memref<25x128xi32, #tpu.memory_space<vmem>>
    %dma_start3A_394 = arith.constant 0 : i32
    %dma_start3A_395 = tpu.memref_slice %arg3[%add3A_385, %dma_start3A_394] : memref<8000x128xi32, #tpu.memory_space<hbm>> -> memref<25x128xi32, #tpu.memory_space<hbm>>
    tpu.enqueue_dma source(%dma_start3A_395 : memref<25x128xi32, #tpu.memory_space<hbm>>) target(%dma_start3A_393 : memref<25x128xi32, #tpu.memory_space<vmem>>) target_semaphore(%arg10 : memref<!tpu.dma_semaphore, #tpu.memory_space<semaphore_mem>>)
    %add3A_396 = arith.constant 200 : i32
    %add3A_397 = arith.addi %mul3A_2, %add3A_396 : i32
    %mul3A_398 = arith.constant 200 : i32
    %mul3A_399 = arith.muli %rem3A_383, %mul3A_398 : i32
    %dma_start3A_400 = arith.constant 0 : i32
    %dma_start3A_401 = tpu.memref_slice %arg7[%mul3A_399, %dma_start3A_400] : memref<600x16xf32, #tpu.memory_space<vmem>> -> memref<200x16xf32, #tpu.memory_space<vmem>>
    %dma_start3A_402 = arith.constant 0 : i32
    %dma_start3A_403 = tpu.memref_slice %arg4[%add3A_397, %dma_start3A_402] : memref<64000x16xf32, #tpu.memory_space<hbm>> -> memref<200x16xf32, #tpu.memory_space<hbm>>
    %dma_start3A_404 = arith.constant 0 : i32
    %dma_start3A_405 = tpu.memref_slice %arg7[%mul3A_399, %dma_start3A_404] : memref<600x16xf32, #tpu.memory_space<vmem>> -> memref<200x16xf32, #tpu.memory_space<vmem>>
    %dma_start3A_406 = arith.constant 0 : i32
    %dma_start3A_407 = tpu.memref_slice %arg4[%add3A_397, %dma_start3A_406] : memref<64000x16xf32, #tpu.memory_space<hbm>> -> memref<200x16xf32, #tpu.memory_space<hbm>>
    tpu.enqueue_dma source(%dma_start3A_407 : memref<200x16xf32, #tpu.memory_space<hbm>>) target(%dma_start3A_405 : memref<200x16xf32, #tpu.memory_space<vmem>>) target_semaphore(%arg10 : memref<!tpu.dma_semaphore, #tpu.memory_space<semaphore_mem>>)
    %scan3A = arith.constant 0 : i32
    %scan3A_408 = arith.constant 0 : i32
    %scan3A_409 = arith.constant 10 : i32
    %scan3A_410 = arith.addi %scan3A_408, %scan3A_409 : i32
    %scan3A_411 = arith.constant 1 : i32
    scf.for %scan3A_437 = %scan3A_408 to %scan3A_410 step %scan3A_411  : i32 {
      %rem3A_438 = arith.constant 2 : i32
      %rem3A_439 = arith.remsi %scan3A_437, %rem3A_438 : i32
      %add3A_440 = arith.constant 1 : i32
      %add3A_441 = arith.addi %scan3A_437, %add3A_440 : i32
      %lt3A = arith.constant 10 : i32
      %lt3A_442 = arith.cmpi slt, %add3A_441, %lt3A : i32
      %convert_element_type3A = arith.extui %lt3A_442 : i1 to i32
      %cond3A = arith.constant 0 : i32
      %cond3A_443 = arith.cmpi ne, %convert_element_type3A, %cond3A : i32
      scf.if %cond3A_443 {
        %dma_wait3A_494 = arith.constant 0 : i32
        %dma_wait3A_495 = arith.constant 0 : i32
        %dma_wait3A_496 = tpu.memref_slice %arg6[%dma_wait3A_494, %dma_wait3A_495] : memref<75x128xi32, #tpu.memory_space<vmem>> -> memref<25x128xi32, #tpu.memory_space<vmem>>
        %dma_wait3A_497 = arith.constant 0 : i32
        %dma_wait3A_498 = arith.constant 0 : i32
        %dma_wait3A_499 = tpu.memref_slice %arg3[%dma_wait3A_497, %dma_wait3A_498] : memref<8000x128xi32, #tpu.memory_space<hbm>> -> memref<25x128xi32, #tpu.memory_space<hbm>>
        %dma_wait3A_500 = arith.constant 0 : i32
        %dma_wait3A_501 = arith.constant 0 : i32
        %dma_wait3A_502 = tpu.memref_slice %arg6[%dma_wait3A_500, %dma_wait3A_501] : memref<75x128xi32, #tpu.memory_space<vmem>> -> memref<25x128xi32, #tpu.memory_space<vmem>>
        %dma_wait3A_503 = arith.constant 0 : i32
        %dma_wait3A_504 = arith.constant 0 : i32
        %dma_wait3A_505 = tpu.memref_slice %arg3[%dma_wait3A_503, %dma_wait3A_504] : memref<8000x128xi32, #tpu.memory_space<hbm>> -> memref<25x128xi32, #tpu.memory_space<hbm>>
        tpu.wait_dma2 semaphore(%arg10 : memref<!tpu.dma_semaphore, #tpu.memory_space<semaphore_mem>>) src(%dma_wait3A_505 : memref<25x128xi32, #tpu.memory_space<hbm>>) dst(%dma_wait3A_502 : memref<25x128xi32, #tpu.memory_space<vmem>>)
        %dma_wait3A_506 = arith.constant 0 : i32
        %dma_wait3A_507 = arith.constant 0 : i32
        %dma_wait3A_508 = tpu.memref_slice %arg7[%dma_wait3A_506, %dma_wait3A_507] : memref<600x16xf32, #tpu.memory_space<vmem>> -> memref<200x16xf32, #tpu.memory_space<vmem>>
        %dma_wait3A_509 = arith.constant 0 : i32
        %dma_wait3A_510 = arith.constant 0 : i32
        %dma_wait3A_511 = tpu.memref_slice %arg4[%dma_wait3A_509, %dma_wait3A_510] : memref<64000x16xf32, #tpu.memory_space<hbm>> -> memref<200x16xf32, #tpu.memory_space<hbm>>
        %dma_wait3A_512 = arith.constant 0 : i32
        %dma_wait3A_513 = arith.constant 0 : i32
        %dma_wait3A_514 = tpu.memref_slice %arg7[%dma_wait3A_512, %dma_wait3A_513] : memref<600x16xf32, #tpu.memory_space<vmem>> -> memref<200x16xf32, #tpu.memory_space<vmem>>
        %dma_wait3A_515 = arith.constant 0 : i32
        %dma_wait3A_516 = arith.constant 0 : i32
        %dma_wait3A_517 = tpu.memref_slice %arg4[%dma_wait3A_515, %dma_wait3A_516] : memref<64000x16xf32, #tpu.memory_space<hbm>> -> memref<200x16xf32, #tpu.memory_space<hbm>>
        tpu.wait_dma2 semaphore(%arg10 : memref<!tpu.dma_semaphore, #tpu.memory_space<semaphore_mem>>) src(%dma_wait3A_517 : memref<200x16xf32, #tpu.memory_space<hbm>>) dst(%dma_wait3A_514 : memref<200x16xf32, #tpu.memory_space<vmem>>)
        %add3A_518 = arith.constant 1 : i32
        %add3A_519 = arith.addi %scan3A_437, %add3A_518 : i32
        %sub3A = arith.constant 1 : i32
        %sub3A_520 = arith.subi %sub3A, %rem3A_439 : i32
        %rem3A_521 = arith.constant 3 : i32
        %rem3A_522 = arith.remsi %add3A_519, %rem3A_521 : i32
        %mul3A_523 = arith.constant 25 : i32
        %mul3A_524 = arith.muli %rem3A_522, %mul3A_523 : i32
        %add3A_525 = arith.constant 0 : i32
        %add3A_526 = arith.addi %mul3A_524, %add3A_525 : i32
        %mul3A_527 = arith.constant 200 : i32
        %mul3A_528 = arith.muli %sub3A_520, %mul3A_527 : i32
        %mul3A_529 = arith.constant 16 : i32
        %mul3A_530 = arith.muli %mul3A_528, %mul3A_529 : i32
        %add3A_531 = arith.constant 0 : i32
        %add3A_532 = arith.addi %mul3A_530, %add3A_531 : i32
        %dma_start3A_533 = arith.constant 0 : i32
        %dma_start3A_534 = tpu.memref_slice %arg8[%add3A_532, %dma_start3A_533] : memref<6400x16xf32, #tpu.memory_space<vmem>> -> memref<128x16xf32, #tpu.memory_space<vmem>>
        %dma_start3A_535 = arith.constant 0 : i32
        %dma_start3A_536 = tpu.memref_slice %arg6[%add3A_526, %dma_start3A_535] : memref<75x128xi32, #tpu.memory_space<vmem>> -> memref<1x128xi32, #tpu.memory_space<vmem>>
        %dma_start3A_537 = tpu.memref_squeeze %dma_start3A_536 : memref<1x128xi32, #tpu.memory_space<vmem>> -> memref<128xi32, #tpu.memory_space<vmem>>
        %dma_start3A_538 = arith.constant 0 : i32
        %dma_start3A_539 = arith.constant 0 : i32
        %dma_start3A_540 = tpu.memref_slice %arg2[%dma_start3A_538, %dma_start3A_539] : memref<320000x16xf32, #tpu.memory_space<hbm>> -> memref<320000x16xf32, #tpu.memory_space<hbm>>
        tpu.enqueue_indirect_dma source(%dma_start3A_540 : memref<320000x16xf32, #tpu.memory_space<hbm>>) target(%dma_start3A_534 : memref<128x16xf32, #tpu.memory_space<vmem>>) offsets(%dma_start3A_537 : memref<128xi32, #tpu.memory_space<vmem>>) semaphore(%arg11 : memref<!tpu.dma_semaphore, #tpu.memory_space<semaphore_mem>>)
        %mul3A_541 = arith.constant 25 : i32
        %mul3A_542 = arith.muli %rem3A_522, %mul3A_541 : i32
        %add3A_543 = arith.constant 1 : i32
        %add3A_544 = arith.addi %mul3A_542, %add3A_543 : i32
        %mul3A_545 = arith.constant 200 : i32
        %mul3A_546 = arith.muli %sub3A_520, %mul3A_545 : i32
        %mul3A_547 = arith.constant 16 : i32
        %mul3A_548 = arith.muli %mul3A_546, %mul3A_547 : i32
        %add3A_549 = arith.constant 128 : i32
        %add3A_550 = arith.addi %mul3A_548, %add3A_549 : i32
        %dma_start3A_551 = arith.constant 0 : i32
        %dma_start3A_552 = tpu.memref_slice %arg8[%add3A_550, %dma_start3A_551] : memref<6400x16xf32, #tpu.memory_space<vmem>> -> memref<128x16xf32, #tpu.memory_space<vmem>>
        %dma_start3A_553 = arith.constant 0 : i32
        %dma_start3A_554 = tpu.memref_slice %arg6[%add3A_544, %dma_start3A_553] : memref<75x128xi32, #tpu.memory_space<vmem>> -> memref<1x128xi32, #tpu.memory_space<vmem>>
        %dma_start3A_555 = tpu.memref_squeeze %dma_start3A_554 : memref<1x128xi32, #tpu.memory_space<vmem>> -> memref<128xi32, #tpu.memory_space<vmem>>
        %dma_start3A_556 = arith.constant 0 : i32
        %dma_start3A_557 = arith.constant 0 : i32
        %dma_start3A_558 = tpu.memref_slice %arg2[%dma_start3A_556, %dma_start3A_557] : memref<320000x16xf32, #tpu.memory_space<hbm>> -> memref<320000x16xf32, #tpu.memory_space<hbm>>
        tpu.enqueue_indirect_dma source(%dma_start3A_558 : memref<320000x16xf32, #tpu.memory_space<hbm>>) target(%dma_start3A_552 : memref<128x16xf32, #tpu.memory_space<vmem>>) offsets(%dma_start3A_555 : memref<128xi32, #tpu.memory_space<vmem>>) semaphore(%arg11 : memref<!tpu.dma_semaphore, #tpu.memory_space<semaphore_mem>>)
        %mul3A_559 = arith.constant 25 : i32
        %mul3A_560 = arith.muli %rem3A_522, %mul3A_559 : i32
        %add3A_561 = arith.constant 2 : i32
        %add3A_562 = arith.addi %mul3A_560, %add3A_561 : i32
        %mul3A_563 = arith.constant 200 : i32
        %mul3A_564 = arith.muli %sub3A_520, %mul3A_563 : i32
        %mul3A_565 = arith.constant 16 : i32
        %mul3A_566 = arith.muli %mul3A_564, %mul3A_565 : i32
        %add3A_567 = arith.constant 256 : i32
        %add3A_568 = arith.addi %mul3A_566, %add3A_567 : i32
        %dma_start3A_569 = arith.constant 0 : i32
        %dma_start3A_570 = tpu.memref_slice %arg8[%add3A_568, %dma_start3A_569] : memref<6400x16xf32, #tpu.memory_space<vmem>> -> memref<128x16xf32, #tpu.memory_space<vmem>>
        %dma_start3A_571 = arith.constant 0 : i32
        %dma_start3A_572 = tpu.memref_slice %arg6[%add3A_562, %dma_start3A_571] : memref<75x128xi32, #tpu.memory_space<vmem>> -> memref<1x128xi32, #tpu.memory_space<vmem>>
        %dma_start3A_573 = tpu.memref_squeeze %dma_start3A_572 : memref<1x128xi32, #tpu.memory_space<vmem>> -> memref<128xi32, #tpu.memory_space<vmem>>
        %dma_start3A_574 = arith.constant 0 : i32
        %dma_start3A_575 = arith.constant 0 : i32
        %dma_start3A_576 = tpu.memref_slice %arg2[%dma_start3A_574, %dma_start3A_575] : memref<320000x16xf32, #tpu.memory_space<hbm>> -> memref<320000x16xf32, #tpu.memory_space<hbm>>
        tpu.enqueue_indirect_dma source(%dma_start3A_576 : memref<320000x16xf32, #tpu.memory_space<hbm>>) target(%dma_start3A_570 : memref<128x16xf32, #tpu.memory_space<vmem>>) offsets(%dma_start3A_573 : memref<128xi32, #tpu.memory_space<vmem>>) semaphore(%arg11 : memref<!tpu.dma_semaphore, #tpu.memory_space<semaphore_mem>>)
        %mul3A_577 = arith.constant 25 : i32
        %mul3A_578 = arith.muli %rem3A_522, %mul3A_577 : i32
        %add3A_579 = arith.constant 3 : i32
        %add3A_580 = arith.addi %mul3A_578, %add3A_579 : i32
        %mul3A_581 = arith.constant 200 : i32
        %mul3A_582 = arith.muli %sub3A_520, %mul3A_581 : i32
        %mul3A_583 = arith.constant 16 : i32
        %mul3A_584 = arith.muli %mul3A_582, %mul3A_583 : i32
        %add3A_585 = arith.constant 384 : i32
        %add3A_586 = arith.addi %mul3A_584, %add3A_585 : i32
        %dma_start3A_587 = arith.constant 0 : i32
        %dma_start3A_588 = tpu.memref_slice %arg8[%add3A_586, %dma_start3A_587] : memref<6400x16xf32, #tpu.memory_space<vmem>> -> memref<128x16xf32, #tpu.memory_space<vmem>>
        %dma_start3A_589 = arith.constant 0 : i32
        %dma_start3A_590 = tpu.memref_slice %arg6[%add3A_580, %dma_start3A_589] : memref<75x128xi32, #tpu.memory_space<vmem>> -> memref<1x128xi32, #tpu.memory_space<vmem>>
        %dma_start3A_591 = tpu.memref_squeeze %dma_start3A_590 : memref<1x128xi32, #tpu.memory_space<vmem>> -> memref<128xi32, #tpu.memory_space<vmem>>
        %dma_start3A_592 = arith.constant 0 : i32
        %dma_start3A_593 = arith.constant 0 : i32
        %dma_start3A_594 = tpu.memref_slice %arg2[%dma_start3A_592, %dma_start3A_593] : memref<320000x16xf32, #tpu.memory_space<hbm>> -> memref<320000x16xf32, #tpu.memory_space<hbm>>
        tpu.enqueue_indirect_dma source(%dma_start3A_594 : memref<320000x16xf32, #tpu.memory_space<hbm>>) target(%dma_start3A_588 : memref<128x16xf32, #tpu.memory_space<vmem>>) offsets(%dma_start3A_591 : memref<128xi32, #tpu.memory_space<vmem>>) semaphore(%arg11 : memref<!tpu.dma_semaphore, #tpu.memory_space<semaphore_mem>>)
        %mul3A_595 = arith.constant 25 : i32
        %mul3A_596 = arith.muli %rem3A_522, %mul3A_595 : i32
        %add3A_597 = arith.constant 4 : i32
        %add3A_598 = arith.addi %mul3A_596, %add3A_597 : i32
        %mul3A_599 = arith.constant 200 : i32
        %mul3A_600 = arith.muli %sub3A_520, %mul3A_599 : i32
        %mul3A_601 = arith.constant 16 : i32
        %mul3A_602 = arith.muli %mul3A_600, %mul3A_601 : i32
        %add3A_603 = arith.constant 512 : i32
        %add3A_604 = arith.addi %mul3A_602, %add3A_603 : i32
        %dma_start3A_605 = arith.constant 0 : i32
        %dma_start3A_606 = tpu.memref_slice %arg8[%add3A_604, %dma_start3A_605] : memref<6400x16xf32, #tpu.memory_space<vmem>> -> memref<128x16xf32, #tpu.memory_space<vmem>>
        %dma_start3A_607 = arith.constant 0 : i32
        %dma_start3A_608 = tpu.memref_slice %arg6[%add3A_598, %dma_start3A_607] : memref<75x128xi32, #tpu.memory_space<vmem>> -> memref<1x128xi32, #tpu.memory_space<vmem>>
        %dma_start3A_609 = tpu.memref_squeeze %dma_start3A_608 : memref<1x128xi32, #tpu.memory_space<vmem>> -> memref<128xi32, #tpu.memory_space<vmem>>
        %dma_start3A_610 = arith.constant 0 : i32
        %dma_start3A_611 = arith.constant 0 : i32
        %dma_start3A_612 = tpu.memref_slice %arg2[%dma_start3A_610, %dma_start3A_611] : memref<320000x16xf32, #tpu.memory_space<hbm>> -> memref<320000x16xf32, #tpu.memory_space<hbm>>
        tpu.enqueue_indirect_dma source(%dma_start3A_612 : memref<320000x16xf32, #tpu.memory_space<hbm>>) target(%dma_start3A_606 : memref<128x16xf32, #tpu.memory_space<vmem>>) offsets(%dma_start3A_609 : memref<128xi32, #tpu.memory_space<vmem>>) semaphore(%arg11 : memref<!tpu.dma_semaphore, #tpu.memory_space<semaphore_mem>>)
        %mul3A_613 = arith.constant 25 : i32
        %mul3A_614 = arith.muli %rem3A_522, %mul3A_613 : i32
        %add3A_615 = arith.constant 5 : i32
        %add3A_616 = arith.addi %mul3A_614, %add3A_615 : i32
        %mul3A_617 = arith.constant 200 : i32
        %mul3A_618 = arith.muli %sub3A_520, %mul3A_617 : i32
        %mul3A_619 = arith.constant 16 : i32
        %mul3A_620 = arith.muli %mul3A_618, %mul3A_619 : i32
        %add3A_621 = arith.constant 640 : i32
        %add3A_622 = arith.addi %mul3A_620, %add3A_621 : i32
        %dma_start3A_623 = arith.constant 0 : i32
        %dma_start3A_624 = tpu.memref_slice %arg8[%add3A_622, %dma_start3A_623] : memref<6400x16xf32, #tpu.memory_space<vmem>> -> memref<128x16xf32, #tpu.memory_space<vmem>>
        %dma_start3A_625 = arith.constant 0 : i32
        %dma_start3A_626 = tpu.memref_slice %arg6[%add3A_616, %dma_start3A_625] : memref<75x128xi32, #tpu.memory_space<vmem>> -> memref<1x128xi32, #tpu.memory_space<vmem>>
        %dma_start3A_627 = tpu.memref_squeeze %dma_start3A_626 : memref<1x128xi32, #tpu.memory_space<vmem>> -> memref<128xi32, #tpu.memory_space<vmem>>
        %dma_start3A_628 = arith.constant 0 : i32
        %dma_start3A_629 = arith.constant 0 : i32
        %dma_start3A_630 = tpu.memref_slice %arg2[%dma_start3A_628, %dma_start3A_629] : memref<320000x16xf32, #tpu.memory_space<hbm>> -> memref<320000x16xf32, #tpu.memory_space<hbm>>
        tpu.enqueue_indirect_dma source(%dma_start3A_630 : memref<320000x16xf32, #tpu.memory_space<hbm>>) target(%dma_start3A_624 : memref<128x16xf32, #tpu.memory_space<vmem>>) offsets(%dma_start3A_627 : memref<128xi32, #tpu.memory_space<vmem>>) semaphore(%arg11 : memref<!tpu.dma_semaphore, #tpu.memory_space<semaphore_mem>>)
        %mul3A_631 = arith.constant 25 : i32
        %mul3A_632 = arith.muli %rem3A_522, %mul3A_631 : i32
        %add3A_633 = arith.constant 6 : i32
        %add3A_634 = arith.addi %mul3A_632, %add3A_633 : i32
        %mul3A_635 = arith.constant 200 : i32
        %mul3A_636 = arith.muli %sub3A_520, %mul3A_635 : i32
        %mul3A_637 = arith.constant 16 : i32
        %mul3A_638 = arith.muli %mul3A_636, %mul3A_637 : i32
        %add3A_639 = arith.constant 768 : i32
        %add3A_640 = arith.addi %mul3A_638, %add3A_639 : i32
        %dma_start3A_641 = arith.constant 0 : i32
        %dma_start3A_642 = tpu.memref_slice %arg8[%add3A_640, %dma_start3A_641] : memref<6400x16xf32, #tpu.memory_space<vmem>> -> memref<128x16xf32, #tpu.memory_space<vmem>>
        %dma_start3A_643 = arith.constant 0 : i32
        %dma_start3A_644 = tpu.memref_slice %arg6[%add3A_634, %dma_start3A_643] : memref<75x128xi32, #tpu.memory_space<vmem>> -> memref<1x128xi32, #tpu.memory_space<vmem>>
        %dma_start3A_645 = tpu.memref_squeeze %dma_start3A_644 : memref<1x128xi32, #tpu.memory_space<vmem>> -> memref<128xi32, #tpu.memory_space<vmem>>
        %dma_start3A_646 = arith.constant 0 : i32
        %dma_start3A_647 = arith.constant 0 : i32
        %dma_start3A_648 = tpu.memref_slice %arg2[%dma_start3A_646, %dma_start3A_647] : memref<320000x16xf32, #tpu.memory_space<hbm>> -> memref<320000x16xf32, #tpu.memory_space<hbm>>
        tpu.enqueue_indirect_dma source(%dma_start3A_648 : memref<320000x16xf32, #tpu.memory_space<hbm>>) target(%dma_start3A_642 : memref<128x16xf32, #tpu.memory_space<vmem>>) offsets(%dma_start3A_645 : memref<128xi32, #tpu.memory_space<vmem>>) semaphore(%arg11 : memref<!tpu.dma_semaphore, #tpu.memory_space<semaphore_mem>>)
        %mul3A_649 = arith.constant 25 : i32
        %mul3A_650 = arith.muli %rem3A_522, %mul3A_649 : i32
        %add3A_651 = arith.constant 7 : i32
        %add3A_652 = arith.addi %mul3A_650, %add3A_651 : i32
        %mul3A_653 = arith.constant 200 : i32
        %mul3A_654 = arith.muli %sub3A_520, %mul3A_653 : i32
        %mul3A_655 = arith.constant 16 : i32
        %mul3A_656 = arith.muli %mul3A_654, %mul3A_655 : i32
        %add3A_657 = arith.constant 896 : i32
        %add3A_658 = arith.addi %mul3A_656, %add3A_657 : i32
        %dma_start3A_659 = arith.constant 0 : i32
        %dma_start3A_660 = tpu.memref_slice %arg8[%add3A_658, %dma_start3A_659] : memref<6400x16xf32, #tpu.memory_space<vmem>> -> memref<128x16xf32, #tpu.memory_space<vmem>>
        %dma_start3A_661 = arith.constant 0 : i32
        %dma_start3A_662 = tpu.memref_slice %arg6[%add3A_652, %dma_start3A_661] : memref<75x128xi32, #tpu.memory_space<vmem>> -> memref<1x128xi32, #tpu.memory_space<vmem>>
        %dma_start3A_663 = tpu.memref_squeeze %dma_start3A_662 : memref<1x128xi32, #tpu.memory_space<vmem>> -> memref<128xi32, #tpu.memory_space<vmem>>
        %dma_start3A_664 = arith.constant 0 : i32
        %dma_start3A_665 = arith.constant 0 : i32
        %dma_start3A_666 = tpu.memref_slice %arg2[%dma_start3A_664, %dma_start3A_665] : memref<320000x16xf32, #tpu.memory_space<hbm>> -> memref<320000x16xf32, #tpu.memory_space<hbm>>
        tpu.enqueue_indirect_dma source(%dma_start3A_666 : memref<320000x16xf32, #tpu.memory_space<hbm>>) target(%dma_start3A_660 : memref<128x16xf32, #tpu.memory_space<vmem>>) offsets(%dma_start3A_663 : memref<128xi32, #tpu.memory_space<vmem>>) semaphore(%arg11 : memref<!tpu.dma_semaphore, #tpu.memory_space<semaphore_mem>>)
        %mul3A_667 = arith.constant 25 : i32
        %mul3A_668 = arith.muli %rem3A_522, %mul3A_667 : i32
        %add3A_669 = arith.constant 8 : i32
        %add3A_670 = arith.addi %mul3A_668, %add3A_669 : i32
        %mul3A_671 = arith.constant 200 : i32
        %mul3A_672 = arith.muli %sub3A_520, %mul3A_671 : i32
        %mul3A_673 = arith.constant 16 : i32
        %mul3A_674 = arith.muli %mul3A_672, %mul3A_673 : i32
        %add3A_675 = arith.constant 1024 : i32
        %add3A_676 = arith.addi %mul3A_674, %add3A_675 : i32
        %dma_start3A_677 = arith.constant 0 : i32
        %dma_start3A_678 = tpu.memref_slice %arg8[%add3A_676, %dma_start3A_677] : memref<6400x16xf32, #tpu.memory_space<vmem>> -> memref<128x16xf32, #tpu.memory_space<vmem>>
        %dma_start3A_679 = arith.constant 0 : i32
        %dma_start3A_680 = tpu.memref_slice %arg6[%add3A_670, %dma_start3A_679] : memref<75x128xi32, #tpu.memory_space<vmem>> -> memref<1x128xi32, #tpu.memory_space<vmem>>
        %dma_start3A_681 = tpu.memref_squeeze %dma_start3A_680 : memref<1x128xi32, #tpu.memory_space<vmem>> -> memref<128xi32, #tpu.memory_space<vmem>>
        %dma_start3A_682 = arith.constant 0 : i32
        %dma_start3A_683 = arith.constant 0 : i32
        %dma_start3A_684 = tpu.memref_slice %arg2[%dma_start3A_682, %dma_start3A_683] : memref<320000x16xf32, #tpu.memory_space<hbm>> -> memref<320000x16xf32, #tpu.memory_space<hbm>>
        tpu.enqueue_indirect_dma source(%dma_start3A_684 : memref<320000x16xf32, #tpu.memory_space<hbm>>) target(%dma_start3A_678 : memref<128x16xf32, #tpu.memory_space<vmem>>) offsets(%dma_start3A_681 : memref<128xi32, #tpu.memory_space<vmem>>) semaphore(%arg11 : memref<!tpu.dma_semaphore, #tpu.memory_space<semaphore_mem>>)
        %mul3A_685 = arith.constant 25 : i32
        %mul3A_686 = arith.muli %rem3A_522, %mul3A_685 : i32
        %add3A_687 = arith.constant 9 : i32
        %add3A_688 = arith.addi %mul3A_686, %add3A_687 : i32
        %mul3A_689 = arith.constant 200 : i32
        %mul3A_690 = arith.muli %sub3A_520, %mul3A_689 : i32
        %mul3A_691 = arith.constant 16 : i32
        %mul3A_692 = arith.muli %mul3A_690, %mul3A_691 : i32
        %add3A_693 = arith.constant 1152 : i32
        %add3A_694 = arith.addi %mul3A_692, %add3A_693 : i32
        %dma_start3A_695 = arith.constant 0 : i32
        %dma_start3A_696 = tpu.memref_slice %arg8[%add3A_694, %dma_start3A_695] : memref<6400x16xf32, #tpu.memory_space<vmem>> -> memref<128x16xf32, #tpu.memory_space<vmem>>
        %dma_start3A_697 = arith.constant 0 : i32
        %dma_start3A_698 = tpu.memref_slice %arg6[%add3A_688, %dma_start3A_697] : memref<75x128xi32, #tpu.memory_space<vmem>> -> memref<1x128xi32, #tpu.memory_space<vmem>>
        %dma_start3A_699 = tpu.memref_squeeze %dma_start3A_698 : memref<1x128xi32, #tpu.memory_space<vmem>> -> memref<128xi32, #tpu.memory_space<vmem>>
        %dma_start3A_700 = arith.constant 0 : i32
        %dma_start3A_701 = arith.constant 0 : i32
        %dma_start3A_702 = tpu.memref_slice %arg2[%dma_start3A_700, %dma_start3A_701] : memref<320000x16xf32, #tpu.memory_space<hbm>> -> memref<320000x16xf32, #tpu.memory_space<hbm>>
        tpu.enqueue_indirect_dma source(%dma_start3A_702 : memref<320000x16xf32, #tpu.memory_space<hbm>>) target(%dma_start3A_696 : memref<128x16xf32, #tpu.memory_space<vmem>>) offsets(%dma_start3A_699 : memref<128xi32, #tpu.memory_space<vmem>>) semaphore(%arg11 : memref<!tpu.dma_semaphore, #tpu.memory_space<semaphore_mem>>)
        %mul3A_703 = arith.constant 25 : i32
        %mul3A_704 = arith.muli %rem3A_522, %mul3A_703 : i32
        %add3A_705 = arith.constant 10 : i32
        %add3A_706 = arith.addi %mul3A_704, %add3A_705 : i32
        %mul3A_707 = arith.constant 200 : i32
        %mul3A_708 = arith.muli %sub3A_520, %mul3A_707 : i32
        %mul3A_709 = arith.constant 16 : i32
        %mul3A_710 = arith.muli %mul3A_708, %mul3A_709 : i32
        %add3A_711 = arith.constant 1280 : i32
        %add3A_712 = arith.addi %mul3A_710, %add3A_711 : i32
        %dma_start3A_713 = arith.constant 0 : i32
        %dma_start3A_714 = tpu.memref_slice %arg8[%add3A_712, %dma_start3A_713] : memref<6400x16xf32, #tpu.memory_space<vmem>> -> memref<128x16xf32, #tpu.memory_space<vmem>>
        %dma_start3A_715 = arith.constant 0 : i32
        %dma_start3A_716 = tpu.memref_slice %arg6[%add3A_706, %dma_start3A_715] : memref<75x128xi32, #tpu.memory_space<vmem>> -> memref<1x128xi32, #tpu.memory_space<vmem>>
        %dma_start3A_717 = tpu.memref_squeeze %dma_start3A_716 : memref<1x128xi32, #tpu.memory_space<vmem>> -> memref<128xi32, #tpu.memory_space<vmem>>
        %dma_start3A_718 = arith.constant 0 : i32
        %dma_start3A_719 = arith.constant 0 : i32
        %dma_start3A_720 = tpu.memref_slice %arg2[%dma_start3A_718, %dma_start3A_719] : memref<320000x16xf32, #tpu.memory_space<hbm>> -> memref<320000x16xf32, #tpu.memory_space<hbm>>
        tpu.enqueue_indirect_dma source(%dma_start3A_720 : memref<320000x16xf32, #tpu.memory_space<hbm>>) target(%dma_start3A_714 : memref<128x16xf32, #tpu.memory_space<vmem>>) offsets(%dma_start3A_717 : memref<128xi32, #tpu.memory_space<vmem>>) semaphore(%arg11 : memref<!tpu.dma_semaphore, #tpu.memory_space<semaphore_mem>>)
        %mul3A_721 = arith.constant 25 : i32
        %mul3A_722 = arith.muli %rem3A_522, %mul3A_721 : i32
        %add3A_723 = arith.constant 11 : i32
        %add3A_724 = arith.addi %mul3A_722, %add3A_723 : i32
        %mul3A_725 = arith.constant 200 : i32
        %mul3A_726 = arith.muli %sub3A_520, %mul3A_725 : i32
        %mul3A_727 = arith.constant 16 : i32
        %mul3A_728 = arith.muli %mul3A_726, %mul3A_727 : i32
        %add3A_729 = arith.constant 1408 : i32
        %add3A_730 = arith.addi %mul3A_728, %add3A_729 : i32
        %dma_start3A_731 = arith.constant 0 : i32
        %dma_start3A_732 = tpu.memref_slice %arg8[%add3A_730, %dma_start3A_731] : memref<6400x16xf32, #tpu.memory_space<vmem>> -> memref<128x16xf32, #tpu.memory_space<vmem>>
        %dma_start3A_733 = arith.constant 0 : i32
        %dma_start3A_734 = tpu.memref_slice %arg6[%add3A_724, %dma_start3A_733] : memref<75x128xi32, #tpu.memory_space<vmem>> -> memref<1x128xi32, #tpu.memory_space<vmem>>
        %dma_start3A_735 = tpu.memref_squeeze %dma_start3A_734 : memref<1x128xi32, #tpu.memory_space<vmem>> -> memref<128xi32, #tpu.memory_space<vmem>>
        %dma_start3A_736 = arith.constant 0 : i32
        %dma_start3A_737 = arith.constant 0 : i32
        %dma_start3A_738 = tpu.memref_slice %arg2[%dma_start3A_736, %dma_start3A_737] : memref<320000x16xf32, #tpu.memory_space<hbm>> -> memref<320000x16xf32, #tpu.memory_space<hbm>>
        tpu.enqueue_indirect_dma source(%dma_start3A_738 : memref<320000x16xf32, #tpu.memory_space<hbm>>) target(%dma_start3A_732 : memref<128x16xf32, #tpu.memory_space<vmem>>) offsets(%dma_start3A_735 : memref<128xi32, #tpu.memory_space<vmem>>) semaphore(%arg11 : memref<!tpu.dma_semaphore, #tpu.memory_space<semaphore_mem>>)
        %mul3A_739 = arith.constant 25 : i32
        %mul3A_740 = arith.muli %rem3A_522, %mul3A_739 : i32
        %add3A_741 = arith.constant 12 : i32
        %add3A_742 = arith.addi %mul3A_740, %add3A_741 : i32
        %mul3A_743 = arith.constant 200 : i32
        %mul3A_744 = arith.muli %sub3A_520, %mul3A_743 : i32
        %mul3A_745 = arith.constant 16 : i32
        %mul3A_746 = arith.muli %mul3A_744, %mul3A_745 : i32
        %add3A_747 = arith.constant 1536 : i32
        %add3A_748 = arith.addi %mul3A_746, %add3A_747 : i32
        %dma_start3A_749 = arith.constant 0 : i32
        %dma_start3A_750 = tpu.memref_slice %arg8[%add3A_748, %dma_start3A_749] : memref<6400x16xf32, #tpu.memory_space<vmem>> -> memref<128x16xf32, #tpu.memory_space<vmem>>
        %dma_start3A_751 = arith.constant 0 : i32
        %dma_start3A_752 = tpu.memref_slice %arg6[%add3A_742, %dma_start3A_751] : memref<75x128xi32, #tpu.memory_space<vmem>> -> memref<1x128xi32, #tpu.memory_space<vmem>>
        %dma_start3A_753 = tpu.memref_squeeze %dma_start3A_752 : memref<1x128xi32, #tpu.memory_space<vmem>> -> memref<128xi32, #tpu.memory_space<vmem>>
        %dma_start3A_754 = arith.constant 0 : i32
        %dma_start3A_755 = arith.constant 0 : i32
        %dma_start3A_756 = tpu.memref_slice %arg2[%dma_start3A_754, %dma_start3A_755] : memref<320000x16xf32, #tpu.memory_space<hbm>> -> memref<320000x16xf32, #tpu.memory_space<hbm>>
        tpu.enqueue_indirect_dma source(%dma_start3A_756 : memref<320000x16xf32, #tpu.memory_space<hbm>>) target(%dma_start3A_750 : memref<128x16xf32, #tpu.memory_space<vmem>>) offsets(%dma_start3A_753 : memref<128xi32, #tpu.memory_space<vmem>>) semaphore(%arg11 : memref<!tpu.dma_semaphore, #tpu.memory_space<semaphore_mem>>)
        %mul3A_757 = arith.constant 25 : i32
        %mul3A_758 = arith.muli %rem3A_522, %mul3A_757 : i32
        %add3A_759 = arith.constant 13 : i32
        %add3A_760 = arith.addi %mul3A_758, %add3A_759 : i32
        %mul3A_761 = arith.constant 200 : i32
        %mul3A_762 = arith.muli %sub3A_520, %mul3A_761 : i32
        %mul3A_763 = arith.constant 16 : i32
        %mul3A_764 = arith.muli %mul3A_762, %mul3A_763 : i32
        %add3A_765 = arith.constant 1664 : i32
        %add3A_766 = arith.addi %mul3A_764, %add3A_765 : i32
        %dma_start3A_767 = arith.constant 0 : i32
        %dma_start3A_768 = tpu.memref_slice %arg8[%add3A_766, %dma_start3A_767] : memref<6400x16xf32, #tpu.memory_space<vmem>> -> memref<128x16xf32, #tpu.memory_space<vmem>>
        %dma_start3A_769 = arith.constant 0 : i32
        %dma_start3A_770 = tpu.memref_slice %arg6[%add3A_760, %dma_start3A_769] : memref<75x128xi32, #tpu.memory_space<vmem>> -> memref<1x128xi32, #tpu.memory_space<vmem>>
        %dma_start3A_771 = tpu.memref_squeeze %dma_start3A_770 : memref<1x128xi32, #tpu.memory_space<vmem>> -> memref<128xi32, #tpu.memory_space<vmem>>
        %dma_start3A_772 = arith.constant 0 : i32
        %dma_start3A_773 = arith.constant 0 : i32
        %dma_start3A_774 = tpu.memref_slice %arg2[%dma_start3A_772, %dma_start3A_773] : memref<320000x16xf32, #tpu.memory_space<hbm>> -> memref<320000x16xf32, #tpu.memory_space<hbm>>
        tpu.enqueue_indirect_dma source(%dma_start3A_774 : memref<320000x16xf32, #tpu.memory_space<hbm>>) target(%dma_start3A_768 : memref<128x16xf32, #tpu.memory_space<vmem>>) offsets(%dma_start3A_771 : memref<128xi32, #tpu.memory_space<vmem>>) semaphore(%arg11 : memref<!tpu.dma_semaphore, #tpu.memory_space<semaphore_mem>>)
        %mul3A_775 = arith.constant 25 : i32
        %mul3A_776 = arith.muli %rem3A_522, %mul3A_775 : i32
        %add3A_777 = arith.constant 14 : i32
        %add3A_778 = arith.addi %mul3A_776, %add3A_777 : i32
        %mul3A_779 = arith.constant 200 : i32
        %mul3A_780 = arith.muli %sub3A_520, %mul3A_779 : i32
        %mul3A_781 = arith.constant 16 : i32
        %mul3A_782 = arith.muli %mul3A_780, %mul3A_781 : i32
        %add3A_783 = arith.constant 1792 : i32
        %add3A_784 = arith.addi %mul3A_782, %add3A_783 : i32
        %dma_start3A_785 = arith.constant 0 : i32
        %dma_start3A_786 = tpu.memref_slice %arg8[%add3A_784, %dma_start3A_785] : memref<6400x16xf32, #tpu.memory_space<vmem>> -> memref<128x16xf32, #tpu.memory_space<vmem>>
        %dma_start3A_787 = arith.constant 0 : i32
        %dma_start3A_788 = tpu.memref_slice %arg6[%add3A_778, %dma_start3A_787] : memref<75x128xi32, #tpu.memory_space<vmem>> -> memref<1x128xi32, #tpu.memory_space<vmem>>
        %dma_start3A_789 = tpu.memref_squeeze %dma_start3A_788 : memref<1x128xi32, #tpu.memory_space<vmem>> -> memref<128xi32, #tpu.memory_space<vmem>>
        %dma_start3A_790 = arith.constant 0 : i32
        %dma_start3A_791 = arith.constant 0 : i32
        %dma_start3A_792 = tpu.memref_slice %arg2[%dma_start3A_790, %dma_start3A_791] : memref<320000x16xf32, #tpu.memory_space<hbm>> -> memref<320000x16xf32, #tpu.memory_space<hbm>>
        tpu.enqueue_indirect_dma source(%dma_start3A_792 : memref<320000x16xf32, #tpu.memory_space<hbm>>) target(%dma_start3A_786 : memref<128x16xf32, #tpu.memory_space<vmem>>) offsets(%dma_start3A_789 : memref<128xi32, #tpu.memory_space<vmem>>) semaphore(%arg11 : memref<!tpu.dma_semaphore, #tpu.memory_space<semaphore_mem>>)
        %mul3A_793 = arith.constant 25 : i32
        %mul3A_794 = arith.muli %rem3A_522, %mul3A_793 : i32
        %add3A_795 = arith.constant 15 : i32
        %add3A_796 = arith.addi %mul3A_794, %add3A_795 : i32
        %mul3A_797 = arith.constant 200 : i32
        %mul3A_798 = arith.muli %sub3A_520, %mul3A_797 : i32
        %mul3A_799 = arith.constant 16 : i32
        %mul3A_800 = arith.muli %mul3A_798, %mul3A_799 : i32
        %add3A_801 = arith.constant 1920 : i32
        %add3A_802 = arith.addi %mul3A_800, %add3A_801 : i32
        %dma_start3A_803 = arith.constant 0 : i32
        %dma_start3A_804 = tpu.memref_slice %arg8[%add3A_802, %dma_start3A_803] : memref<6400x16xf32, #tpu.memory_space<vmem>> -> memref<128x16xf32, #tpu.memory_space<vmem>>
        %dma_start3A_805 = arith.constant 0 : i32
        %dma_start3A_806 = tpu.memref_slice %arg6[%add3A_796, %dma_start3A_805] : memref<75x128xi32, #tpu.memory_space<vmem>> -> memref<1x128xi32, #tpu.memory_space<vmem>>
        %dma_start3A_807 = tpu.memref_squeeze %dma_start3A_806 : memref<1x128xi32, #tpu.memory_space<vmem>> -> memref<128xi32, #tpu.memory_space<vmem>>
        %dma_start3A_808 = arith.constant 0 : i32
        %dma_start3A_809 = arith.constant 0 : i32
        %dma_start3A_810 = tpu.memref_slice %arg2[%dma_start3A_808, %dma_start3A_809] : memref<320000x16xf32, #tpu.memory_space<hbm>> -> memref<320000x16xf32, #tpu.memory_space<hbm>>
        tpu.enqueue_indirect_dma source(%dma_start3A_810 : memref<320000x16xf32, #tpu.memory_space<hbm>>) target(%dma_start3A_804 : memref<128x16xf32, #tpu.memory_space<vmem>>) offsets(%dma_start3A_807 : memref<128xi32, #tpu.memory_space<vmem>>) semaphore(%arg11 : memref<!tpu.dma_semaphore, #tpu.memory_space<semaphore_mem>>)
        %mul3A_811 = arith.constant 25 : i32
        %mul3A_812 = arith.muli %rem3A_522, %mul3A_811 : i32
        %add3A_813 = arith.constant 16 : i32
        %add3A_814 = arith.addi %mul3A_812, %add3A_813 : i32
        %mul3A_815 = arith.constant 200 : i32
        %mul3A_816 = arith.muli %sub3A_520, %mul3A_815 : i32
        %mul3A_817 = arith.constant 16 : i32
        %mul3A_818 = arith.muli %mul3A_816, %mul3A_817 : i32
        %add3A_819 = arith.constant 2048 : i32
        %add3A_820 = arith.addi %mul3A_818, %add3A_819 : i32
        %dma_start3A_821 = arith.constant 0 : i32
        %dma_start3A_822 = tpu.memref_slice %arg8[%add3A_820, %dma_start3A_821] : memref<6400x16xf32, #tpu.memory_space<vmem>> -> memref<128x16xf32, #tpu.memory_space<vmem>>
        %dma_start3A_823 = arith.constant 0 : i32
        %dma_start3A_824 = tpu.memref_slice %arg6[%add3A_814, %dma_start3A_823] : memref<75x128xi32, #tpu.memory_space<vmem>> -> memref<1x128xi32, #tpu.memory_space<vmem>>
        %dma_start3A_825 = tpu.memref_squeeze %dma_start3A_824 : memref<1x128xi32, #tpu.memory_space<vmem>> -> memref<128xi32, #tpu.memory_space<vmem>>
        %dma_start3A_826 = arith.constant 0 : i32
        %dma_start3A_827 = arith.constant 0 : i32
        %dma_start3A_828 = tpu.memref_slice %arg2[%dma_start3A_826, %dma_start3A_827] : memref<320000x16xf32, #tpu.memory_space<hbm>> -> memref<320000x16xf32, #tpu.memory_space<hbm>>
        tpu.enqueue_indirect_dma source(%dma_start3A_828 : memref<320000x16xf32, #tpu.memory_space<hbm>>) target(%dma_start3A_822 : memref<128x16xf32, #tpu.memory_space<vmem>>) offsets(%dma_start3A_825 : memref<128xi32, #tpu.memory_space<vmem>>) semaphore(%arg11 : memref<!tpu.dma_semaphore, #tpu.memory_space<semaphore_mem>>)
        %mul3A_829 = arith.constant 25 : i32
        %mul3A_830 = arith.muli %rem3A_522, %mul3A_829 : i32
        %add3A_831 = arith.constant 17 : i32
        %add3A_832 = arith.addi %mul3A_830, %add3A_831 : i32
        %mul3A_833 = arith.constant 200 : i32
        %mul3A_834 = arith.muli %sub3A_520, %mul3A_833 : i32
        %mul3A_835 = arith.constant 16 : i32
        %mul3A_836 = arith.muli %mul3A_834, %mul3A_835 : i32
        %add3A_837 = arith.constant 2176 : i32
        %add3A_838 = arith.addi %mul3A_836, %add3A_837 : i32
        %dma_start3A_839 = arith.constant 0 : i32
        %dma_start3A_840 = tpu.memref_slice %arg8[%add3A_838, %dma_start3A_839] : memref<6400x16xf32, #tpu.memory_space<vmem>> -> memref<128x16xf32, #tpu.memory_space<vmem>>
        %dma_start3A_841 = arith.constant 0 : i32
        %dma_start3A_842 = tpu.memref_slice %arg6[%add3A_832, %dma_start3A_841] : memref<75x128xi32, #tpu.memory_space<vmem>> -> memref<1x128xi32, #tpu.memory_space<vmem>>
        %dma_start3A_843 = tpu.memref_squeeze %dma_start3A_842 : memref<1x128xi32, #tpu.memory_space<vmem>> -> memref<128xi32, #tpu.memory_space<vmem>>
        %dma_start3A_844 = arith.constant 0 : i32
        %dma_start3A_845 = arith.constant 0 : i32
        %dma_start3A_846 = tpu.memref_slice %arg2[%dma_start3A_844, %dma_start3A_845] : memref<320000x16xf32, #tpu.memory_space<hbm>> -> memref<320000x16xf32, #tpu.memory_space<hbm>>
        tpu.enqueue_indirect_dma source(%dma_start3A_846 : memref<320000x16xf32, #tpu.memory_space<hbm>>) target(%dma_start3A_840 : memref<128x16xf32, #tpu.memory_space<vmem>>) offsets(%dma_start3A_843 : memref<128xi32, #tpu.memory_space<vmem>>) semaphore(%arg11 : memref<!tpu.dma_semaphore, #tpu.memory_space<semaphore_mem>>)
        %mul3A_847 = arith.constant 25 : i32
        %mul3A_848 = arith.muli %rem3A_522, %mul3A_847 : i32
        %add3A_849 = arith.constant 18 : i32
        %add3A_850 = arith.addi %mul3A_848, %add3A_849 : i32
        %mul3A_851 = arith.constant 200 : i32
        %mul3A_852 = arith.muli %sub3A_520, %mul3A_851 : i32
        %mul3A_853 = arith.constant 16 : i32
        %mul3A_854 = arith.muli %mul3A_852, %mul3A_853 : i32
        %add3A_855 = arith.constant 2304 : i32
        %add3A_856 = arith.addi %mul3A_854, %add3A_855 : i32
        %dma_start3A_857 = arith.constant 0 : i32
        %dma_start3A_858 = tpu.memref_slice %arg8[%add3A_856, %dma_start3A_857] : memref<6400x16xf32, #tpu.memory_space<vmem>> -> memref<128x16xf32, #tpu.memory_space<vmem>>
        %dma_start3A_859 = arith.constant 0 : i32
        %dma_start3A_860 = tpu.memref_slice %arg6[%add3A_850, %dma_start3A_859] : memref<75x128xi32, #tpu.memory_space<vmem>> -> memref<1x128xi32, #tpu.memory_space<vmem>>
        %dma_start3A_861 = tpu.memref_squeeze %dma_start3A_860 : memref<1x128xi32, #tpu.memory_space<vmem>> -> memref<128xi32, #tpu.memory_space<vmem>>
        %dma_start3A_862 = arith.constant 0 : i32
        %dma_start3A_863 = arith.constant 0 : i32
        %dma_start3A_864 = tpu.memref_slice %arg2[%dma_start3A_862, %dma_start3A_863] : memref<320000x16xf32, #tpu.memory_space<hbm>> -> memref<320000x16xf32, #tpu.memory_space<hbm>>
        tpu.enqueue_indirect_dma source(%dma_start3A_864 : memref<320000x16xf32, #tpu.memory_space<hbm>>) target(%dma_start3A_858 : memref<128x16xf32, #tpu.memory_space<vmem>>) offsets(%dma_start3A_861 : memref<128xi32, #tpu.memory_space<vmem>>) semaphore(%arg11 : memref<!tpu.dma_semaphore, #tpu.memory_space<semaphore_mem>>)
        %mul3A_865 = arith.constant 25 : i32
        %mul3A_866 = arith.muli %rem3A_522, %mul3A_865 : i32
        %add3A_867 = arith.constant 19 : i32
        %add3A_868 = arith.addi %mul3A_866, %add3A_867 : i32
        %mul3A_869 = arith.constant 200 : i32
        %mul3A_870 = arith.muli %sub3A_520, %mul3A_869 : i32
        %mul3A_871 = arith.constant 16 : i32
        %mul3A_872 = arith.muli %mul3A_870, %mul3A_871 : i32
        %add3A_873 = arith.constant 2432 : i32
        %add3A_874 = arith.addi %mul3A_872, %add3A_873 : i32
        %dma_start3A_875 = arith.constant 0 : i32
        %dma_start3A_876 = tpu.memref_slice %arg8[%add3A_874, %dma_start3A_875] : memref<6400x16xf32, #tpu.memory_space<vmem>> -> memref<128x16xf32, #tpu.memory_space<vmem>>
        %dma_start3A_877 = arith.constant 0 : i32
        %dma_start3A_878 = tpu.memref_slice %arg6[%add3A_868, %dma_start3A_877] : memref<75x128xi32, #tpu.memory_space<vmem>> -> memref<1x128xi32, #tpu.memory_space<vmem>>
        %dma_start3A_879 = tpu.memref_squeeze %dma_start3A_878 : memref<1x128xi32, #tpu.memory_space<vmem>> -> memref<128xi32, #tpu.memory_space<vmem>>
        %dma_start3A_880 = arith.constant 0 : i32
        %dma_start3A_881 = arith.constant 0 : i32
        %dma_start3A_882 = tpu.memref_slice %arg2[%dma_start3A_880, %dma_start3A_881] : memref<320000x16xf32, #tpu.memory_space<hbm>> -> memref<320000x16xf32, #tpu.memory_space<hbm>>
        tpu.enqueue_indirect_dma source(%dma_start3A_882 : memref<320000x16xf32, #tpu.memory_space<hbm>>) target(%dma_start3A_876 : memref<128x16xf32, #tpu.memory_space<vmem>>) offsets(%dma_start3A_879 : memref<128xi32, #tpu.memory_space<vmem>>) semaphore(%arg11 : memref<!tpu.dma_semaphore, #tpu.memory_space<semaphore_mem>>)
        %mul3A_883 = arith.constant 25 : i32
        %mul3A_884 = arith.muli %rem3A_522, %mul3A_883 : i32
        %add3A_885 = arith.constant 20 : i32
        %add3A_886 = arith.addi %mul3A_884, %add3A_885 : i32
        %mul3A_887 = arith.constant 200 : i32
        %mul3A_888 = arith.muli %sub3A_520, %mul3A_887 : i32
        %mul3A_889 = arith.constant 16 : i32
        %mul3A_890 = arith.muli %mul3A_888, %mul3A_889 : i32
        %add3A_891 = arith.constant 2560 : i32
        %add3A_892 = arith.addi %mul3A_890, %add3A_891 : i32
        %dma_start3A_893 = arith.constant 0 : i32
        %dma_start3A_894 = tpu.memref_slice %arg8[%add3A_892, %dma_start3A_893] : memref<6400x16xf32, #tpu.memory_space<vmem>> -> memref<128x16xf32, #tpu.memory_space<vmem>>
        %dma_start3A_895 = arith.constant 0 : i32
        %dma_start3A_896 = tpu.memref_slice %arg6[%add3A_886, %dma_start3A_895] : memref<75x128xi32, #tpu.memory_space<vmem>> -> memref<1x128xi32, #tpu.memory_space<vmem>>
        %dma_start3A_897 = tpu.memref_squeeze %dma_start3A_896 : memref<1x128xi32, #tpu.memory_space<vmem>> -> memref<128xi32, #tpu.memory_space<vmem>>
        %dma_start3A_898 = arith.constant 0 : i32
        %dma_start3A_899 = arith.constant 0 : i32
        %dma_start3A_900 = tpu.memref_slice %arg2[%dma_start3A_898, %dma_start3A_899] : memref<320000x16xf32, #tpu.memory_space<hbm>> -> memref<320000x16xf32, #tpu.memory_space<hbm>>
        tpu.enqueue_indirect_dma source(%dma_start3A_900 : memref<320000x16xf32, #tpu.memory_space<hbm>>) target(%dma_start3A_894 : memref<128x16xf32, #tpu.memory_space<vmem>>) offsets(%dma_start3A_897 : memref<128xi32, #tpu.memory_space<vmem>>) semaphore(%arg11 : memref<!tpu.dma_semaphore, #tpu.memory_space<semaphore_mem>>)
        %mul3A_901 = arith.constant 25 : i32
        %mul3A_902 = arith.muli %rem3A_522, %mul3A_901 : i32
        %add3A_903 = arith.constant 21 : i32
        %add3A_904 = arith.addi %mul3A_902, %add3A_903 : i32
        %mul3A_905 = arith.constant 200 : i32
        %mul3A_906 = arith.muli %sub3A_520, %mul3A_905 : i32
        %mul3A_907 = arith.constant 16 : i32
        %mul3A_908 = arith.muli %mul3A_906, %mul3A_907 : i32
        %add3A_909 = arith.constant 2688 : i32
        %add3A_910 = arith.addi %mul3A_908, %add3A_909 : i32
        %dma_start3A_911 = arith.constant 0 : i32
        %dma_start3A_912 = tpu.memref_slice %arg8[%add3A_910, %dma_start3A_911] : memref<6400x16xf32, #tpu.memory_space<vmem>> -> memref<128x16xf32, #tpu.memory_space<vmem>>
        %dma_start3A_913 = arith.constant 0 : i32
        %dma_start3A_914 = tpu.memref_slice %arg6[%add3A_904, %dma_start3A_913] : memref<75x128xi32, #tpu.memory_space<vmem>> -> memref<1x128xi32, #tpu.memory_space<vmem>>
        %dma_start3A_915 = tpu.memref_squeeze %dma_start3A_914 : memref<1x128xi32, #tpu.memory_space<vmem>> -> memref<128xi32, #tpu.memory_space<vmem>>
        %dma_start3A_916 = arith.constant 0 : i32
        %dma_start3A_917 = arith.constant 0 : i32
        %dma_start3A_918 = tpu.memref_slice %arg2[%dma_start3A_916, %dma_start3A_917] : memref<320000x16xf32, #tpu.memory_space<hbm>> -> memref<320000x16xf32, #tpu.memory_space<hbm>>
        tpu.enqueue_indirect_dma source(%dma_start3A_918 : memref<320000x16xf32, #tpu.memory_space<hbm>>) target(%dma_start3A_912 : memref<128x16xf32, #tpu.memory_space<vmem>>) offsets(%dma_start3A_915 : memref<128xi32, #tpu.memory_space<vmem>>) semaphore(%arg11 : memref<!tpu.dma_semaphore, #tpu.memory_space<semaphore_mem>>)
        %mul3A_919 = arith.constant 25 : i32
        %mul3A_920 = arith.muli %rem3A_522, %mul3A_919 : i32
        %add3A_921 = arith.constant 22 : i32
        %add3A_922 = arith.addi %mul3A_920, %add3A_921 : i32
        %mul3A_923 = arith.constant 200 : i32
        %mul3A_924 = arith.muli %sub3A_520, %mul3A_923 : i32
        %mul3A_925 = arith.constant 16 : i32
        %mul3A_926 = arith.muli %mul3A_924, %mul3A_925 : i32
        %add3A_927 = arith.constant 2816 : i32
        %add3A_928 = arith.addi %mul3A_926, %add3A_927 : i32
        %dma_start3A_929 = arith.constant 0 : i32
        %dma_start3A_930 = tpu.memref_slice %arg8[%add3A_928, %dma_start3A_929] : memref<6400x16xf32, #tpu.memory_space<vmem>> -> memref<128x16xf32, #tpu.memory_space<vmem>>
        %dma_start3A_931 = arith.constant 0 : i32
        %dma_start3A_932 = tpu.memref_slice %arg6[%add3A_922, %dma_start3A_931] : memref<75x128xi32, #tpu.memory_space<vmem>> -> memref<1x128xi32, #tpu.memory_space<vmem>>
        %dma_start3A_933 = tpu.memref_squeeze %dma_start3A_932 : memref<1x128xi32, #tpu.memory_space<vmem>> -> memref<128xi32, #tpu.memory_space<vmem>>
        %dma_start3A_934 = arith.constant 0 : i32
        %dma_start3A_935 = arith.constant 0 : i32
        %dma_start3A_936 = tpu.memref_slice %arg2[%dma_start3A_934, %dma_start3A_935] : memref<320000x16xf32, #tpu.memory_space<hbm>> -> memref<320000x16xf32, #tpu.memory_space<hbm>>
        tpu.enqueue_indirect_dma source(%dma_start3A_936 : memref<320000x16xf32, #tpu.memory_space<hbm>>) target(%dma_start3A_930 : memref<128x16xf32, #tpu.memory_space<vmem>>) offsets(%dma_start3A_933 : memref<128xi32, #tpu.memory_space<vmem>>) semaphore(%arg11 : memref<!tpu.dma_semaphore, #tpu.memory_space<semaphore_mem>>)
        %mul3A_937 = arith.constant 25 : i32
        %mul3A_938 = arith.muli %rem3A_522, %mul3A_937 : i32
        %add3A_939 = arith.constant 23 : i32
        %add3A_940 = arith.addi %mul3A_938, %add3A_939 : i32
        %mul3A_941 = arith.constant 200 : i32
        %mul3A_942 = arith.muli %sub3A_520, %mul3A_941 : i32
        %mul3A_943 = arith.constant 16 : i32
        %mul3A_944 = arith.muli %mul3A_942, %mul3A_943 : i32
        %add3A_945 = arith.constant 2944 : i32
        %add3A_946 = arith.addi %mul3A_944, %add3A_945 : i32
        %dma_start3A_947 = arith.constant 0 : i32
        %dma_start3A_948 = tpu.memref_slice %arg8[%add3A_946, %dma_start3A_947] : memref<6400x16xf32, #tpu.memory_space<vmem>> -> memref<128x16xf32, #tpu.memory_space<vmem>>
        %dma_start3A_949 = arith.constant 0 : i32
        %dma_start3A_950 = tpu.memref_slice %arg6[%add3A_940, %dma_start3A_949] : memref<75x128xi32, #tpu.memory_space<vmem>> -> memref<1x128xi32, #tpu.memory_space<vmem>>
        %dma_start3A_951 = tpu.memref_squeeze %dma_start3A_950 : memref<1x128xi32, #tpu.memory_space<vmem>> -> memref<128xi32, #tpu.memory_space<vmem>>
        %dma_start3A_952 = arith.constant 0 : i32
        %dma_start3A_953 = arith.constant 0 : i32
        %dma_start3A_954 = tpu.memref_slice %arg2[%dma_start3A_952, %dma_start3A_953] : memref<320000x16xf32, #tpu.memory_space<hbm>> -> memref<320000x16xf32, #tpu.memory_space<hbm>>
        tpu.enqueue_indirect_dma source(%dma_start3A_954 : memref<320000x16xf32, #tpu.memory_space<hbm>>) target(%dma_start3A_948 : memref<128x16xf32, #tpu.memory_space<vmem>>) offsets(%dma_start3A_951 : memref<128xi32, #tpu.memory_space<vmem>>) semaphore(%arg11 : memref<!tpu.dma_semaphore, #tpu.memory_space<semaphore_mem>>)
        %mul3A_955 = arith.constant 25 : i32
        %mul3A_956 = arith.muli %rem3A_522, %mul3A_955 : i32
        %add3A_957 = arith.constant 24 : i32
        %add3A_958 = arith.addi %mul3A_956, %add3A_957 : i32
        %mul3A_959 = arith.constant 200 : i32
        %mul3A_960 = arith.muli %sub3A_520, %mul3A_959 : i32
        %mul3A_961 = arith.constant 16 : i32
        %mul3A_962 = arith.muli %mul3A_960, %mul3A_961 : i32
        %add3A_963 = arith.constant 3072 : i32
        %add3A_964 = arith.addi %mul3A_962, %add3A_963 : i32
        %dma_start3A_965 = arith.constant 0 : i32
        %dma_start3A_966 = tpu.memref_slice %arg8[%add3A_964, %dma_start3A_965] : memref<6400x16xf32, #tpu.memory_space<vmem>> -> memref<128x16xf32, #tpu.memory_space<vmem>>
        %dma_start3A_967 = arith.constant 0 : i32
        %dma_start3A_968 = tpu.memref_slice %arg6[%add3A_958, %dma_start3A_967] : memref<75x128xi32, #tpu.memory_space<vmem>> -> memref<1x128xi32, #tpu.memory_space<vmem>>
        %dma_start3A_969 = tpu.memref_squeeze %dma_start3A_968 : memref<1x128xi32, #tpu.memory_space<vmem>> -> memref<128xi32, #tpu.memory_space<vmem>>
        %dma_start3A_970 = arith.constant 0 : i32
        %dma_start3A_971 = arith.constant 0 : i32
        %dma_start3A_972 = tpu.memref_slice %arg2[%dma_start3A_970, %dma_start3A_971] : memref<320000x16xf32, #tpu.memory_space<hbm>> -> memref<320000x16xf32, #tpu.memory_space<hbm>>
        tpu.enqueue_indirect_dma source(%dma_start3A_972 : memref<320000x16xf32, #tpu.memory_space<hbm>>) target(%dma_start3A_966 : memref<128x16xf32, #tpu.memory_space<vmem>>) offsets(%dma_start3A_969 : memref<128xi32, #tpu.memory_space<vmem>>) semaphore(%arg11 : memref<!tpu.dma_semaphore, #tpu.memory_space<semaphore_mem>>)
      } else {
      }
      %add3A_444 = arith.constant 2 : i32
      %add3A_445 = arith.addi %scan3A_437, %add3A_444 : i32
      %lt3A_446 = arith.constant 10 : i32
      %lt3A_447 = arith.cmpi slt, %add3A_445, %lt3A_446 : i32
      %convert_element_type3A_448 = arith.extui %lt3A_447 : i1 to i32
      %cond3A_449 = arith.constant 0 : i32
      %cond3A_450 = arith.cmpi ne, %convert_element_type3A_448, %cond3A_449 : i32
      scf.if %cond3A_450 {
        %add3A_494 = arith.constant 2 : i32
        %add3A_495 = arith.addi %scan3A_437, %add3A_494 : i32
        %rem3A_496 = arith.constant 3 : i32
        %rem3A_497 = arith.remsi %add3A_495, %rem3A_496 : i32
        %mul3A_498 = arith.constant 25 : i32
        %mul3A_499 = arith.muli %add3A_495, %mul3A_498 : i32
        %add3A_500 = arith.addi %mul3A_4, %mul3A_499 : i32
        %mul3A_501 = arith.constant 25 : i32
        %mul3A_502 = arith.muli %rem3A_497, %mul3A_501 : i32
        %dma_start3A_503 = arith.constant 0 : i32
        %dma_start3A_504 = tpu.memref_slice %arg6[%mul3A_502, %dma_start3A_503] : memref<75x128xi32, #tpu.memory_space<vmem>> -> memref<25x128xi32, #tpu.memory_space<vmem>>
        %dma_start3A_505 = arith.constant 0 : i32
        %dma_start3A_506 = tpu.memref_slice %arg3[%add3A_500, %dma_start3A_505] : memref<8000x128xi32, #tpu.memory_space<hbm>> -> memref<25x128xi32, #tpu.memory_space<hbm>>
        %dma_start3A_507 = arith.constant 0 : i32
        %dma_start3A_508 = tpu.memref_slice %arg6[%mul3A_502, %dma_start3A_507] : memref<75x128xi32, #tpu.memory_space<vmem>> -> memref<25x128xi32, #tpu.memory_space<vmem>>
        %dma_start3A_509 = arith.constant 0 : i32
        %dma_start3A_510 = tpu.memref_slice %arg3[%add3A_500, %dma_start3A_509] : memref<8000x128xi32, #tpu.memory_space<hbm>> -> memref<25x128xi32, #tpu.memory_space<hbm>>
        tpu.enqueue_dma source(%dma_start3A_510 : memref<25x128xi32, #tpu.memory_space<hbm>>) target(%dma_start3A_508 : memref<25x128xi32, #tpu.memory_space<vmem>>) target_semaphore(%arg10 : memref<!tpu.dma_semaphore, #tpu.memory_space<semaphore_mem>>)
        %mul3A_511 = arith.constant 200 : i32
        %mul3A_512 = arith.muli %add3A_495, %mul3A_511 : i32
        %add3A_513 = arith.addi %mul3A_2, %mul3A_512 : i32
        %mul3A_514 = arith.constant 200 : i32
        %mul3A_515 = arith.muli %rem3A_497, %mul3A_514 : i32
        %dma_start3A_516 = arith.constant 0 : i32
        %dma_start3A_517 = tpu.memref_slice %arg7[%mul3A_515, %dma_start3A_516] : memref<600x16xf32, #tpu.memory_space<vmem>> -> memref<200x16xf32, #tpu.memory_space<vmem>>
        %dma_start3A_518 = arith.constant 0 : i32
        %dma_start3A_519 = tpu.memref_slice %arg4[%add3A_513, %dma_start3A_518] : memref<64000x16xf32, #tpu.memory_space<hbm>> -> memref<200x16xf32, #tpu.memory_space<hbm>>
        %dma_start3A_520 = arith.constant 0 : i32
        %dma_start3A_521 = tpu.memref_slice %arg7[%mul3A_515, %dma_start3A_520] : memref<600x16xf32, #tpu.memory_space<vmem>> -> memref<200x16xf32, #tpu.memory_space<vmem>>
        %dma_start3A_522 = arith.constant 0 : i32
        %dma_start3A_523 = tpu.memref_slice %arg4[%add3A_513, %dma_start3A_522] : memref<64000x16xf32, #tpu.memory_space<hbm>> -> memref<200x16xf32, #tpu.memory_space<hbm>>
        tpu.enqueue_dma source(%dma_start3A_523 : memref<200x16xf32, #tpu.memory_space<hbm>>) target(%dma_start3A_521 : memref<200x16xf32, #tpu.memory_space<vmem>>) target_semaphore(%arg10 : memref<!tpu.dma_semaphore, #tpu.memory_space<semaphore_mem>>)
      } else {
      }
      %ge3A = arith.constant 2 : i32
      %ge3A_451 = arith.cmpi sge, %scan3A_437, %ge3A : i32
      %convert_element_type3A_452 = arith.extui %ge3A_451 : i1 to i32
      %cond3A_453 = arith.constant 0 : i32
      %cond3A_454 = arith.cmpi ne, %convert_element_type3A_452, %cond3A_453 : i32
      scf.if %cond3A_454 {
        %dma_wait3A_494 = arith.constant 0 : i32
        %dma_wait3A_495 = arith.constant 0 : i32
        %dma_wait3A_496 = tpu.memref_slice %arg9[%dma_wait3A_494, %dma_wait3A_495] : memref<400x16xf32, #tpu.memory_space<vmem>> -> memref<200x16xf32, #tpu.memory_space<vmem>>
        %dma_wait3A_497 = arith.constant 0 : i32
        %dma_wait3A_498 = arith.constant 0 : i32
        %dma_wait3A_499 = tpu.memref_slice %arg5[%dma_wait3A_497, %dma_wait3A_498] : memref<64000x16xf32, #tpu.memory_space<hbm>> -> memref<200x16xf32, #tpu.memory_space<hbm>>
        %dma_wait3A_500 = arith.constant 0 : i32
        %dma_wait3A_501 = arith.constant 0 : i32
        %dma_wait3A_502 = tpu.memref_slice %arg5[%dma_wait3A_500, %dma_wait3A_501] : memref<64000x16xf32, #tpu.memory_space<hbm>> -> memref<200x16xf32, #tpu.memory_space<hbm>>
        %dma_wait3A_503 = arith.constant 0 : i32
        %dma_wait3A_504 = arith.constant 0 : i32
        %dma_wait3A_505 = tpu.memref_slice %arg9[%dma_wait3A_503, %dma_wait3A_504] : memref<400x16xf32, #tpu.memory_space<vmem>> -> memref<200x16xf32, #tpu.memory_space<vmem>>
        tpu.wait_dma2 semaphore(%arg12 : memref<!tpu.dma_semaphore, #tpu.memory_space<semaphore_mem>>) src(%dma_wait3A_505 : memref<200x16xf32, #tpu.memory_space<vmem>>) dst(%dma_wait3A_502 : memref<200x16xf32, #tpu.memory_space<hbm>>)
      } else {
      }
      %dma_wait3A_455 = arith.constant 0 : i32
      %dma_wait3A_456 = arith.constant 0 : i32
      %dma_wait3A_457 = tpu.memref_slice %arg8[%dma_wait3A_455, %dma_wait3A_456] : memref<6400x16xf32, #tpu.memory_space<vmem>> -> memref<3200x16xf32, #tpu.memory_space<vmem>>
      %dma_wait3A_458 = arith.constant 0 : i32
      %dma_wait3A_459 = arith.constant 0 : i32
      %dma_wait3A_460 = tpu.memref_slice %arg2[%dma_wait3A_458, %dma_wait3A_459] : memref<320000x16xf32, #tpu.memory_space<hbm>> -> memref<3200x16xf32, #tpu.memory_space<hbm>>
      %dma_wait3A_461 = arith.constant 0 : i32
      %dma_wait3A_462 = arith.constant 0 : i32
      %dma_wait3A_463 = tpu.memref_slice %arg8[%dma_wait3A_461, %dma_wait3A_462] : memref<6400x16xf32, #tpu.memory_space<vmem>> -> memref<3200x16xf32, #tpu.memory_space<vmem>>
      %dma_wait3A_464 = arith.constant 0 : i32
      %dma_wait3A_465 = arith.constant 0 : i32
      %dma_wait3A_466 = tpu.memref_slice %arg2[%dma_wait3A_464, %dma_wait3A_465] : memref<320000x16xf32, #tpu.memory_space<hbm>> -> memref<3200x16xf32, #tpu.memory_space<hbm>>
      tpu.wait_dma2 semaphore(%arg11 : memref<!tpu.dma_semaphore, #tpu.memory_space<semaphore_mem>>) src(%dma_wait3A_466 : memref<3200x16xf32, #tpu.memory_space<hbm>>) dst(%dma_wait3A_463 : memref<3200x16xf32, #tpu.memory_space<vmem>>)
      %mul3A_467 = arith.constant 200 : i32
      %mul3A_468 = arith.muli %rem3A_439, %mul3A_467 : i32
      %mul3A_469 = arith.constant 16 : i32
      %mul3A_470 = arith.muli %mul3A_468, %mul3A_469 : i32
      %rem3A_471 = arith.constant 3 : i32
      %rem3A_472 = arith.remsi %scan3A_437, %rem3A_471 : i32
      %mul3A_473 = arith.constant 200 : i32
      %mul3A_474 = arith.muli %rem3A_472, %mul3A_473 : i32
      %mul3A_475 = arith.constant 200 : i32
      %mul3A_476 = arith.muli %rem3A_439, %mul3A_475 : i32
      %scan3A_477 = arith.constant 0 : i32
      %scan3A_478 = arith.constant 0 : i32
      %scan3A_479 = arith.constant 100 : i32
      %scan3A_480 = arith.addi %scan3A_478, %scan3A_479 : i32
      %scan3A_481 = arith.constant 1 : i32
      scf.for %scan3A_494 = %scan3A_478 to %scan3A_480 step %scan3A_481  : i32 {
        %mul3A_495 = arith.constant 2 : i32
        %mul3A_496 = arith.muli %mul3A_495, %scan3A_494 : i32
        %mul3A_497 = arith.constant 16 : i32
        %mul3A_498 = arith.muli %mul3A_496, %mul3A_497 : i32
        %add3A_499 = arith.addi %mul3A_470, %mul3A_498 : i32
        %add3A_500 = arith.addi %mul3A_474, %mul3A_496 : i32
        %get3A = arith.index_cast %add3A_500 : i32 to index
        %get3A_501 = arith.constant 0 : index
        %get3A_502 = tpu.vector_load %arg7[%get3A, %get3A_501] {strides = array<i32>} : memref<600x16xf32, #tpu.memory_space<vmem>>, vector<1x16xf32>,
        %get3A_503 = vector.shape_cast %get3A_502 : vector<1x16xf32> to vector<16xf32>
        %add3A_504 = arith.addi %mul3A_474, %mul3A_496 : i32
        %add3A_505 = arith.constant 1 : i32
        %add3A_506 = arith.addi %add3A_504, %add3A_505 : i32
        %get3A_507 = arith.index_cast %add3A_506 : i32 to index
        %get3A_508 = arith.constant 0 : index
        %get3A_509 = tpu.vector_load %arg7[%get3A_507, %get3A_508] {strides = array<i32>} : memref<600x16xf32, #tpu.memory_space<vmem>>, vector<1x16xf32>,
        %get3A_510 = vector.shape_cast %get3A_509 : vector<1x16xf32> to vector<16xf32>
        %add3A_511 = arith.constant 0 : i32
        %add3A_512 = arith.addi %add3A_499, %add3A_511 : i32
        %get3A_513 = arith.index_cast %add3A_512 : i32 to index
        %get3A_514 = arith.constant 0 : index
        %get3A_515 = tpu.vector_load %arg8[%get3A_513, %get3A_514] {strides = array<i32>} : memref<6400x16xf32, #tpu.memory_space<vmem>>, vector<1x16xf32>,
        %get3A_516 = vector.shape_cast %get3A_515 : vector<1x16xf32> to vector<16xf32>
        %slice3A = vector.extract_strided_slice %get3A_503 {offsets = [0], sizes = [1], strides = [1]} : vector<16xf32> to vector<1xf32>
        %squeeze3A = vector.extract %slice3A[0] : f32 from vector<1xf32>
        %mul3A_517 = vector.broadcast %squeeze3A : f32 to vector<16xf32>
        %mul3A_518 = arith.mulf %get3A_516, %mul3A_517 : vector<16xf32>
        %add3A_519 = arith.constant 1 : i32
        %add3A_520 = arith.addi %add3A_499, %add3A_519 : i32
        %get3A_521 = arith.index_cast %add3A_520 : i32 to index
        %get3A_522 = arith.constant 0 : index
        %get3A_523 = tpu.vector_load %arg8[%get3A_521, %get3A_522] {strides = array<i32>} : memref<6400x16xf32, #tpu.memory_space<vmem>>, vector<1x16xf32>,
        %get3A_524 = vector.shape_cast %get3A_523 : vector<1x16xf32> to vector<16xf32>
        %slice3A_525 = vector.extract_strided_slice %get3A_503 {offsets = [1], sizes = [1], strides = [1]} : vector<16xf32> to vector<1xf32>
        %squeeze3A_526 = vector.extract %slice3A_525[0] : f32 from vector<1xf32>
        %mul3A_527 = vector.broadcast %squeeze3A_526 : f32 to vector<16xf32>
        %mul3A_528 = arith.mulf %get3A_524, %mul3A_527 : vector<16xf32>
        %add3A_529 = arith.constant 2 : i32
        %add3A_530 = arith.addi %add3A_499, %add3A_529 : i32
        %get3A_531 = arith.index_cast %add3A_530 : i32 to index
        %get3A_532 = arith.constant 0 : index
        %get3A_533 = tpu.vector_load %arg8[%get3A_531, %get3A_532] {strides = array<i32>} : memref<6400x16xf32, #tpu.memory_space<vmem>>, vector<1x16xf32>,
        %get3A_534 = vector.shape_cast %get3A_533 : vector<1x16xf32> to vector<16xf32>
        %slice3A_535 = vector.extract_strided_slice %get3A_503 {offsets = [2], sizes = [1], strides = [1]} : vector<16xf32> to vector<1xf32>
        %squeeze3A_536 = vector.extract %slice3A_535[0] : f32 from vector<1xf32>
        %mul3A_537 = vector.broadcast %squeeze3A_536 : f32 to vector<16xf32>
        %mul3A_538 = arith.mulf %get3A_534, %mul3A_537 : vector<16xf32>
        %add3A_539 = arith.constant 3 : i32
        %add3A_540 = arith.addi %add3A_499, %add3A_539 : i32
        %get3A_541 = arith.index_cast %add3A_540 : i32 to index
        %get3A_542 = arith.constant 0 : index
        %get3A_543 = tpu.vector_load %arg8[%get3A_541, %get3A_542] {strides = array<i32>} : memref<6400x16xf32, #tpu.memory_space<vmem>>, vector<1x16xf32>,
        %get3A_544 = vector.shape_cast %get3A_543 : vector<1x16xf32> to vector<16xf32>
        %slice3A_545 = vector.extract_strided_slice %get3A_503 {offsets = [3], sizes = [1], strides = [1]} : vector<16xf32> to vector<1xf32>
        %squeeze3A_546 = vector.extract %slice3A_545[0] : f32 from vector<1xf32>
        %mul3A_547 = vector.broadcast %squeeze3A_546 : f32 to vector<16xf32>
        %mul3A_548 = arith.mulf %get3A_544, %mul3A_547 : vector<16xf32>
        %add3A_549 = arith.constant 16 : i32
        %add3A_550 = arith.addi %add3A_499, %add3A_549 : i32
        %get3A_551 = arith.index_cast %add3A_550 : i32 to index
        %get3A_552 = arith.constant 0 : index
        %get3A_553 = tpu.vector_load %arg8[%get3A_551, %get3A_552] {strides = array<i32>} : memref<6400x16xf32, #tpu.memory_space<vmem>>, vector<1x16xf32>,
        %get3A_554 = vector.shape_cast %get3A_553 : vector<1x16xf32> to vector<16xf32>
        %slice3A_555 = vector.extract_strided_slice %get3A_510 {offsets = [0], sizes = [1], strides = [1]} : vector<16xf32> to vector<1xf32>
        %squeeze3A_556 = vector.extract %slice3A_555[0] : f32 from vector<1xf32>
        %mul3A_557 = vector.broadcast %squeeze3A_556 : f32 to vector<16xf32>
        %mul3A_558 = arith.mulf %get3A_554, %mul3A_557 : vector<16xf32>
        %add3A_559 = arith.constant 17 : i32
        %add3A_560 = arith.addi %add3A_499, %add3A_559 : i32
        %get3A_561 = arith.index_cast %add3A_560 : i32 to index
        %get3A_562 = arith.constant 0 : index
        %get3A_563 = tpu.vector_load %arg8[%get3A_561, %get3A_562] {strides = array<i32>} : memref<6400x16xf32, #tpu.memory_space<vmem>>, vector<1x16xf32>,
        %get3A_564 = vector.shape_cast %get3A_563 : vector<1x16xf32> to vector<16xf32>
        %slice3A_565 = vector.extract_strided_slice %get3A_510 {offsets = [1], sizes = [1], strides = [1]} : vector<16xf32> to vector<1xf32>
        %squeeze3A_566 = vector.extract %slice3A_565[0] : f32 from vector<1xf32>
        %mul3A_567 = vector.broadcast %squeeze3A_566 : f32 to vector<16xf32>
        %mul3A_568 = arith.mulf %get3A_564, %mul3A_567 : vector<16xf32>
        %add3A_569 = arith.constant 18 : i32
        %add3A_570 = arith.addi %add3A_499, %add3A_569 : i32
        %get3A_571 = arith.index_cast %add3A_570 : i32 to index
        %get3A_572 = arith.constant 0 : index
        %get3A_573 = tpu.vector_load %arg8[%get3A_571, %get3A_572] {strides = array<i32>} : memref<6400x16xf32, #tpu.memory_space<vmem>>, vector<1x16xf32>,
        %get3A_574 = vector.shape_cast %get3A_573 : vector<1x16xf32> to vector<16xf32>
        %slice3A_575 = vector.extract_strided_slice %get3A_510 {offsets = [2], sizes = [1], strides = [1]} : vector<16xf32> to vector<1xf32>
        %squeeze3A_576 = vector.extract %slice3A_575[0] : f32 from vector<1xf32>
        %mul3A_577 = vector.broadcast %squeeze3A_576 : f32 to vector<16xf32>
        %mul3A_578 = arith.mulf %get3A_574, %mul3A_577 : vector<16xf32>
        %add3A_579 = arith.constant 19 : i32
        %add3A_580 = arith.addi %add3A_499, %add3A_579 : i32
        %get3A_581 = arith.index_cast %add3A_580 : i32 to index
        %get3A_582 = arith.constant 0 : index
        %get3A_583 = tpu.vector_load %arg8[%get3A_581, %get3A_582] {strides = array<i32>} : memref<6400x16xf32, #tpu.memory_space<vmem>>, vector<1x16xf32>,
        %get3A_584 = vector.shape_cast %get3A_583 : vector<1x16xf32> to vector<16xf32>
        %slice3A_585 = vector.extract_strided_slice %get3A_510 {offsets = [3], sizes = [1], strides = [1]} : vector<16xf32> to vector<1xf32>
        %squeeze3A_586 = vector.extract %slice3A_585[0] : f32 from vector<1xf32>
        %mul3A_587 = vector.broadcast %squeeze3A_586 : f32 to vector<16xf32>
        %mul3A_588 = arith.mulf %get3A_584, %mul3A_587 : vector<16xf32>
        %add3A_589 = arith.constant 4 : i32
        %add3A_590 = arith.addi %add3A_499, %add3A_589 : i32
        %get3A_591 = arith.index_cast %add3A_590 : i32 to index
        %get3A_592 = arith.constant 0 : index
        %get3A_593 = tpu.vector_load %arg8[%get3A_591, %get3A_592] {strides = array<i32>} : memref<6400x16xf32, #tpu.memory_space<vmem>>, vector<1x16xf32>,
        %get3A_594 = vector.shape_cast %get3A_593 : vector<1x16xf32> to vector<16xf32>
        %slice3A_595 = vector.extract_strided_slice %get3A_503 {offsets = [4], sizes = [1], strides = [1]} : vector<16xf32> to vector<1xf32>
        %squeeze3A_596 = vector.extract %slice3A_595[0] : f32 from vector<1xf32>
        %mul3A_597 = vector.broadcast %squeeze3A_596 : f32 to vector<16xf32>
        %mul3A_598 = arith.mulf %get3A_594, %mul3A_597 : vector<16xf32>
        %add3A_599 = arith.addf %mul3A_518, %mul3A_598 : vector<16xf32>
        %add3A_600 = arith.constant 4 : i32
        %add3A_601 = arith.addi %add3A_499, %add3A_600 : i32
        %add3A_602 = arith.constant 1 : i32
        %add3A_603 = arith.addi %add3A_601, %add3A_602 : i32
        %get3A_604 = arith.index_cast %add3A_603 : i32 to index
        %get3A_605 = arith.constant 0 : index
        %get3A_606 = tpu.vector_load %arg8[%get3A_604, %get3A_605] {strides = array<i32>} : memref<6400x16xf32, #tpu.memory_space<vmem>>, vector<1x16xf32>,
        %get3A_607 = vector.shape_cast %get3A_606 : vector<1x16xf32> to vector<16xf32>
        %slice3A_608 = vector.extract_strided_slice %get3A_503 {offsets = [5], sizes = [1], strides = [1]} : vector<16xf32> to vector<1xf32>
        %squeeze3A_609 = vector.extract %slice3A_608[0] : f32 from vector<1xf32>
        %mul3A_610 = vector.broadcast %squeeze3A_609 : f32 to vector<16xf32>
        %mul3A_611 = arith.mulf %get3A_607, %mul3A_610 : vector<16xf32>
        %add3A_612 = arith.addf %mul3A_528, %mul3A_611 : vector<16xf32>
        %add3A_613 = arith.constant 4 : i32
        %add3A_614 = arith.addi %add3A_499, %add3A_613 : i32
        %add3A_615 = arith.constant 2 : i32
        %add3A_616 = arith.addi %add3A_614, %add3A_615 : i32
        %get3A_617 = arith.index_cast %add3A_616 : i32 to index
        %get3A_618 = arith.constant 0 : index
        %get3A_619 = tpu.vector_load %arg8[%get3A_617, %get3A_618] {strides = array<i32>} : memref<6400x16xf32, #tpu.memory_space<vmem>>, vector<1x16xf32>,
        %get3A_620 = vector.shape_cast %get3A_619 : vector<1x16xf32> to vector<16xf32>
        %slice3A_621 = vector.extract_strided_slice %get3A_503 {offsets = [6], sizes = [1], strides = [1]} : vector<16xf32> to vector<1xf32>
        %squeeze3A_622 = vector.extract %slice3A_621[0] : f32 from vector<1xf32>
        %mul3A_623 = vector.broadcast %squeeze3A_622 : f32 to vector<16xf32>
        %mul3A_624 = arith.mulf %get3A_620, %mul3A_623 : vector<16xf32>
        %add3A_625 = arith.addf %mul3A_538, %mul3A_624 : vector<16xf32>
        %add3A_626 = arith.constant 4 : i32
        %add3A_627 = arith.addi %add3A_499, %add3A_626 : i32
        %add3A_628 = arith.constant 3 : i32
        %add3A_629 = arith.addi %add3A_627, %add3A_628 : i32
        %get3A_630 = arith.index_cast %add3A_629 : i32 to index
        %get3A_631 = arith.constant 0 : index
        %get3A_632 = tpu.vector_load %arg8[%get3A_630, %get3A_631] {strides = array<i32>} : memref<6400x16xf32, #tpu.memory_space<vmem>>, vector<1x16xf32>,
        %get3A_633 = vector.shape_cast %get3A_632 : vector<1x16xf32> to vector<16xf32>
        %slice3A_634 = vector.extract_strided_slice %get3A_503 {offsets = [7], sizes = [1], strides = [1]} : vector<16xf32> to vector<1xf32>
        %squeeze3A_635 = vector.extract %slice3A_634[0] : f32 from vector<1xf32>
        %mul3A_636 = vector.broadcast %squeeze3A_635 : f32 to vector<16xf32>
        %mul3A_637 = arith.mulf %get3A_633, %mul3A_636 : vector<16xf32>
        %add3A_638 = arith.addf %mul3A_548, %mul3A_637 : vector<16xf32>
        %add3A_639 = arith.constant 16 : i32
        %add3A_640 = arith.addi %add3A_499, %add3A_639 : i32
        %add3A_641 = arith.constant 4 : i32
        %add3A_642 = arith.addi %add3A_640, %add3A_641 : i32
        %get3A_643 = arith.index_cast %add3A_642 : i32 to index
        %get3A_644 = arith.constant 0 : index
        %get3A_645 = tpu.vector_load %arg8[%get3A_643, %get3A_644] {strides = array<i32>} : memref<6400x16xf32, #tpu.memory_space<vmem>>, vector<1x16xf32>,
        %get3A_646 = vector.shape_cast %get3A_645 : vector<1x16xf32> to vector<16xf32>
        %slice3A_647 = vector.extract_strided_slice %get3A_510 {offsets = [4], sizes = [1], strides = [1]} : vector<16xf32> to vector<1xf32>
        %squeeze3A_648 = vector.extract %slice3A_647[0] : f32 from vector<1xf32>
        %mul3A_649 = vector.broadcast %squeeze3A_648 : f32 to vector<16xf32>
        %mul3A_650 = arith.mulf %get3A_646, %mul3A_649 : vector<16xf32>
        %add3A_651 = arith.addf %mul3A_558, %mul3A_650 : vector<16xf32>
        %add3A_652 = arith.constant 17 : i32
        %add3A_653 = arith.addi %add3A_499, %add3A_652 : i32
        %add3A_654 = arith.constant 4 : i32
        %add3A_655 = arith.addi %add3A_653, %add3A_654 : i32
        %get3A_656 = arith.index_cast %add3A_655 : i32 to index
        %get3A_657 = arith.constant 0 : index
        %get3A_658 = tpu.vector_load %arg8[%get3A_656, %get3A_657] {strides = array<i32>} : memref<6400x16xf32, #tpu.memory_space<vmem>>, vector<1x16xf32>,
        %get3A_659 = vector.shape_cast %get3A_658 : vector<1x16xf32> to vector<16xf32>
        %slice3A_660 = vector.extract_strided_slice %get3A_510 {offsets = [5], sizes = [1], strides = [1]} : vector<16xf32> to vector<1xf32>
        %squeeze3A_661 = vector.extract %slice3A_660[0] : f32 from vector<1xf32>
        %mul3A_662 = vector.broadcast %squeeze3A_661 : f32 to vector<16xf32>
        %mul3A_663 = arith.mulf %get3A_659, %mul3A_662 : vector<16xf32>
        %add3A_664 = arith.addf %mul3A_568, %mul3A_663 : vector<16xf32>
        %add3A_665 = arith.constant 18 : i32
        %add3A_666 = arith.addi %add3A_499, %add3A_665 : i32
        %add3A_667 = arith.constant 4 : i32
        %add3A_668 = arith.addi %add3A_666, %add3A_667 : i32
        %get3A_669 = arith.index_cast %add3A_668 : i32 to index
        %get3A_670 = arith.constant 0 : index
        %get3A_671 = tpu.vector_load %arg8[%get3A_669, %get3A_670] {strides = array<i32>} : memref<6400x16xf32, #tpu.memory_space<vmem>>, vector<1x16xf32>,
        %get3A_672 = vector.shape_cast %get3A_671 : vector<1x16xf32> to vector<16xf32>
        %slice3A_673 = vector.extract_strided_slice %get3A_510 {offsets = [6], sizes = [1], strides = [1]} : vector<16xf32> to vector<1xf32>
        %squeeze3A_674 = vector.extract %slice3A_673[0] : f32 from vector<1xf32>
        %mul3A_675 = vector.broadcast %squeeze3A_674 : f32 to vector<16xf32>
        %mul3A_676 = arith.mulf %get3A_672, %mul3A_675 : vector<16xf32>
        %add3A_677 = arith.addf %mul3A_578, %mul3A_676 : vector<16xf32>
        %add3A_678 = arith.constant 19 : i32
        %add3A_679 = arith.addi %add3A_499, %add3A_678 : i32
        %add3A_680 = arith.constant 4 : i32
        %add3A_681 = arith.addi %add3A_679, %add3A_680 : i32
        %get3A_682 = arith.index_cast %add3A_681 : i32 to index
        %get3A_683 = arith.constant 0 : index
        %get3A_684 = tpu.vector_load %arg8[%get3A_682, %get3A_683] {strides = array<i32>} : memref<6400x16xf32, #tpu.memory_space<vmem>>, vector<1x16xf32>,
        %get3A_685 = vector.shape_cast %get3A_684 : vector<1x16xf32> to vector<16xf32>
        %slice3A_686 = vector.extract_strided_slice %get3A_510 {offsets = [7], sizes = [1], strides = [1]} : vector<16xf32> to vector<1xf32>
        %squeeze3A_687 = vector.extract %slice3A_686[0] : f32 from vector<1xf32>
        %mul3A_688 = vector.broadcast %squeeze3A_687 : f32 to vector<16xf32>
        %mul3A_689 = arith.mulf %get3A_685, %mul3A_688 : vector<16xf32>
        %add3A_690 = arith.addf %mul3A_588, %mul3A_689 : vector<16xf32>
        %add3A_691 = arith.constant 8 : i32
        %add3A_692 = arith.addi %add3A_499, %add3A_691 : i32
        %get3A_693 = arith.index_cast %add3A_692 : i32 to index
        %get3A_694 = arith.constant 0 : index
        %get3A_695 = tpu.vector_load %arg8[%get3A_693, %get3A_694] {strides = array<i32>} : memref<6400x16xf32, #tpu.memory_space<vmem>>, vector<1x16xf32>,
        %get3A_696 = vector.shape_cast %get3A_695 : vector<1x16xf32> to vector<16xf32>
        %slice3A_697 = vector.extract_strided_slice %get3A_503 {offsets = [8], sizes = [1], strides = [1]} : vector<16xf32> to vector<1xf32>
        %squeeze3A_698 = vector.extract %slice3A_697[0] : f32 from vector<1xf32>
        %mul3A_699 = vector.broadcast %squeeze3A_698 : f32 to vector<16xf32>
        %mul3A_700 = arith.mulf %get3A_696, %mul3A_699 : vector<16xf32>
        %add3A_701 = arith.addf %add3A_599, %mul3A_700 : vector<16xf32>
        %add3A_702 = arith.constant 8 : i32
        %add3A_703 = arith.addi %add3A_499, %add3A_702 : i32
        %add3A_704 = arith.constant 1 : i32
        %add3A_705 = arith.addi %add3A_703, %add3A_704 : i32
        %get3A_706 = arith.index_cast %add3A_705 : i32 to index
        %get3A_707 = arith.constant 0 : index
        %get3A_708 = tpu.vector_load %arg8[%get3A_706, %get3A_707] {strides = array<i32>} : memref<6400x16xf32, #tpu.memory_space<vmem>>, vector<1x16xf32>,
        %get3A_709 = vector.shape_cast %get3A_708 : vector<1x16xf32> to vector<16xf32>
        %slice3A_710 = vector.extract_strided_slice %get3A_503 {offsets = [9], sizes = [1], strides = [1]} : vector<16xf32> to vector<1xf32>
        %squeeze3A_711 = vector.extract %slice3A_710[0] : f32 from vector<1xf32>
        %mul3A_712 = vector.broadcast %squeeze3A_711 : f32 to vector<16xf32>
        %mul3A_713 = arith.mulf %get3A_709, %mul3A_712 : vector<16xf32>
        %add3A_714 = arith.addf %add3A_612, %mul3A_713 : vector<16xf32>
        %add3A_715 = arith.constant 8 : i32
        %add3A_716 = arith.addi %add3A_499, %add3A_715 : i32
        %add3A_717 = arith.constant 2 : i32
        %add3A_718 = arith.addi %add3A_716, %add3A_717 : i32
        %get3A_719 = arith.index_cast %add3A_718 : i32 to index
        %get3A_720 = arith.constant 0 : index
        %get3A_721 = tpu.vector_load %arg8[%get3A_719, %get3A_720] {strides = array<i32>} : memref<6400x16xf32, #tpu.memory_space<vmem>>, vector<1x16xf32>,
        %get3A_722 = vector.shape_cast %get3A_721 : vector<1x16xf32> to vector<16xf32>
        %slice3A_723 = vector.extract_strided_slice %get3A_503 {offsets = [10], sizes = [1], strides = [1]} : vector<16xf32> to vector<1xf32>
        %squeeze3A_724 = vector.extract %slice3A_723[0] : f32 from vector<1xf32>
        %mul3A_725 = vector.broadcast %squeeze3A_724 : f32 to vector<16xf32>
        %mul3A_726 = arith.mulf %get3A_722, %mul3A_725 : vector<16xf32>
        %add3A_727 = arith.addf %add3A_625, %mul3A_726 : vector<16xf32>
        %add3A_728 = arith.constant 8 : i32
        %add3A_729 = arith.addi %add3A_499, %add3A_728 : i32
        %add3A_730 = arith.constant 3 : i32
        %add3A_731 = arith.addi %add3A_729, %add3A_730 : i32
        %get3A_732 = arith.index_cast %add3A_731 : i32 to index
        %get3A_733 = arith.constant 0 : index
        %get3A_734 = tpu.vector_load %arg8[%get3A_732, %get3A_733] {strides = array<i32>} : memref<6400x16xf32, #tpu.memory_space<vmem>>, vector<1x16xf32>,
        %get3A_735 = vector.shape_cast %get3A_734 : vector<1x16xf32> to vector<16xf32>
        %slice3A_736 = vector.extract_strided_slice %get3A_503 {offsets = [11], sizes = [1], strides = [1]} : vector<16xf32> to vector<1xf32>
        %squeeze3A_737 = vector.extract %slice3A_736[0] : f32 from vector<1xf32>
        %mul3A_738 = vector.broadcast %squeeze3A_737 : f32 to vector<16xf32>
        %mul3A_739 = arith.mulf %get3A_735, %mul3A_738 : vector<16xf32>
        %add3A_740 = arith.addf %add3A_638, %mul3A_739 : vector<16xf32>
        %add3A_741 = arith.constant 16 : i32
        %add3A_742 = arith.addi %add3A_499, %add3A_741 : i32
        %add3A_743 = arith.constant 8 : i32
        %add3A_744 = arith.addi %add3A_742, %add3A_743 : i32
        %get3A_745 = arith.index_cast %add3A_744 : i32 to index
        %get3A_746 = arith.constant 0 : index
        %get3A_747 = tpu.vector_load %arg8[%get3A_745, %get3A_746] {strides = array<i32>} : memref<6400x16xf32, #tpu.memory_space<vmem>>, vector<1x16xf32>,
        %get3A_748 = vector.shape_cast %get3A_747 : vector<1x16xf32> to vector<16xf32>
        %slice3A_749 = vector.extract_strided_slice %get3A_510 {offsets = [8], sizes = [1], strides = [1]} : vector<16xf32> to vector<1xf32>
        %squeeze3A_750 = vector.extract %slice3A_749[0] : f32 from vector<1xf32>
        %mul3A_751 = vector.broadcast %squeeze3A_750 : f32 to vector<16xf32>
        %mul3A_752 = arith.mulf %get3A_748, %mul3A_751 : vector<16xf32>
        %add3A_753 = arith.addf %add3A_651, %mul3A_752 : vector<16xf32>
        %add3A_754 = arith.constant 17 : i32
        %add3A_755 = arith.addi %add3A_499, %add3A_754 : i32
        %add3A_756 = arith.constant 8 : i32
        %add3A_757 = arith.addi %add3A_755, %add3A_756 : i32
        %get3A_758 = arith.index_cast %add3A_757 : i32 to index
        %get3A_759 = arith.constant 0 : index
        %get3A_760 = tpu.vector_load %arg8[%get3A_758, %get3A_759] {strides = array<i32>} : memref<6400x16xf32, #tpu.memory_space<vmem>>, vector<1x16xf32>,
        %get3A_761 = vector.shape_cast %get3A_760 : vector<1x16xf32> to vector<16xf32>
        %slice3A_762 = vector.extract_strided_slice %get3A_510 {offsets = [9], sizes = [1], strides = [1]} : vector<16xf32> to vector<1xf32>
        %squeeze3A_763 = vector.extract %slice3A_762[0] : f32 from vector<1xf32>
        %mul3A_764 = vector.broadcast %squeeze3A_763 : f32 to vector<16xf32>
        %mul3A_765 = arith.mulf %get3A_761, %mul3A_764 : vector<16xf32>
        %add3A_766 = arith.addf %add3A_664, %mul3A_765 : vector<16xf32>
        %add3A_767 = arith.constant 18 : i32
        %add3A_768 = arith.addi %add3A_499, %add3A_767 : i32
        %add3A_769 = arith.constant 8 : i32
        %add3A_770 = arith.addi %add3A_768, %add3A_769 : i32
        %get3A_771 = arith.index_cast %add3A_770 : i32 to index
        %get3A_772 = arith.constant 0 : index
        %get3A_773 = tpu.vector_load %arg8[%get3A_771, %get3A_772] {strides = array<i32>} : memref<6400x16xf32, #tpu.memory_space<vmem>>, vector<1x16xf32>,
        %get3A_774 = vector.shape_cast %get3A_773 : vector<1x16xf32> to vector<16xf32>
        %slice3A_775 = vector.extract_strided_slice %get3A_510 {offsets = [10], sizes = [1], strides = [1]} : vector<16xf32> to vector<1xf32>
        %squeeze3A_776 = vector.extract %slice3A_775[0] : f32 from vector<1xf32>
        %mul3A_777 = vector.broadcast %squeeze3A_776 : f32 to vector<16xf32>
        %mul3A_778 = arith.mulf %get3A_774, %mul3A_777 : vector<16xf32>
        %add3A_779 = arith.addf %add3A_677, %mul3A_778 : vector<16xf32>
        %add3A_780 = arith.constant 19 : i32
        %add3A_781 = arith.addi %add3A_499, %add3A_780 : i32
        %add3A_782 = arith.constant 8 : i32
        %add3A_783 = arith.addi %add3A_781, %add3A_782 : i32
        %get3A_784 = arith.index_cast %add3A_783 : i32 to index
        %get3A_785 = arith.constant 0 : index
        %get3A_786 = tpu.vector_load %arg8[%get3A_784, %get3A_785] {strides = array<i32>} : memref<6400x16xf32, #tpu.memory_space<vmem>>, vector<1x16xf32>,
        %get3A_787 = vector.shape_cast %get3A_786 : vector<1x16xf32> to vector<16xf32>
        %slice3A_788 = vector.extract_strided_slice %get3A_510 {offsets = [11], sizes = [1], strides = [1]} : vector<16xf32> to vector<1xf32>
        %squeeze3A_789 = vector.extract %slice3A_788[0] : f32 from vector<1xf32>
        %mul3A_790 = vector.broadcast %squeeze3A_789 : f32 to vector<16xf32>
        %mul3A_791 = arith.mulf %get3A_787, %mul3A_790 : vector<16xf32>
        %add3A_792 = arith.addf %add3A_690, %mul3A_791 : vector<16xf32>
        %add3A_793 = arith.constant 12 : i32
        %add3A_794 = arith.addi %add3A_499, %add3A_793 : i32
        %get3A_795 = arith.index_cast %add3A_794 : i32 to index
        %get3A_796 = arith.constant 0 : index
        %get3A_797 = tpu.vector_load %arg8[%get3A_795, %get3A_796] {strides = array<i32>} : memref<6400x16xf32, #tpu.memory_space<vmem>>, vector<1x16xf32>,
        %get3A_798 = vector.shape_cast %get3A_797 : vector<1x16xf32> to vector<16xf32>
        %slice3A_799 = vector.extract_strided_slice %get3A_503 {offsets = [12], sizes = [1], strides = [1]} : vector<16xf32> to vector<1xf32>
        %squeeze3A_800 = vector.extract %slice3A_799[0] : f32 from vector<1xf32>
        %mul3A_801 = vector.broadcast %squeeze3A_800 : f32 to vector<16xf32>
        %mul3A_802 = arith.mulf %get3A_798, %mul3A_801 : vector<16xf32>
        %add3A_803 = arith.addf %add3A_701, %mul3A_802 : vector<16xf32>
        %add3A_804 = arith.constant 12 : i32
        %add3A_805 = arith.addi %add3A_499, %add3A_804 : i32
        %add3A_806 = arith.constant 1 : i32
        %add3A_807 = arith.addi %add3A_805, %add3A_806 : i32
        %get3A_808 = arith.index_cast %add3A_807 : i32 to index
        %get3A_809 = arith.constant 0 : index
        %get3A_810 = tpu.vector_load %arg8[%get3A_808, %get3A_809] {strides = array<i32>} : memref<6400x16xf32, #tpu.memory_space<vmem>>, vector<1x16xf32>,
        %get3A_811 = vector.shape_cast %get3A_810 : vector<1x16xf32> to vector<16xf32>
        %slice3A_812 = vector.extract_strided_slice %get3A_503 {offsets = [13], sizes = [1], strides = [1]} : vector<16xf32> to vector<1xf32>
        %squeeze3A_813 = vector.extract %slice3A_812[0] : f32 from vector<1xf32>
        %mul3A_814 = vector.broadcast %squeeze3A_813 : f32 to vector<16xf32>
        %mul3A_815 = arith.mulf %get3A_811, %mul3A_814 : vector<16xf32>
        %add3A_816 = arith.addf %add3A_714, %mul3A_815 : vector<16xf32>
        %add3A_817 = arith.constant 12 : i32
        %add3A_818 = arith.addi %add3A_499, %add3A_817 : i32
        %add3A_819 = arith.constant 2 : i32
        %add3A_820 = arith.addi %add3A_818, %add3A_819 : i32
        %get3A_821 = arith.index_cast %add3A_820 : i32 to index
        %get3A_822 = arith.constant 0 : index
        %get3A_823 = tpu.vector_load %arg8[%get3A_821, %get3A_822] {strides = array<i32>} : memref<6400x16xf32, #tpu.memory_space<vmem>>, vector<1x16xf32>,
        %get3A_824 = vector.shape_cast %get3A_823 : vector<1x16xf32> to vector<16xf32>
        %slice3A_825 = vector.extract_strided_slice %get3A_503 {offsets = [14], sizes = [1], strides = [1]} : vector<16xf32> to vector<1xf32>
        %squeeze3A_826 = vector.extract %slice3A_825[0] : f32 from vector<1xf32>
        %mul3A_827 = vector.broadcast %squeeze3A_826 : f32 to vector<16xf32>
        %mul3A_828 = arith.mulf %get3A_824, %mul3A_827 : vector<16xf32>
        %add3A_829 = arith.addf %add3A_727, %mul3A_828 : vector<16xf32>
        %add3A_830 = arith.constant 12 : i32
        %add3A_831 = arith.addi %add3A_499, %add3A_830 : i32
        %add3A_832 = arith.constant 3 : i32
        %add3A_833 = arith.addi %add3A_831, %add3A_832 : i32
        %get3A_834 = arith.index_cast %add3A_833 : i32 to index
        %get3A_835 = arith.constant 0 : index
        %get3A_836 = tpu.vector_load %arg8[%get3A_834, %get3A_835] {strides = array<i32>} : memref<6400x16xf32, #tpu.memory_space<vmem>>, vector<1x16xf32>,
        %get3A_837 = vector.shape_cast %get3A_836 : vector<1x16xf32> to vector<16xf32>
        %slice3A_838 = vector.extract_strided_slice %get3A_503 {offsets = [15], sizes = [1], strides = [1]} : vector<16xf32> to vector<1xf32>
        %squeeze3A_839 = vector.extract %slice3A_838[0] : f32 from vector<1xf32>
        %mul3A_840 = vector.broadcast %squeeze3A_839 : f32 to vector<16xf32>
        %mul3A_841 = arith.mulf %get3A_837, %mul3A_840 : vector<16xf32>
        %add3A_842 = arith.addf %add3A_740, %mul3A_841 : vector<16xf32>
        %add3A_843 = arith.constant 16 : i32
        %add3A_844 = arith.addi %add3A_499, %add3A_843 : i32
        %add3A_845 = arith.constant 12 : i32
        %add3A_846 = arith.addi %add3A_844, %add3A_845 : i32
        %get3A_847 = arith.index_cast %add3A_846 : i32 to index
        %get3A_848 = arith.constant 0 : index
        %get3A_849 = tpu.vector_load %arg8[%get3A_847, %get3A_848] {strides = array<i32>} : memref<6400x16xf32, #tpu.memory_space<vmem>>, vector<1x16xf32>,
        %get3A_850 = vector.shape_cast %get3A_849 : vector<1x16xf32> to vector<16xf32>
        %slice3A_851 = vector.extract_strided_slice %get3A_510 {offsets = [12], sizes = [1], strides = [1]} : vector<16xf32> to vector<1xf32>
        %squeeze3A_852 = vector.extract %slice3A_851[0] : f32 from vector<1xf32>
        %mul3A_853 = vector.broadcast %squeeze3A_852 : f32 to vector<16xf32>
        %mul3A_854 = arith.mulf %get3A_850, %mul3A_853 : vector<16xf32>
        %add3A_855 = arith.addf %add3A_753, %mul3A_854 : vector<16xf32>
        %add3A_856 = arith.constant 17 : i32
        %add3A_857 = arith.addi %add3A_499, %add3A_856 : i32
        %add3A_858 = arith.constant 12 : i32
        %add3A_859 = arith.addi %add3A_857, %add3A_858 : i32
        %get3A_860 = arith.index_cast %add3A_859 : i32 to index
        %get3A_861 = arith.constant 0 : index
        %get3A_862 = tpu.vector_load %arg8[%get3A_860, %get3A_861] {strides = array<i32>} : memref<6400x16xf32, #tpu.memory_space<vmem>>, vector<1x16xf32>,
        %get3A_863 = vector.shape_cast %get3A_862 : vector<1x16xf32> to vector<16xf32>
        %slice3A_864 = vector.extract_strided_slice %get3A_510 {offsets = [13], sizes = [1], strides = [1]} : vector<16xf32> to vector<1xf32>
        %squeeze3A_865 = vector.extract %slice3A_864[0] : f32 from vector<1xf32>
        %mul3A_866 = vector.broadcast %squeeze3A_865 : f32 to vector<16xf32>
        %mul3A_867 = arith.mulf %get3A_863, %mul3A_866 : vector<16xf32>
        %add3A_868 = arith.addf %add3A_766, %mul3A_867 : vector<16xf32>
        %add3A_869 = arith.constant 18 : i32
        %add3A_870 = arith.addi %add3A_499, %add3A_869 : i32
        %add3A_871 = arith.constant 12 : i32
        %add3A_872 = arith.addi %add3A_870, %add3A_871 : i32
        %get3A_873 = arith.index_cast %add3A_872 : i32 to index
        %get3A_874 = arith.constant 0 : index
        %get3A_875 = tpu.vector_load %arg8[%get3A_873, %get3A_874] {strides = array<i32>} : memref<6400x16xf32, #tpu.memory_space<vmem>>, vector<1x16xf32>,
        %get3A_876 = vector.shape_cast %get3A_875 : vector<1x16xf32> to vector<16xf32>
        %slice3A_877 = vector.extract_strided_slice %get3A_510 {offsets = [14], sizes = [1], strides = [1]} : vector<16xf32> to vector<1xf32>
        %squeeze3A_878 = vector.extract %slice3A_877[0] : f32 from vector<1xf32>
        %mul3A_879 = vector.broadcast %squeeze3A_878 : f32 to vector<16xf32>
        %mul3A_880 = arith.mulf %get3A_876, %mul3A_879 : vector<16xf32>
        %add3A_881 = arith.addf %add3A_779, %mul3A_880 : vector<16xf32>
        %add3A_882 = arith.constant 19 : i32
        %add3A_883 = arith.addi %add3A_499, %add3A_882 : i32
        %add3A_884 = arith.constant 12 : i32
        %add3A_885 = arith.addi %add3A_883, %add3A_884 : i32
        %get3A_886 = arith.index_cast %add3A_885 : i32 to index
        %get3A_887 = arith.constant 0 : index
        %get3A_888 = tpu.vector_load %arg8[%get3A_886, %get3A_887] {strides = array<i32>} : memref<6400x16xf32, #tpu.memory_space<vmem>>, vector<1x16xf32>,
        %get3A_889 = vector.shape_cast %get3A_888 : vector<1x16xf32> to vector<16xf32>
        %slice3A_890 = vector.extract_strided_slice %get3A_510 {offsets = [15], sizes = [1], strides = [1]} : vector<16xf32> to vector<1xf32>
        %squeeze3A_891 = vector.extract %slice3A_890[0] : f32 from vector<1xf32>
        %mul3A_892 = vector.broadcast %squeeze3A_891 : f32 to vector<16xf32>
        %mul3A_893 = arith.mulf %get3A_889, %mul3A_892 : vector<16xf32>
        %add3A_894 = arith.addf %add3A_792, %mul3A_893 : vector<16xf32>
        %add3A_895 = arith.addf %add3A_803, %add3A_816 : vector<16xf32>
        %add3A_896 = arith.addf %add3A_829, %add3A_842 : vector<16xf32>
        %add3A_897 = arith.addf %add3A_895, %add3A_896 : vector<16xf32>
        %add3A_898 = arith.addi %mul3A_476, %mul3A_496 : i32
        %swap3A = arith.index_cast %add3A_898 : i32 to index
        %swap3A_899 = arith.constant 0 : index
        %swap3A_900 = tpu.vector_load %arg9[%swap3A, %swap3A_899] {strides = array<i32>} : memref<400x16xf32, #tpu.memory_space<vmem>>, vector<1x16xf32>,
        %swap3A_901 = vector.shape_cast %swap3A_900 : vector<1x16xf32> to vector<16xf32>
        %swap3A_902 = vector.shape_cast %add3A_897 : vector<16xf32> to vector<1x16xf32>
        tpu.vector_store %arg9[%swap3A, %swap3A_899], %swap3A_902 {strides = array<i32>} : memref<400x16xf32, #tpu.memory_space<vmem>>, vector<1x16xf32>,
        %add3A_903 = arith.addf %add3A_855, %add3A_868 : vector<16xf32>
        %add3A_904 = arith.addf %add3A_881, %add3A_894 : vector<16xf32>
        %add3A_905 = arith.addf %add3A_903, %add3A_904 : vector<16xf32>
        %add3A_906 = arith.addi %mul3A_476, %mul3A_496 : i32
        %add3A_907 = arith.constant 1 : i32
        %add3A_908 = arith.addi %add3A_906, %add3A_907 : i32
        %swap3A_909 = arith.index_cast %add3A_908 : i32 to index
        %swap3A_910 = arith.constant 0 : index
        %swap3A_911 = tpu.vector_load %arg9[%swap3A_909, %swap3A_910] {strides = array<i32>} : memref<400x16xf32, #tpu.memory_space<vmem>>, vector<1x16xf32>,
        %swap3A_912 = vector.shape_cast %swap3A_911 : vector<1x16xf32> to vector<16xf32>
        %swap3A_913 = vector.shape_cast %add3A_905 : vector<16xf32> to vector<1x16xf32>
        tpu.vector_store %arg9[%swap3A_909, %swap3A_910], %swap3A_913 {strides = array<i32>} : memref<400x16xf32, #tpu.memory_space<vmem>>, vector<1x16xf32>,
      }
      %scan3A_482 = arith.constant 100 : i32
      %mul3A_483 = arith.constant 200 : i32
      %mul3A_484 = arith.muli %scan3A_437, %mul3A_483 : i32
      %add3A_485 = arith.addi %mul3A_2, %mul3A_484 : i32
      %dma_start3A_486 = arith.constant 0 : i32
      %dma_start3A_487 = tpu.memref_slice %arg9[%mul3A_476, %dma_start3A_486] : memref<400x16xf32, #tpu.memory_space<vmem>> -> memref<200x16xf32, #tpu.memory_space<vmem>>
      %dma_start3A_488 = arith.constant 0 : i32
      %dma_start3A_489 = tpu.memref_slice %arg5[%add3A_485, %dma_start3A_488] : memref<64000x16xf32, #tpu.memory_space<hbm>> -> memref<200x16xf32, #tpu.memory_space<hbm>>
      %dma_start3A_490 = arith.constant 0 : i32
      %dma_start3A_491 = tpu.memref_slice %arg5[%add3A_485, %dma_start3A_490] : memref<64000x16xf32, #tpu.memory_space<hbm>> -> memref<200x16xf32, #tpu.memory_space<hbm>>
      %dma_start3A_492 = arith.constant 0 : i32
      %dma_start3A_493 = tpu.memref_slice %arg9[%mul3A_476, %dma_start3A_492] : memref<400x16xf32, #tpu.memory_space<vmem>> -> memref<200x16xf32, #tpu.memory_space<vmem>>
      tpu.enqueue_dma source(%dma_start3A_493 : memref<200x16xf32, #tpu.memory_space<vmem>>) target(%dma_start3A_491 : memref<200x16xf32, #tpu.memory_space<hbm>>) target_semaphore(%arg12 : memref<!tpu.dma_semaphore, #tpu.memory_space<semaphore_mem>>)
    }
    %scan3A_412 = arith.constant 10 : i32
    %dma_wait3A_413 = arith.constant 0 : i32
    %dma_wait3A_414 = arith.constant 0 : i32
    %dma_wait3A_415 = tpu.memref_slice %arg9[%dma_wait3A_413, %dma_wait3A_414] : memref<400x16xf32, #tpu.memory_space<vmem>> -> memref<200x16xf32, #tpu.memory_space<vmem>>
    %dma_wait3A_416 = arith.constant 0 : i32
    %dma_wait3A_417 = arith.constant 0 : i32
    %dma_wait3A_418 = tpu.memref_slice %arg5[%dma_wait3A_416, %dma_wait3A_417] : memref<64000x16xf32, #tpu.memory_space<hbm>> -> memref<200x16xf32, #tpu.memory_space<hbm>>
    %dma_wait3A_419 = arith.constant 0 : i32
    %dma_wait3A_420 = arith.constant 0 : i32
    %dma_wait3A_421 = tpu.memref_slice %arg5[%dma_wait3A_419, %dma_wait3A_420] : memref<64000x16xf32, #tpu.memory_space<hbm>> -> memref<200x16xf32, #tpu.memory_space<hbm>>
    %dma_wait3A_422 = arith.constant 0 : i32
    %dma_wait3A_423 = arith.constant 0 : i32
    %dma_wait3A_424 = tpu.memref_slice %arg9[%dma_wait3A_422, %dma_wait3A_423] : memref<400x16xf32, #tpu.memory_space<vmem>> -> memref<200x16xf32, #tpu.memory_space<vmem>>
    tpu.wait_dma2 semaphore(%arg12 : memref<!tpu.dma_semaphore, #tpu.memory_space<semaphore_mem>>) src(%dma_wait3A_424 : memref<200x16xf32, #tpu.memory_space<vmem>>) dst(%dma_wait3A_421 : memref<200x16xf32, #tpu.memory_space<hbm>>)
    %dma_wait3A_425 = arith.constant 0 : i32
    %dma_wait3A_426 = arith.constant 0 : i32
    %dma_wait3A_427 = tpu.memref_slice %arg9[%dma_wait3A_425, %dma_wait3A_426] : memref<400x16xf32, #tpu.memory_space<vmem>> -> memref<200x16xf32, #tpu.memory_space<vmem>>
    %dma_wait3A_428 = arith.constant 0 : i32
    %dma_wait3A_429 = arith.constant 0 : i32
    %dma_wait3A_430 = tpu.memref_slice %arg5[%dma_wait3A_428, %dma_wait3A_429] : memref<64000x16xf32, #tpu.memory_space<hbm>> -> memref<200x16xf32, #tpu.memory_space<hbm>>
    %dma_wait3A_431 = arith.constant 0 : i32
    %dma_wait3A_432 = arith.constant 0 : i32
    %dma_wait3A_433 = tpu.memref_slice %arg5[%dma_wait3A_431, %dma_wait3A_432] : memref<64000x16xf32, #tpu.memory_space<hbm>> -> memref<200x16xf32, #tpu.memory_space<hbm>>
    %dma_wait3A_434 = arith.constant 0 : i32
    %dma_wait3A_435 = arith.constant 0 : i32
    %dma_wait3A_436 = tpu.memref_slice %arg9[%dma_wait3A_434, %dma_wait3A_435] : memref<400x16xf32, #tpu.memory_space<vmem>> -> memref<200x16xf32, #tpu.memory_space<vmem>>
    tpu.wait_dma2 semaphore(%arg12 : memref<!tpu.dma_semaphore, #tpu.memory_space<semaphore_mem>>) src(%dma_wait3A_436 : memref<200x16xf32, #tpu.memory_space<vmem>>) dst(%dma_wait3A_433 : memref<200x16xf32, #tpu.memory_space<hbm>>)
    return
  }
}

module attributes {stable_mosaic.version = 14 : i64} {
  func.func @_pre_body(%arg0: i32, %arg1: memref<1000x128xf32, #tpu.memory_space<vmem>>, %arg2: memref<128x128xf32, #tpu.memory_space<vmem>>, %arg3: memref<1x128xf32, #tpu.memory_space<vmem>>, %arg4: memref<128x128xf32, #tpu.memory_space<vmem>>, %arg5: memref<1x128xf32, #tpu.memory_space<vmem>>, %arg6: memref<128x128xf32, #tpu.memory_space<vmem>>, %arg7: memref<1x128xf32, #tpu.memory_space<vmem>>, %arg8: memref<128x128xf32, #tpu.memory_space<vmem>>, %arg9: memref<1000x128xi32, #tpu.memory_space<vmem>>, %arg10: memref<1000x128xf32, #tpu.memory_space<vmem>>) attributes {dimension_semantics = [#tpu.dimension_semantics<arbitrary>], iteration_bounds = array<i64: 8>, scalar_prefetch = 0 : i64, scratch_operands = 0 : i64, tpu.core_type = #tpu.core_type<tc>, window_params = [{transform_indices = @transform_0, window_bounds = array<i64: 1000, 128>}, {pipeline_mode = #tpu.pipeline_mode<synchronous>, transform_indices = @transform_1, window_bounds = array<i64: 128, 128>}, {pipeline_mode = #tpu.pipeline_mode<synchronous>, transform_indices = @transform_2, window_bounds = array<i64: 1, 128>}, {pipeline_mode = #tpu.pipeline_mode<synchronous>, transform_indices = @transform_3, window_bounds = array<i64: 128, 128>}, {pipeline_mode = #tpu.pipeline_mode<synchronous>, transform_indices = @transform_4, window_bounds = array<i64: 1, 128>}, {pipeline_mode = #tpu.pipeline_mode<synchronous>, transform_indices = @transform_5, window_bounds = array<i64: 128, 128>}, {pipeline_mode = #tpu.pipeline_mode<synchronous>, transform_indices = @transform_6, window_bounds = array<i64: 1, 128>}, {pipeline_mode = #tpu.pipeline_mode<synchronous>, transform_indices = @transform_7, window_bounds = array<i64: 128, 128>}, {transform_indices = @transform_8, window_bounds = array<i64: 1000, 128>}, {transform_indices = @transform_9, window_bounds = array<i64: 1000, 128>}]} {
    %get3A = arith.constant 0 : index
    %get3A_0 = arith.constant 0 : index
    %get3A_1 = vector.load %arg1[%get3A, %get3A_0] : memref<1000x128xf32, #tpu.memory_space<vmem>>, vector<1000x128xf32>
    %get3A_2 = arith.constant 0 : index
    %get3A_3 = arith.constant 0 : index
    %get3A_4 = vector.load %arg2[%get3A_2, %get3A_3] : memref<128x128xf32, #tpu.memory_space<vmem>>, vector<128x128xf32>
    %dot_general3A = arith.constant dense<0.000000e+00> : vector<1000x128xf32>
    %dot_general3A_5 = tpu.matmul %get3A_1, %get3A_4, %dot_general3A {dimension_numbers = #tpu.dot_dimension_numbers<[1], [0], [0], [1], [0, 0, 1, 1], [], []>, transpose_lhs_hint = false} : vector<1000x128xf32>, vector<128x128xf32>, vector<1000x128xf32> -> vector<1000x128xf32>
    %get3A_6 = arith.constant 0 : index
    %get3A_7 = arith.constant 0 : index
    %get3A_8 = vector.load %arg3[%get3A_6, %get3A_7] : memref<1x128xf32, #tpu.memory_space<vmem>>, vector<1x128xf32>
    %add3A = vector.broadcast %get3A_8 : vector<1x128xf32> to vector<1000x128xf32>
    %add3A_9 = arith.addf %dot_general3A_5, %add3A : vector<1000x128xf32>
    %get3A_10 = arith.constant 0 : index
    %get3A_11 = arith.constant 0 : index
    %get3A_12 = vector.load %arg4[%get3A_10, %get3A_11] : memref<128x128xf32, #tpu.memory_space<vmem>>, vector<128x128xf32>
    %dot_general3A_13 = arith.constant dense<0.000000e+00> : vector<1000x128xf32>
    %dot_general3A_14 = tpu.matmul %get3A_1, %get3A_12, %dot_general3A_13 {dimension_numbers = #tpu.dot_dimension_numbers<[1], [0], [0], [1], [0, 0, 1, 1], [], []>, transpose_lhs_hint = false} : vector<1000x128xf32>, vector<128x128xf32>, vector<1000x128xf32> -> vector<1000x128xf32>
    %get3A_15 = arith.constant 0 : index
    %get3A_16 = arith.constant 0 : index
    %get3A_17 = vector.load %arg5[%get3A_15, %get3A_16] : memref<1x128xf32, #tpu.memory_space<vmem>>, vector<1x128xf32>
    %add3A_18 = vector.broadcast %get3A_17 : vector<1x128xf32> to vector<1000x128xf32>
    %add3A_19 = arith.addf %dot_general3A_14, %add3A_18 : vector<1000x128xf32>
    %get3A_20 = arith.constant 0 : index
    %get3A_21 = arith.constant 0 : index
    %get3A_22 = vector.load %arg6[%get3A_20, %get3A_21] : memref<128x128xf32, #tpu.memory_space<vmem>>, vector<128x128xf32>
    %dot_general3A_23 = arith.constant dense<0.000000e+00> : vector<1000x128xf32>
    %dot_general3A_24 = tpu.matmul %get3A_1, %get3A_22, %dot_general3A_23 {dimension_numbers = #tpu.dot_dimension_numbers<[1], [0], [0], [1], [0, 0, 1, 1], [], []>, transpose_lhs_hint = false} : vector<1000x128xf32>, vector<128x128xf32>, vector<1000x128xf32> -> vector<1000x128xf32>
    %get3A_25 = arith.constant 0 : index
    %get3A_26 = arith.constant 0 : index
    %get3A_27 = vector.load %arg7[%get3A_25, %get3A_26] : memref<1x128xf32, #tpu.memory_space<vmem>>, vector<1x128xf32>
    %add3A_28 = vector.broadcast %get3A_27 : vector<1x128xf32> to vector<1000x128xf32>
    %add3A_29 = arith.addf %dot_general3A_24, %add3A_28 : vector<1000x128xf32>
    %reduce_max3A = arith.constant dense<0xFF800000> : vector<1000xf32>
    %reduce_max3A_30 = vector.multi_reduction <maximumf>, %add3A_29, %reduce_max3A [1] : vector<1000x128xf32> to vector<1000xf32>
    %broadcast_in_dim3A = vector.shape_cast %reduce_max3A_30 : vector<1000xf32> to vector<1000x1xf32>
    %sub3A = vector.broadcast %broadcast_in_dim3A : vector<1000x1xf32> to vector<1000x128xf32>
    %sub3A_31 = arith.subf %add3A_29, %sub3A : vector<1000x128xf32>
    %exp3A = math.exp %sub3A_31 : vector<1000x128xf32>
    %mul3A = arith.constant 4.000000e+00 : f32
    %mul3A_32 = vector.broadcast %mul3A : f32 to vector<1000x128xf32>
    %mul3A_33 = arith.mulf %mul3A_32, %exp3A : vector<1000x128xf32>
    %get3A_34 = arith.constant 0 : index
    %get3A_35 = arith.constant 0 : index
    %get3A_36 = vector.load %arg8[%get3A_34, %get3A_35] : memref<128x128xf32, #tpu.memory_space<vmem>>, vector<128x128xf32>
    %dot_general3A_37 = arith.constant dense<0.000000e+00> : vector<1000x128xf32>
    %dot_general3A_38 = tpu.matmul %exp3A, %get3A_36, %dot_general3A_37 {dimension_numbers = #tpu.dot_dimension_numbers<[1], [0], [0], [1], [0, 0, 1, 1], [], []>, transpose_lhs_hint = false} : vector<1000x128xf32>, vector<128x128xf32>, vector<1000x128xf32> -> vector<1000x128xf32>
    %div3A = arith.divf %mul3A_33, %dot_general3A_38 : vector<1000x128xf32>
    %iota3A = tpu.iota {dimensions = array<i32: 1>} : vector<1000x128xi32>
    %jit3A = arith.constant 16 : i32
    %eq3A = arith.constant 0 : i32
    %eq3A_39 = arith.cmpi eq, %jit3A, %eq3A : i32
    %jit3A_40 = arith.constant 1 : i32
    %select_n3A = arith.select %eq3A_39, %jit3A_40, %jit3A : i32
    %rem3A = vector.broadcast %select_n3A : i32 to vector<1000x128xi32>
    %rem3A_41 = arith.remsi %iota3A, %rem3A : vector<1000x128xi32>
    %ne3A = arith.constant 0 : i32
    %ne3A_42 = vector.broadcast %ne3A : i32 to vector<1000x128xi32>
    %ne3A_43 = arith.cmpi ne, %rem3A_41, %ne3A_42 : vector<1000x128xi32>
    %lt3A = arith.constant 0 : i32
    %lt3A_44 = vector.broadcast %lt3A : i32 to vector<1000x128xi32>
    %lt3A_45 = arith.cmpi slt, %rem3A_41, %lt3A_44 : vector<1000x128xi32>
    %lt3A_46 = arith.constant 0 : i32
    %lt3A_47 = arith.cmpi slt, %select_n3A, %lt3A_46 : i32
    %ne3A_48 = vector.broadcast %lt3A_47 : i1 to vector<1000x128xi1>
    %ne3A_49 = vector.broadcast %ne3A_48 : vector<1000x128xi1> to vector<1000x128xi1>
    %ne3A_50 = arith.xori %lt3A_45, %ne3A_49 : vector<1000x128xi1>
    %and3A = arith.andi %ne3A_50, %ne3A_43 : vector<1000x128xi1>
    %add3A_51 = vector.broadcast %select_n3A : i32 to vector<1000x128xi32>
    %add3A_52 = arith.addi %rem3A_41, %add3A_51 : vector<1000x128xi32>
    %select_n3A_53 = arith.select %and3A, %add3A_52, %rem3A_41 : vector<1000x128xi1>, vector<1000x128xi32>
    %jit3A_54 = arith.constant 4 : i32
    %div3A_55 = vector.broadcast %jit3A_54 : i32 to vector<1000x128xi32>
    %div3A_56 = arith.divsi %select_n3A_53, %div3A_55 : vector<1000x128xi32>
    %sign3A = arith.constant 0 : i32
    %sign3A_57 = vector.broadcast %sign3A : i32 to vector<1000x128xi32>
    %sign3A_58 = arith.cmpi sgt, %select_n3A_53, %sign3A_57 : vector<1000x128xi32>
    %sign3A_59 = arith.extui %sign3A_58 : vector<1000x128xi1> to vector<1000x128xi32>
    %sign3A_60 = arith.constant 0 : i32
    %sign3A_61 = vector.broadcast %sign3A_60 : i32 to vector<1000x128xi32>
    %sign3A_62 = arith.cmpi slt, %select_n3A_53, %sign3A_61 : vector<1000x128xi32>
    %sign3A_63 = arith.extui %sign3A_62 : vector<1000x128xi1> to vector<1000x128xi32>
    %sign3A_64 = arith.subi %sign3A_59, %sign3A_63 : vector<1000x128xi32>
    %sign3A_65 = arith.constant 0 : i32
    %sign3A_66 = arith.cmpi sgt, %jit3A_54, %sign3A_65 : i32
    %sign3A_67 = arith.extui %sign3A_66 : i1 to i32
    %sign3A_68 = arith.constant 0 : i32
    %sign3A_69 = arith.cmpi slt, %jit3A_54, %sign3A_68 : i32
    %sign3A_70 = arith.extui %sign3A_69 : i1 to i32
    %sign3A_71 = arith.subi %sign3A_67, %sign3A_70 : i32
    %ne3A_72 = vector.broadcast %sign3A_71 : i32 to vector<1000x128xi32>
    %ne3A_73 = arith.cmpi ne, %sign3A_64, %ne3A_72 : vector<1000x128xi32>
    %rem3A_74 = vector.broadcast %jit3A_54 : i32 to vector<1000x128xi32>
    %rem3A_75 = arith.remsi %select_n3A_53, %rem3A_74 : vector<1000x128xi32>
    %ne3A_76 = arith.constant 0 : i32
    %ne3A_77 = vector.broadcast %ne3A_76 : i32 to vector<1000x128xi32>
    %ne3A_78 = arith.cmpi ne, %rem3A_75, %ne3A_77 : vector<1000x128xi32>
    %and3A_79 = arith.andi %ne3A_73, %ne3A_78 : vector<1000x128xi1>
    %sub3A_80 = arith.constant 1 : i32
    %sub3A_81 = vector.broadcast %sub3A_80 : i32 to vector<1000x128xi32>
    %sub3A_82 = arith.subi %div3A_56, %sub3A_81 : vector<1000x128xi32>
    %select_n3A_83 = arith.select %and3A_79, %sub3A_82, %div3A_56 : vector<1000x128xi1>, vector<1000x128xi32>
    %jit3A_84 = arith.constant 2 : i32
    %eq3A_85 = arith.constant 0 : i32
    %eq3A_86 = arith.cmpi eq, %jit3A_84, %eq3A_85 : i32
    %jit3A_87 = arith.constant 1 : i32
    %select_n3A_88 = arith.select %eq3A_86, %jit3A_87, %jit3A_84 : i32
    %rem3A_89 = vector.broadcast %select_n3A_88 : i32 to vector<1000x128xi32>
    %rem3A_90 = arith.remsi %select_n3A_83, %rem3A_89 : vector<1000x128xi32>
    %ne3A_91 = arith.constant 0 : i32
    %ne3A_92 = vector.broadcast %ne3A_91 : i32 to vector<1000x128xi32>
    %ne3A_93 = arith.cmpi ne, %rem3A_90, %ne3A_92 : vector<1000x128xi32>
    %lt3A_94 = arith.constant 0 : i32
    %lt3A_95 = vector.broadcast %lt3A_94 : i32 to vector<1000x128xi32>
    %lt3A_96 = arith.cmpi slt, %rem3A_90, %lt3A_95 : vector<1000x128xi32>
    %lt3A_97 = arith.constant 0 : i32
    %lt3A_98 = arith.cmpi slt, %select_n3A_88, %lt3A_97 : i32
    %ne3A_99 = vector.broadcast %lt3A_98 : i1 to vector<1000x128xi1>
    %ne3A_100 = vector.broadcast %ne3A_99 : vector<1000x128xi1> to vector<1000x128xi1>
    %ne3A_101 = arith.xori %lt3A_96, %ne3A_100 : vector<1000x128xi1>
    %and3A_102 = arith.andi %ne3A_101, %ne3A_93 : vector<1000x128xi1>
    %add3A_103 = vector.broadcast %select_n3A_88 : i32 to vector<1000x128xi32>
    %add3A_104 = arith.addi %rem3A_90, %add3A_103 : vector<1000x128xi32>
    %select_n3A_105 = arith.select %and3A_102, %add3A_104, %rem3A_90 : vector<1000x128xi1>, vector<1000x128xi32>
    %convert_element_type3A = arith.sitofp %select_n3A_105 : vector<1000x128xi32> to vector<1000x128xf32>
    %jit3A_106 = arith.constant 16 : i32
    %eq3A_107 = arith.constant 0 : i32
    %eq3A_108 = arith.cmpi eq, %jit3A_106, %eq3A_107 : i32
    %jit3A_109 = arith.constant 1 : i32
    %select_n3A_110 = arith.select %eq3A_108, %jit3A_109, %jit3A_106 : i32
    %rem3A_111 = vector.broadcast %select_n3A_110 : i32 to vector<1000x128xi32>
    %rem3A_112 = arith.remsi %iota3A, %rem3A_111 : vector<1000x128xi32>
    %ne3A_113 = arith.constant 0 : i32
    %ne3A_114 = vector.broadcast %ne3A_113 : i32 to vector<1000x128xi32>
    %ne3A_115 = arith.cmpi ne, %rem3A_112, %ne3A_114 : vector<1000x128xi32>
    %lt3A_116 = arith.constant 0 : i32
    %lt3A_117 = vector.broadcast %lt3A_116 : i32 to vector<1000x128xi32>
    %lt3A_118 = arith.cmpi slt, %rem3A_112, %lt3A_117 : vector<1000x128xi32>
    %lt3A_119 = arith.constant 0 : i32
    %lt3A_120 = arith.cmpi slt, %select_n3A_110, %lt3A_119 : i32
    %ne3A_121 = vector.broadcast %lt3A_120 : i1 to vector<1000x128xi1>
    %ne3A_122 = vector.broadcast %ne3A_121 : vector<1000x128xi1> to vector<1000x128xi1>
    %ne3A_123 = arith.xori %lt3A_118, %ne3A_122 : vector<1000x128xi1>
    %and3A_124 = arith.andi %ne3A_123, %ne3A_115 : vector<1000x128xi1>
    %add3A_125 = vector.broadcast %select_n3A_110 : i32 to vector<1000x128xi32>
    %add3A_126 = arith.addi %rem3A_112, %add3A_125 : vector<1000x128xi32>
    %select_n3A_127 = arith.select %and3A_124, %add3A_126, %rem3A_112 : vector<1000x128xi1>, vector<1000x128xi32>
    %jit3A_128 = arith.constant 8 : i32
    %div3A_129 = vector.broadcast %jit3A_128 : i32 to vector<1000x128xi32>
    %div3A_130 = arith.divsi %select_n3A_127, %div3A_129 : vector<1000x128xi32>
    %sign3A_131 = arith.constant 0 : i32
    %sign3A_132 = vector.broadcast %sign3A_131 : i32 to vector<1000x128xi32>
    %sign3A_133 = arith.cmpi sgt, %select_n3A_127, %sign3A_132 : vector<1000x128xi32>
    %sign3A_134 = arith.extui %sign3A_133 : vector<1000x128xi1> to vector<1000x128xi32>
    %sign3A_135 = arith.constant 0 : i32
    %sign3A_136 = vector.broadcast %sign3A_135 : i32 to vector<1000x128xi32>
    %sign3A_137 = arith.cmpi slt, %select_n3A_127, %sign3A_136 : vector<1000x128xi32>
    %sign3A_138 = arith.extui %sign3A_137 : vector<1000x128xi1> to vector<1000x128xi32>
    %sign3A_139 = arith.subi %sign3A_134, %sign3A_138 : vector<1000x128xi32>
    %sign3A_140 = arith.constant 0 : i32
    %sign3A_141 = arith.cmpi sgt, %jit3A_128, %sign3A_140 : i32
    %sign3A_142 = arith.extui %sign3A_141 : i1 to i32
    %sign3A_143 = arith.constant 0 : i32
    %sign3A_144 = arith.cmpi slt, %jit3A_128, %sign3A_143 : i32
    %sign3A_145 = arith.extui %sign3A_144 : i1 to i32
    %sign3A_146 = arith.subi %sign3A_142, %sign3A_145 : i32
    %ne3A_147 = vector.broadcast %sign3A_146 : i32 to vector<1000x128xi32>
    %ne3A_148 = arith.cmpi ne, %sign3A_139, %ne3A_147 : vector<1000x128xi32>
    %rem3A_149 = vector.broadcast %jit3A_128 : i32 to vector<1000x128xi32>
    %rem3A_150 = arith.remsi %select_n3A_127, %rem3A_149 : vector<1000x128xi32>
    %ne3A_151 = arith.constant 0 : i32
    %ne3A_152 = vector.broadcast %ne3A_151 : i32 to vector<1000x128xi32>
    %ne3A_153 = arith.cmpi ne, %rem3A_150, %ne3A_152 : vector<1000x128xi32>
    %and3A_154 = arith.andi %ne3A_148, %ne3A_153 : vector<1000x128xi1>
    %sub3A_155 = arith.constant 1 : i32
    %sub3A_156 = vector.broadcast %sub3A_155 : i32 to vector<1000x128xi32>
    %sub3A_157 = arith.subi %div3A_130, %sub3A_156 : vector<1000x128xi32>
    %select_n3A_158 = arith.select %and3A_154, %sub3A_157, %div3A_130 : vector<1000x128xi1>, vector<1000x128xi32>
    %convert_element_type3A_159 = arith.sitofp %select_n3A_158 : vector<1000x128xi32> to vector<1000x128xf32>
    %jit3A_160 = arith.constant 16 : i32
    %div3A_161 = vector.broadcast %jit3A_160 : i32 to vector<1000x128xi32>
    %div3A_162 = arith.divsi %iota3A, %div3A_161 : vector<1000x128xi32>
    %sign3A_163 = arith.constant 0 : i32
    %sign3A_164 = vector.broadcast %sign3A_163 : i32 to vector<1000x128xi32>
    %sign3A_165 = arith.cmpi sgt, %iota3A, %sign3A_164 : vector<1000x128xi32>
    %sign3A_166 = arith.extui %sign3A_165 : vector<1000x128xi1> to vector<1000x128xi32>
    %sign3A_167 = arith.constant 0 : i32
    %sign3A_168 = vector.broadcast %sign3A_167 : i32 to vector<1000x128xi32>
    %sign3A_169 = arith.cmpi slt, %iota3A, %sign3A_168 : vector<1000x128xi32>
    %sign3A_170 = arith.extui %sign3A_169 : vector<1000x128xi1> to vector<1000x128xi32>
    %sign3A_171 = arith.subi %sign3A_166, %sign3A_170 : vector<1000x128xi32>
    %sign3A_172 = arith.constant 0 : i32
    %sign3A_173 = arith.cmpi sgt, %jit3A_160, %sign3A_172 : i32
    %sign3A_174 = arith.extui %sign3A_173 : i1 to i32
    %sign3A_175 = arith.constant 0 : i32
    %sign3A_176 = arith.cmpi slt, %jit3A_160, %sign3A_175 : i32
    %sign3A_177 = arith.extui %sign3A_176 : i1 to i32
    %sign3A_178 = arith.subi %sign3A_174, %sign3A_177 : i32
    %ne3A_179 = vector.broadcast %sign3A_178 : i32 to vector<1000x128xi32>
    %ne3A_180 = arith.cmpi ne, %sign3A_171, %ne3A_179 : vector<1000x128xi32>
    %rem3A_181 = vector.broadcast %jit3A_160 : i32 to vector<1000x128xi32>
    %rem3A_182 = arith.remsi %iota3A, %rem3A_181 : vector<1000x128xi32>
    %ne3A_183 = arith.constant 0 : i32
    %ne3A_184 = vector.broadcast %ne3A_183 : i32 to vector<1000x128xi32>
    %ne3A_185 = arith.cmpi ne, %rem3A_182, %ne3A_184 : vector<1000x128xi32>
    %and3A_186 = arith.andi %ne3A_180, %ne3A_185 : vector<1000x128xi1>
    %sub3A_187 = arith.constant 1 : i32
    %sub3A_188 = vector.broadcast %sub3A_187 : i32 to vector<1000x128xi32>
    %sub3A_189 = arith.subi %div3A_162, %sub3A_188 : vector<1000x128xi32>
    %select_n3A_190 = arith.select %and3A_186, %sub3A_189, %div3A_162 : vector<1000x128xi1>, vector<1000x128xi32>
    %convert_element_type3A_191 = arith.sitofp %select_n3A_190 : vector<1000x128xi32> to vector<1000x128xf32>
    %mul3A_192 = arith.constant 1000 : i32
    %mul3A_193 = arith.muli %arg0, %mul3A_192 : i32
    %add3A_194 = arith.constant 0 : i32
    %add3A_195 = arith.addi %add3A_194, %mul3A_193 : i32
    %iota3A_196 = tpu.iota {dimensions = array<i32: 0>} : vector<1000x128xi32>
    %add3A_197 = vector.broadcast %add3A_195 : i32 to vector<1000x128xi32>
    %add3A_198 = arith.addi %add3A_197, %iota3A_196 : vector<1000x128xi32>
    %jit3A_199 = arith.constant 200 : i32
    %eq3A_200 = arith.constant 0 : i32
    %eq3A_201 = arith.cmpi eq, %jit3A_199, %eq3A_200 : i32
    %jit3A_202 = arith.constant 1 : i32
    %select_n3A_203 = arith.select %eq3A_201, %jit3A_202, %jit3A_199 : i32
    %rem3A_204 = vector.broadcast %select_n3A_203 : i32 to vector<1000x128xi32>
    %rem3A_205 = arith.remsi %add3A_198, %rem3A_204 : vector<1000x128xi32>
    %ne3A_206 = arith.constant 0 : i32
    %ne3A_207 = vector.broadcast %ne3A_206 : i32 to vector<1000x128xi32>
    %ne3A_208 = arith.cmpi ne, %rem3A_205, %ne3A_207 : vector<1000x128xi32>
    %lt3A_209 = arith.constant 0 : i32
    %lt3A_210 = vector.broadcast %lt3A_209 : i32 to vector<1000x128xi32>
    %lt3A_211 = arith.cmpi slt, %rem3A_205, %lt3A_210 : vector<1000x128xi32>
    %lt3A_212 = arith.constant 0 : i32
    %lt3A_213 = arith.cmpi slt, %select_n3A_203, %lt3A_212 : i32
    %ne3A_214 = vector.broadcast %lt3A_213 : i1 to vector<1000x128xi1>
    %ne3A_215 = vector.broadcast %ne3A_214 : vector<1000x128xi1> to vector<1000x128xi1>
    %ne3A_216 = arith.xori %lt3A_211, %ne3A_215 : vector<1000x128xi1>
    %and3A_217 = arith.andi %ne3A_216, %ne3A_208 : vector<1000x128xi1>
    %add3A_218 = vector.broadcast %select_n3A_203 : i32 to vector<1000x128xi32>
    %add3A_219 = arith.addi %rem3A_205, %add3A_218 : vector<1000x128xi32>
    %select_n3A_220 = arith.select %and3A_217, %add3A_219, %rem3A_205 : vector<1000x128xi1>, vector<1000x128xi32>
    %convert_element_type3A_221 = arith.sitofp %select_n3A_220 : vector<1000x128xi32> to vector<1000x128xf32>
    %mul3A_222 = arith.constant 0.00502512557 : f32
    %mul3A_223 = vector.broadcast %mul3A_222 : f32 to vector<1000x128xf32>
    %mul3A_224 = arith.mulf %convert_element_type3A_221, %mul3A_223 : vector<1000x128xf32>
    %jit3A_225 = arith.constant 200 : i32
    %div3A_226 = vector.broadcast %jit3A_225 : i32 to vector<1000x128xi32>
    %div3A_227 = arith.divsi %add3A_198, %div3A_226 : vector<1000x128xi32>
    %sign3A_228 = arith.constant 0 : i32
    %sign3A_229 = vector.broadcast %sign3A_228 : i32 to vector<1000x128xi32>
    %sign3A_230 = arith.cmpi sgt, %add3A_198, %sign3A_229 : vector<1000x128xi32>
    %sign3A_231 = arith.extui %sign3A_230 : vector<1000x128xi1> to vector<1000x128xi32>
    %sign3A_232 = arith.constant 0 : i32
    %sign3A_233 = vector.broadcast %sign3A_232 : i32 to vector<1000x128xi32>
    %sign3A_234 = arith.cmpi slt, %add3A_198, %sign3A_233 : vector<1000x128xi32>
    %sign3A_235 = arith.extui %sign3A_234 : vector<1000x128xi1> to vector<1000x128xi32>
    %sign3A_236 = arith.subi %sign3A_231, %sign3A_235 : vector<1000x128xi32>
    %sign3A_237 = arith.constant 0 : i32
    %sign3A_238 = arith.cmpi sgt, %jit3A_225, %sign3A_237 : i32
    %sign3A_239 = arith.extui %sign3A_238 : i1 to i32
    %sign3A_240 = arith.constant 0 : i32
    %sign3A_241 = arith.cmpi slt, %jit3A_225, %sign3A_240 : i32
    %sign3A_242 = arith.extui %sign3A_241 : i1 to i32
    %sign3A_243 = arith.subi %sign3A_239, %sign3A_242 : i32
    %ne3A_244 = vector.broadcast %sign3A_243 : i32 to vector<1000x128xi32>
    %ne3A_245 = arith.cmpi ne, %sign3A_236, %ne3A_244 : vector<1000x128xi32>
    %rem3A_246 = vector.broadcast %jit3A_225 : i32 to vector<1000x128xi32>
    %rem3A_247 = arith.remsi %add3A_198, %rem3A_246 : vector<1000x128xi32>
    %ne3A_248 = arith.constant 0 : i32
    %ne3A_249 = vector.broadcast %ne3A_248 : i32 to vector<1000x128xi32>
    %ne3A_250 = arith.cmpi ne, %rem3A_247, %ne3A_249 : vector<1000x128xi32>
    %and3A_251 = arith.andi %ne3A_245, %ne3A_250 : vector<1000x128xi1>
    %sub3A_252 = arith.constant 1 : i32
    %sub3A_253 = vector.broadcast %sub3A_252 : i32 to vector<1000x128xi32>
    %sub3A_254 = arith.subi %div3A_227, %sub3A_253 : vector<1000x128xi32>
    %select_n3A_255 = arith.select %and3A_251, %sub3A_254, %div3A_227 : vector<1000x128xi1>, vector<1000x128xi32>
    %convert_element_type3A_256 = arith.sitofp %select_n3A_255 : vector<1000x128xi32> to vector<1000x128xf32>
    %mul3A_257 = arith.constant 0.00502512557 : f32
    %mul3A_258 = vector.broadcast %mul3A_257 : f32 to vector<1000x128xf32>
    %mul3A_259 = arith.mulf %convert_element_type3A_256, %mul3A_258 : vector<1000x128xf32>
    %mul3A_260 = arith.constant 2.000000e+02 : f32
    %mul3A_261 = vector.broadcast %mul3A_260 : f32 to vector<1000x128xf32>
    %mul3A_262 = arith.mulf %mul3A_224, %mul3A_261 : vector<1000x128xf32>
    %sub3A_263 = arith.constant 5.000000e-01 : f32
    %sub3A_264 = vector.broadcast %sub3A_263 : f32 to vector<1000x128xf32>
    %sub3A_265 = arith.subf %mul3A_262, %sub3A_264 : vector<1000x128xf32>
    %add3A_266 = arith.addf %sub3A_265, %add3A_9 : vector<1000x128xf32>
    %mul3A_267 = arith.constant 2.000000e+02 : f32
    %mul3A_268 = vector.broadcast %mul3A_267 : f32 to vector<1000x128xf32>
    %mul3A_269 = arith.mulf %mul3A_259, %mul3A_268 : vector<1000x128xf32>
    %sub3A_270 = arith.constant 5.000000e-01 : f32
    %sub3A_271 = vector.broadcast %sub3A_270 : f32 to vector<1000x128xf32>
    %sub3A_272 = arith.subf %mul3A_269, %sub3A_271 : vector<1000x128xf32>
    %add3A_273 = arith.addf %sub3A_272, %add3A_19 : vector<1000x128xf32>
    %floor3A = math.floor %add3A_266 : vector<1000x128xf32>
    %floor3A_274 = math.floor %add3A_273 : vector<1000x128xf32>
    %sub3A_275 = arith.subf %add3A_266, %floor3A : vector<1000x128xf32>
    %sub3A_276 = arith.subf %add3A_273, %floor3A_274 : vector<1000x128xf32>
    %add3A_277 = arith.addf %floor3A, %convert_element_type3A : vector<1000x128xf32>
    %add3A_278 = arith.addf %floor3A_274, %convert_element_type3A_159 : vector<1000x128xf32>
    %sub3A_279 = arith.constant 1.000000e+00 : f32
    %sub3A_280 = vector.broadcast %sub3A_279 : f32 to vector<1000x128xf32>
    %sub3A_281 = arith.subf %sub3A_280, %convert_element_type3A : vector<1000x128xf32>
    %mul3A_282 = arith.constant 2.000000e+00 : f32
    %mul3A_283 = vector.broadcast %mul3A_282 : f32 to vector<1000x128xf32>
    %mul3A_284 = arith.mulf %mul3A_283, %convert_element_type3A : vector<1000x128xf32>
    %sub3A_285 = arith.constant 1.000000e+00 : f32
    %sub3A_286 = vector.broadcast %sub3A_285 : f32 to vector<1000x128xf32>
    %sub3A_287 = arith.subf %mul3A_284, %sub3A_286 : vector<1000x128xf32>
    %mul3A_288 = arith.mulf %sub3A_287, %sub3A_275 : vector<1000x128xf32>
    %add3A_289 = arith.addf %sub3A_281, %mul3A_288 : vector<1000x128xf32>
    %sub3A_290 = arith.constant 1.000000e+00 : f32
    %sub3A_291 = vector.broadcast %sub3A_290 : f32 to vector<1000x128xf32>
    %sub3A_292 = arith.subf %sub3A_291, %convert_element_type3A_159 : vector<1000x128xf32>
    %mul3A_293 = arith.constant 2.000000e+00 : f32
    %mul3A_294 = vector.broadcast %mul3A_293 : f32 to vector<1000x128xf32>
    %mul3A_295 = arith.mulf %mul3A_294, %convert_element_type3A_159 : vector<1000x128xf32>
    %sub3A_296 = arith.constant 1.000000e+00 : f32
    %sub3A_297 = vector.broadcast %sub3A_296 : f32 to vector<1000x128xf32>
    %sub3A_298 = arith.subf %mul3A_295, %sub3A_297 : vector<1000x128xf32>
    %mul3A_299 = arith.mulf %sub3A_298, %sub3A_276 : vector<1000x128xf32>
    %add3A_300 = arith.addf %sub3A_292, %mul3A_299 : vector<1000x128xf32>
    %ge3A = arith.constant 0.000000e+00 : f32
    %ge3A_301 = vector.broadcast %ge3A : f32 to vector<1000x128xf32>
    %ge3A_302 = arith.cmpf oge, %add3A_277, %ge3A_301 : vector<1000x128xf32>
    %le3A = arith.constant 1.990000e+02 : f32
    %le3A_303 = vector.broadcast %le3A : f32 to vector<1000x128xf32>
    %le3A_304 = arith.cmpf ole, %add3A_277, %le3A_303 : vector<1000x128xf32>
    %and3A_305 = arith.andi %ge3A_302, %le3A_304 : vector<1000x128xi1>
    %ge3A_306 = arith.constant 0.000000e+00 : f32
    %ge3A_307 = vector.broadcast %ge3A_306 : f32 to vector<1000x128xf32>
    %ge3A_308 = arith.cmpf oge, %add3A_278, %ge3A_307 : vector<1000x128xf32>
    %and3A_309 = arith.andi %and3A_305, %ge3A_308 : vector<1000x128xi1>
    %le3A_310 = arith.constant 1.990000e+02 : f32
    %le3A_311 = vector.broadcast %le3A_310 : f32 to vector<1000x128xf32>
    %le3A_312 = arith.cmpf ole, %add3A_278, %le3A_311 : vector<1000x128xf32>
    %and3A_313 = arith.andi %and3A_309, %le3A_312 : vector<1000x128xi1>
    %jit3A_314 = arith.constant 0.000000e+00 : f32
    %jit3A_315 = arith.constant 1.990000e+02 : f32
    %max3A = vector.broadcast %jit3A_314 : f32 to vector<1000x128xf32>
    %max3A_316 = arith.maximumf %max3A, %add3A_277 : vector<1000x128xf32>
    %min3A = vector.broadcast %jit3A_315 : f32 to vector<1000x128xf32>
    %min3A_317 = arith.minimumf %min3A, %max3A_316 : vector<1000x128xf32>
    %jit3A_318 = arith.constant 0.000000e+00 : f32
    %jit3A_319 = arith.constant 1.990000e+02 : f32
    %max3A_320 = vector.broadcast %jit3A_318 : f32 to vector<1000x128xf32>
    %max3A_321 = arith.maximumf %max3A_320, %add3A_278 : vector<1000x128xf32>
    %min3A_322 = vector.broadcast %jit3A_319 : f32 to vector<1000x128xf32>
    %min3A_323 = arith.minimumf %min3A_322, %max3A_321 : vector<1000x128xf32>
    %mul3A_324 = arith.constant 2.000000e+02 : f32
    %mul3A_325 = vector.broadcast %mul3A_324 : f32 to vector<1000x128xf32>
    %mul3A_326 = arith.mulf %min3A_323, %mul3A_325 : vector<1000x128xf32>
    %add3A_327 = arith.addf %mul3A_326, %min3A_317 : vector<1000x128xf32>
    %mul3A_328 = arith.constant 8.000000e+00 : f32
    %mul3A_329 = vector.broadcast %mul3A_328 : f32 to vector<1000x128xf32>
    %mul3A_330 = arith.mulf %add3A_327, %mul3A_329 : vector<1000x128xf32>
    %add3A_331 = arith.addf %mul3A_330, %convert_element_type3A_191 : vector<1000x128xf32>
    %convert_element_type3A_332 = arith.fptosi %add3A_331 : vector<1000x128xf32> to vector<1000x128xi32>
    %swap3A = arith.constant 0 : index
    %swap3A_333 = arith.constant 0 : index
    %swap3A_334 = vector.load %arg9[%swap3A, %swap3A_333] : memref<1000x128xi32, #tpu.memory_space<vmem>>, vector<1000x128xi32>
    tpu.vector_store %arg9[%swap3A, %swap3A_333], %convert_element_type3A_332 {strides = array<i32>} : memref<1000x128xi32, #tpu.memory_space<vmem>>, vector<1000x128xi32>,
    %mul3A_335 = arith.mulf %div3A, %add3A_289 : vector<1000x128xf32>
    %mul3A_336 = arith.mulf %mul3A_335, %add3A_300 : vector<1000x128xf32>
    %convert_element_type3A_337 = arith.extui %and3A_313 : vector<1000x128xi1> to vector<1000x128xi32>
    %convert_element_type3A_338 = arith.sitofp %convert_element_type3A_337 : vector<1000x128xi32> to vector<1000x128xf32>
    %mul3A_339 = arith.mulf %mul3A_336, %convert_element_type3A_338 : vector<1000x128xf32>
    %swap3A_340 = arith.constant 0 : index
    %swap3A_341 = arith.constant 0 : index
    %swap3A_342 = vector.load %arg10[%swap3A_340, %swap3A_341] : memref<1000x128xf32, #tpu.memory_space<vmem>>, vector<1000x128xf32>
    tpu.vector_store %arg10[%swap3A_340, %swap3A_341], %mul3A_339 {strides = array<i32>} : memref<1000x128xf32, #tpu.memory_space<vmem>>, vector<1000x128xf32>,
    return
  }
  func.func @transform_0(%arg0: i32) -> (i32, i32) {
    %add3A = arith.constant 0 : i32
    %add3A_0 = arith.addi %arg0, %add3A : i32
    %c0_i32 = arith.constant 0 : i32
    %c0_i32_1 = arith.constant 0 : i32
    return %add3A_0, %c0_i32 : i32, i32
  }
  func.func @transform_1(%arg0: i32) -> (i32, i32) {
    %c0_i32 = arith.constant 0 : i32
    %c0_i32_0 = arith.constant 0 : i32
    %c0_i32_1 = arith.constant 0 : i32
    return %c0_i32, %c0_i32_0 : i32, i32
  }
  func.func @transform_2(%arg0: i32) -> (i32, i32) {
    %c0_i32 = arith.constant 0 : i32
    %c0_i32_0 = arith.constant 0 : i32
    %c0_i32_1 = arith.constant 0 : i32
    return %c0_i32, %c0_i32_0 : i32, i32
  }
  func.func @transform_3(%arg0: i32) -> (i32, i32) {
    %c0_i32 = arith.constant 0 : i32
    %c0_i32_0 = arith.constant 0 : i32
    %c0_i32_1 = arith.constant 0 : i32
    return %c0_i32, %c0_i32_0 : i32, i32
  }
  func.func @transform_4(%arg0: i32) -> (i32, i32) {
    %c0_i32 = arith.constant 0 : i32
    %c0_i32_0 = arith.constant 0 : i32
    %c0_i32_1 = arith.constant 0 : i32
    return %c0_i32, %c0_i32_0 : i32, i32
  }
  func.func @transform_5(%arg0: i32) -> (i32, i32) {
    %c0_i32 = arith.constant 0 : i32
    %c0_i32_0 = arith.constant 0 : i32
    %c0_i32_1 = arith.constant 0 : i32
    return %c0_i32, %c0_i32_0 : i32, i32
  }
  func.func @transform_6(%arg0: i32) -> (i32, i32) {
    %c0_i32 = arith.constant 0 : i32
    %c0_i32_0 = arith.constant 0 : i32
    %c0_i32_1 = arith.constant 0 : i32
    return %c0_i32, %c0_i32_0 : i32, i32
  }
  func.func @transform_7(%arg0: i32) -> (i32, i32) {
    %c0_i32 = arith.constant 0 : i32
    %c0_i32_0 = arith.constant 0 : i32
    %c0_i32_1 = arith.constant 0 : i32
    return %c0_i32, %c0_i32_0 : i32, i32
  }
  func.func @transform_8(%arg0: i32) -> (i32, i32) {
    %c0_i32 = arith.constant 0 : i32
    %c0_i32_0 = arith.constant 0 : i32
    return %arg0, %c0_i32 : i32, i32
  }
  func.func @transform_9(%arg0: i32) -> (i32, i32) {
    %c0_i32 = arith.constant 0 : i32
    %c0_i32_0 = arith.constant 0 : i32
    return %arg0, %c0_i32 : i32, i32
  }
}

module attributes {stable_mosaic.version = 14 : i64} {
  func.func @_val_body(%arg0: i32, %arg1: memref<2000x128xf32, #tpu.memory_space<vmem>>, %arg2: memref<128x128xf32, #tpu.memory_space<vmem>>, %arg3: memref<1x128xf32, #tpu.memory_space<vmem>>, %arg4: memref<128x64xf32, #tpu.memory_space<vmem>>, %arg5: memref<1x64xf32, #tpu.memory_space<vmem>>, %arg6: memref<128x32xf32, #tpu.memory_space<vmem>>, %arg7: memref<1x32xf32, #tpu.memory_space<vmem>>, %arg8: memref<64x128xf32, #tpu.memory_space<vmem>>, %arg9: memref<64x128xf32, #tpu.memory_space<vmem>>, %arg10: memref<32x128xf32, #tpu.memory_space<vmem>>, %arg11: memref<2000x128xf32, #tpu.memory_space<vmem>>, %arg12: memref<128x128xf32, #tpu.memory_space<vmem>>, %arg13: memref<1x128xf32, #tpu.memory_space<vmem>>, %arg14: memref<128x128xf32, #tpu.memory_space<vmem>>, %arg15: memref<1x128xf32, #tpu.memory_space<vmem>>, %arg16: memref<128x128xf32, #tpu.memory_space<vmem>>, %arg17: memref<1x128xf32, #tpu.memory_space<vmem>>) attributes {dimension_semantics = [#tpu.dimension_semantics<arbitrary>], iteration_bounds = array<i64: 20>, scalar_prefetch = 0 : i64, scratch_operands = 0 : i64, tpu.core_type = #tpu.core_type<tc>, window_params = [{transform_indices = @transform_0, window_bounds = array<i64: 2000, 128>}, {pipeline_mode = #tpu.pipeline_mode<synchronous>, transform_indices = @transform_1, window_bounds = array<i64: 128, 128>}, {pipeline_mode = #tpu.pipeline_mode<synchronous>, transform_indices = @transform_2, window_bounds = array<i64: 1, 128>}, {pipeline_mode = #tpu.pipeline_mode<synchronous>, transform_indices = @transform_3, window_bounds = array<i64: 128, 64>}, {pipeline_mode = #tpu.pipeline_mode<synchronous>, transform_indices = @transform_4, window_bounds = array<i64: 1, 64>}, {pipeline_mode = #tpu.pipeline_mode<synchronous>, transform_indices = @transform_5, window_bounds = array<i64: 128, 32>}, {pipeline_mode = #tpu.pipeline_mode<synchronous>, transform_indices = @transform_6, window_bounds = array<i64: 1, 32>}, {pipeline_mode = #tpu.pipeline_mode<synchronous>, transform_indices = @transform_7, window_bounds = array<i64: 64, 128>}, {pipeline_mode = #tpu.pipeline_mode<synchronous>, transform_indices = @transform_8, window_bounds = array<i64: 64, 128>}, {pipeline_mode = #tpu.pipeline_mode<synchronous>, transform_indices = @transform_9, window_bounds = array<i64: 32, 128>}, {transform_indices = @transform_10, window_bounds = array<i64: 2000, 128>}, {pipeline_mode = #tpu.pipeline_mode<synchronous>, transform_indices = @transform_11, window_bounds = array<i64: 128, 128>}, {pipeline_mode = #tpu.pipeline_mode<synchronous>, transform_indices = @transform_12, window_bounds = array<i64: 1, 128>}, {pipeline_mode = #tpu.pipeline_mode<synchronous>, transform_indices = @transform_13, window_bounds = array<i64: 128, 128>}, {pipeline_mode = #tpu.pipeline_mode<synchronous>, transform_indices = @transform_14, window_bounds = array<i64: 1, 128>}, {pipeline_mode = #tpu.pipeline_mode<synchronous>, transform_indices = @transform_15, window_bounds = array<i64: 128, 128>}, {pipeline_mode = #tpu.pipeline_mode<synchronous>, transform_indices = @transform_16, window_bounds = array<i64: 1, 128>}]} {
    %get3A = arith.constant 0 : index
    %get3A_0 = arith.constant 0 : index
    %get3A_1 = vector.load %arg1[%get3A, %get3A_0] : memref<2000x128xf32, #tpu.memory_space<vmem>>, vector<2000x128xf32>
    %get3A_2 = arith.constant 0 : index
    %get3A_3 = arith.constant 0 : index
    %get3A_4 = vector.load %arg2[%get3A_2, %get3A_3] : memref<128x128xf32, #tpu.memory_space<vmem>>, vector<128x128xf32>
    %dot_general3A = arith.constant dense<0.000000e+00> : vector<2000x128xf32>
    %dot_general3A_5 = tpu.matmul %get3A_1, %get3A_4, %dot_general3A {dimension_numbers = #tpu.dot_dimension_numbers<[1], [0], [0], [1], [0, 0, 1, 1], [], []>, transpose_lhs_hint = false} : vector<2000x128xf32>, vector<128x128xf32>, vector<2000x128xf32> -> vector<2000x128xf32>
    %get3A_6 = arith.constant 0 : index
    %get3A_7 = arith.constant 0 : index
    %get3A_8 = vector.load %arg3[%get3A_6, %get3A_7] : memref<1x128xf32, #tpu.memory_space<vmem>>, vector<1x128xf32>
    %add3A = vector.broadcast %get3A_8 : vector<1x128xf32> to vector<2000x128xf32>
    %add3A_9 = arith.addf %dot_general3A_5, %add3A : vector<2000x128xf32>
    %swap3A = arith.constant 0 : index
    %swap3A_10 = arith.constant 0 : index
    %swap3A_11 = vector.load %arg11[%swap3A, %swap3A_10] : memref<2000x128xf32, #tpu.memory_space<vmem>>, vector<2000x128xf32>
    tpu.vector_store %arg11[%swap3A, %swap3A_10], %add3A_9 {strides = array<i32>} : memref<2000x128xf32, #tpu.memory_space<vmem>>, vector<2000x128xf32>,
    %get3A_12 = arith.constant 0 : index
    %get3A_13 = arith.constant 0 : index
    %get3A_14 = vector.load %arg8[%get3A_12, %get3A_13] : memref<64x128xf32, #tpu.memory_space<vmem>>, vector<64x128xf32>
    %get3A_15 = arith.constant 0 : index
    %get3A_16 = arith.constant 0 : index
    %get3A_17 = vector.load %arg9[%get3A_15, %get3A_16] : memref<64x128xf32, #tpu.memory_space<vmem>>, vector<64x128xf32>
    %get3A_18 = arith.constant 0 : index
    %get3A_19 = arith.constant 0 : index
    %get3A_20 = vector.load %arg10[%get3A_18, %get3A_19] : memref<32x128xf32, #tpu.memory_space<vmem>>, vector<32x128xf32>
    %get3A_21 = arith.constant 0 : index
    %get3A_22 = arith.constant 0 : index
    %get3A_23 = vector.load %arg4[%get3A_21, %get3A_22] : memref<128x64xf32, #tpu.memory_space<vmem>>, vector<128x64xf32>
    %dot_general3A_24 = arith.constant dense<0.000000e+00> : vector<128x128xf32>
    %dot_general3A_25 = tpu.matmul %get3A_23, %get3A_14, %dot_general3A_24 {dimension_numbers = #tpu.dot_dimension_numbers<[1], [0], [0], [1], [0, 0, 1, 1], [], []>, precision = #tpu.contract_precision<fp32>, transpose_lhs_hint = false} : vector<128x64xf32>, vector<64x128xf32>, vector<128x128xf32> -> vector<128x128xf32>
    %swap3A_26 = arith.constant 0 : index
    %swap3A_27 = arith.constant 0 : index
    %swap3A_28 = vector.load %arg12[%swap3A_26, %swap3A_27] : memref<128x128xf32, #tpu.memory_space<vmem>>, vector<128x128xf32>
    tpu.vector_store %arg12[%swap3A_26, %swap3A_27], %dot_general3A_25 {strides = array<i32>} : memref<128x128xf32, #tpu.memory_space<vmem>>, vector<128x128xf32>,
    %get3A_29 = arith.constant 0 : index
    %get3A_30 = arith.constant 0 : index
    %get3A_31 = vector.load %arg4[%get3A_29, %get3A_30] : memref<128x64xf32, #tpu.memory_space<vmem>>, vector<128x64xf32>
    %dot_general3A_32 = arith.constant dense<0.000000e+00> : vector<128x128xf32>
    %dot_general3A_33 = tpu.matmul %get3A_31, %get3A_17, %dot_general3A_32 {dimension_numbers = #tpu.dot_dimension_numbers<[1], [0], [0], [1], [0, 0, 1, 1], [], []>, precision = #tpu.contract_precision<fp32>, transpose_lhs_hint = false} : vector<128x64xf32>, vector<64x128xf32>, vector<128x128xf32> -> vector<128x128xf32>
    %swap3A_34 = arith.constant 0 : index
    %swap3A_35 = arith.constant 0 : index
    %swap3A_36 = vector.load %arg14[%swap3A_34, %swap3A_35] : memref<128x128xf32, #tpu.memory_space<vmem>>, vector<128x128xf32>
    tpu.vector_store %arg14[%swap3A_34, %swap3A_35], %dot_general3A_33 {strides = array<i32>} : memref<128x128xf32, #tpu.memory_space<vmem>>, vector<128x128xf32>,
    %get3A_37 = arith.constant 0 : index
    %get3A_38 = arith.constant 0 : index
    %get3A_39 = vector.load %arg5[%get3A_37, %get3A_38] : memref<1x64xf32, #tpu.memory_space<vmem>>, vector<1x64xf32>
    %dot_general3A_40 = arith.constant dense<0.000000e+00> : vector<1x128xf32>
    %dot_general3A_41 = tpu.matmul %get3A_39, %get3A_14, %dot_general3A_40 {dimension_numbers = #tpu.dot_dimension_numbers<[1], [0], [0], [1], [0, 0, 1, 1], [], []>, precision = #tpu.contract_precision<fp32>, transpose_lhs_hint = false} : vector<1x64xf32>, vector<64x128xf32>, vector<1x128xf32> -> vector<1x128xf32>
    %swap3A_42 = arith.constant 0 : index
    %swap3A_43 = arith.constant 0 : index
    %swap3A_44 = vector.load %arg13[%swap3A_42, %swap3A_43] : memref<1x128xf32, #tpu.memory_space<vmem>>, vector<1x128xf32>
    tpu.vector_store %arg13[%swap3A_42, %swap3A_43], %dot_general3A_41 {strides = array<i32>} : memref<1x128xf32, #tpu.memory_space<vmem>>, vector<1x128xf32>,
    %get3A_45 = arith.constant 0 : index
    %get3A_46 = arith.constant 0 : index
    %get3A_47 = vector.load %arg5[%get3A_45, %get3A_46] : memref<1x64xf32, #tpu.memory_space<vmem>>, vector<1x64xf32>
    %dot_general3A_48 = arith.constant dense<0.000000e+00> : vector<1x128xf32>
    %dot_general3A_49 = tpu.matmul %get3A_47, %get3A_17, %dot_general3A_48 {dimension_numbers = #tpu.dot_dimension_numbers<[1], [0], [0], [1], [0, 0, 1, 1], [], []>, precision = #tpu.contract_precision<fp32>, transpose_lhs_hint = false} : vector<1x64xf32>, vector<64x128xf32>, vector<1x128xf32> -> vector<1x128xf32>
    %swap3A_50 = arith.constant 0 : index
    %swap3A_51 = arith.constant 0 : index
    %swap3A_52 = vector.load %arg15[%swap3A_50, %swap3A_51] : memref<1x128xf32, #tpu.memory_space<vmem>>, vector<1x128xf32>
    tpu.vector_store %arg15[%swap3A_50, %swap3A_51], %dot_general3A_49 {strides = array<i32>} : memref<1x128xf32, #tpu.memory_space<vmem>>, vector<1x128xf32>,
    %get3A_53 = arith.constant 0 : index
    %get3A_54 = arith.constant 0 : index
    %get3A_55 = vector.load %arg6[%get3A_53, %get3A_54] : memref<128x32xf32, #tpu.memory_space<vmem>>, vector<128x32xf32>
    %dot_general3A_56 = arith.constant dense<0.000000e+00> : vector<128x128xf32>
    %dot_general3A_57 = tpu.matmul %get3A_55, %get3A_20, %dot_general3A_56 {dimension_numbers = #tpu.dot_dimension_numbers<[1], [0], [0], [1], [0, 0, 1, 1], [], []>, precision = #tpu.contract_precision<fp32>, transpose_lhs_hint = false} : vector<128x32xf32>, vector<32x128xf32>, vector<128x128xf32> -> vector<128x128xf32>
    %swap3A_58 = arith.constant 0 : index
    %swap3A_59 = arith.constant 0 : index
    %swap3A_60 = vector.load %arg16[%swap3A_58, %swap3A_59] : memref<128x128xf32, #tpu.memory_space<vmem>>, vector<128x128xf32>
    tpu.vector_store %arg16[%swap3A_58, %swap3A_59], %dot_general3A_57 {strides = array<i32>} : memref<128x128xf32, #tpu.memory_space<vmem>>, vector<128x128xf32>,
    %get3A_61 = arith.constant 0 : index
    %get3A_62 = arith.constant 0 : index
    %get3A_63 = vector.load %arg7[%get3A_61, %get3A_62] : memref<1x32xf32, #tpu.memory_space<vmem>>, vector<1x32xf32>
    %dot_general3A_64 = arith.constant dense<0.000000e+00> : vector<1x128xf32>
    %dot_general3A_65 = tpu.matmul %get3A_63, %get3A_20, %dot_general3A_64 {dimension_numbers = #tpu.dot_dimension_numbers<[1], [0], [0], [1], [0, 0, 1, 1], [], []>, precision = #tpu.contract_precision<fp32>, transpose_lhs_hint = false} : vector<1x32xf32>, vector<32x128xf32>, vector<1x128xf32> -> vector<1x128xf32>
    %swap3A_66 = arith.constant 0 : index
    %swap3A_67 = arith.constant 0 : index
    %swap3A_68 = vector.load %arg17[%swap3A_66, %swap3A_67] : memref<1x128xf32, #tpu.memory_space<vmem>>, vector<1x128xf32>
    tpu.vector_store %arg17[%swap3A_66, %swap3A_67], %dot_general3A_65 {strides = array<i32>} : memref<1x128xf32, #tpu.memory_space<vmem>>, vector<1x128xf32>,
    return
  }
  func.func @transform_0(%arg0: i32) -> (i32, i32) {
    %c0_i32 = arith.constant 0 : i32
    %c0_i32_0 = arith.constant 0 : i32
    return %arg0, %c0_i32 : i32, i32
  }
  func.func @transform_1(%arg0: i32) -> (i32, i32) {
    %c0_i32 = arith.constant 0 : i32
    %c0_i32_0 = arith.constant 0 : i32
    %c0_i32_1 = arith.constant 0 : i32
    return %c0_i32, %c0_i32_0 : i32, i32
  }
  func.func @transform_2(%arg0: i32) -> (i32, i32) {
    %c0_i32 = arith.constant 0 : i32
    %c0_i32_0 = arith.constant 0 : i32
    %c0_i32_1 = arith.constant 0 : i32
    return %c0_i32, %c0_i32_0 : i32, i32
  }
  func.func @transform_3(%arg0: i32) -> (i32, i32) {
    %c0_i32 = arith.constant 0 : i32
    %c0_i32_0 = arith.constant 0 : i32
    %c0_i32_1 = arith.constant 0 : i32
    return %c0_i32, %c0_i32_0 : i32, i32
  }
  func.func @transform_4(%arg0: i32) -> (i32, i32) {
    %c0_i32 = arith.constant 0 : i32
    %c0_i32_0 = arith.constant 0 : i32
    %c0_i32_1 = arith.constant 0 : i32
    return %c0_i32, %c0_i32_0 : i32, i32
  }
  func.func @transform_5(%arg0: i32) -> (i32, i32) {
    %c0_i32 = arith.constant 0 : i32
    %c0_i32_0 = arith.constant 0 : i32
    %c0_i32_1 = arith.constant 0 : i32
    return %c0_i32, %c0_i32_0 : i32, i32
  }
  func.func @transform_6(%arg0: i32) -> (i32, i32) {
    %c0_i32 = arith.constant 0 : i32
    %c0_i32_0 = arith.constant 0 : i32
    %c0_i32_1 = arith.constant 0 : i32
    return %c0_i32, %c0_i32_0 : i32, i32
  }
  func.func @transform_7(%arg0: i32) -> (i32, i32) {
    %c0_i32 = arith.constant 0 : i32
    %c0_i32_0 = arith.constant 0 : i32
    %c0_i32_1 = arith.constant 0 : i32
    return %c0_i32, %c0_i32_0 : i32, i32
  }
  func.func @transform_8(%arg0: i32) -> (i32, i32) {
    %c0_i32 = arith.constant 0 : i32
    %c0_i32_0 = arith.constant 0 : i32
    %c0_i32_1 = arith.constant 0 : i32
    return %c0_i32, %c0_i32_0 : i32, i32
  }
  func.func @transform_9(%arg0: i32) -> (i32, i32) {
    %c0_i32 = arith.constant 0 : i32
    %c0_i32_0 = arith.constant 0 : i32
    %c0_i32_1 = arith.constant 0 : i32
    return %c0_i32, %c0_i32_0 : i32, i32
  }
  func.func @transform_10(%arg0: i32) -> (i32, i32) {
    %c0_i32 = arith.constant 0 : i32
    %c0_i32_0 = arith.constant 0 : i32
    return %arg0, %c0_i32 : i32, i32
  }
  func.func @transform_11(%arg0: i32) -> (i32, i32) {
    %c0_i32 = arith.constant 0 : i32
    %c0_i32_0 = arith.constant 0 : i32
    %c0_i32_1 = arith.constant 0 : i32
    return %c0_i32, %c0_i32_0 : i32, i32
  }
  func.func @transform_12(%arg0: i32) -> (i32, i32) {
    %c0_i32 = arith.constant 0 : i32
    %c0_i32_0 = arith.constant 0 : i32
    %c0_i32_1 = arith.constant 0 : i32
    return %c0_i32, %c0_i32_0 : i32, i32
  }
  func.func @transform_13(%arg0: i32) -> (i32, i32) {
    %c0_i32 = arith.constant 0 : i32
    %c0_i32_0 = arith.constant 0 : i32
    %c0_i32_1 = arith.constant 0 : i32
    return %c0_i32, %c0_i32_0 : i32, i32
  }
  func.func @transform_14(%arg0: i32) -> (i32, i32) {
    %c0_i32 = arith.constant 0 : i32
    %c0_i32_0 = arith.constant 0 : i32
    %c0_i32_1 = arith.constant 0 : i32
    return %c0_i32, %c0_i32_0 : i32, i32
  }
  func.func @transform_15(%arg0: i32) -> (i32, i32) {
    %c0_i32 = arith.constant 0 : i32
    %c0_i32_0 = arith.constant 0 : i32
    %c0_i32_1 = arith.constant 0 : i32
    return %c0_i32, %c0_i32_0 : i32, i32
  }
  func.func @transform_16(%arg0: i32) -> (i32, i32) {
    %c0_i32 = arith.constant 0 : i32
    %c0_i32_0 = arith.constant 0 : i32
    %c0_i32_1 = arith.constant 0 : i32
    return %c0_i32, %c0_i32_0 : i32, i32
  }
}

module attributes {stable_mosaic.version = 14 : i64} {
  func.func @_pre_body(%arg0: i32, %arg1: memref<1000x128xf32, #tpu.memory_space<vmem>>, %arg2: memref<128x128xf32, #tpu.memory_space<vmem>>, %arg3: memref<1x128xf32, #tpu.memory_space<vmem>>, %arg4: memref<128x128xf32, #tpu.memory_space<vmem>>, %arg5: memref<1x128xf32, #tpu.memory_space<vmem>>, %arg6: memref<128x128xf32, #tpu.memory_space<vmem>>, %arg7: memref<1x128xf32, #tpu.memory_space<vmem>>, %arg8: memref<128x128xf32, #tpu.memory_space<vmem>>, %arg9: memref<1000x128xi32, #tpu.memory_space<vmem>>, %arg10: memref<1000x128xf32, #tpu.memory_space<vmem>>) attributes {dimension_semantics = [#tpu.dimension_semantics<arbitrary>], iteration_bounds = array<i64: 32>, scalar_prefetch = 0 : i64, scratch_operands = 0 : i64, tpu.core_type = #tpu.core_type<tc>, window_params = [{transform_indices = @transform_0, window_bounds = array<i64: 1000, 128>}, {pipeline_mode = #tpu.pipeline_mode<synchronous>, transform_indices = @transform_1, window_bounds = array<i64: 128, 128>}, {pipeline_mode = #tpu.pipeline_mode<synchronous>, transform_indices = @transform_2, window_bounds = array<i64: 1, 128>}, {pipeline_mode = #tpu.pipeline_mode<synchronous>, transform_indices = @transform_3, window_bounds = array<i64: 128, 128>}, {pipeline_mode = #tpu.pipeline_mode<synchronous>, transform_indices = @transform_4, window_bounds = array<i64: 1, 128>}, {pipeline_mode = #tpu.pipeline_mode<synchronous>, transform_indices = @transform_5, window_bounds = array<i64: 128, 128>}, {pipeline_mode = #tpu.pipeline_mode<synchronous>, transform_indices = @transform_6, window_bounds = array<i64: 1, 128>}, {pipeline_mode = #tpu.pipeline_mode<synchronous>, transform_indices = @transform_7, window_bounds = array<i64: 128, 128>}, {transform_indices = @transform_8, window_bounds = array<i64: 1000, 128>}, {transform_indices = @transform_9, window_bounds = array<i64: 1000, 128>}]} {
    %get3A = arith.constant 0 : index
    %get3A_0 = arith.constant 0 : index
    %get3A_1 = vector.load %arg1[%get3A, %get3A_0] : memref<1000x128xf32, #tpu.memory_space<vmem>>, vector<1000x128xf32>
    %get3A_2 = arith.constant 0 : index
    %get3A_3 = arith.constant 0 : index
    %get3A_4 = vector.load %arg2[%get3A_2, %get3A_3] : memref<128x128xf32, #tpu.memory_space<vmem>>, vector<128x128xf32>
    %dot_general3A = arith.constant dense<0.000000e+00> : vector<1000x128xf32>
    %dot_general3A_5 = tpu.matmul %get3A_1, %get3A_4, %dot_general3A {dimension_numbers = #tpu.dot_dimension_numbers<[1], [0], [0], [1], [0, 0, 1, 1], [], []>, transpose_lhs_hint = false} : vector<1000x128xf32>, vector<128x128xf32>, vector<1000x128xf32> -> vector<1000x128xf32>
    %get3A_6 = arith.constant 0 : index
    %get3A_7 = arith.constant 0 : index
    %get3A_8 = vector.load %arg3[%get3A_6, %get3A_7] : memref<1x128xf32, #tpu.memory_space<vmem>>, vector<1x128xf32>
    %add3A = vector.broadcast %get3A_8 : vector<1x128xf32> to vector<1000x128xf32>
    %add3A_9 = arith.addf %dot_general3A_5, %add3A : vector<1000x128xf32>
    %get3A_10 = arith.constant 0 : index
    %get3A_11 = arith.constant 0 : index
    %get3A_12 = vector.load %arg4[%get3A_10, %get3A_11] : memref<128x128xf32, #tpu.memory_space<vmem>>, vector<128x128xf32>
    %dot_general3A_13 = arith.constant dense<0.000000e+00> : vector<1000x128xf32>
    %dot_general3A_14 = tpu.matmul %get3A_1, %get3A_12, %dot_general3A_13 {dimension_numbers = #tpu.dot_dimension_numbers<[1], [0], [0], [1], [0, 0, 1, 1], [], []>, transpose_lhs_hint = false} : vector<1000x128xf32>, vector<128x128xf32>, vector<1000x128xf32> -> vector<1000x128xf32>
    %get3A_15 = arith.constant 0 : index
    %get3A_16 = arith.constant 0 : index
    %get3A_17 = vector.load %arg5[%get3A_15, %get3A_16] : memref<1x128xf32, #tpu.memory_space<vmem>>, vector<1x128xf32>
    %add3A_18 = vector.broadcast %get3A_17 : vector<1x128xf32> to vector<1000x128xf32>
    %add3A_19 = arith.addf %dot_general3A_14, %add3A_18 : vector<1000x128xf32>
    %get3A_20 = arith.constant 0 : index
    %get3A_21 = arith.constant 0 : index
    %get3A_22 = vector.load %arg6[%get3A_20, %get3A_21] : memref<128x128xf32, #tpu.memory_space<vmem>>, vector<128x128xf32>
    %dot_general3A_23 = arith.constant dense<0.000000e+00> : vector<1000x128xf32>
    %dot_general3A_24 = tpu.matmul %get3A_1, %get3A_22, %dot_general3A_23 {dimension_numbers = #tpu.dot_dimension_numbers<[1], [0], [0], [1], [0, 0, 1, 1], [], []>, transpose_lhs_hint = false} : vector<1000x128xf32>, vector<128x128xf32>, vector<1000x128xf32> -> vector<1000x128xf32>
    %get3A_25 = arith.constant 0 : index
    %get3A_26 = arith.constant 0 : index
    %get3A_27 = vector.load %arg7[%get3A_25, %get3A_26] : memref<1x128xf32, #tpu.memory_space<vmem>>, vector<1x128xf32>
    %add3A_28 = vector.broadcast %get3A_27 : vector<1x128xf32> to vector<1000x128xf32>
    %add3A_29 = arith.addf %dot_general3A_24, %add3A_28 : vector<1000x128xf32>
    %reduce_max3A = arith.constant dense<0xFF800000> : vector<1000xf32>
    %reduce_max3A_30 = vector.multi_reduction <maximumf>, %add3A_29, %reduce_max3A [1] : vector<1000x128xf32> to vector<1000xf32>
    %broadcast_in_dim3A = vector.shape_cast %reduce_max3A_30 : vector<1000xf32> to vector<1000x1xf32>
    %sub3A = vector.broadcast %broadcast_in_dim3A : vector<1000x1xf32> to vector<1000x128xf32>
    %sub3A_31 = arith.subf %add3A_29, %sub3A : vector<1000x128xf32>
    %exp3A = math.exp %sub3A_31 : vector<1000x128xf32>
    %mul3A = arith.constant 4.000000e+00 : f32
    %mul3A_32 = vector.broadcast %mul3A : f32 to vector<1000x128xf32>
    %mul3A_33 = arith.mulf %mul3A_32, %exp3A : vector<1000x128xf32>
    %get3A_34 = arith.constant 0 : index
    %get3A_35 = arith.constant 0 : index
    %get3A_36 = vector.load %arg8[%get3A_34, %get3A_35] : memref<128x128xf32, #tpu.memory_space<vmem>>, vector<128x128xf32>
    %dot_general3A_37 = arith.constant dense<0.000000e+00> : vector<1000x128xf32>
    %dot_general3A_38 = tpu.matmul %exp3A, %get3A_36, %dot_general3A_37 {dimension_numbers = #tpu.dot_dimension_numbers<[1], [0], [0], [1], [0, 0, 1, 1], [], []>, transpose_lhs_hint = false} : vector<1000x128xf32>, vector<128x128xf32>, vector<1000x128xf32> -> vector<1000x128xf32>
    %div3A = arith.divf %mul3A_33, %dot_general3A_38 : vector<1000x128xf32>
    %iota3A = tpu.iota {dimensions = array<i32: 1>} : vector<1000x128xi32>
    %jit3A = arith.constant 16 : i32
    %eq3A = arith.constant 0 : i32
    %eq3A_39 = arith.cmpi eq, %jit3A, %eq3A : i32
    %jit3A_40 = arith.constant 1 : i32
    %select_n3A = arith.select %eq3A_39, %jit3A_40, %jit3A : i32
    %rem3A = vector.broadcast %select_n3A : i32 to vector<1000x128xi32>
    %rem3A_41 = arith.remsi %iota3A, %rem3A : vector<1000x128xi32>
    %ne3A = arith.constant 0 : i32
    %ne3A_42 = vector.broadcast %ne3A : i32 to vector<1000x128xi32>
    %ne3A_43 = arith.cmpi ne, %rem3A_41, %ne3A_42 : vector<1000x128xi32>
    %lt3A = arith.constant 0 : i32
    %lt3A_44 = vector.broadcast %lt3A : i32 to vector<1000x128xi32>
    %lt3A_45 = arith.cmpi slt, %rem3A_41, %lt3A_44 : vector<1000x128xi32>
    %lt3A_46 = arith.constant 0 : i32
    %lt3A_47 = arith.cmpi slt, %select_n3A, %lt3A_46 : i32
    %ne3A_48 = vector.broadcast %lt3A_47 : i1 to vector<1000x128xi1>
    %ne3A_49 = vector.broadcast %ne3A_48 : vector<1000x128xi1> to vector<1000x128xi1>
    %ne3A_50 = arith.xori %lt3A_45, %ne3A_49 : vector<1000x128xi1>
    %and3A = arith.andi %ne3A_50, %ne3A_43 : vector<1000x128xi1>
    %add3A_51 = vector.broadcast %select_n3A : i32 to vector<1000x128xi32>
    %add3A_52 = arith.addi %rem3A_41, %add3A_51 : vector<1000x128xi32>
    %select_n3A_53 = arith.select %and3A, %add3A_52, %rem3A_41 : vector<1000x128xi1>, vector<1000x128xi32>
    %jit3A_54 = arith.constant 4 : i32
    %div3A_55 = vector.broadcast %jit3A_54 : i32 to vector<1000x128xi32>
    %div3A_56 = arith.divsi %select_n3A_53, %div3A_55 : vector<1000x128xi32>
    %sign3A = arith.constant 0 : i32
    %sign3A_57 = vector.broadcast %sign3A : i32 to vector<1000x128xi32>
    %sign3A_58 = arith.cmpi sgt, %select_n3A_53, %sign3A_57 : vector<1000x128xi32>
    %sign3A_59 = arith.extui %sign3A_58 : vector<1000x128xi1> to vector<1000x128xi32>
    %sign3A_60 = arith.constant 0 : i32
    %sign3A_61 = vector.broadcast %sign3A_60 : i32 to vector<1000x128xi32>
    %sign3A_62 = arith.cmpi slt, %select_n3A_53, %sign3A_61 : vector<1000x128xi32>
    %sign3A_63 = arith.extui %sign3A_62 : vector<1000x128xi1> to vector<1000x128xi32>
    %sign3A_64 = arith.subi %sign3A_59, %sign3A_63 : vector<1000x128xi32>
    %sign3A_65 = arith.constant 0 : i32
    %sign3A_66 = arith.cmpi sgt, %jit3A_54, %sign3A_65 : i32
    %sign3A_67 = arith.extui %sign3A_66 : i1 to i32
    %sign3A_68 = arith.constant 0 : i32
    %sign3A_69 = arith.cmpi slt, %jit3A_54, %sign3A_68 : i32
    %sign3A_70 = arith.extui %sign3A_69 : i1 to i32
    %sign3A_71 = arith.subi %sign3A_67, %sign3A_70 : i32
    %ne3A_72 = vector.broadcast %sign3A_71 : i32 to vector<1000x128xi32>
    %ne3A_73 = arith.cmpi ne, %sign3A_64, %ne3A_72 : vector<1000x128xi32>
    %rem3A_74 = vector.broadcast %jit3A_54 : i32 to vector<1000x128xi32>
    %rem3A_75 = arith.remsi %select_n3A_53, %rem3A_74 : vector<1000x128xi32>
    %ne3A_76 = arith.constant 0 : i32
    %ne3A_77 = vector.broadcast %ne3A_76 : i32 to vector<1000x128xi32>
    %ne3A_78 = arith.cmpi ne, %rem3A_75, %ne3A_77 : vector<1000x128xi32>
    %and3A_79 = arith.andi %ne3A_73, %ne3A_78 : vector<1000x128xi1>
    %sub3A_80 = arith.constant 1 : i32
    %sub3A_81 = vector.broadcast %sub3A_80 : i32 to vector<1000x128xi32>
    %sub3A_82 = arith.subi %div3A_56, %sub3A_81 : vector<1000x128xi32>
    %select_n3A_83 = arith.select %and3A_79, %sub3A_82, %div3A_56 : vector<1000x128xi1>, vector<1000x128xi32>
    %jit3A_84 = arith.constant 2 : i32
    %eq3A_85 = arith.constant 0 : i32
    %eq3A_86 = arith.cmpi eq, %jit3A_84, %eq3A_85 : i32
    %jit3A_87 = arith.constant 1 : i32
    %select_n3A_88 = arith.select %eq3A_86, %jit3A_87, %jit3A_84 : i32
    %rem3A_89 = vector.broadcast %select_n3A_88 : i32 to vector<1000x128xi32>
    %rem3A_90 = arith.remsi %select_n3A_83, %rem3A_89 : vector<1000x128xi32>
    %ne3A_91 = arith.constant 0 : i32
    %ne3A_92 = vector.broadcast %ne3A_91 : i32 to vector<1000x128xi32>
    %ne3A_93 = arith.cmpi ne, %rem3A_90, %ne3A_92 : vector<1000x128xi32>
    %lt3A_94 = arith.constant 0 : i32
    %lt3A_95 = vector.broadcast %lt3A_94 : i32 to vector<1000x128xi32>
    %lt3A_96 = arith.cmpi slt, %rem3A_90, %lt3A_95 : vector<1000x128xi32>
    %lt3A_97 = arith.constant 0 : i32
    %lt3A_98 = arith.cmpi slt, %select_n3A_88, %lt3A_97 : i32
    %ne3A_99 = vector.broadcast %lt3A_98 : i1 to vector<1000x128xi1>
    %ne3A_100 = vector.broadcast %ne3A_99 : vector<1000x128xi1> to vector<1000x128xi1>
    %ne3A_101 = arith.xori %lt3A_96, %ne3A_100 : vector<1000x128xi1>
    %and3A_102 = arith.andi %ne3A_101, %ne3A_93 : vector<1000x128xi1>
    %add3A_103 = vector.broadcast %select_n3A_88 : i32 to vector<1000x128xi32>
    %add3A_104 = arith.addi %rem3A_90, %add3A_103 : vector<1000x128xi32>
    %select_n3A_105 = arith.select %and3A_102, %add3A_104, %rem3A_90 : vector<1000x128xi1>, vector<1000x128xi32>
    %convert_element_type3A = arith.sitofp %select_n3A_105 : vector<1000x128xi32> to vector<1000x128xf32>
    %jit3A_106 = arith.constant 16 : i32
    %eq3A_107 = arith.constant 0 : i32
    %eq3A_108 = arith.cmpi eq, %jit3A_106, %eq3A_107 : i32
    %jit3A_109 = arith.constant 1 : i32
    %select_n3A_110 = arith.select %eq3A_108, %jit3A_109, %jit3A_106 : i32
    %rem3A_111 = vector.broadcast %select_n3A_110 : i32 to vector<1000x128xi32>
    %rem3A_112 = arith.remsi %iota3A, %rem3A_111 : vector<1000x128xi32>
    %ne3A_113 = arith.constant 0 : i32
    %ne3A_114 = vector.broadcast %ne3A_113 : i32 to vector<1000x128xi32>
    %ne3A_115 = arith.cmpi ne, %rem3A_112, %ne3A_114 : vector<1000x128xi32>
    %lt3A_116 = arith.constant 0 : i32
    %lt3A_117 = vector.broadcast %lt3A_116 : i32 to vector<1000x128xi32>
    %lt3A_118 = arith.cmpi slt, %rem3A_112, %lt3A_117 : vector<1000x128xi32>
    %lt3A_119 = arith.constant 0 : i32
    %lt3A_120 = arith.cmpi slt, %select_n3A_110, %lt3A_119 : i32
    %ne3A_121 = vector.broadcast %lt3A_120 : i1 to vector<1000x128xi1>
    %ne3A_122 = vector.broadcast %ne3A_121 : vector<1000x128xi1> to vector<1000x128xi1>
    %ne3A_123 = arith.xori %lt3A_118, %ne3A_122 : vector<1000x128xi1>
    %and3A_124 = arith.andi %ne3A_123, %ne3A_115 : vector<1000x128xi1>
    %add3A_125 = vector.broadcast %select_n3A_110 : i32 to vector<1000x128xi32>
    %add3A_126 = arith.addi %rem3A_112, %add3A_125 : vector<1000x128xi32>
    %select_n3A_127 = arith.select %and3A_124, %add3A_126, %rem3A_112 : vector<1000x128xi1>, vector<1000x128xi32>
    %jit3A_128 = arith.constant 8 : i32
    %div3A_129 = vector.broadcast %jit3A_128 : i32 to vector<1000x128xi32>
    %div3A_130 = arith.divsi %select_n3A_127, %div3A_129 : vector<1000x128xi32>
    %sign3A_131 = arith.constant 0 : i32
    %sign3A_132 = vector.broadcast %sign3A_131 : i32 to vector<1000x128xi32>
    %sign3A_133 = arith.cmpi sgt, %select_n3A_127, %sign3A_132 : vector<1000x128xi32>
    %sign3A_134 = arith.extui %sign3A_133 : vector<1000x128xi1> to vector<1000x128xi32>
    %sign3A_135 = arith.constant 0 : i32
    %sign3A_136 = vector.broadcast %sign3A_135 : i32 to vector<1000x128xi32>
    %sign3A_137 = arith.cmpi slt, %select_n3A_127, %sign3A_136 : vector<1000x128xi32>
    %sign3A_138 = arith.extui %sign3A_137 : vector<1000x128xi1> to vector<1000x128xi32>
    %sign3A_139 = arith.subi %sign3A_134, %sign3A_138 : vector<1000x128xi32>
    %sign3A_140 = arith.constant 0 : i32
    %sign3A_141 = arith.cmpi sgt, %jit3A_128, %sign3A_140 : i32
    %sign3A_142 = arith.extui %sign3A_141 : i1 to i32
    %sign3A_143 = arith.constant 0 : i32
    %sign3A_144 = arith.cmpi slt, %jit3A_128, %sign3A_143 : i32
    %sign3A_145 = arith.extui %sign3A_144 : i1 to i32
    %sign3A_146 = arith.subi %sign3A_142, %sign3A_145 : i32
    %ne3A_147 = vector.broadcast %sign3A_146 : i32 to vector<1000x128xi32>
    %ne3A_148 = arith.cmpi ne, %sign3A_139, %ne3A_147 : vector<1000x128xi32>
    %rem3A_149 = vector.broadcast %jit3A_128 : i32 to vector<1000x128xi32>
    %rem3A_150 = arith.remsi %select_n3A_127, %rem3A_149 : vector<1000x128xi32>
    %ne3A_151 = arith.constant 0 : i32
    %ne3A_152 = vector.broadcast %ne3A_151 : i32 to vector<1000x128xi32>
    %ne3A_153 = arith.cmpi ne, %rem3A_150, %ne3A_152 : vector<1000x128xi32>
    %and3A_154 = arith.andi %ne3A_148, %ne3A_153 : vector<1000x128xi1>
    %sub3A_155 = arith.constant 1 : i32
    %sub3A_156 = vector.broadcast %sub3A_155 : i32 to vector<1000x128xi32>
    %sub3A_157 = arith.subi %div3A_130, %sub3A_156 : vector<1000x128xi32>
    %select_n3A_158 = arith.select %and3A_154, %sub3A_157, %div3A_130 : vector<1000x128xi1>, vector<1000x128xi32>
    %convert_element_type3A_159 = arith.sitofp %select_n3A_158 : vector<1000x128xi32> to vector<1000x128xf32>
    %jit3A_160 = arith.constant 16 : i32
    %div3A_161 = vector.broadcast %jit3A_160 : i32 to vector<1000x128xi32>
    %div3A_162 = arith.divsi %iota3A, %div3A_161 : vector<1000x128xi32>
    %sign3A_163 = arith.constant 0 : i32
    %sign3A_164 = vector.broadcast %sign3A_163 : i32 to vector<1000x128xi32>
    %sign3A_165 = arith.cmpi sgt, %iota3A, %sign3A_164 : vector<1000x128xi32>
    %sign3A_166 = arith.extui %sign3A_165 : vector<1000x128xi1> to vector<1000x128xi32>
    %sign3A_167 = arith.constant 0 : i32
    %sign3A_168 = vector.broadcast %sign3A_167 : i32 to vector<1000x128xi32>
    %sign3A_169 = arith.cmpi slt, %iota3A, %sign3A_168 : vector<1000x128xi32>
    %sign3A_170 = arith.extui %sign3A_169 : vector<1000x128xi1> to vector<1000x128xi32>
    %sign3A_171 = arith.subi %sign3A_166, %sign3A_170 : vector<1000x128xi32>
    %sign3A_172 = arith.constant 0 : i32
    %sign3A_173 = arith.cmpi sgt, %jit3A_160, %sign3A_172 : i32
    %sign3A_174 = arith.extui %sign3A_173 : i1 to i32
    %sign3A_175 = arith.constant 0 : i32
    %sign3A_176 = arith.cmpi slt, %jit3A_160, %sign3A_175 : i32
    %sign3A_177 = arith.extui %sign3A_176 : i1 to i32
    %sign3A_178 = arith.subi %sign3A_174, %sign3A_177 : i32
    %ne3A_179 = vector.broadcast %sign3A_178 : i32 to vector<1000x128xi32>
    %ne3A_180 = arith.cmpi ne, %sign3A_171, %ne3A_179 : vector<1000x128xi32>
    %rem3A_181 = vector.broadcast %jit3A_160 : i32 to vector<1000x128xi32>
    %rem3A_182 = arith.remsi %iota3A, %rem3A_181 : vector<1000x128xi32>
    %ne3A_183 = arith.constant 0 : i32
    %ne3A_184 = vector.broadcast %ne3A_183 : i32 to vector<1000x128xi32>
    %ne3A_185 = arith.cmpi ne, %rem3A_182, %ne3A_184 : vector<1000x128xi32>
    %and3A_186 = arith.andi %ne3A_180, %ne3A_185 : vector<1000x128xi1>
    %sub3A_187 = arith.constant 1 : i32
    %sub3A_188 = vector.broadcast %sub3A_187 : i32 to vector<1000x128xi32>
    %sub3A_189 = arith.subi %div3A_162, %sub3A_188 : vector<1000x128xi32>
    %select_n3A_190 = arith.select %and3A_186, %sub3A_189, %div3A_162 : vector<1000x128xi1>, vector<1000x128xi32>
    %convert_element_type3A_191 = arith.sitofp %select_n3A_190 : vector<1000x128xi32> to vector<1000x128xf32>
    %mul3A_192 = arith.constant 1000 : i32
    %mul3A_193 = arith.muli %arg0, %mul3A_192 : i32
    %add3A_194 = arith.constant 8000 : i32
    %add3A_195 = arith.addi %add3A_194, %mul3A_193 : i32
    %iota3A_196 = tpu.iota {dimensions = array<i32: 0>} : vector<1000x128xi32>
    %add3A_197 = vector.broadcast %add3A_195 : i32 to vector<1000x128xi32>
    %add3A_198 = arith.addi %add3A_197, %iota3A_196 : vector<1000x128xi32>
    %jit3A_199 = arith.constant 200 : i32
    %eq3A_200 = arith.constant 0 : i32
    %eq3A_201 = arith.cmpi eq, %jit3A_199, %eq3A_200 : i32
    %jit3A_202 = arith.constant 1 : i32
    %select_n3A_203 = arith.select %eq3A_201, %jit3A_202, %jit3A_199 : i32
    %rem3A_204 = vector.broadcast %select_n3A_203 : i32 to vector<1000x128xi32>
    %rem3A_205 = arith.remsi %add3A_198, %rem3A_204 : vector<1000x128xi32>
    %ne3A_206 = arith.constant 0 : i32
    %ne3A_207 = vector.broadcast %ne3A_206 : i32 to vector<1000x128xi32>
    %ne3A_208 = arith.cmpi ne, %rem3A_205, %ne3A_207 : vector<1000x128xi32>
    %lt3A_209 = arith.constant 0 : i32
    %lt3A_210 = vector.broadcast %lt3A_209 : i32 to vector<1000x128xi32>
    %lt3A_211 = arith.cmpi slt, %rem3A_205, %lt3A_210 : vector<1000x128xi32>
    %lt3A_212 = arith.constant 0 : i32
    %lt3A_213 = arith.cmpi slt, %select_n3A_203, %lt3A_212 : i32
    %ne3A_214 = vector.broadcast %lt3A_213 : i1 to vector<1000x128xi1>
    %ne3A_215 = vector.broadcast %ne3A_214 : vector<1000x128xi1> to vector<1000x128xi1>
    %ne3A_216 = arith.xori %lt3A_211, %ne3A_215 : vector<1000x128xi1>
    %and3A_217 = arith.andi %ne3A_216, %ne3A_208 : vector<1000x128xi1>
    %add3A_218 = vector.broadcast %select_n3A_203 : i32 to vector<1000x128xi32>
    %add3A_219 = arith.addi %rem3A_205, %add3A_218 : vector<1000x128xi32>
    %select_n3A_220 = arith.select %and3A_217, %add3A_219, %rem3A_205 : vector<1000x128xi1>, vector<1000x128xi32>
    %convert_element_type3A_221 = arith.sitofp %select_n3A_220 : vector<1000x128xi32> to vector<1000x128xf32>
    %mul3A_222 = arith.constant 0.00502512557 : f32
    %mul3A_223 = vector.broadcast %mul3A_222 : f32 to vector<1000x128xf32>
    %mul3A_224 = arith.mulf %convert_element_type3A_221, %mul3A_223 : vector<1000x128xf32>
    %jit3A_225 = arith.constant 200 : i32
    %div3A_226 = vector.broadcast %jit3A_225 : i32 to vector<1000x128xi32>
    %div3A_227 = arith.divsi %add3A_198, %div3A_226 : vector<1000x128xi32>
    %sign3A_228 = arith.constant 0 : i32
    %sign3A_229 = vector.broadcast %sign3A_228 : i32 to vector<1000x128xi32>
    %sign3A_230 = arith.cmpi sgt, %add3A_198, %sign3A_229 : vector<1000x128xi32>
    %sign3A_231 = arith.extui %sign3A_230 : vector<1000x128xi1> to vector<1000x128xi32>
    %sign3A_232 = arith.constant 0 : i32
    %sign3A_233 = vector.broadcast %sign3A_232 : i32 to vector<1000x128xi32>
    %sign3A_234 = arith.cmpi slt, %add3A_198, %sign3A_233 : vector<1000x128xi32>
    %sign3A_235 = arith.extui %sign3A_234 : vector<1000x128xi1> to vector<1000x128xi32>
    %sign3A_236 = arith.subi %sign3A_231, %sign3A_235 : vector<1000x128xi32>
    %sign3A_237 = arith.constant 0 : i32
    %sign3A_238 = arith.cmpi sgt, %jit3A_225, %sign3A_237 : i32
    %sign3A_239 = arith.extui %sign3A_238 : i1 to i32
    %sign3A_240 = arith.constant 0 : i32
    %sign3A_241 = arith.cmpi slt, %jit3A_225, %sign3A_240 : i32
    %sign3A_242 = arith.extui %sign3A_241 : i1 to i32
    %sign3A_243 = arith.subi %sign3A_239, %sign3A_242 : i32
    %ne3A_244 = vector.broadcast %sign3A_243 : i32 to vector<1000x128xi32>
    %ne3A_245 = arith.cmpi ne, %sign3A_236, %ne3A_244 : vector<1000x128xi32>
    %rem3A_246 = vector.broadcast %jit3A_225 : i32 to vector<1000x128xi32>
    %rem3A_247 = arith.remsi %add3A_198, %rem3A_246 : vector<1000x128xi32>
    %ne3A_248 = arith.constant 0 : i32
    %ne3A_249 = vector.broadcast %ne3A_248 : i32 to vector<1000x128xi32>
    %ne3A_250 = arith.cmpi ne, %rem3A_247, %ne3A_249 : vector<1000x128xi32>
    %and3A_251 = arith.andi %ne3A_245, %ne3A_250 : vector<1000x128xi1>
    %sub3A_252 = arith.constant 1 : i32
    %sub3A_253 = vector.broadcast %sub3A_252 : i32 to vector<1000x128xi32>
    %sub3A_254 = arith.subi %div3A_227, %sub3A_253 : vector<1000x128xi32>
    %select_n3A_255 = arith.select %and3A_251, %sub3A_254, %div3A_227 : vector<1000x128xi1>, vector<1000x128xi32>
    %convert_element_type3A_256 = arith.sitofp %select_n3A_255 : vector<1000x128xi32> to vector<1000x128xf32>
    %mul3A_257 = arith.constant 0.00502512557 : f32
    %mul3A_258 = vector.broadcast %mul3A_257 : f32 to vector<1000x128xf32>
    %mul3A_259 = arith.mulf %convert_element_type3A_256, %mul3A_258 : vector<1000x128xf32>
    %mul3A_260 = arith.constant 2.000000e+02 : f32
    %mul3A_261 = vector.broadcast %mul3A_260 : f32 to vector<1000x128xf32>
    %mul3A_262 = arith.mulf %mul3A_224, %mul3A_261 : vector<1000x128xf32>
    %sub3A_263 = arith.constant 5.000000e-01 : f32
    %sub3A_264 = vector.broadcast %sub3A_263 : f32 to vector<1000x128xf32>
    %sub3A_265 = arith.subf %mul3A_262, %sub3A_264 : vector<1000x128xf32>
    %add3A_266 = arith.addf %sub3A_265, %add3A_9 : vector<1000x128xf32>
    %mul3A_267 = arith.constant 2.000000e+02 : f32
    %mul3A_268 = vector.broadcast %mul3A_267 : f32 to vector<1000x128xf32>
    %mul3A_269 = arith.mulf %mul3A_259, %mul3A_268 : vector<1000x128xf32>
    %sub3A_270 = arith.constant 5.000000e-01 : f32
    %sub3A_271 = vector.broadcast %sub3A_270 : f32 to vector<1000x128xf32>
    %sub3A_272 = arith.subf %mul3A_269, %sub3A_271 : vector<1000x128xf32>
    %add3A_273 = arith.addf %sub3A_272, %add3A_19 : vector<1000x128xf32>
    %floor3A = math.floor %add3A_266 : vector<1000x128xf32>
    %floor3A_274 = math.floor %add3A_273 : vector<1000x128xf32>
    %sub3A_275 = arith.subf %add3A_266, %floor3A : vector<1000x128xf32>
    %sub3A_276 = arith.subf %add3A_273, %floor3A_274 : vector<1000x128xf32>
    %add3A_277 = arith.addf %floor3A, %convert_element_type3A : vector<1000x128xf32>
    %add3A_278 = arith.addf %floor3A_274, %convert_element_type3A_159 : vector<1000x128xf32>
    %sub3A_279 = arith.constant 1.000000e+00 : f32
    %sub3A_280 = vector.broadcast %sub3A_279 : f32 to vector<1000x128xf32>
    %sub3A_281 = arith.subf %sub3A_280, %convert_element_type3A : vector<1000x128xf32>
    %mul3A_282 = arith.constant 2.000000e+00 : f32
    %mul3A_283 = vector.broadcast %mul3A_282 : f32 to vector<1000x128xf32>
    %mul3A_284 = arith.mulf %mul3A_283, %convert_element_type3A : vector<1000x128xf32>
    %sub3A_285 = arith.constant 1.000000e+00 : f32
    %sub3A_286 = vector.broadcast %sub3A_285 : f32 to vector<1000x128xf32>
    %sub3A_287 = arith.subf %mul3A_284, %sub3A_286 : vector<1000x128xf32>
    %mul3A_288 = arith.mulf %sub3A_287, %sub3A_275 : vector<1000x128xf32>
    %add3A_289 = arith.addf %sub3A_281, %mul3A_288 : vector<1000x128xf32>
    %sub3A_290 = arith.constant 1.000000e+00 : f32
    %sub3A_291 = vector.broadcast %sub3A_290 : f32 to vector<1000x128xf32>
    %sub3A_292 = arith.subf %sub3A_291, %convert_element_type3A_159 : vector<1000x128xf32>
    %mul3A_293 = arith.constant 2.000000e+00 : f32
    %mul3A_294 = vector.broadcast %mul3A_293 : f32 to vector<1000x128xf32>
    %mul3A_295 = arith.mulf %mul3A_294, %convert_element_type3A_159 : vector<1000x128xf32>
    %sub3A_296 = arith.constant 1.000000e+00 : f32
    %sub3A_297 = vector.broadcast %sub3A_296 : f32 to vector<1000x128xf32>
    %sub3A_298 = arith.subf %mul3A_295, %sub3A_297 : vector<1000x128xf32>
    %mul3A_299 = arith.mulf %sub3A_298, %sub3A_276 : vector<1000x128xf32>
    %add3A_300 = arith.addf %sub3A_292, %mul3A_299 : vector<1000x128xf32>
    %ge3A = arith.constant 0.000000e+00 : f32
    %ge3A_301 = vector.broadcast %ge3A : f32 to vector<1000x128xf32>
    %ge3A_302 = arith.cmpf oge, %add3A_277, %ge3A_301 : vector<1000x128xf32>
    %le3A = arith.constant 1.990000e+02 : f32
    %le3A_303 = vector.broadcast %le3A : f32 to vector<1000x128xf32>
    %le3A_304 = arith.cmpf ole, %add3A_277, %le3A_303 : vector<1000x128xf32>
    %and3A_305 = arith.andi %ge3A_302, %le3A_304 : vector<1000x128xi1>
    %ge3A_306 = arith.constant 0.000000e+00 : f32
    %ge3A_307 = vector.broadcast %ge3A_306 : f32 to vector<1000x128xf32>
    %ge3A_308 = arith.cmpf oge, %add3A_278, %ge3A_307 : vector<1000x128xf32>
    %and3A_309 = arith.andi %and3A_305, %ge3A_308 : vector<1000x128xi1>
    %le3A_310 = arith.constant 1.990000e+02 : f32
    %le3A_311 = vector.broadcast %le3A_310 : f32 to vector<1000x128xf32>
    %le3A_312 = arith.cmpf ole, %add3A_278, %le3A_311 : vector<1000x128xf32>
    %and3A_313 = arith.andi %and3A_309, %le3A_312 : vector<1000x128xi1>
    %jit3A_314 = arith.constant 0.000000e+00 : f32
    %jit3A_315 = arith.constant 1.990000e+02 : f32
    %max3A = vector.broadcast %jit3A_314 : f32 to vector<1000x128xf32>
    %max3A_316 = arith.maximumf %max3A, %add3A_277 : vector<1000x128xf32>
    %min3A = vector.broadcast %jit3A_315 : f32 to vector<1000x128xf32>
    %min3A_317 = arith.minimumf %min3A, %max3A_316 : vector<1000x128xf32>
    %jit3A_318 = arith.constant 0.000000e+00 : f32
    %jit3A_319 = arith.constant 1.990000e+02 : f32
    %max3A_320 = vector.broadcast %jit3A_318 : f32 to vector<1000x128xf32>
    %max3A_321 = arith.maximumf %max3A_320, %add3A_278 : vector<1000x128xf32>
    %min3A_322 = vector.broadcast %jit3A_319 : f32 to vector<1000x128xf32>
    %min3A_323 = arith.minimumf %min3A_322, %max3A_321 : vector<1000x128xf32>
    %mul3A_324 = arith.constant 2.000000e+02 : f32
    %mul3A_325 = vector.broadcast %mul3A_324 : f32 to vector<1000x128xf32>
    %mul3A_326 = arith.mulf %min3A_323, %mul3A_325 : vector<1000x128xf32>
    %add3A_327 = arith.addf %mul3A_326, %min3A_317 : vector<1000x128xf32>
    %mul3A_328 = arith.constant 8.000000e+00 : f32
    %mul3A_329 = vector.broadcast %mul3A_328 : f32 to vector<1000x128xf32>
    %mul3A_330 = arith.mulf %add3A_327, %mul3A_329 : vector<1000x128xf32>
    %add3A_331 = arith.addf %mul3A_330, %convert_element_type3A_191 : vector<1000x128xf32>
    %convert_element_type3A_332 = arith.fptosi %add3A_331 : vector<1000x128xf32> to vector<1000x128xi32>
    %swap3A = arith.constant 0 : index
    %swap3A_333 = arith.constant 0 : index
    %swap3A_334 = vector.load %arg9[%swap3A, %swap3A_333] : memref<1000x128xi32, #tpu.memory_space<vmem>>, vector<1000x128xi32>
    tpu.vector_store %arg9[%swap3A, %swap3A_333], %convert_element_type3A_332 {strides = array<i32>} : memref<1000x128xi32, #tpu.memory_space<vmem>>, vector<1000x128xi32>,
    %mul3A_335 = arith.mulf %div3A, %add3A_289 : vector<1000x128xf32>
    %mul3A_336 = arith.mulf %mul3A_335, %add3A_300 : vector<1000x128xf32>
    %convert_element_type3A_337 = arith.extui %and3A_313 : vector<1000x128xi1> to vector<1000x128xi32>
    %convert_element_type3A_338 = arith.sitofp %convert_element_type3A_337 : vector<1000x128xi32> to vector<1000x128xf32>
    %mul3A_339 = arith.mulf %mul3A_336, %convert_element_type3A_338 : vector<1000x128xf32>
    %swap3A_340 = arith.constant 0 : index
    %swap3A_341 = arith.constant 0 : index
    %swap3A_342 = vector.load %arg10[%swap3A_340, %swap3A_341] : memref<1000x128xf32, #tpu.memory_space<vmem>>, vector<1000x128xf32>
    tpu.vector_store %arg10[%swap3A_340, %swap3A_341], %mul3A_339 {strides = array<i32>} : memref<1000x128xf32, #tpu.memory_space<vmem>>, vector<1000x128xf32>,
    return
  }
  func.func @transform_0(%arg0: i32) -> (i32, i32) {
    %add3A = arith.constant 8 : i32
    %add3A_0 = arith.addi %arg0, %add3A : i32
    %c0_i32 = arith.constant 0 : i32
    %c0_i32_1 = arith.constant 0 : i32
    return %add3A_0, %c0_i32 : i32, i32
  }
  func.func @transform_1(%arg0: i32) -> (i32, i32) {
    %c0_i32 = arith.constant 0 : i32
    %c0_i32_0 = arith.constant 0 : i32
    %c0_i32_1 = arith.constant 0 : i32
    return %c0_i32, %c0_i32_0 : i32, i32
  }
  func.func @transform_2(%arg0: i32) -> (i32, i32) {
    %c0_i32 = arith.constant 0 : i32
    %c0_i32_0 = arith.constant 0 : i32
    %c0_i32_1 = arith.constant 0 : i32
    return %c0_i32, %c0_i32_0 : i32, i32
  }
  func.func @transform_3(%arg0: i32) -> (i32, i32) {
    %c0_i32 = arith.constant 0 : i32
    %c0_i32_0 = arith.constant 0 : i32
    %c0_i32_1 = arith.constant 0 : i32
    return %c0_i32, %c0_i32_0 : i32, i32
  }
  func.func @transform_4(%arg0: i32) -> (i32, i32) {
    %c0_i32 = arith.constant 0 : i32
    %c0_i32_0 = arith.constant 0 : i32
    %c0_i32_1 = arith.constant 0 : i32
    return %c0_i32, %c0_i32_0 : i32, i32
  }
  func.func @transform_5(%arg0: i32) -> (i32, i32) {
    %c0_i32 = arith.constant 0 : i32
    %c0_i32_0 = arith.constant 0 : i32
    %c0_i32_1 = arith.constant 0 : i32
    return %c0_i32, %c0_i32_0 : i32, i32
  }
  func.func @transform_6(%arg0: i32) -> (i32, i32) {
    %c0_i32 = arith.constant 0 : i32
    %c0_i32_0 = arith.constant 0 : i32
    %c0_i32_1 = arith.constant 0 : i32
    return %c0_i32, %c0_i32_0 : i32, i32
  }
  func.func @transform_7(%arg0: i32) -> (i32, i32) {
    %c0_i32 = arith.constant 0 : i32
    %c0_i32_0 = arith.constant 0 : i32
    %c0_i32_1 = arith.constant 0 : i32
    return %c0_i32, %c0_i32_0 : i32, i32
  }
  func.func @transform_8(%arg0: i32) -> (i32, i32) {
    %c0_i32 = arith.constant 0 : i32
    %c0_i32_0 = arith.constant 0 : i32
    return %arg0, %c0_i32 : i32, i32
  }
  func.func @transform_9(%arg0: i32) -> (i32, i32) {
    %c0_i32 = arith.constant 0 : i32
    %c0_i32_0 = arith.constant 0 : i32
    return %arg0, %c0_i32 : i32, i32
  }
}

module attributes {stable_mosaic.version = 14 : i64} {
  func.func @_post_body(%arg0: i32, %arg1: memref<1000x128xf32, #tpu.memory_space<vmem>>, %arg2: memref<128x128xf32, #tpu.memory_space<vmem>>, %arg3: memref<1x128xf32, #tpu.memory_space<vmem>>, %arg4: memref<1000x128xf32, #tpu.memory_space<vmem>>, %arg5: memref<1000x128xf32, #tpu.memory_space<vmem>>) attributes {dimension_semantics = [#tpu.dimension_semantics<arbitrary>], iteration_bounds = array<i64: 8>, scalar_prefetch = 0 : i64, scratch_operands = 0 : i64, tpu.core_type = #tpu.core_type<tc>, window_params = [{transform_indices = @transform_0, window_bounds = array<i64: 1000, 128>}, {pipeline_mode = #tpu.pipeline_mode<synchronous>, transform_indices = @transform_1, window_bounds = array<i64: 128, 128>}, {pipeline_mode = #tpu.pipeline_mode<synchronous>, transform_indices = @transform_2, window_bounds = array<i64: 1, 128>}, {transform_indices = @transform_3, window_bounds = array<i64: 1000, 128>}, {transform_indices = @transform_4, window_bounds = array<i64: 1000, 128>}]} {
    %get3A = arith.constant 0 : index
    %get3A_0 = arith.constant 0 : index
    %get3A_1 = vector.load %arg1[%get3A, %get3A_0] : memref<1000x128xf32, #tpu.memory_space<vmem>>, vector<1000x128xf32>
    %get3A_2 = arith.constant 0 : index
    %get3A_3 = arith.constant 0 : index
    %get3A_4 = vector.load %arg2[%get3A_2, %get3A_3] : memref<128x128xf32, #tpu.memory_space<vmem>>, vector<128x128xf32>
    %dot_general3A = arith.constant dense<0.000000e+00> : vector<1000x128xf32>
    %dot_general3A_5 = tpu.matmul %get3A_1, %get3A_4, %dot_general3A {dimension_numbers = #tpu.dot_dimension_numbers<[1], [0], [0], [1], [0, 0, 1, 1], [], []>, transpose_lhs_hint = false} : vector<1000x128xf32>, vector<128x128xf32>, vector<1000x128xf32> -> vector<1000x128xf32>
    %get3A_6 = arith.constant 0 : index
    %get3A_7 = arith.constant 0 : index
    %get3A_8 = vector.load %arg3[%get3A_6, %get3A_7] : memref<1x128xf32, #tpu.memory_space<vmem>>, vector<1x128xf32>
    %add3A = vector.broadcast %get3A_8 : vector<1x128xf32> to vector<1000x128xf32>
    %add3A_9 = arith.addf %dot_general3A_5, %add3A : vector<1000x128xf32>
    %get3A_10 = arith.constant 0 : index
    %get3A_11 = arith.constant 0 : index
    %get3A_12 = vector.load %arg4[%get3A_10, %get3A_11] : memref<1000x128xf32, #tpu.memory_space<vmem>>, vector<1000x128xf32>
    %mul3A = arith.constant 2.000000e+00 : f32
    %mul3A_13 = vector.broadcast %mul3A : f32 to vector<1000x128xf32>
    %mul3A_14 = arith.mulf %mul3A_13, %get3A_12 : vector<1000x128xf32>
    %add3A_15 = arith.addf %add3A_9, %mul3A_14 : vector<1000x128xf32>
    %swap3A = arith.constant 0 : index
    %swap3A_16 = arith.constant 0 : index
    %swap3A_17 = vector.load %arg5[%swap3A, %swap3A_16] : memref<1000x128xf32, #tpu.memory_space<vmem>>, vector<1000x128xf32>
    tpu.vector_store %arg5[%swap3A, %swap3A_16], %add3A_15 {strides = array<i32>} : memref<1000x128xf32, #tpu.memory_space<vmem>>, vector<1000x128xf32>,
    return
  }
  func.func @transform_0(%arg0: i32) -> (i32, i32) {
    %c0_i32 = arith.constant 0 : i32
    %c0_i32_0 = arith.constant 0 : i32
    return %arg0, %c0_i32 : i32, i32
  }
  func.func @transform_1(%arg0: i32) -> (i32, i32) {
    %c0_i32 = arith.constant 0 : i32
    %c0_i32_0 = arith.constant 0 : i32
    %c0_i32_1 = arith.constant 0 : i32
    return %c0_i32, %c0_i32_0 : i32, i32
  }
  func.func @transform_2(%arg0: i32) -> (i32, i32) {
    %c0_i32 = arith.constant 0 : i32
    %c0_i32_0 = arith.constant 0 : i32
    %c0_i32_1 = arith.constant 0 : i32
    return %c0_i32, %c0_i32_0 : i32, i32
  }
  func.func @transform_3(%arg0: i32) -> (i32, i32) {
    %add3A = arith.constant 0 : i32
    %add3A_0 = arith.addi %arg0, %add3A : i32
    %c0_i32 = arith.constant 0 : i32
    %c0_i32_1 = arith.constant 0 : i32
    return %add3A_0, %c0_i32 : i32, i32
  }
  func.func @transform_4(%arg0: i32) -> (i32, i32) {
    %add3A = arith.constant 0 : i32
    %add3A_0 = arith.addi %arg0, %add3A : i32
    %c0_i32 = arith.constant 0 : i32
    %c0_i32_1 = arith.constant 0 : i32
    return %add3A_0, %c0_i32 : i32, i32
  }
}

module attributes {stable_mosaic.version = 14 : i64} {
  func.func @_post_body_alias(%arg0: i32, %arg1: memref<1000x128xf32, #tpu.memory_space<vmem>>, %arg2: memref<128x128xf32, #tpu.memory_space<vmem>>, %arg3: memref<1x128xf32, #tpu.memory_space<vmem>>, %arg4: memref<1000x128xf32, #tpu.memory_space<vmem>>, %arg5: memref<8x128xf32, #tpu.memory_space<vmem>>, %arg6: memref<1000x128xf32, #tpu.memory_space<vmem>>) attributes {dimension_semantics = [#tpu.dimension_semantics<arbitrary>], iteration_bounds = array<i64: 32>, scalar_prefetch = 0 : i64, scratch_operands = 0 : i64, tpu.core_type = #tpu.core_type<tc>, window_params = [{transform_indices = @transform_0, window_bounds = array<i64: 1000, 128>}, {pipeline_mode = #tpu.pipeline_mode<synchronous>, transform_indices = @transform_1, window_bounds = array<i64: 128, 128>}, {pipeline_mode = #tpu.pipeline_mode<synchronous>, transform_indices = @transform_2, window_bounds = array<i64: 1, 128>}, {transform_indices = @transform_3, window_bounds = array<i64: 1000, 128>}, {transform_indices = @transform_4, window_bounds = array<i64: 8, 128>}, {transform_indices = @transform_5, window_bounds = array<i64: 1000, 128>}]} {
    %get3A = arith.constant 0 : index
    %get3A_0 = arith.constant 0 : index
    %get3A_1 = vector.load %arg1[%get3A, %get3A_0] : memref<1000x128xf32, #tpu.memory_space<vmem>>, vector<1000x128xf32>
    %get3A_2 = arith.constant 0 : index
    %get3A_3 = arith.constant 0 : index
    %get3A_4 = vector.load %arg2[%get3A_2, %get3A_3] : memref<128x128xf32, #tpu.memory_space<vmem>>, vector<128x128xf32>
    %dot_general3A = arith.constant dense<0.000000e+00> : vector<1000x128xf32>
    %dot_general3A_5 = tpu.matmul %get3A_1, %get3A_4, %dot_general3A {dimension_numbers = #tpu.dot_dimension_numbers<[1], [0], [0], [1], [0, 0, 1, 1], [], []>, transpose_lhs_hint = false} : vector<1000x128xf32>, vector<128x128xf32>, vector<1000x128xf32> -> vector<1000x128xf32>
    %get3A_6 = arith.constant 0 : index
    %get3A_7 = arith.constant 0 : index
    %get3A_8 = vector.load %arg3[%get3A_6, %get3A_7] : memref<1x128xf32, #tpu.memory_space<vmem>>, vector<1x128xf32>
    %add3A = vector.broadcast %get3A_8 : vector<1x128xf32> to vector<1000x128xf32>
    %add3A_9 = arith.addf %dot_general3A_5, %add3A : vector<1000x128xf32>
    %get3A_10 = arith.constant 0 : index
    %get3A_11 = arith.constant 0 : index
    %get3A_12 = vector.load %arg4[%get3A_10, %get3A_11] : memref<1000x128xf32, #tpu.memory_space<vmem>>, vector<1000x128xf32>
    %mul3A = arith.constant 2.000000e+00 : f32
    %mul3A_13 = vector.broadcast %mul3A : f32 to vector<1000x128xf32>
    %mul3A_14 = arith.mulf %mul3A_13, %get3A_12 : vector<1000x128xf32>
    %add3A_15 = arith.addf %add3A_9, %mul3A_14 : vector<1000x128xf32>
    %swap3A = arith.constant 0 : index
    %swap3A_16 = arith.constant 0 : index
    %swap3A_17 = vector.load %arg6[%swap3A, %swap3A_16] : memref<1000x128xf32, #tpu.memory_space<vmem>>, vector<1000x128xf32>
    tpu.vector_store %arg6[%swap3A, %swap3A_16], %add3A_15 {strides = array<i32>} : memref<1000x128xf32, #tpu.memory_space<vmem>>, vector<1000x128xf32>,
    return
  }
  func.func @transform_0(%arg0: i32) -> (i32, i32) {
    %c0_i32 = arith.constant 0 : i32
    %c0_i32_0 = arith.constant 0 : i32
    return %arg0, %c0_i32 : i32, i32
  }
  func.func @transform_1(%arg0: i32) -> (i32, i32) {
    %c0_i32 = arith.constant 0 : i32
    %c0_i32_0 = arith.constant 0 : i32
    %c0_i32_1 = arith.constant 0 : i32
    return %c0_i32, %c0_i32_0 : i32, i32
  }
  func.func @transform_2(%arg0: i32) -> (i32, i32) {
    %c0_i32 = arith.constant 0 : i32
    %c0_i32_0 = arith.constant 0 : i32
    %c0_i32_1 = arith.constant 0 : i32
    return %c0_i32, %c0_i32_0 : i32, i32
  }
  func.func @transform_3(%arg0: i32) -> (i32, i32) {
    %add3A = arith.constant 8 : i32
    %add3A_0 = arith.addi %arg0, %add3A : i32
    %c0_i32 = arith.constant 0 : i32
    %c0_i32_1 = arith.constant 0 : i32
    return %add3A_0, %c0_i32 : i32, i32
  }
  func.func @transform_4(%arg0: i32) -> (i32, i32) {
    %c0_i32 = arith.constant 0 : i32
    %c0_i32_0 = arith.constant 0 : i32
    %c0_i32_1 = arith.constant 0 : i32
    return %c0_i32, %c0_i32_0 : i32, i32
  }
  func.func @transform_5(%arg0: i32) -> (i32, i32) {
    %add3A = arith.constant 8 : i32
    %add3A_0 = arith.addi %arg0, %add3A : i32
    %c0_i32 = arith.constant 0 : i32
    %c0_i32_1 = arith.constant 0 : i32
    return %add3A_0, %c0_i32 : i32, i32
  }
}

</mosaic_0001>

<sc_bundles>
// kernel: kernel.12.cloned.1.call-start
scs
__scs_entry_jumppad:
0x0: {  	(pc) =	sbr.rel $0x88, $3  }
0x1: {  	(tag) =	ssettag $0x0;
	lr =	simm.s32 $0x1  }
0x2: {  	[smem:$0x3F98] =	sst lr;
	_ =	strace $0xD0000000  }
0x3: {  	_ = 	snop  }
0x4: {  	_ = 	snop  }
0x5: {  	_ = 	snop  }
0x6: {  	_ = 	snop  }
0x7: {  	_ = 	snop  }
__scs_overlays_trampoline_lowered:
0x8: {  	[smem:$0x3FA7] =	sst s0  }
0x9: {  	[smem:$0x3FA8] =	sst s1  }
0xa: {  	[smem:$0x3FA9] =	sst s2  }
0xb: {  	[smem:$0x3FAA] =	sst s3  }
0xc: {  	[smem:$0x3FAB] =	sst s4  }
0xd: {  	[smem:$0x3FAC] =	sst s5  }
0xe: {  	[smem:$0x3FAD] =	sst s6  }
0xf: {  	[smem:$0x3FAE] =	sst s7  }
0x10: {  	[smem:$0x3FAF] =	sst s8  }
0x11: {  	[smem:$0x3FB0] =	sst s9;
	s0 =	simm.s32 @!p0 $0x0  }
0x12: {  	s1 =	sld [smem:$0x3F96];
	s0 =	simm.s32 @p0 $0x1  }
0x13: {  	[smem:$0x3FB1] =	sst s0;
	s0 =	simm.s32 @!p1 $0x0  }
0x14: {  	s2 =	sld [smem:$0x3F95];
	s0 =	simm.s32 @p1 $0x1  }
0x15: {  	[smem:$0x3FB2] =	sst s0;
	s0 =	simm.s32 @!p2 $0x0  }
0x16: {  	s3 =	sld [smem:$0x3FDB];
	s0 =	simm.s32 @p2 $0x1  }
0x17: {  	s4 =	simm.s32 $0x1BF5;
	[smem:$0x3FB4] =	sst s0  }
0x18: {  	s0 =	sld [smem:$0x3F97];
	_ =	swait.ge [sflag:s4], $0x0  }
0x19: {  	s7 =	sld [smem:$0x3F98]  }
0x1a: {  	s8 =	sadd.s32 $0xFFFFE003, lr  }
0x1b: {  	s9 =	sadd.s32 $0xFFFFFEF7, lr;
	s5 =	simm.s32 $0xFFFFFFFF;
	p2 =	slt.u32 s8, $0xFFFFF086  }
0x1c: {  	p1 =	slt.u32 s9, $0xF7A;
	s5 =	simm.s32 @!p2 $0x0  }
0x1d: {  	s5 =	simm.s32 @p1 $0x1;
	p0 =	seq.s32 s7, s2  }
0x1e: {  	s7 =	smul.u32 @!p0 $0xF7A, s2;
	p2 =	seq.s32 @!p0 s5, $0x0  }
0x1f: {  	s9 =	smul.u32 $0xF7A, s1;
	s8 =	simm.s32 @!p0 $0x1BF5;
	p2 =	por !p2, p0  }
0x20: {  	[sflag:s8] =	ssyncset.s32 @!p0 $0xFFFFF086;
	s6 =	sadd.s32 @!p0 s3, s7;
	s7 =	simm.s32 @!p0 $0x108  }
0x21: {  	s3 =	sadd.s32 s3, s9;
	s6 =	sadd.s32 @!p0 $0x88, s6;
	s7 =	simm.s32 @p2 $0x1082  }
0x22: {  	[simem:s7], [sflag:s8] =	dma.local @!p0 [hbm:s6], $0xF7A  }
0x23: {  	s9 =	sor.u32 $0xD0000000, s2;
	s6 =	simm.s32 $0x108;
	_ =	swait.ge @!p0 [sflag:s8], $0x0  }
0x24: {  	s3 =	sadd.s32 $0x88, s3;
	s6 =	simm.s32 @!p1 $0x1082;
	[sflag:s4] =	ssyncset.s32 $0xFFFFF086  }
0x25: {  	[simem:s6], [sflag:s4] =	dma.local [hbm:s3], $0xF7A  }
0x26: {  	[smem:$0x3F98] =	sst s1;
	(tag) =	ssettag s2;
	_ =	strace s9  }
0x27: {  	s1 =	sld [smem:$0x3FA8]  }
0x28: {  	s2 =	sld [smem:$0x3FA9]  }
0x29: {  	s4 =	sld [smem:$0x3FAB]  }
0x2a: {  	p0 =	seq.s32 s5, $0x0;
	s5 =	sld [smem:$0x3FAC]  }
0x2b: {  	s6 =	sld [smem:$0x3FAD]  }
0x2c: {  	s7 =	sld [smem:$0x3FAE]  }
0x2d: {  	s3 =	simm.s32 $0x108;
	s8 =	sld [smem:$0x3FAF]  }
0x2e: {  	s3 =	simm.s32 @!p0 $0x1082;
	s9 =	sld [smem:$0x3FB0]  }
0x2f: {  	lr =	sadd.s32 s0, s3;
	s0 =	sld [smem:$0x3FA7]  }
0x30: {  	s3 =	sld [smem:$0x3FAA]  }
0x31: {  	[smem:$0x3FB3] =	sst s10  }
0x32: {  	s10 =	sld [smem:$0x3FB1];
	_ =	sdelay $0x3  }
0x33: {  	p0 =	seq.s32 s10, $0x1;
	s10 =	sld [smem:$0x3FB3];
	_ =	sdelay $0x3  }
0x34: {  	[smem:$0x3FB3] =	sst s10  }
0x35: {  	s10 =	sld [smem:$0x3FB2];
	_ =	sdelay $0x3  }
0x36: {  	p1 =	seq.s32 s10, $0x1;
	s10 =	sld [smem:$0x3FB3];
	_ =	sdelay $0x3  }
0x37: {  	[smem:$0x3FB3] =	sst s10  }
0x38: {  	s10 =	sld [smem:$0x3FB4]  }
0x39: {  	_ = 	snop;
	(pc) =	sbr.ind lr, $3  }
0x3a: {  	_ = 	snop  }
0x3b: {  	_ = 	snop  }
0x3c: {  	p2 =	seq.s32 s10, $0x1;
	s10 =	sld [smem:$0x3FB3]  }
0x3d: {  	_ =	shalt  }
0x3e: {  	_ =	shalt  }
0x3f: {  	_ =	shalt  }
0x40: {  	_ =	shalt  }
0x41: {  	_ =	shalt  }
0x42: {  	_ =	shalt  }
0x43: {  	_ =	shalt  }
0x44: {  	_ =	shalt  }
0x45: {  	_ =	shalt  }
0x46: {  	_ =	shalt  }
0x47: {  	_ =	shalt  }
0x48: {  	_ =	shalt  }
0x49: {  	_ =	shalt  }
0x4a: {  	_ =	shalt  }
0x4b: {  	_ =	shalt  }
0x4c: {  	_ =	shalt  }
0x4d: {  	_ =	shalt  }
0x4e: {  	_ =	shalt  }
0x4f: {  	_ =	shalt  }
0x50: {  	_ =	shalt  }
0x51: {  	_ =	shalt  }
0x52: {  	_ =	shalt  }
0x53: {  	_ =	shalt  }
0x54: {  	_ =	shalt  }
0x55: {  	_ =	shalt  }
0x56: {  	_ =	shalt  }
0x57: {  	_ =	shalt  }
0x58: {  	_ =	shalt  }
0x59: {  	_ =	shalt  }
0x5a: {  	_ =	shalt  }
0x5b: {  	_ =	shalt  }
0x5c: {  	_ =	shalt  }
0x5d: {  	_ =	shalt  }
0x5e: {  	_ =	shalt  }
0x5f: {  	_ =	shalt  }
0x60: {  	_ =	shalt  }
0x61: {  	_ =	shalt  }
0x62: {  	_ =	shalt  }
0x63: {  	_ =	shalt  }
0x64: {  	_ =	shalt  }
0x65: {  	_ =	shalt  }
0x66: {  	_ =	shalt  }
0x67: {  	_ =	shalt  }
0x68: {  	_ =	shalt  }
0x69: {  	_ =	shalt  }
0x6a: {  	_ =	shalt  }
0x6b: {  	_ =	shalt  }
0x6c: {  	_ =	shalt  }
0x6d: {  	_ =	shalt  }
0x6e: {  	_ =	shalt  }
0x6f: {  	_ =	shalt  }
0x70: {  	_ =	shalt  }
0x71: {  	_ =	shalt  }
0x72: {  	_ =	shalt  }
0x73: {  	_ =	shalt  }
0x74: {  	_ =	shalt  }
0x75: {  	_ =	shalt  }
0x76: {  	_ =	shalt  }
0x77: {  	_ =	shalt  }
0x78: {  	_ =	shalt  }
0x79: {  	_ =	shalt  }
0x7a: {  	_ =	shalt  }
0x7b: {  	_ =	shalt  }
0x7c: {  	_ =	shalt  }
0x7d: {  	_ =	shalt  }
0x7e: {  	_ =	shalt  }
0x7f: {  	_ =	shalt  }
0x80: {  	_ =	shalt  }
0x81: {  	_ =	shalt  }
0x82: {  	_ =	shalt  }
0x83: {  	_ =	shalt  }
0x84: {  	_ =	shalt  }
0x85: {  	_ =	shalt  }
0x86: {  	_ =	shalt  }
0x87: {  	_ =	shalt  }
.Lfunc_end0:
.L_simem_size_0:
called_computation.1_lowered:
.L_overlay_start_0:
0x88: {  	s2 =	sld [smem:$0x3FD9]  }
0x89: {  	s3 =	sld [smem:$0x3FFE];
	_ =	sdelay $0x1  }
0x8a: {  	s1 =	srdreg.scid  }
0x8b: {  	s0 =	sand.u32 $0x1, s1  }
0x8c: {  	s17 =	sshll.u32 s0, $0xA;
	s2 =	sadd.s32 s3, s2  }
0x8d: {  	s2 =	sadd.s32 s2, s17  }
0x8e: {  	[smem:$0x3FBF] =	sst s2  }
0x8f: {  	_ = 	snop  }
0x90: {  	(tm) =	ssettm $0x1  }
0x91: {  	s18 =	sld [smem:$0x3FFB];
	_ =	sdelay $0x3  }
0x92: {  	_ =	strace s18  }
0x93: {  	s2 =	sld [smem:$0x3FFC];
	_ =	sdelay $0x3  }
0x94: {  	_ =	strace s2  }
0x95: {  	s2 =	sld [smem:$0x3FFD];
	_ =	sdelay $0x3  }
0x96: {  	_ =	strace s2  }
0x97: {  	_ =	strace $0x8FFFFFFF  }
0x98: {  	s19 =	sld [smem:$0x3FDB];
	_ =	sdelay $0x1  }
0x99: {  	s20 =	simm.s32 $_scs_section_size  }
0x9a: {  	s4 =	simm.s32 $_size__tile_overlayer_lowered;
	s5 =	simm.s32 $_tile_overlayer_lowered  }
0x9b: {  	s6 =	simm.s32 $0x1BFF;
	s21 =	sshll.u32 s5, $0x1;
	s3 =	sadd.s32 s20, s19  }
0x9c: {  	s22 =	simm.s32 $0x0;
	s4 =	sshll.u32 s4, $0x1;
	s5 =	sadd.s32 s21, s3  }
0x9d: {  	[timem:s22], [sflag:s6] =	dma.local [hbm:s5], s4  }
0x9e: {  	_ =	swait.ge [sflag:s6], s4  }
0x9f: {  	s4 =	ssub.s32 $0x0, s4;
	[sflag:s6] =	ssyncset.done $0x0  }
0xa0: {  	[sflag:s6] =	ssyncadd.s32 s4;
	_ =	sdelay $0x1  }
0xa1: {  	s23 =	simm.s32 $0x1B8B  }
0xa2: {  	_ =	swait.ge [sflag:s23], $0x1  }
0xa3: {  	[sflag:s23] =	ssyncset.done $0x0  }
0xa4: {  	[sflag:s23] =	ssyncadd.s32 $0xFFFFFFFF  }
0xa5: {  	s4 =	sld [smem:$0x0]  }
0xa6: {  	s5 =	sand.u32 $0xFFFFFFFE, s1  }
0xa7: {  	p0 =	sne.s32 s1, s5  }
0xa8: {  	s5 =	sshll.u32 @p0 s5, $0xE  }
0xa9: {  	s5 =	sadd.s32 @p0 $0x11B8D, s5;
	s6 =	sshll.u32 @p0 s4, $0x11  }
0xaa: {  	s5 =	sor.u32 @p0 s6, s5  }
0xab: {  	[sflag:s5] =	ssyncadd.remote.s32 @p0 $0x1;
	_ =	sdelay $0x1  }
0xac: {  	s5 =	simm.s32 @p0 $0x1B8D  }
0xad: {  	_ =	swait.eq @p0 [sflag:s5], $0x1  }
0xae: {  	[sflag:s5] =	ssyncadd.s32 @p0 $0xFFFFFFFF  }
0xaf: {  	s6 =	sshll.u32 @!p0 s1, $0xE  }
0xb0: {  	s6 =	sor.u32 @!p0 $0x4000, s6;
	s5 =	simm.s32 @!p0 $0x1B8D  }
0xb1: {  	s4 =	sshll.u32 @!p0 s4, $0x11;
	s6 =	sadd.s32 @!p0 $0x11B8D, s6;
	_ =	swait.eq @!p0 [sflag:s5], $0x1  }
0xb2: {  	s4 =	sor.u32 @!p0 s4, s6;
	[sflag:s5] =	ssyncadd.s32 @!p0 $0xFFFFFFFF  }
0xb3: {  	s25 =	simm.s32 $0x1B8E;
	s24 =	sld [smem:$0x3FFE];
	[sflag:s4] =	ssyncadd.remote.s32 @!p0 $0x1  }
0xb4: {  	s26 =	simm.s32 $execute0_lowered;
	[smem:$0x3FD2] =	sst s25  }
0xb5: {  	s5 =	sshll.u32 s26, $0x1;
	_ =	strace $0x80000049;
	[dreg:$0x1] =	wrdreg $0xFFFFFFFF  }
0xb6: {  	s28 =	simm.s32 $_size_execute0_lowered;
	s3 =	sadd.s32 s3, s5;
	[dreg:$0x0] =	wrdreg $0x0  }
0xb7: {  	s5 =	sshll.u32 s28, $0x1;
	[dreg:$0x2] =	wrdreg s3  }
0xb8: {  	[dreg:$0x3] =	wrdreg s5  }
0xb9: {  	[dreg:$0x4] =	wrdreg $0xC0  }
0xba: {  	_ =	task [dreg:s22], $0x5FFFF  }
0xbb: {  	[dreg:$0x1] =	wrdreg $0xFFFFFFFF  }
0xbc: {  	[dreg:$0x0] =	wrdreg $0x60  }
0xbd: {  	[dreg:$0x2] =	wrdreg s24  }
0xbe: {  	[dreg:$0x3] =	wrdreg $0xA  }
0xbf: {  	_ =	task.clear_ibuf [dreg:s22], $0x4FFFF;
	_ =	strace $0x90000049  }
0xc0: {  	s29 =	simm.s32 $0xA;
	_ =	strace $0x8000004B  }
0xc1: {  	_ =	swait.ge [sflag:s29], $0x1  }
0xc2: {  	[sflag:s29] =	ssyncadd.s32 $0xFFFFFFFF  }
0xc3: {  	_ =	strace $0x9000004B  }
0xc4: {  	_ =	sfence  }
0xc5: {  	s30 =	sld [smem:$0x0];
	_ =	sdelay $0x2  }
0xc6: {  	s31 =	sshll.u32 s1, $0xD;
	s1 =	sshrl.u32 s1, $0x2  }
0xc7: {  	s4 =	sand.u32 $0x4000, s31;
	s1 =	sadd.s32 s1, s30  }
0xc8: {  	s0 =	sor.u32 s4, s0;
	s1 =	sshll.u32 s1, $0x11  }
0xc9: {  	s0 =	sor.u32 s1, s0  }
0xca: {  	s0 =	sadd.s32 $0x8F2B, s0  }
0xcb: {  	[sflag:s0] =	ssyncadd.remote.s32 $0x1  }
0xcc: {  	_ =	sfence.sel $0xFFFF  }
0xcd: {  	[dreg:$0x0] =	wrdreg $0xFFFFFFFF;
	(pc) =	sbr.abs _section_cstart, $3  }
0xce: {  	[dreg:$0x1] =	wrdreg $0xFFFFFFFF  }
0xcf: {  	_ =	task.clear_ibuf [dreg:s22], $0x2FFFF;
	_ =	strace $0x9FFFFFFF  }
0xd0: {  	(tm) =	ssettm $0x7FFFFFFF  }
0xd1: {  	_ =	shalt  }
tec
execute0_lowered:
.L_overlay_start_1:
0x0: {  	(tag) =	ssettag $0x1  }
0x1: {  	s0 =	rddreg [dreg:$0x0];
	s2 =	simm.s32 $0x0  }
0x2: {  	s1 =	srdreg.scid;
	s3 =	stileid.u32;
	s14 =	simm.s32 $0x1  }
0x3: {  	s15 =	simm.s32 $0x80;
	s30 =	simm.s32 $0x10B00;
	s31 =	simm.s32 $0xC80  }
0x4: {  	s16 =	simm.s32 $0x2;
	s1 =	sand.u32 $0x1, s1;
	s4 =	sshll.u32 s3, $0x1  }
0x5: {  	s17 =	simm.s32 $0x0;
	[smem:$0x7FF] =	sst s2;
	s8 =	sor.u32 s1, s4  }
0x6: {  	s3 =	sadd.s32 $0x2E00, s0;
	s5 =	sadd.s32 $0xDDA00, s0;
	s9 =	smul.u32 $0x1F400, s8  }
0x7: {  	s6 =	sadd.s32 $0x1D7A00, s0;
	s28 =	ssub.s32 $0x2, s1;
	s7 =	smul.u32 $0x1F40, s8  }
0x8: {  	_ =	strace $0x8000004A;
	s1 =	sshrl.u32 s28, $0x1;
	s10 =	smul.u32 $0x3E80, s8  }
0x9: {  	s4 =	sadd.s32 $0x15AA00, s0;
	s8 =	smul.u32 $0x3E8, s8;
	s0 =	ssub.s32 s28, s1  }
0xa: {  	s1 =	simm.s32 $0x3;
	s9 =	sshrl.u32 s9, $0x3;
	s13 =	smax.u32 s0, $0x1  }
0xb: {  	s0 =	simm.s32 $0x3200;
	s29 =	sadd.s32 $0x190, s9;
	s9 =	sadd.s32 s4, s10  }
0xc: {  	s10 =	sadd.s32 s5, s10;
	s11 =	sadd.s32 s4, s29;
	s12 =	sadd.s32 s5, s29  }
.LBB2_1:
0xd: {  	[tilespmem:s2], [sflag:$0x1] =	stream.linear.gather [hbm4b:s9+s2], $0xC80, $0x38;
	[tilespmem:$0x1F400] =	vst v63  }
0xe: {  	s18 =	simm.s32 $0x2580  }
0xf: {  	[tilespmem:s18], [sflag:$0x1] =	stream.linear.gather [hbm4b:s10+s2], $0xC80, $0x38;
	[tilespmem:$0x1F400] =	vst v63  }
0x10: {  	_ =	swait.ge [sflag:s14], $0xC80  }
0x11: {  	[sflag:s14] =	ssyncset.done $0x0  }
0x12: {  	[sflag:s14] =	ssyncadd.s32 $0xFFFFF380  }
0x13: {  	_ =	swait.ge [sflag:s14], $0xC80  }
0x14: {  	[sflag:s14] =	ssyncset.done $0x0  }
0x15: {  	s19 =	simm.s32 $0x4B00;
	[sflag:s14] =	ssyncadd.s32 $0xFFFFF380  }
0x16: {  	[tilespmem:s19], [sflag:$0x2] =	stream.indirect.gather [hbm4b:s3+s15], $0x10, s2, s15, $0xb8;
	[tilespmem:$0x1F400] =	vst v63  }
0x17: {  	s25 =	simm.s32 $0x5300  }
0x18: {  	[tilespmem:s25], [sflag:$0x2] =	stream.indirect.gather [hbm4b:s3+s15], $0x10, s15, s15, $0xb8;
	[tilespmem:$0x1F400] =	vst v63  }
0x19: {  	s26 =	simm.s32 $0x100;
	s20 =	simm.s32 $0x5B00  }
0x1a: {  	[tilespmem:s20], [sflag:$0x2] =	stream.indirect.gather [hbm4b:s3+s15], $0x10, s26, s15, $0xb8;
	[tilespmem:$0x1F400] =	vst v63  }
0x1b: {  	s28 =	simm.s32 $0x180;
	s29 =	simm.s32 $0x6300  }
0x1c: {  	[tilespmem:s29], [sflag:$0x2] =	stream.indirect.gather [hbm4b:s3+s15], $0x10, s28, s15, $0xb8;
	[tilespmem:$0x1F400] =	vst v63  }
0x1d: {  	s21 =	simm.s32 $0x200;
	s22 =	simm.s32 $0x6B00  }
0x1e: {  	[tilespmem:s22], [sflag:$0x2] =	stream.indirect.gather [hbm4b:s3+s15], $0x10, s21, s15, $0xb8;
	[tilespmem:$0x1F400] =	vst v63  }
0x1f: {  	s23 =	simm.s32 $0x280;
	s24 =	simm.s32 $0x7300  }
0x20: {  	[tilespmem:s24], [sflag:$0x2] =	stream.indirect.gather [hbm4b:s3+s15], $0x10, s23, s15, $0xb8;
	[tilespmem:$0x1F400] =	vst v63  }
0x21: {  	s25 =	simm.s32 $0x300;
	s26 =	simm.s32 $0x7B00  }
0x22: {  	[tilespmem:s26], [sflag:$0x2] =	stream.indirect.gather [hbm4b:s3+s15], $0x10, s25, s15, $0xb8;
	[tilespmem:$0x1F400] =	vst v63  }
0x23: {  	s28 =	simm.s32 $0x380;
	s29 =	simm.s32 $0x8300  }
0x24: {  	[tilespmem:s29], [sflag:$0x2] =	stream.indirect.gather [hbm4b:s3+s15], $0x10, s28, s15, $0xb8;
	[tilespmem:$0x1F400] =	vst v63  }
0x25: {  	s21 =	simm.s32 $0x400;
	s22 =	simm.s32 $0x8B00  }
0x26: {  	[tilespmem:s22], [sflag:$0x2] =	stream.indirect.gather [hbm4b:s3+s15], $0x10, s21, s15, $0xb8;
	[tilespmem:$0x1F400] =	vst v63  }
0x27: {  	s23 =	simm.s32 $0x480;
	s24 =	simm.s32 $0x9300  }
0x28: {  	[tilespmem:s24], [sflag:$0x2] =	stream.indirect.gather [hbm4b:s3+s15], $0x10, s23, s15, $0xb8;
	[tilespmem:$0x1F400] =	vst v63  }
0x29: {  	s25 =	simm.s32 $0x500;
	s26 =	simm.s32 $0x9B00  }
0x2a: {  	[tilespmem:s26], [sflag:$0x2] =	stream.indirect.gather [hbm4b:s3+s15], $0x10, s25, s15, $0xb8;
	[tilespmem:$0x1F400] =	vst v63  }
0x2b: {  	s28 =	simm.s32 $0x580;
	s29 =	simm.s32 $0xA300  }
0x2c: {  	[tilespmem:s29], [sflag:$0x2] =	stream.indirect.gather [hbm4b:s3+s15], $0x10, s28, s15, $0xb8;
	[tilespmem:$0x1F400] =	vst v63  }
0x2d: {  	s21 =	simm.s32 $0x600;
	s22 =	simm.s32 $0xAB00  }
0x2e: {  	[tilespmem:s22], [sflag:$0x2] =	stream.indirect.gather [hbm4b:s3+s15], $0x10, s21, s15, $0xb8;
	[tilespmem:$0x1F400] =	vst v63  }
0x2f: {  	s23 =	simm.s32 $0x680;
	s24 =	simm.s32 $0xB300  }
0x30: {  	[tilespmem:s24], [sflag:$0x2] =	stream.indirect.gather [hbm4b:s3+s15], $0x10, s23, s15, $0xb8;
	[tilespmem:$0x1F400] =	vst v63  }
0x31: {  	s25 =	simm.s32 $0x700;
	s26 =	simm.s32 $0xBB00  }
0x32: {  	[tilespmem:s26], [sflag:$0x2] =	stream.indirect.gather [hbm4b:s3+s15], $0x10, s25, s15, $0xb8;
	[tilespmem:$0x1F400] =	vst v63  }
0x33: {  	s28 =	simm.s32 $0x780;
	s29 =	simm.s32 $0xC300  }
0x34: {  	[tilespmem:s29], [sflag:$0x2] =	stream.indirect.gather [hbm4b:s3+s15], $0x10, s28, s15, $0xb8;
	[tilespmem:$0x1F400] =	vst v63  }
0x35: {  	s21 =	simm.s32 $0x800;
	s22 =	simm.s32 $0xCB00  }
0x36: {  	[tilespmem:s22], [sflag:$0x2] =	stream.indirect.gather [hbm4b:s3+s15], $0x10, s21, s15, $0xb8;
	[tilespmem:$0x1F400] =	vst v63  }
0x37: {  	s23 =	simm.s32 $0x880;
	s24 =	simm.s32 $0xD300  }
0x38: {  	[tilespmem:s24], [sflag:$0x2] =	stream.indirect.gather [hbm4b:s3+s15], $0x10, s23, s15, $0xb8;
	[tilespmem:$0x1F400] =	vst v63  }
0x39: {  	s25 =	simm.s32 $0x900;
	s26 =	simm.s32 $0xDB00  }
0x3a: {  	[tilespmem:s26], [sflag:$0x2] =	stream.indirect.gather [hbm4b:s3+s15], $0x10, s25, s15, $0xb8;
	[tilespmem:$0x1F400] =	vst v63  }
0x3b: {  	s28 =	simm.s32 $0x980;
	s29 =	simm.s32 $0xE300  }
0x3c: {  	[tilespmem:s29], [sflag:$0x2] =	stream.indirect.gather [hbm4b:s3+s15], $0x10, s28, s15, $0xb8;
	[tilespmem:$0x1F400] =	vst v63  }
0x3d: {  	s20 =	simm.s32 $0xA00;
	s21 =	simm.s32 $0xEB00  }
0x3e: {  	[tilespmem:s21], [sflag:$0x2] =	stream.indirect.gather [hbm4b:s3+s15], $0x10, s20, s15, $0xb8;
	[tilespmem:$0x1F400] =	vst v63  }
0x3f: {  	s22 =	simm.s32 $0xA80;
	s23 =	simm.s32 $0xF300  }
0x40: {  	[tilespmem:s23], [sflag:$0x2] =	stream.indirect.gather [hbm4b:s3+s15], $0x10, s22, s15, $0xb8;
	[tilespmem:$0x1F400] =	vst v63  }
0x41: {  	s24 =	simm.s32 $0xB00;
	s25 =	simm.s32 $0xFB00  }
0x42: {  	[tilespmem:s25], [sflag:$0x2] =	stream.indirect.gather [hbm4b:s3+s15], $0x10, s24, s15, $0xb8;
	[tilespmem:$0x1F400] =	vst v63  }
0x43: {  	s26 =	simm.s32 $0xB80;
	s28 =	simm.s32 $0x10300  }
0x44: {  	[tilespmem:s28], [sflag:$0x2] =	stream.indirect.gather [hbm4b:s3+s15], $0x10, s26, s15, $0xb8;
	[tilespmem:$0x1F400] =	vst v63  }
0x45: {  	s29 =	simm.s32 $0xC00  }
0x46: {  	[tilespmem:s30], [sflag:$0x2] =	stream.indirect.gather [hbm4b:s3+s15], $0x10, s29, s15, $0xb8;
	[tilespmem:$0x1F400] =	vst v63  }
0x47: {  	_ = 	snop  }
0x48: {  	[tilespmem:s31], [sflag:$0x1] =	stream.linear.gather [hbm4b:s11+s2], $0xC80, $0x38;
	[tilespmem:$0x1F400] =	vst v63  }
0x49: {  	p0 =	por $0x0, $0x0;
	s19 =	simm.s32 $0x0  }
0x4a: {  	[tilespmem:s0], [sflag:$0x1] =	stream.linear.gather [hbm4b:s12+s2], $0xC80, $0x38;
	[tilespmem:$0x1F400] =	vst v63  }
.LBB2_2:
0x4b: {  	s20 =	sadd.s32 $0x1, s19;
	p1 =	seq.s32 s19, $0x27  }
0x4c: {  	s21 =	smul.u32 @!p1 $0xAB, s20;
	_ =	sdelay $0x1  }
0x4d: {  	s21 =	sshrl.u32 @!p1 s21, $0x9  }
0x4e: {  	s22 =	simm.s32 @!p1 $0x1;
	s21 =	sand.u32 @!p1 $0x7F, s21  }
0x4f: {  	_ =	swait.ge @!p1 [sflag:s22], $0xC80;
	s23 =	smul.u32 @!p1 $0x3, s21  }
0x50: {  	[sflag:s22] =	ssyncset.done @!p1 $0x0;
	s21 =	sand.u32 $0x1, s19  }
0x51: {  	[sflag:s22] =	ssyncadd.s32 @!p1 $0xFFFFF380;
	s24 =	sxor.u32 @!p1 $0x1, s21;
	s23 =	ssub.s32 @!p1 s20, s23  }
0x52: {  	_ =	swait.ge @!p1 [sflag:s22], $0xC80;
	s24 =	smul.u32 @!p1 $0x32000, s24;
	s23 =	sand.u32 @!p1 $0xFF, s23  }
0x53: {  	[sflag:s22] =	ssyncset.done @!p1 $0x0;
	s23 =	smul.u32 @!p1 $0x3200, s23  }
0x54: {  	[sflag:s22] =	ssyncadd.s32 @!p1 $0xFFFFF380;
	s22 =	sshrl.u32 @!p1 s24, $0x2  }
0x55: {  	s25 =	sadd.s32 @!p1 $0x4B00, s22;
	s24 =	sshrl.u32 @!p1 s23, $0x2;
	s23 =	simm.s32 @!p1 $0x80  }
0x56: {  	[tilespmem:s25], [sflag:$0x2] =	stream.indirect.gather @!p1 [hbm4b:s3+s23], $0x10, s24, s23, $0xb8;
	[tilespmem:$0x1F400] =	vst v63  }
0x57: {  	s25 =	sadd.s32 @!p1 $0x5300, s22;
	s26 =	sadd.s32 @!p1 $0x80, s24  }
0x58: {  	[tilespmem:s25], [sflag:$0x2] =	stream.indirect.gather @!p1 [hbm4b:s3+s23], $0x10, s26, s23, $0xb8;
	[tilespmem:$0x1F400] =	vst v63  }
0x59: {  	s25 =	sadd.s32 @!p1 $0x5B00, s22;
	s26 =	sadd.s32 @!p1 $0x100, s24  }
0x5a: {  	[tilespmem:s25], [sflag:$0x2] =	stream.indirect.gather @!p1 [hbm4b:s3+s23], $0x10, s26, s23, $0xb8;
	[tilespmem:$0x1F400] =	vst v63  }
0x5b: {  	s25 =	sadd.s32 @!p1 $0x6300, s22;
	s26 =	sadd.s32 @!p1 $0x180, s24  }
0x5c: {  	[tilespmem:s25], [sflag:$0x2] =	stream.indirect.gather @!p1 [hbm4b:s3+s23], $0x10, s26, s23, $0xb8;
	[tilespmem:$0x1F400] =	vst v63  }
0x5d: {  	s25 =	sadd.s32 @!p1 $0x6B00, s22;
	s26 =	sadd.s32 @!p1 $0x200, s24  }
0x5e: {  	[tilespmem:s25], [sflag:$0x2] =	stream.indirect.gather @!p1 [hbm4b:s3+s23], $0x10, s26, s23, $0xb8;
	[tilespmem:$0x1F400] =	vst v63  }
0x5f: {  	s25 =	sadd.s32 @!p1 $0x7300, s22;
	s26 =	sadd.s32 @!p1 $0x280, s24  }
0x60: {  	[tilespmem:s25], [sflag:$0x2] =	stream.indirect.gather @!p1 [hbm4b:s3+s23], $0x10, s26, s23, $0xb8;
	[tilespmem:$0x1F400] =	vst v63  }
0x61: {  	s25 =	sadd.s32 @!p1 $0x7B00, s22;
	s26 =	sadd.s32 @!p1 $0x300, s24  }
0x62: {  	[tilespmem:s25], [sflag:$0x2] =	stream.indirect.gather @!p1 [hbm4b:s3+s23], $0x10, s26, s23, $0xb8;
	[tilespmem:$0x1F400] =	vst v63  }
0x63: {  	s25 =	sadd.s32 @!p1 $0x8300, s22;
	s26 =	sadd.s32 @!p1 $0x380, s24  }
0x64: {  	[tilespmem:s25], [sflag:$0x2] =	stream.indirect.gather @!p1 [hbm4b:s3+s23], $0x10, s26, s23, $0xb8;
	[tilespmem:$0x1F400] =	vst v63  }
0x65: {  	s25 =	sadd.s32 @!p1 $0x8B00, s22;
	s26 =	sadd.s32 @!p1 $0x400, s24  }
0x66: {  	[tilespmem:s25], [sflag:$0x2] =	stream.indirect.gather @!p1 [hbm4b:s3+s23], $0x10, s26, s23, $0xb8;
	[tilespmem:$0x1F400] =	vst v63  }
0x67: {  	s25 =	sadd.s32 @!p1 $0x9300, s22;
	s26 =	sadd.s32 @!p1 $0x480, s24  }
0x68: {  	[tilespmem:s25], [sflag:$0x2] =	stream.indirect.gather @!p1 [hbm4b:s3+s23], $0x10, s26, s23, $0xb8;
	[tilespmem:$0x1F400] =	vst v63  }
0x69: {  	s25 =	sadd.s32 @!p1 $0x9B00, s22;
	s26 =	sadd.s32 @!p1 $0x500, s24  }
0x6a: {  	[tilespmem:s25], [sflag:$0x2] =	stream.indirect.gather @!p1 [hbm4b:s3+s23], $0x10, s26, s23, $0xb8;
	[tilespmem:$0x1F400] =	vst v63  }
0x6b: {  	s25 =	sadd.s32 @!p1 $0xA300, s22;
	s26 =	sadd.s32 @!p1 $0x580, s24  }
0x6c: {  	[tilespmem:s25], [sflag:$0x2] =	stream.indirect.gather @!p1 [hbm4b:s3+s23], $0x10, s26, s23, $0xb8;
	[tilespmem:$0x1F400] =	vst v63  }
0x6d: {  	s25 =	sadd.s32 @!p1 $0xAB00, s22;
	s26 =	sadd.s32 @!p1 $0x600, s24  }
0x6e: {  	[tilespmem:s25], [sflag:$0x2] =	stream.indirect.gather @!p1 [hbm4b:s3+s23], $0x10, s26, s23, $0xb8;
	[tilespmem:$0x1F400] =	vst v63  }
0x6f: {  	s25 =	sadd.s32 @!p1 $0xB300, s22;
	s26 =	sadd.s32 @!p1 $0x680, s24  }
0x70: {  	[tilespmem:s25], [sflag:$0x2] =	stream.indirect.gather @!p1 [hbm4b:s3+s23], $0x10, s26, s23, $0xb8;
	[tilespmem:$0x1F400] =	vst v63  }
0x71: {  	s25 =	sadd.s32 @!p1 $0xBB00, s22;
	s26 =	sadd.s32 @!p1 $0x700, s24  }
0x72: {  	[tilespmem:s25], [sflag:$0x2] =	stream.indirect.gather @!p1 [hbm4b:s3+s23], $0x10, s26, s23, $0xb8;
	[tilespmem:$0x1F400] =	vst v63  }
0x73: {  	s25 =	sadd.s32 @!p1 $0xC300, s22;
	s26 =	sadd.s32 @!p1 $0x780, s24  }
0x74: {  	[tilespmem:s25], [sflag:$0x2] =	stream.indirect.gather @!p1 [hbm4b:s3+s23], $0x10, s26, s23, $0xb8;
	[tilespmem:$0x1F400] =	vst v63  }
0x75: {  	s25 =	sadd.s32 @!p1 $0xCB00, s22;
	s26 =	sadd.s32 @!p1 $0x800, s24  }
0x76: {  	[tilespmem:s25], [sflag:$0x2] =	stream.indirect.gather @!p1 [hbm4b:s3+s23], $0x10, s26, s23, $0xb8;
	[tilespmem:$0x1F400] =	vst v63  }
0x77: {  	s25 =	sadd.s32 @!p1 $0xD300, s22;
	s26 =	sadd.s32 @!p1 $0x880, s24  }
0x78: {  	[tilespmem:s25], [sflag:$0x2] =	stream.indirect.gather @!p1 [hbm4b:s3+s23], $0x10, s26, s23, $0xb8;
	[tilespmem:$0x1F400] =	vst v63  }
0x79: {  	s25 =	sadd.s32 @!p1 $0xDB00, s22;
	s26 =	sadd.s32 @!p1 $0x900, s24  }
0x7a: {  	[tilespmem:s25], [sflag:$0x2] =	stream.indirect.gather @!p1 [hbm4b:s3+s23], $0x10, s26, s23, $0xb8;
	[tilespmem:$0x1F400] =	vst v63  }
0x7b: {  	s25 =	sadd.s32 @!p1 $0xE300, s22;
	s26 =	sadd.s32 @!p1 $0x980, s24  }
0x7c: {  	[tilespmem:s25], [sflag:$0x2] =	stream.indirect.gather @!p1 [hbm4b:s3+s23], $0x10, s26, s23, $0xb8;
	[tilespmem:$0x1F400] =	vst v63  }
0x7d: {  	s25 =	sadd.s32 @!p1 $0xEB00, s22;
	s26 =	sadd.s32 @!p1 $0xA00, s24  }
0x7e: {  	[tilespmem:s25], [sflag:$0x2] =	stream.indirect.gather @!p1 [hbm4b:s3+s23], $0x10, s26, s23, $0xb8;
	[tilespmem:$0x1F400] =	vst v63  }
0x7f: {  	p2 =	sgt.u32 @!p1 s19, $0x25;
	s25 =	sadd.s32 @!p1 $0xF300, s22;
	s26 =	sadd.s32 @!p1 $0xA80, s24  }
0x80: {  	[tilespmem:s25], [sflag:$0x2] =	stream.indirect.gather @!p1 [hbm4b:s3+s23], $0x10, s26, s23, $0xb8;
	[tilespmem:$0x1F400] =	vst v63  }
0x81: {  	p2 =	por p1, p2;
	s25 =	sadd.s32 @!p1 $0xFB00, s22;
	s26 =	sadd.s32 @!p1 $0xB00, s24  }
0x82: {  	[tilespmem:s25], [sflag:$0x2] =	stream.indirect.gather @!p1 [hbm4b:s3+s23], $0x10, s26, s23, $0xb8;
	[tilespmem:$0x1F400] =	vst v63  }
0x83: {  	s25 =	sadd.s32 @!p2 $0x2, s19  }
0x84: {  	s28 =	sadd.s32 @!p1 $0xB80, s24;
	s26 =	sor.u32 @!p1 $0x10300, s22;
	s29 =	smul.u32 @!p2 $0xAB, s25  }
0x85: {  	[tilespmem:s26], [sflag:$0x2] =	stream.indirect.gather @!p1 [hbm4b:s3+s23], $0x10, s28, s23, $0xb8;
	[tilespmem:$0x1F400] =	vst v63  }
0x86: {  	s26 =	sshrl.u32 @!p2 s29, $0x9  }
0x87: {  	s24 =	sadd.s32 @!p1 $0xC00, s24;
	s22 =	sadd.s32 @!p1 $0x10B00, s22;
	s26 =	sand.u32 @!p2 $0x7F, s26  }
0x88: {  	[tilespmem:s22], [sflag:$0x2] =	stream.indirect.gather @!p1 [hbm4b:s3+s23], $0x10, s24, s23, $0xb8;
	[tilespmem:$0x1F400] =	vst v63  }
0x89: {  	s26 =	smul.u32 @!p2 $0x3, s26  }
0x8a: {  	s23 =	smul.u32 @!p2 $0x19, s25  }
0x8b: {  	s22 =	ssub.s32 @!p2 s25, s26  }
0x8c: {  	s23 =	sadd.s32 @!p2 s8, s23;
	s22 =	sand.u32 @!p2 $0xFF, s22  }
0x8d: {  	s23 =	sshll.u32 @!p2 s23, $0x4;
	s22 =	smul.u32 @!p2 $0x3200, s22  }
0x8e: {  	s24 =	simm.s32 @!p2 $0x0;
	s23 =	sand.u32 @!p2 $0x1FFFFFF0, s23  }
0x8f: {  	s25 =	smul.u32 @!p2 $0xC8, s25;
	s23 =	sadd.s32 @!p2 s4, s23;
	s22 =	sshrl.u32 @!p2 s22, $0x2  }
0x90: {  	[tilespmem:s22], [sflag:$0x1] =	stream.linear.gather @!p2 [hbm4b:s23+s24], $0xC80, $0x38;
	[tilespmem:$0x1F400] =	vst v63  }
0x91: {  	s23 =	sadd.s32 @!p2 s7, s25  }
0x92: {  	s23 =	sshll.u32 @!p2 s23, $0x1  }
0x93: {  	s26 =	smulhi.u32 $0xAAAAAAAB, s19;
	s22 =	sadd.s32 @!p2 $0x2580, s22;
	s23 =	sadd.s32 @!p2 s5, s23  }
0x94: {  	[tilespmem:s22], [sflag:$0x1] =	stream.linear.gather @!p2 [hbm4b:s23+s24], $0xC80, $0x38;
	[tilespmem:$0x1F400] =	vst v63  }
0x95: {  	s22 =	sshrl.u32 s26, $0x1  }
0x96: {  	p1 =	slt.u32 @!p2 s19, $0x2;
	s22 =	smul.u32 $0xFFFF6A00, s22  }
0x97: {  	p1 =	por p2, !p1  }
0x98: {  	s24 =	simm.s32 $0x1;
	_ =	swait.ge @p1 [sflag:s1], $0xC80;
	s22 =	sshra.s32 s22, $0x2  }
0x99: {  	s24 =	simm.s32 @!p0 $0x0;
	[sflag:s1] =	ssyncset.done @p1 $0x0;
	s22 =	sadd.s32 s22, s18  }
0x9a: {  	s28 =	smul.u32 $0x32000, s24;
	[sflag:s1] =	ssyncadd.s32 @p1 $0xFFFFF380;
	v0 =	vmov s22  }
0x9b: {  	_ =	swait.ge [sflag:s16], $0xC800  }
0x9c: {  	s29 =	sshrl.u32 s28, $0x2;
	[sflag:s16] =	ssyncset.done $0x0  }
0x9d: {  	s23 =	sadd.s32 $0x4C00, s29;
	[sflag:s16] =	ssyncadd.s32 $0xFFFF3800  }
0x9e: {  	s22 =	simm.s32 $0x0;
	v1 =	vld [tilespmem:s23+$0xFFFFFFC0]  }
0x9f: {  	v2 =	vld.idx.msk [tilespmem:v0+s22+$0x0 ss:$0x1], $0xffff  }
0xa0: {  	v3 =	vld [tilespmem:s23+$0xFFFFFFD0]  }
0xa1: {  	v6 =	vld [tilespmem:s23+$0xFFFFFFE0]  }
0xa2: {  	v7 =	vld [tilespmem:s23+$0xFFFFFFF0]  }
0xa3: {  	v8 =	vld [tilespmem:s23+$0xFFFFFF80]  }
0xa4: {  	v9 =	vld [tilespmem:s23+$0xFFFFFF90];
	v4 =	vbroadcast v2, $0xC;
	v10 =	vbroadcast v2, $0xD  }
0xa5: {  	v13 =	vld [tilespmem:s23+$0xFFFFFFA0];
	v11 =	vbroadcast v2, $0xE;
	v12 =	vbroadcast v2, $0xF  }
0xa6: {  	v15 =	vld [tilespmem:s23+$0xFFFFFFB0];
	v14 =	vbroadcast v2, $0x8;
	v16 =	vbroadcast v2, $0x9  }
0xa7: {  	v17 =	vld [tilespmem:s23+$0xFFFFFF00];
	v18 =	vbroadcast v2, $0xA;
	v19 =	vbroadcast v2, $0xB  }
0xa8: {  	v20 =	vld [tilespmem:s23+$0xFFFFFF40];
	v21 =	vbroadcast v2, $0x0;
	v22 =	vbroadcast v2, $0x1  }
0xa9: {  	v23 =	vld [tilespmem:s23+$0xFFFFFF10];
	v24 =	vbroadcast v2, $0x2;
	v25 =	vbroadcast v2, $0x3  }
0xaa: {  	v26 =	vld [tilespmem:s23+$0xFFFFFF50];
	v27 =	vbroadcast v2, $0x4;
	v28 =	vbroadcast v2, $0x5  }
0xab: {  	v29 =	vld [tilespmem:s23+$0xFFFFFF20];
	v30 =	vbroadcast v2, $0x6;
	v31 =	vbroadcast v2, $0x7  }
0xac: {  	v32 =	vld [tilespmem:s23+$0xFFFFFF30];
	v5 =	vmul.f32 v1, v4;
	v4 =	vmul.f32 v3, v10  }
0xad: {  	v1 =	vld [tilespmem:s23+$0xFFFFFF60];
	v3 =	vmul.f32 v6, v11;
	v2 =	vmul.f32 v7, v12  }
0xae: {  	v6 =	vld [tilespmem:s23+$0xFFFFFF70];
	v14 =	vmul.f32 v8, v14;
	v11 =	vmul.f32 v9, v16  }
0xaf: {  	v12 =	vld.idx.msk [tilespmem:v0+s22+$0x10 ss:$0x1], $0xffff;
	v10 =	vmul.f32 v13, v18;
	v8 =	vmul.f32 v15, v19  }
0xb0: {  	v13 =	vmul.f32 v17, v21;
	v15 =	vmul.f32 v23, v22  }
0xb1: {  	v33 =	vmul.f32 v29, v24;
	v24 =	vmul.f32 v32, v25;
	v16 =	vld [tilespmem:s23+$0xD0]  }
0xb2: {  	s24 =	smul.u32 $0x3200, s24;
	v17 =	vmul.f32 v20, v27;
	v28 =	vmul.f32 v26, v28;
	v19 =	vld [tilespmem:s23+$0xC0]  }
0xb3: {  	v18 =	vld [tilespmem:s23+$0x90];
	v34 =	vmul.f32 v1, v30;
	v27 =	vmul.f32 v6, v31  }
0xb4: {  	s24 =	sshrl.u32 s24, $0x2;
	v20 =	vld [tilespmem:s23+$0x80];
	v22 =	vbroadcast v12, $0xC;
	v23 =	vbroadcast v12, $0xD  }
0xb5: {  	s24 =	sadd.s32 $0x1DB00, s24;
	v9 =	vld [tilespmem:s23+$0x70];
	v32 =	vadd.f32 v28, v15;
	v7 =	vbroadcast v12, $0xE;
	v6 =	vbroadcast v12, $0xF  }
0xb6: {  	v21 =	vld [tilespmem:s23+$0x30];
	v1 =	vmov s24;
	v25 =	vbroadcast v12, $0x8;
	v26 =	vbroadcast v12, $0x9  }
0xb7: {  	v29 =	vld [tilespmem:s23+$0x10];
	v31 =	vadd.f32 v17, v13;
	v15 =	vbroadcast v12, $0xA;
	v13 =	vbroadcast v12, $0xB  }
0xb8: {  	v17 =	vld [tilespmem:s23+$0x50];
	v28 =	vbroadcast v12, $0x0;
	v30 =	vbroadcast v12, $0x1;
	s24 =	simm.s32 $0x80;
	v33 =	vadd.f32 v34, v33  }
.LBB2_3:
0xb9: {  	p1 =	sne.s32 s24, $0x3180;
	v34 =	vld [tilespmem:s23+$0x0];
	v35 =	vbroadcast v12, $0x2;
	v36 =	vbroadcast v12, $0x3;
	v24 =	vadd.f32 v27, v24  }
0xba: {  	v37 =	vbroadcast v12, $0x4;
	v38 =	vbroadcast v12, $0x5;
	v14 =	vadd.f32 v14, v31;
	v27 =	vld [tilespmem:s23+$0x20]  }
0xbb: {  	v39 =	vbroadcast v12, $0x6;
	v12 =	vbroadcast v12, $0x7;
	v11 =	vadd.f32 v11, v32;
	v31 =	vld [tilespmem:s23+$0x40]  }
0xbc: {  	v19 =	vmul.f32 v19, v22;
	v16 =	vmul.f32 v16, v23;
	v10 =	vadd.f32 v10, v33;
	v32 =	vld [tilespmem:s23+$0x60]  }
0xbd: {  	v20 =	vmul.f32 v20, v25;
	v18 =	vmul.f32 v18, v26;
	v8 =	vadd.f32 v8, v24;
	v22 =	vld [tilespmem:s23+$0xA0]  }
0xbe: {  	v5 =	vadd.f32 v5, v14;
	v24 =	vmul.f32 v29, v30;
	v23 =	vmul.f32 v34, v28;
	v25 =	vld [tilespmem:s23+$0xB0]  }
0xbf: {  	v4 =	vadd.f32 v4, v11;
	v21 =	vmul.f32 v21, v36;
	v14 =	vmul.f32 v27, v35;
	v11 =	vld [tilespmem:s23+$0xE0]  }
0xc0: {  	v17 =	vmul.f32 v17, v38;
	v3 =	vadd.f32 v3, v10;
	v26 =	vmul.f32 v31, v37;
	v10 =	vld [tilespmem:s23+$0xF0]  }
0xc1: {  	v9 =	vmul.f32 v9, v12;
	v2 =	vadd.f32 v2, v8;
	v27 =	vmul.f32 v32, v39  }
0xc2: {  	v12 =	vadd.f32 v17, v24;
	v8 =	vadd.f32 v26, v23;
	v15 =	vmul.f32 v22, v15  }
0xc3: {  	v9 =	vadd.f32 v9, v21;
	v14 =	vadd.f32 v27, v14;
	v13 =	vmul.f32 v25, v13  }
0xc4: {  	v12 =	vadd.f32 v18, v12;
	v8 =	vadd.f32 v20, v8;
	v7 =	vmul.f32 v11, v7  }
0xc5: {  	v11 =	vadd.f32 v15, v14;
	v9 =	vadd.f32 v13, v9;
	v6 =	vmul.f32 v10, v6  }
0xc6: {  	v10 =	vadd.f32 v16, v12;
	v8 =	vadd.f32 v19, v8  }
0xc7: {  	v7 =	vadd.f32 v7, v11;
	v6 =	vadd.f32 v6, v9  }
0xc8: {  	v4 =	vadd.f32 v4, v5;
	v2 =	vadd.f32 v2, v3  }
0xc9: {  	v3 =	vadd.f32 v10, v8;
	v5 =	vadd.f32 v6, v7  }
0xca: {  	v2 =	vadd.f32 v2, v4  }
0xcb: {  	v3 =	vadd.f32 v5, v3  }
0xcc: {  	[tilespmem:v1+s22+$0x0 ss:$0x1] =	vst.idx.msk $0xffff, v2  }
0xcd: {  	s23 =	sadd.s32 $0x200, s23;
	[tilespmem:v1+s22+$0x10 ss:$0x1] =	vst.idx.msk $0xffff, v3  }
0xce: {  	s22 =	sshra.s32 s24, $0x2;
	v2 =	vld [tilespmem:s23+$0xFFFFFFC0]  }
0xcf: {  	v3 =	vld.idx.msk [tilespmem:v0+s22+$0x0 ss:$0x1], $0xffff  }
0xd0: {  	v4 =	vld [tilespmem:s23+$0xFFFFFFD0]  }
0xd1: {  	v6 =	vld [tilespmem:s23+$0xFFFFFFE0]  }
0xd2: {  	v7 =	vld [tilespmem:s23+$0xFFFFFFF0]  }
0xd3: {  	v8 =	vld [tilespmem:s23+$0xFFFFFF80]  }
0xd4: {  	v9 =	vld [tilespmem:s23+$0xFFFFFF90]  }
0xd5: {  	v5 =	vbroadcast v3, $0xC;
	v11 =	vbroadcast v3, $0xD;
	v10 =	vld [tilespmem:s23+$0xFFFFFFA0]  }
0xd6: {  	v12 =	vbroadcast v3, $0xE;
	v14 =	vbroadcast v3, $0xF;
	v13 =	vld [tilespmem:s23+$0xFFFFFFB0]  }
0xd7: {  	v16 =	vbroadcast v3, $0x8;
	v17 =	vbroadcast v3, $0x9;
	v15 =	vld [tilespmem:s23+$0xFFFFFF00]  }
0xd8: {  	v19 =	vbroadcast v3, $0xA;
	v20 =	vbroadcast v3, $0xB;
	v18 =	vld [tilespmem:s23+$0xFFFFFF40]  }
0xd9: {  	v21 =	vbroadcast v3, $0x0;
	v23 =	vbroadcast v3, $0x1;
	v22 =	vld [tilespmem:s23+$0xFFFFFF10]  }
0xda: {  	v24 =	vbroadcast v3, $0x2;
	v25 =	vbroadcast v3, $0x3;
	v26 =	vld [tilespmem:s23+$0xFFFFFF50]  }
0xdb: {  	v28 =	vbroadcast v3, $0x4;
	v29 =	vbroadcast v3, $0x5;
	v27 =	vld [tilespmem:s23+$0xFFFFFF20]  }
0xdc: {  	v31 =	vbroadcast v3, $0x6;
	v32 =	vbroadcast v3, $0x7;
	v30 =	vld [tilespmem:s23+$0xFFFFFF60]  }
0xdd: {  	v5 =	vmul.f32 v2, v5;
	v4 =	vmul.f32 v4, v11;
	v33 =	vld [tilespmem:s23+$0xFFFFFF30]  }
0xde: {  	v3 =	vmul.f32 v6, v12;
	v2 =	vmul.f32 v7, v14;
	v34 =	vld [tilespmem:s23+$0xFFFFFF70]  }
0xdf: {  	v14 =	vmul.f32 v8, v16;
	v11 =	vmul.f32 v9, v17;
	v12 =	vld.idx.msk [tilespmem:v0+s22+$0x10 ss:$0x1], $0xffff  }
0xe0: {  	v10 =	vmul.f32 v10, v19;
	v8 =	vmul.f32 v13, v20  }
0xe1: {  	v13 =	vmul.f32 v15, v21;
	v15 =	vmul.f32 v22, v23  }
0xe2: {  	v35 =	vmul.f32 v27, v24;
	v24 =	vmul.f32 v33, v25;
	v16 =	vld [tilespmem:s23+$0xD0]  }
0xe3: {  	v17 =	vmul.f32 v18, v28;
	v28 =	vmul.f32 v26, v29;
	v19 =	vld [tilespmem:s23+$0xC0]  }
0xe4: {  	v33 =	vmul.f32 v30, v31;
	v27 =	vmul.f32 v34, v32;
	v18 =	vld [tilespmem:s23+$0x90]  }
.Ltmp0:
0xe5: {  	v22 =	vbroadcast v12, $0xC;
	v23 =	vbroadcast v12, $0xD;
	v20 =	vld [tilespmem:s23+$0x80];
	(pc) =	sbr.rel @p1 .LBB2_3-.Ltmp0, $4  }
0xe6: {  	v7 =	vbroadcast v12, $0xE;
	v6 =	vbroadcast v12, $0xF;
	v9 =	vld [tilespmem:s23+$0x70]  }
0xe7: {  	v31 =	vadd.f32 v17, v13;
	v25 =	vbroadcast v12, $0x8;
	v26 =	vbroadcast v12, $0x9;
	v17 =	vld [tilespmem:s23+$0x50]  }
0xe8: {  	v32 =	vadd.f32 v28, v15;
	v15 =	vbroadcast v12, $0xA;
	v13 =	vbroadcast v12, $0xB;
	v21 =	vld [tilespmem:s23+$0x30]  }
0xe9: {  	s24 =	sadd.s32 $0x80, s24;
	v28 =	vbroadcast v12, $0x0;
	v30 =	vbroadcast v12, $0x1;
	v33 =	vadd.f32 v33, v35;
	v29 =	vld [tilespmem:s23+$0x10]  }
0xea: {  	v34 =	vbroadcast v12, $0x2  }
0xeb: {  	v0 =	vld [tilespmem:s23+$0x0];
	v35 =	vbroadcast v12, $0x3;
	v36 =	vbroadcast v12, $0x4  }
0xec: {  	v24 =	vadd.f32 v27, v24;
	v48 =	vld [tilespmem:s23+$0x20];
	v37 =	vbroadcast v12, $0x5;
	v38 =	vbroadcast v12, $0x6  }
0xed: {  	v14 =	vadd.f32 v14, v31;
	v49 =	vld [tilespmem:s23+$0x40];
	v50 =	vbroadcast v12, $0x7;
	v19 =	vmul.f32 v19, v22  }
0xee: {  	v11 =	vadd.f32 v11, v32;
	v51 =	vld [tilespmem:s23+$0x60];
	v16 =	vmul.f32 v16, v23;
	v20 =	vmul.f32 v20, v25  }
0xef: {  	v18 =	vmul.f32 v18, v26;
	v54 =	vld [tilespmem:s23+$0xB0];
	v10 =	vadd.f32 v10, v33;
	v8 =	vadd.f32 v8, v24  }
0xf0: {  	v52 =	vld [tilespmem:s23+$0xA0];
	v5 =	vadd.f32 v5, v14;
	v17 =	vmul.f32 v17, v37;
	v9 =	vmul.f32 v9, v50  }
0xf1: {  	v58 =	vld [tilespmem:s23+$0xF0];
	v4 =	vadd.f32 v4, v11;
	v21 =	vmul.f32 v21, v35;
	v53 =	vmul.f32 v29, v30  }
0xf2: {  	v56 =	vld [tilespmem:s23+$0xE0];
	v3 =	vadd.f32 v3, v10;
	v0 =	vmul.f32 v0, v28;
	v55 =	vmul.f32 v48, v34  }
0xf3: {  	v2 =	vadd.f32 v2, v8;
	v57 =	vmul.f32 v49, v36;
	v59 =	vmul.f32 v51, v38  }
0xf4: {  	v9 =	vadd.f32 v9, v21;
	v13 =	vmul.f32 v54, v13;
	v60 =	vadd.f32 v17, v53  }
0xf5: {  	v61 =	vmul.f32 v52, v15;
	v0 =	vadd.f32 v57, v0;
	v14 =	vadd.f32 v59, v55  }
0xf6: {  	v6 =	vmul.f32 v58, v6;
	v9 =	vadd.f32 v13, v9;
	v8 =	vadd.f32 v18, v60  }
0xf7: {  	v7 =	vmul.f32 v56, v7;
	v0 =	vadd.f32 v20, v0;
	v62 =	vadd.f32 v61, v14  }
0xf8: {  	v6 =	vadd.f32 v6, v9;
	v8 =	vadd.f32 v16, v8  }
0xf9: {  	v0 =	vadd.f32 v19, v0;
	v7 =	vadd.f32 v7, v62  }
0xfa: {  	v4 =	vadd.f32 v4, v5;
	v2 =	vadd.f32 v2, v3  }
0xfb: {  	s19 =	smul.u32 $0xC8, s19;
	v0 =	vadd.f32 v8, v0;
	v63 =	vadd.f32 v6, v7  }
0xfc: {  	s21 =	smul.u32 $0x3200, s21;
	p1 =	sne.s32 s20, $0x28;
	v2 =	vadd.f32 v2, v4  }
.Ltmp1:
0xfd: {  	s19 =	sadd.s32 s7, s19;
	v0 =	vadd.f32 v63, v0;
	(pc) =	sbr.rel @p1 .LBB2_2-.Ltmp1, $4  }
0xfe: {  	s21 =	sshrl.u32 s21, $0x2;
	s19 =	sshll.u32 s19, $0x1;
	[tilespmem:v1+s22+$0x0 ss:$0x1] =	vst.idx.msk $0xffff, v2  }
0xff: {  	s21 =	sadd.s32 $0x1DB00, s21;
	s19 =	sadd.s32 s6, s19;
	[tilespmem:v1+s22+$0x10 ss:$0x1] =	vst.idx.msk $0xffff, v0  }
0x100: {  	[hbm4b:s19+s2] =	stream.linear.scatter [tilespmem:s21], [sflag:$0x3], $0xC80, $0x38;
	[tilespmem:$0x1F400] =	vst v63  }
0x101: {  	p0 =	por !p0, !p0;
	s18 =	sadd.s32 $0xC80, s18;
	s19 =	smov.u32 s20  }
0x102: {  	s17 =	sadd.s32 $0x1, s17  }
0x103: {  	_ =	swait.ge [sflag:s1], $0xC80;
	p0 =	sne.s32 s17, s13  }
.Ltmp2:
0x104: {  	[sflag:s1] =	ssyncset.done $0x0;
	(pc) =	sbr.rel @p0 .LBB2_1-.Ltmp2, $4  }
0x105: {  	[sflag:s1] =	ssyncadd.s32 $0xFFFFF380  }
0x106: {  	_ =	swait.ge [sflag:s1], $0xC80  }
0x107: {  	[sflag:s1] =	ssyncset.done $0x0  }
0x108: {  	[sflag:s1] =	ssyncadd.s32 $0xFFFFF380  }
0x109: {  	_ =	sfence.sel $0x180000  }
0x10a: {  	[bflag:$0x0] =	sbarrier.arrive $0xFFFF  }
0x10b: {  	_ =	strace $0x9000004A  }
0x10c: {  	s0 =	stileid.u32;
	[bflag:$0x2] =	sbarrier.arrive $0xFFFF  }
0x10d: {  	p0 =	sne.s32 s0, $0x0;
	s0 =	rddreg [dreg:$0x1]  }
0x10e: {  	s0 =	sadd.s32 @!p0 $0x100000, s0  }
0x10f: {  	[sflag:s0] =	ssyncadd.tile.s32 @!p0 $0x1;
	_ =	shalt  }
.Lfunc_end2:
_tile_overlayer_lowered:
.L_overlay_start_2:
0x110: {  	(tag) =	ssettag $0x2  }
0x111: {  	s0 =	rddreg [dreg:$0x0];
	s2 =	stileid.u32  }
0x112: {  	s1 =	rddreg [dreg:$0x1];
	p0 =	sne.s32 s2, $0x0  }
0x113: {  	s3 =	rddreg [dreg:$0x2];
	[bflag:$0x3] =	sbarrier.arrive $0xFFFF;
	s2 =	simm.s32 @!p0 $0x1C04  }
0x114: {  	[timem:s3], [sflag:s2] =	dma.local @!p0 [hbm:s0], s1  }
0x115: {  	s0 =	simm.s32 @!p0 $0x4  }
0x116: {  	_ =	swait.ge @!p0 [sflag:s0], s1  }
0x117: {  	s1 =	ssub.s32 @!p0 $0x0, s1;
	[sflag:s0] =	ssyncset.done @!p0 $0x0  }
0x118: {  	[sflag:s0] =	ssyncadd.s32 @!p0 s1  }
0x119: {  	[bflag:$0x3] =	sbarrier.arrive $0xFFFF  }
0x11a: {  	_ =	shalt  }

// kernel: kernel.9.cloned.1.call-start
scs
__scs_entry_jumppad:
0x0: {  	(pc) =	sbr.rel $0x88, $3  }
0x1: {  	(tag) =	ssettag $0x0;
	lr =	simm.s32 $0x1  }
0x2: {  	[smem:$0x3F98] =	sst lr;
	_ =	strace $0xD0000000  }
0x3: {  	_ = 	snop  }
0x4: {  	_ = 	snop  }
0x5: {  	_ = 	snop  }
0x6: {  	_ = 	snop  }
0x7: {  	_ = 	snop  }
__scs_overlays_trampoline_lowered:
0x8: {  	[smem:$0x3FA7] =	sst s0  }
0x9: {  	[smem:$0x3FA8] =	sst s1  }
0xa: {  	[smem:$0x3FA9] =	sst s2  }
0xb: {  	[smem:$0x3FAA] =	sst s3  }
0xc: {  	[smem:$0x3FAB] =	sst s4  }
0xd: {  	[smem:$0x3FAC] =	sst s5  }
0xe: {  	[smem:$0x3FAD] =	sst s6  }
0xf: {  	[smem:$0x3FAE] =	sst s7  }
0x10: {  	[smem:$0x3FAF] =	sst s8  }
0x11: {  	[smem:$0x3FB0] =	sst s9;
	s0 =	simm.s32 @!p0 $0x0  }
0x12: {  	s1 =	sld [smem:$0x3F96];
	s0 =	simm.s32 @p0 $0x1  }
0x13: {  	[smem:$0x3FB1] =	sst s0;
	s0 =	simm.s32 @!p1 $0x0  }
0x14: {  	s2 =	sld [smem:$0x3F95];
	s0 =	simm.s32 @p1 $0x1  }
0x15: {  	[smem:$0x3FB2] =	sst s0;
	s0 =	simm.s32 @!p2 $0x0  }
0x16: {  	s3 =	sld [smem:$0x3FDB];
	s0 =	simm.s32 @p2 $0x1  }
0x17: {  	s4 =	simm.s32 $0x1BF5;
	[smem:$0x3FB4] =	sst s0  }
0x18: {  	s0 =	sld [smem:$0x3F97];
	_ =	swait.ge [sflag:s4], $0x0  }
0x19: {  	s7 =	sld [smem:$0x3F98]  }
0x1a: {  	s8 =	sadd.s32 $0xFFFFE003, lr  }
0x1b: {  	s9 =	sadd.s32 $0xFFFFFEF7, lr;
	s5 =	simm.s32 $0xFFFFFFFF;
	p2 =	slt.u32 s8, $0xFFFFF086  }
0x1c: {  	p1 =	slt.u32 s9, $0xF7A;
	s5 =	simm.s32 @!p2 $0x0  }
0x1d: {  	s5 =	simm.s32 @p1 $0x1;
	p0 =	seq.s32 s7, s2  }
0x1e: {  	s7 =	smul.u32 @!p0 $0xF7A, s2;
	p2 =	seq.s32 @!p0 s5, $0x0  }
0x1f: {  	s9 =	smul.u32 $0xF7A, s1;
	s8 =	simm.s32 @!p0 $0x1BF5;
	p2 =	por !p2, p0  }
0x20: {  	[sflag:s8] =	ssyncset.s32 @!p0 $0xFFFFF086;
	s6 =	sadd.s32 @!p0 s3, s7;
	s7 =	simm.s32 @!p0 $0x108  }
0x21: {  	s3 =	sadd.s32 s3, s9;
	s6 =	sadd.s32 @!p0 $0x88, s6;
	s7 =	simm.s32 @p2 $0x1082  }
0x22: {  	[simem:s7], [sflag:s8] =	dma.local @!p0 [hbm:s6], $0xF7A  }
0x23: {  	s9 =	sor.u32 $0xD0000000, s2;
	s6 =	simm.s32 $0x108;
	_ =	swait.ge @!p0 [sflag:s8], $0x0  }
0x24: {  	s3 =	sadd.s32 $0x88, s3;
	s6 =	simm.s32 @!p1 $0x1082;
	[sflag:s4] =	ssyncset.s32 $0xFFFFF086  }
0x25: {  	[simem:s6], [sflag:s4] =	dma.local [hbm:s3], $0xF7A  }
0x26: {  	[smem:$0x3F98] =	sst s1;
	(tag) =	ssettag s2;
	_ =	strace s9  }
0x27: {  	s1 =	sld [smem:$0x3FA8]  }
0x28: {  	s2 =	sld [smem:$0x3FA9]  }
0x29: {  	s4 =	sld [smem:$0x3FAB]  }
0x2a: {  	p0 =	seq.s32 s5, $0x0;
	s5 =	sld [smem:$0x3FAC]  }
0x2b: {  	s6 =	sld [smem:$0x3FAD]  }
0x2c: {  	s7 =	sld [smem:$0x3FAE]  }
0x2d: {  	s3 =	simm.s32 $0x108;
	s8 =	sld [smem:$0x3FAF]  }
0x2e: {  	s3 =	simm.s32 @!p0 $0x1082;
	s9 =	sld [smem:$0x3FB0]  }
0x2f: {  	lr =	sadd.s32 s0, s3;
	s0 =	sld [smem:$0x3FA7]  }
0x30: {  	s3 =	sld [smem:$0x3FAA]  }
0x31: {  	[smem:$0x3FB3] =	sst s10  }
0x32: {  	s10 =	sld [smem:$0x3FB1];
	_ =	sdelay $0x3  }
0x33: {  	p0 =	seq.s32 s10, $0x1;
	s10 =	sld [smem:$0x3FB3];
	_ =	sdelay $0x3  }
0x34: {  	[smem:$0x3FB3] =	sst s10  }
0x35: {  	s10 =	sld [smem:$0x3FB2];
	_ =	sdelay $0x3  }
0x36: {  	p1 =	seq.s32 s10, $0x1;
	s10 =	sld [smem:$0x3FB3];
	_ =	sdelay $0x3  }
0x37: {  	[smem:$0x3FB3] =	sst s10  }
0x38: {  	s10 =	sld [smem:$0x3FB4]  }
0x39: {  	_ = 	snop;
	(pc) =	sbr.ind lr, $3  }
0x3a: {  	_ = 	snop  }
0x3b: {  	_ = 	snop  }
0x3c: {  	p2 =	seq.s32 s10, $0x1;
	s10 =	sld [smem:$0x3FB3]  }
0x3d: {  	_ =	shalt  }
0x3e: {  	_ =	shalt  }
0x3f: {  	_ =	shalt  }
0x40: {  	_ =	shalt  }
0x41: {  	_ =	shalt  }
0x42: {  	_ =	shalt  }
0x43: {  	_ =	shalt  }
0x44: {  	_ =	shalt  }
0x45: {  	_ =	shalt  }
0x46: {  	_ =	shalt  }
0x47: {  	_ =	shalt  }
0x48: {  	_ =	shalt  }
0x49: {  	_ =	shalt  }
0x4a: {  	_ =	shalt  }
0x4b: {  	_ =	shalt  }
0x4c: {  	_ =	shalt  }
0x4d: {  	_ =	shalt  }
0x4e: {  	_ =	shalt  }
0x4f: {  	_ =	shalt  }
0x50: {  	_ =	shalt  }
0x51: {  	_ =	shalt  }
0x52: {  	_ =	shalt  }
0x53: {  	_ =	shalt  }
0x54: {  	_ =	shalt  }
0x55: {  	_ =	shalt  }
0x56: {  	_ =	shalt  }
0x57: {  	_ =	shalt  }
0x58: {  	_ =	shalt  }
0x59: {  	_ =	shalt  }
0x5a: {  	_ =	shalt  }
0x5b: {  	_ =	shalt  }
0x5c: {  	_ =	shalt  }
0x5d: {  	_ =	shalt  }
0x5e: {  	_ =	shalt  }
0x5f: {  	_ =	shalt  }
0x60: {  	_ =	shalt  }
0x61: {  	_ =	shalt  }
0x62: {  	_ =	shalt  }
0x63: {  	_ =	shalt  }
0x64: {  	_ =	shalt  }
0x65: {  	_ =	shalt  }
0x66: {  	_ =	shalt  }
0x67: {  	_ =	shalt  }
0x68: {  	_ =	shalt  }
0x69: {  	_ =	shalt  }
0x6a: {  	_ =	shalt  }
0x6b: {  	_ =	shalt  }
0x6c: {  	_ =	shalt  }
0x6d: {  	_ =	shalt  }
0x6e: {  	_ =	shalt  }
0x6f: {  	_ =	shalt  }
0x70: {  	_ =	shalt  }
0x71: {  	_ =	shalt  }
0x72: {  	_ =	shalt  }
0x73: {  	_ =	shalt  }
0x74: {  	_ =	shalt  }
0x75: {  	_ =	shalt  }
0x76: {  	_ =	shalt  }
0x77: {  	_ =	shalt  }
0x78: {  	_ =	shalt  }
0x79: {  	_ =	shalt  }
0x7a: {  	_ =	shalt  }
0x7b: {  	_ =	shalt  }
0x7c: {  	_ =	shalt  }
0x7d: {  	_ =	shalt  }
0x7e: {  	_ =	shalt  }
0x7f: {  	_ =	shalt  }
0x80: {  	_ =	shalt  }
0x81: {  	_ =	shalt  }
0x82: {  	_ =	shalt  }
0x83: {  	_ =	shalt  }
0x84: {  	_ =	shalt  }
0x85: {  	_ =	shalt  }
0x86: {  	_ =	shalt  }
0x87: {  	_ =	shalt  }
.Lfunc_end0:
.L_simem_size_0:
called_computation_lowered:
.L_overlay_start_0:
0x88: {  	s2 =	sld [smem:$0x3FD9]  }
0x89: {  	s3 =	sld [smem:$0x3FFE];
	_ =	sdelay $0x1  }
0x8a: {  	s1 =	srdreg.scid  }
0x8b: {  	s0 =	sand.u32 $0x1, s1  }
0x8c: {  	s17 =	sshll.u32 s0, $0xA;
	s2 =	sadd.s32 s3, s2  }
0x8d: {  	s2 =	sadd.s32 s2, s17  }
0x8e: {  	[smem:$0x3FBF] =	sst s2  }
0x8f: {  	_ = 	snop  }
0x90: {  	s2 =	sld [smem:$0x3FD0];
	(tm) =	ssettm $0x1  }
0x91: {  	s18 =	sld [smem:$0x3FFB];
	_ =	sdelay $0x3  }
0x92: {  	_ =	strace s18  }
0x93: {  	s3 =	sld [smem:$0x3FFC];
	_ =	sdelay $0x3  }
0x94: {  	_ =	strace s3  }
0x95: {  	s3 =	sld [smem:$0x3FFD];
	_ =	sdelay $0x3  }
0x96: {  	_ =	strace s3  }
0x97: {  	_ =	strace $0x8FFFFFFF  }
0x98: {  	s19 =	sld [smem:$0x3FDB];
	_ =	sdelay $0x1  }
0x99: {  	s4 =	simm.s32 $_scs_section_size  }
0x9a: {  	s5 =	simm.s32 $_size__tile_overlayer_lowered;
	s6 =	simm.s32 $_tile_overlayer_lowered  }
0x9b: {  	s22 =	simm.s32 $0x1BFF;
	s21 =	sshll.u32 s6, $0x1;
	s3 =	sadd.s32 s4, s19  }
0x9c: {  	s7 =	simm.s32 $0x0;
	s20 =	sshll.u32 s5, $0x1;
	s5 =	sadd.s32 s21, s3  }
0x9d: {  	[timem:s7], [sflag:s22] =	dma.local [hbm:s5], s20  }
0x9e: {  	_ =	swait.ge [sflag:s22], s20  }
0x9f: {  	s4 =	ssub.s32 $0x0, s20;
	[sflag:s22] =	ssyncset.done $0x0  }
0xa0: {  	[sflag:s22] =	ssyncadd.s32 s4;
	_ =	sdelay $0x1  }
0xa1: {  	s23 =	simm.s32 $0x1B8B  }
0xa2: {  	_ =	swait.ge [sflag:s23], $0x1  }
0xa3: {  	[sflag:s23] =	ssyncset.done $0x0  }
0xa4: {  	s25 =	simm.s32 $0x1B8E;
	s24 =	sld [smem:$0x3FFE];
	[sflag:s23] =	ssyncadd.s32 $0xFFFFFFFF  }
0xa5: {  	s26 =	simm.s32 $execute0_lowered;
	[smem:$0x3FD2] =	sst s25  }
0xa6: {  	s5 =	sshll.u32 s26, $0x1;
	_ =	strace $0x80000046;
	[dreg:$0x1] =	wrdreg $0xFFFFFFFF  }
0xa7: {  	s28 =	simm.s32 $_size_execute0_lowered;
	s3 =	sadd.s32 s3, s5;
	[dreg:$0x0] =	wrdreg $0x0  }
0xa8: {  	s5 =	sshll.u32 s28, $0x1;
	[dreg:$0x2] =	wrdreg s3  }
0xa9: {  	[dreg:$0x3] =	wrdreg s5  }
0xaa: {  	[dreg:$0x4] =	wrdreg $0xC0  }
0xab: {  	_ =	task [dreg:s7], $0x5FFFF  }
0xac: {  	[dreg:$0x1] =	wrdreg $0xFFFFFFFF  }
0xad: {  	[dreg:$0x0] =	wrdreg $0x60  }
0xae: {  	[dreg:$0x2] =	wrdreg s24  }
0xaf: {  	[dreg:$0x3] =	wrdreg s2  }
0xb0: {  	[dreg:$0x4] =	wrdreg $0x9  }
0xb1: {  	_ =	task.clear_ibuf [dreg:s7], $0x5FFFF;
	_ =	strace $0x90000046  }
0xb2: {  	s29 =	simm.s32 $0x9;
	_ =	strace $0x80000048  }
0xb3: {  	_ =	swait.ge [sflag:s29], $0x1  }
0xb4: {  	[sflag:s29] =	ssyncadd.s32 $0xFFFFFFFF  }
0xb5: {  	_ =	strace $0x90000048  }
0xb6: {  	_ =	sfence  }
0xb7: {  	s30 =	sld [smem:$0x0];
	_ =	sdelay $0x2  }
0xb8: {  	s31 =	sshll.u32 s1, $0xD;
	s1 =	sshrl.u32 s1, $0x2  }
0xb9: {  	s3 =	sand.u32 $0x4000, s31;
	s1 =	sadd.s32 s1, s30  }
0xba: {  	s0 =	sor.u32 s3, s0;
	s1 =	sshll.u32 s1, $0x11  }
0xbb: {  	s0 =	sor.u32 s1, s0  }
0xbc: {  	s0 =	sadd.s32 $0x8F2B, s0  }
0xbd: {  	[sflag:s0] =	ssyncadd.remote.s32 $0x1  }
0xbe: {  	_ =	sfence.sel $0xFFFF  }
0xbf: {  	[dreg:$0x0] =	wrdreg $0xFFFFFFFF;
	(pc) =	sbr.abs _section_cstart, $3  }
0xc0: {  	[dreg:$0x1] =	wrdreg $0xFFFFFFFF  }
0xc1: {  	_ =	task.clear_ibuf [dreg:s7], $0x2FFFF;
	_ =	strace $0x9FFFFFFF  }
0xc2: {  	(tm) =	ssettm $0x7FFFFFFF  }
0xc3: {  	_ =	shalt  }
tec
execute0_lowered:
.L_overlay_start_1:
0x0: {  	(tag) =	ssettag $0x1  }
0x1: {  	s0 =	rddreg [dreg:$0x0]  }
0x2: {  	s2 =	rddreg [dreg:$0x1]  }
0x3: {  	s3 =	simm.s32 $0x0;
	s1 =	srdreg.scid;
	s4 =	stileid.u32  }
0x4: {  	s14 =	simm.s32 $0x1;
	s15 =	simm.s32 $0x80;
	s30 =	simm.s32 $0x10B00  }
0x5: {  	s31 =	simm.s32 $0xC80;
	s1 =	sand.u32 $0x1, s1;
	s4 =	sshll.u32 s4, $0x1  }
0x6: {  	s16 =	simm.s32 $0x2;
	s17 =	simm.s32 $0x0;
	s8 =	sor.u32 s1, s4  }
0x7: {  	[smem:$0x7FF] =	sst s3;
	s5 =	sadd.s32 $0x9F200, s0;
	s9 =	smul.u32 $0x7D00, s8  }
0x8: {  	s6 =	sadd.s32 $0xBE600, s0;
	s28 =	ssub.s32 $0x2, s1;
	s7 =	smul.u32 $0x7D0, s8  }
0x9: {  	_ =	strace $0x80000047;
	s1 =	sshrl.u32 s28, $0x1;
	s10 =	smul.u32 $0xFA0, s8  }
0xa: {  	s4 =	sadd.s32 $0x2E00, s0;
	s8 =	smul.u32 $0xFA, s8;
	s0 =	ssub.s32 s28, s1  }
0xb: {  	s1 =	simm.s32 $0x3;
	s9 =	sshrl.u32 s9, $0x3;
	s13 =	smax.u32 s0, $0x1  }
0xc: {  	s0 =	simm.s32 $0x3200;
	s29 =	sadd.s32 $0x190, s9;
	s9 =	sadd.s32 s2, s10  }
0xd: {  	s10 =	sadd.s32 s5, s10;
	s11 =	sadd.s32 s2, s29;
	s12 =	sadd.s32 s5, s29  }
.LBB2_1:
0xe: {  	[tilespmem:s3], [sflag:$0x1] =	stream.linear.gather [hbm4b:s9+s3], $0xC80, $0x38;
	[tilespmem:$0x1F400] =	vst v63  }
0xf: {  	s18 =	simm.s32 $0x2580  }
0x10: {  	[tilespmem:s18], [sflag:$0x1] =	stream.linear.gather [hbm4b:s10+s3], $0xC80, $0x38;
	[tilespmem:$0x1F400] =	vst v63  }
0x11: {  	_ =	swait.ge [sflag:s14], $0xC80  }
0x12: {  	[sflag:s14] =	ssyncset.done $0x0  }
0x13: {  	[sflag:s14] =	ssyncadd.s32 $0xFFFFF380  }
0x14: {  	_ =	swait.ge [sflag:s14], $0xC80  }
0x15: {  	[sflag:s14] =	ssyncset.done $0x0  }
0x16: {  	s19 =	simm.s32 $0x4B00;
	[sflag:s14] =	ssyncadd.s32 $0xFFFFF380  }
0x17: {  	[tilespmem:s19], [sflag:$0x2] =	stream.indirect.gather [hbm4b:s4+s15], $0x10, s3, s15, $0xb8;
	[tilespmem:$0x1F400] =	vst v63  }
0x18: {  	s25 =	simm.s32 $0x5300  }
0x19: {  	[tilespmem:s25], [sflag:$0x2] =	stream.indirect.gather [hbm4b:s4+s15], $0x10, s15, s15, $0xb8;
	[tilespmem:$0x1F400] =	vst v63  }
0x1a: {  	s26 =	simm.s32 $0x100;
	s20 =	simm.s32 $0x5B00  }
0x1b: {  	[tilespmem:s20], [sflag:$0x2] =	stream.indirect.gather [hbm4b:s4+s15], $0x10, s26, s15, $0xb8;
	[tilespmem:$0x1F400] =	vst v63  }
0x1c: {  	s28 =	simm.s32 $0x180;
	s29 =	simm.s32 $0x6300  }
0x1d: {  	[tilespmem:s29], [sflag:$0x2] =	stream.indirect.gather [hbm4b:s4+s15], $0x10, s28, s15, $0xb8;
	[tilespmem:$0x1F400] =	vst v63  }
0x1e: {  	s21 =	simm.s32 $0x200;
	s22 =	simm.s32 $0x6B00  }
0x1f: {  	[tilespmem:s22], [sflag:$0x2] =	stream.indirect.gather [hbm4b:s4+s15], $0x10, s21, s15, $0xb8;
	[tilespmem:$0x1F400] =	vst v63  }
0x20: {  	s23 =	simm.s32 $0x280;
	s24 =	simm.s32 $0x7300  }
0x21: {  	[tilespmem:s24], [sflag:$0x2] =	stream.indirect.gather [hbm4b:s4+s15], $0x10, s23, s15, $0xb8;
	[tilespmem:$0x1F400] =	vst v63  }
0x22: {  	s25 =	simm.s32 $0x300;
	s26 =	simm.s32 $0x7B00  }
0x23: {  	[tilespmem:s26], [sflag:$0x2] =	stream.indirect.gather [hbm4b:s4+s15], $0x10, s25, s15, $0xb8;
	[tilespmem:$0x1F400] =	vst v63  }
0x24: {  	s28 =	simm.s32 $0x380;
	s29 =	simm.s32 $0x8300  }
0x25: {  	[tilespmem:s29], [sflag:$0x2] =	stream.indirect.gather [hbm4b:s4+s15], $0x10, s28, s15, $0xb8;
	[tilespmem:$0x1F400] =	vst v63  }
0x26: {  	s21 =	simm.s32 $0x400;
	s22 =	simm.s32 $0x8B00  }
0x27: {  	[tilespmem:s22], [sflag:$0x2] =	stream.indirect.gather [hbm4b:s4+s15], $0x10, s21, s15, $0xb8;
	[tilespmem:$0x1F400] =	vst v63  }
0x28: {  	s23 =	simm.s32 $0x480;
	s24 =	simm.s32 $0x9300  }
0x29: {  	[tilespmem:s24], [sflag:$0x2] =	stream.indirect.gather [hbm4b:s4+s15], $0x10, s23, s15, $0xb8;
	[tilespmem:$0x1F400] =	vst v63  }
0x2a: {  	s25 =	simm.s32 $0x500;
	s26 =	simm.s32 $0x9B00  }
0x2b: {  	[tilespmem:s26], [sflag:$0x2] =	stream.indirect.gather [hbm4b:s4+s15], $0x10, s25, s15, $0xb8;
	[tilespmem:$0x1F400] =	vst v63  }
0x2c: {  	s28 =	simm.s32 $0x580;
	s29 =	simm.s32 $0xA300  }
0x2d: {  	[tilespmem:s29], [sflag:$0x2] =	stream.indirect.gather [hbm4b:s4+s15], $0x10, s28, s15, $0xb8;
	[tilespmem:$0x1F400] =	vst v63  }
0x2e: {  	s21 =	simm.s32 $0x600;
	s22 =	simm.s32 $0xAB00  }
0x2f: {  	[tilespmem:s22], [sflag:$0x2] =	stream.indirect.gather [hbm4b:s4+s15], $0x10, s21, s15, $0xb8;
	[tilespmem:$0x1F400] =	vst v63  }
0x30: {  	s23 =	simm.s32 $0x680;
	s24 =	simm.s32 $0xB300  }
0x31: {  	[tilespmem:s24], [sflag:$0x2] =	stream.indirect.gather [hbm4b:s4+s15], $0x10, s23, s15, $0xb8;
	[tilespmem:$0x1F400] =	vst v63  }
0x32: {  	s25 =	simm.s32 $0x700;
	s26 =	simm.s32 $0xBB00  }
0x33: {  	[tilespmem:s26], [sflag:$0x2] =	stream.indirect.gather [hbm4b:s4+s15], $0x10, s25, s15, $0xb8;
	[tilespmem:$0x1F400] =	vst v63  }
0x34: {  	s28 =	simm.s32 $0x780;
	s29 =	simm.s32 $0xC300  }
0x35: {  	[tilespmem:s29], [sflag:$0x2] =	stream.indirect.gather [hbm4b:s4+s15], $0x10, s28, s15, $0xb8;
	[tilespmem:$0x1F400] =	vst v63  }
0x36: {  	s21 =	simm.s32 $0x800;
	s22 =	simm.s32 $0xCB00  }
0x37: {  	[tilespmem:s22], [sflag:$0x2] =	stream.indirect.gather [hbm4b:s4+s15], $0x10, s21, s15, $0xb8;
	[tilespmem:$0x1F400] =	vst v63  }
0x38: {  	s23 =	simm.s32 $0x880;
	s24 =	simm.s32 $0xD300  }
0x39: {  	[tilespmem:s24], [sflag:$0x2] =	stream.indirect.gather [hbm4b:s4+s15], $0x10, s23, s15, $0xb8;
	[tilespmem:$0x1F400] =	vst v63  }
0x3a: {  	s25 =	simm.s32 $0x900;
	s26 =	simm.s32 $0xDB00  }
0x3b: {  	[tilespmem:s26], [sflag:$0x2] =	stream.indirect.gather [hbm4b:s4+s15], $0x10, s25, s15, $0xb8;
	[tilespmem:$0x1F400] =	vst v63  }
0x3c: {  	s28 =	simm.s32 $0x980;
	s29 =	simm.s32 $0xE300  }
0x3d: {  	[tilespmem:s29], [sflag:$0x2] =	stream.indirect.gather [hbm4b:s4+s15], $0x10, s28, s15, $0xb8;
	[tilespmem:$0x1F400] =	vst v63  }
0x3e: {  	s20 =	simm.s32 $0xA00;
	s21 =	simm.s32 $0xEB00  }
0x3f: {  	[tilespmem:s21], [sflag:$0x2] =	stream.indirect.gather [hbm4b:s4+s15], $0x10, s20, s15, $0xb8;
	[tilespmem:$0x1F400] =	vst v63  }
0x40: {  	s22 =	simm.s32 $0xA80;
	s23 =	simm.s32 $0xF300  }
0x41: {  	[tilespmem:s23], [sflag:$0x2] =	stream.indirect.gather [hbm4b:s4+s15], $0x10, s22, s15, $0xb8;
	[tilespmem:$0x1F400] =	vst v63  }
0x42: {  	s24 =	simm.s32 $0xB00;
	s25 =	simm.s32 $0xFB00  }
0x43: {  	[tilespmem:s25], [sflag:$0x2] =	stream.indirect.gather [hbm4b:s4+s15], $0x10, s24, s15, $0xb8;
	[tilespmem:$0x1F400] =	vst v63  }
0x44: {  	s26 =	simm.s32 $0xB80;
	s28 =	simm.s32 $0x10300  }
0x45: {  	[tilespmem:s28], [sflag:$0x2] =	stream.indirect.gather [hbm4b:s4+s15], $0x10, s26, s15, $0xb8;
	[tilespmem:$0x1F400] =	vst v63  }
0x46: {  	s29 =	simm.s32 $0xC00  }
0x47: {  	[tilespmem:s30], [sflag:$0x2] =	stream.indirect.gather [hbm4b:s4+s15], $0x10, s29, s15, $0xb8;
	[tilespmem:$0x1F400] =	vst v63  }
0x48: {  	_ = 	snop  }
0x49: {  	[tilespmem:s31], [sflag:$0x1] =	stream.linear.gather [hbm4b:s11+s3], $0xC80, $0x38;
	[tilespmem:$0x1F400] =	vst v63  }
0x4a: {  	p0 =	por $0x0, $0x0;
	s19 =	simm.s32 $0x0  }
0x4b: {  	[tilespmem:s0], [sflag:$0x1] =	stream.linear.gather [hbm4b:s12+s3], $0xC80, $0x38;
	[tilespmem:$0x1F400] =	vst v63  }
.LBB2_2:
0x4c: {  	s20 =	sadd.s32 $0x1, s19;
	p1 =	seq.s32 s19, $0x9  }
0x4d: {  	s21 =	smul.u32 @!p1 $0xAB, s20;
	_ =	sdelay $0x1  }
0x4e: {  	s21 =	sshrl.u32 @!p1 s21, $0x9  }
0x4f: {  	s22 =	simm.s32 @!p1 $0x1;
	s21 =	sand.u32 @!p1 $0x7F, s21  }
0x50: {  	_ =	swait.ge @!p1 [sflag:s22], $0xC80;
	s23 =	smul.u32 @!p1 $0x3, s21  }
0x51: {  	[sflag:s22] =	ssyncset.done @!p1 $0x0;
	s21 =	sand.u32 $0x1, s19  }
0x52: {  	[sflag:s22] =	ssyncadd.s32 @!p1 $0xFFFFF380;
	s24 =	sxor.u32 @!p1 $0x1, s21;
	s23 =	ssub.s32 @!p1 s20, s23  }
0x53: {  	_ =	swait.ge @!p1 [sflag:s22], $0xC80;
	s24 =	smul.u32 @!p1 $0x32000, s24;
	s23 =	sand.u32 @!p1 $0xFF, s23  }
0x54: {  	[sflag:s22] =	ssyncset.done @!p1 $0x0;
	s23 =	smul.u32 @!p1 $0x3200, s23  }
0x55: {  	[sflag:s22] =	ssyncadd.s32 @!p1 $0xFFFFF380;
	s22 =	sshrl.u32 @!p1 s24, $0x2  }
0x56: {  	s25 =	sadd.s32 @!p1 $0x4B00, s22;
	s24 =	sshrl.u32 @!p1 s23, $0x2;
	s23 =	simm.s32 @!p1 $0x80  }
0x57: {  	[tilespmem:s25], [sflag:$0x2] =	stream.indirect.gather @!p1 [hbm4b:s4+s23], $0x10, s24, s23, $0xb8;
	[tilespmem:$0x1F400] =	vst v63  }
0x58: {  	s25 =	sadd.s32 @!p1 $0x5300, s22;
	s26 =	sadd.s32 @!p1 $0x80, s24  }
0x59: {  	[tilespmem:s25], [sflag:$0x2] =	stream.indirect.gather @!p1 [hbm4b:s4+s23], $0x10, s26, s23, $0xb8;
	[tilespmem:$0x1F400] =	vst v63  }
0x5a: {  	s25 =	sadd.s32 @!p1 $0x5B00, s22;
	s26 =	sadd.s32 @!p1 $0x100, s24  }
0x5b: {  	[tilespmem:s25], [sflag:$0x2] =	stream.indirect.gather @!p1 [hbm4b:s4+s23], $0x10, s26, s23, $0xb8;
	[tilespmem:$0x1F400] =	vst v63  }
0x5c: {  	s25 =	sadd.s32 @!p1 $0x6300, s22;
	s26 =	sadd.s32 @!p1 $0x180, s24  }
0x5d: {  	[tilespmem:s25], [sflag:$0x2] =	stream.indirect.gather @!p1 [hbm4b:s4+s23], $0x10, s26, s23, $0xb8;
	[tilespmem:$0x1F400] =	vst v63  }
0x5e: {  	s25 =	sadd.s32 @!p1 $0x6B00, s22;
	s26 =	sadd.s32 @!p1 $0x200, s24  }
0x5f: {  	[tilespmem:s25], [sflag:$0x2] =	stream.indirect.gather @!p1 [hbm4b:s4+s23], $0x10, s26, s23, $0xb8;
	[tilespmem:$0x1F400] =	vst v63  }
0x60: {  	s25 =	sadd.s32 @!p1 $0x7300, s22;
	s26 =	sadd.s32 @!p1 $0x280, s24  }
0x61: {  	[tilespmem:s25], [sflag:$0x2] =	stream.indirect.gather @!p1 [hbm4b:s4+s23], $0x10, s26, s23, $0xb8;
	[tilespmem:$0x1F400] =	vst v63  }
0x62: {  	s25 =	sadd.s32 @!p1 $0x7B00, s22;
	s26 =	sadd.s32 @!p1 $0x300, s24  }
0x63: {  	[tilespmem:s25], [sflag:$0x2] =	stream.indirect.gather @!p1 [hbm4b:s4+s23], $0x10, s26, s23, $0xb8;
	[tilespmem:$0x1F400] =	vst v63  }
0x64: {  	s25 =	sadd.s32 @!p1 $0x8300, s22;
	s26 =	sadd.s32 @!p1 $0x380, s24  }
0x65: {  	[tilespmem:s25], [sflag:$0x2] =	stream.indirect.gather @!p1 [hbm4b:s4+s23], $0x10, s26, s23, $0xb8;
	[tilespmem:$0x1F400] =	vst v63  }
0x66: {  	s25 =	sadd.s32 @!p1 $0x8B00, s22;
	s26 =	sadd.s32 @!p1 $0x400, s24  }
0x67: {  	[tilespmem:s25], [sflag:$0x2] =	stream.indirect.gather @!p1 [hbm4b:s4+s23], $0x10, s26, s23, $0xb8;
	[tilespmem:$0x1F400] =	vst v63  }
0x68: {  	s25 =	sadd.s32 @!p1 $0x9300, s22;
	s26 =	sadd.s32 @!p1 $0x480, s24  }
0x69: {  	[tilespmem:s25], [sflag:$0x2] =	stream.indirect.gather @!p1 [hbm4b:s4+s23], $0x10, s26, s23, $0xb8;
	[tilespmem:$0x1F400] =	vst v63  }
0x6a: {  	s25 =	sadd.s32 @!p1 $0x9B00, s22;
	s26 =	sadd.s32 @!p1 $0x500, s24  }
0x6b: {  	[tilespmem:s25], [sflag:$0x2] =	stream.indirect.gather @!p1 [hbm4b:s4+s23], $0x10, s26, s23, $0xb8;
	[tilespmem:$0x1F400] =	vst v63  }
0x6c: {  	s25 =	sadd.s32 @!p1 $0xA300, s22;
	s26 =	sadd.s32 @!p1 $0x580, s24  }
0x6d: {  	[tilespmem:s25], [sflag:$0x2] =	stream.indirect.gather @!p1 [hbm4b:s4+s23], $0x10, s26, s23, $0xb8;
	[tilespmem:$0x1F400] =	vst v63  }
0x6e: {  	s25 =	sadd.s32 @!p1 $0xAB00, s22;
	s26 =	sadd.s32 @!p1 $0x600, s24  }
0x6f: {  	[tilespmem:s25], [sflag:$0x2] =	stream.indirect.gather @!p1 [hbm4b:s4+s23], $0x10, s26, s23, $0xb8;
	[tilespmem:$0x1F400] =	vst v63  }
0x70: {  	s25 =	sadd.s32 @!p1 $0xB300, s22;
	s26 =	sadd.s32 @!p1 $0x680, s24  }
0x71: {  	[tilespmem:s25], [sflag:$0x2] =	stream.indirect.gather @!p1 [hbm4b:s4+s23], $0x10, s26, s23, $0xb8;
	[tilespmem:$0x1F400] =	vst v63  }
0x72: {  	s25 =	sadd.s32 @!p1 $0xBB00, s22;
	s26 =	sadd.s32 @!p1 $0x700, s24  }
0x73: {  	[tilespmem:s25], [sflag:$0x2] =	stream.indirect.gather @!p1 [hbm4b:s4+s23], $0x10, s26, s23, $0xb8;
	[tilespmem:$0x1F400] =	vst v63  }
0x74: {  	s25 =	sadd.s32 @!p1 $0xC300, s22;
	s26 =	sadd.s32 @!p1 $0x780, s24  }
0x75: {  	[tilespmem:s25], [sflag:$0x2] =	stream.indirect.gather @!p1 [hbm4b:s4+s23], $0x10, s26, s23, $0xb8;
	[tilespmem:$0x1F400] =	vst v63  }
0x76: {  	s25 =	sadd.s32 @!p1 $0xCB00, s22;
	s26 =	sadd.s32 @!p1 $0x800, s24  }
0x77: {  	[tilespmem:s25], [sflag:$0x2] =	stream.indirect.gather @!p1 [hbm4b:s4+s23], $0x10, s26, s23, $0xb8;
	[tilespmem:$0x1F400] =	vst v63  }
0x78: {  	s25 =	sadd.s32 @!p1 $0xD300, s22;
	s26 =	sadd.s32 @!p1 $0x880, s24  }
0x79: {  	[tilespmem:s25], [sflag:$0x2] =	stream.indirect.gather @!p1 [hbm4b:s4+s23], $0x10, s26, s23, $0xb8;
	[tilespmem:$0x1F400] =	vst v63  }
0x7a: {  	s25 =	sadd.s32 @!p1 $0xDB00, s22;
	s26 =	sadd.s32 @!p1 $0x900, s24  }
0x7b: {  	[tilespmem:s25], [sflag:$0x2] =	stream.indirect.gather @!p1 [hbm4b:s4+s23], $0x10, s26, s23, $0xb8;
	[tilespmem:$0x1F400] =	vst v63  }
0x7c: {  	s25 =	sadd.s32 @!p1 $0xE300, s22;
	s26 =	sadd.s32 @!p1 $0x980, s24  }
0x7d: {  	[tilespmem:s25], [sflag:$0x2] =	stream.indirect.gather @!p1 [hbm4b:s4+s23], $0x10, s26, s23, $0xb8;
	[tilespmem:$0x1F400] =	vst v63  }
0x7e: {  	s25 =	sadd.s32 @!p1 $0xEB00, s22;
	s26 =	sadd.s32 @!p1 $0xA00, s24  }
0x7f: {  	[tilespmem:s25], [sflag:$0x2] =	stream.indirect.gather @!p1 [hbm4b:s4+s23], $0x10, s26, s23, $0xb8;
	[tilespmem:$0x1F400] =	vst v63  }
0x80: {  	p2 =	sgt.u32 @!p1 s19, $0x7;
	s25 =	sadd.s32 @!p1 $0xF300, s22;
	s26 =	sadd.s32 @!p1 $0xA80, s24  }
0x81: {  	[tilespmem:s25], [sflag:$0x2] =	stream.indirect.gather @!p1 [hbm4b:s4+s23], $0x10, s26, s23, $0xb8;
	[tilespmem:$0x1F400] =	vst v63  }
0x82: {  	p2 =	por p1, p2;
	s25 =	sadd.s32 @!p1 $0xFB00, s22;
	s26 =	sadd.s32 @!p1 $0xB00, s24  }
0x83: {  	[tilespmem:s25], [sflag:$0x2] =	stream.indirect.gather @!p1 [hbm4b:s4+s23], $0x10, s26, s23, $0xb8;
	[tilespmem:$0x1F400] =	vst v63  }
0x84: {  	s25 =	sadd.s32 @!p2 $0x2, s19  }
0x85: {  	s28 =	sadd.s32 @!p1 $0xB80, s24;
	s26 =	sor.u32 @!p1 $0x10300, s22;
	s29 =	smul.u32 @!p2 $0xAB, s25  }
0x86: {  	[tilespmem:s26], [sflag:$0x2] =	stream.indirect.gather @!p1 [hbm4b:s4+s23], $0x10, s28, s23, $0xb8;
	[tilespmem:$0x1F400] =	vst v63  }
0x87: {  	s26 =	sshrl.u32 @!p2 s29, $0x9  }
0x88: {  	s24 =	sadd.s32 @!p1 $0xC00, s24;
	s22 =	sadd.s32 @!p1 $0x10B00, s22;
	s26 =	sand.u32 @!p2 $0x7F, s26  }
0x89: {  	[tilespmem:s22], [sflag:$0x2] =	stream.indirect.gather @!p1 [hbm4b:s4+s23], $0x10, s24, s23, $0xb8;
	[tilespmem:$0x1F400] =	vst v63  }
0x8a: {  	s26 =	smul.u32 @!p2 $0x3, s26  }
0x8b: {  	s23 =	smul.u32 @!p2 $0x19, s25  }
0x8c: {  	s22 =	ssub.s32 @!p2 s25, s26  }
0x8d: {  	s23 =	sadd.s32 @!p2 s8, s23;
	s22 =	sand.u32 @!p2 $0xFF, s22  }
0x8e: {  	s23 =	sshll.u32 @!p2 s23, $0x4;
	s22 =	smul.u32 @!p2 $0x3200, s22  }
0x8f: {  	s24 =	simm.s32 @!p2 $0x0;
	s23 =	sand.u32 @!p2 $0x1FFFFFF0, s23  }
0x90: {  	s25 =	smul.u32 @!p2 $0xC8, s25;
	s23 =	sadd.s32 @!p2 s2, s23;
	s22 =	sshrl.u32 @!p2 s22, $0x2  }
0x91: {  	[tilespmem:s22], [sflag:$0x1] =	stream.linear.gather @!p2 [hbm4b:s23+s24], $0xC80, $0x38;
	[tilespmem:$0x1F400] =	vst v63  }
0x92: {  	s23 =	sadd.s32 @!p2 s7, s25  }
0x93: {  	s23 =	sshll.u32 @!p2 s23, $0x1  }
0x94: {  	s26 =	smulhi.u32 $0xAAAAAAAB, s19;
	s22 =	sadd.s32 @!p2 $0x2580, s22;
	s23 =	sadd.s32 @!p2 s5, s23  }
0x95: {  	[tilespmem:s22], [sflag:$0x1] =	stream.linear.gather @!p2 [hbm4b:s23+s24], $0xC80, $0x38;
	[tilespmem:$0x1F400] =	vst v63  }
0x96: {  	s22 =	sshrl.u32 s26, $0x1  }
0x97: {  	p1 =	slt.u32 @!p2 s19, $0x2;
	s22 =	smul.u32 $0xFFFF6A00, s22  }
0x98: {  	p1 =	por p2, !p1  }
0x99: {  	s24 =	simm.s32 $0x1;
	_ =	swait.ge @p1 [sflag:s1], $0xC80;
	s22 =	sshra.s32 s22, $0x2  }
0x9a: {  	s24 =	simm.s32 @!p0 $0x0;
	[sflag:s1] =	ssyncset.done @p1 $0x0;
	s22 =	sadd.s32 s22, s18  }
0x9b: {  	s28 =	smul.u32 $0x32000, s24;
	[sflag:s1] =	ssyncadd.s32 @p1 $0xFFFFF380;
	v0 =	vmov s22  }
0x9c: {  	_ =	swait.ge [sflag:s16], $0xC800  }
0x9d: {  	s29 =	sshrl.u32 s28, $0x2;
	[sflag:s16] =	ssyncset.done $0x0  }
0x9e: {  	s23 =	sadd.s32 $0x4C00, s29;
	[sflag:s16] =	ssyncadd.s32 $0xFFFF3800  }
0x9f: {  	s22 =	simm.s32 $0x0;
	v1 =	vld [tilespmem:s23+$0xFFFFFFC0]  }
0xa0: {  	v2 =	vld.idx.msk [tilespmem:v0+s22+$0x0 ss:$0x1], $0xffff  }
0xa1: {  	v3 =	vld [tilespmem:s23+$0xFFFFFFD0]  }
0xa2: {  	v6 =	vld [tilespmem:s23+$0xFFFFFFE0]  }
0xa3: {  	v7 =	vld [tilespmem:s23+$0xFFFFFFF0]  }
0xa4: {  	v8 =	vld [tilespmem:s23+$0xFFFFFF80]  }
0xa5: {  	v9 =	vld [tilespmem:s23+$0xFFFFFF90];
	v4 =	vbroadcast v2, $0xC;
	v10 =	vbroadcast v2, $0xD  }
0xa6: {  	v13 =	vld [tilespmem:s23+$0xFFFFFFA0];
	v11 =	vbroadcast v2, $0xE;
	v12 =	vbroadcast v2, $0xF  }
0xa7: {  	v15 =	vld [tilespmem:s23+$0xFFFFFFB0];
	v14 =	vbroadcast v2, $0x8;
	v16 =	vbroadcast v2, $0x9  }
0xa8: {  	v17 =	vld [tilespmem:s23+$0xFFFFFF00];
	v18 =	vbroadcast v2, $0xA;
	v19 =	vbroadcast v2, $0xB  }
0xa9: {  	v20 =	vld [tilespmem:s23+$0xFFFFFF40];
	v21 =	vbroadcast v2, $0x0;
	v22 =	vbroadcast v2, $0x1  }
0xaa: {  	v23 =	vld [tilespmem:s23+$0xFFFFFF10];
	v24 =	vbroadcast v2, $0x2;
	v25 =	vbroadcast v2, $0x3  }
0xab: {  	v26 =	vld [tilespmem:s23+$0xFFFFFF50];
	v27 =	vbroadcast v2, $0x4;
	v28 =	vbroadcast v2, $0x5  }
0xac: {  	v29 =	vld [tilespmem:s23+$0xFFFFFF20];
	v30 =	vbroadcast v2, $0x6;
	v31 =	vbroadcast v2, $0x7  }
0xad: {  	v32 =	vld [tilespmem:s23+$0xFFFFFF30];
	v5 =	vmul.f32 v1, v4;
	v4 =	vmul.f32 v3, v10  }
0xae: {  	v1 =	vld [tilespmem:s23+$0xFFFFFF60];
	v3 =	vmul.f32 v6, v11;
	v2 =	vmul.f32 v7, v12  }
0xaf: {  	v6 =	vld [tilespmem:s23+$0xFFFFFF70];
	v14 =	vmul.f32 v8, v14;
	v11 =	vmul.f32 v9, v16  }
0xb0: {  	v12 =	vld.idx.msk [tilespmem:v0+s22+$0x10 ss:$0x1], $0xffff;
	v10 =	vmul.f32 v13, v18;
	v8 =	vmul.f32 v15, v19  }
0xb1: {  	v13 =	vmul.f32 v17, v21;
	v15 =	vmul.f32 v23, v22  }
0xb2: {  	v33 =	vmul.f32 v29, v24;
	v24 =	vmul.f32 v32, v25;
	v16 =	vld [tilespmem:s23+$0xD0]  }
0xb3: {  	s24 =	smul.u32 $0x3200, s24;
	v17 =	vmul.f32 v20, v27;
	v28 =	vmul.f32 v26, v28;
	v19 =	vld [tilespmem:s23+$0xC0]  }
0xb4: {  	v18 =	vld [tilespmem:s23+$0x90];
	v34 =	vmul.f32 v1, v30;
	v27 =	vmul.f32 v6, v31  }
0xb5: {  	s24 =	sshrl.u32 s24, $0x2;
	v20 =	vld [tilespmem:s23+$0x80];
	v22 =	vbroadcast v12, $0xC;
	v23 =	vbroadcast v12, $0xD  }
0xb6: {  	s24 =	sadd.s32 $0x1DB00, s24;
	v9 =	vld [tilespmem:s23+$0x70];
	v32 =	vadd.f32 v28, v15;
	v7 =	vbroadcast v12, $0xE;
	v6 =	vbroadcast v12, $0xF  }
0xb7: {  	v21 =	vld [tilespmem:s23+$0x30];
	v1 =	vmov s24;
	v25 =	vbroadcast v12, $0x8;
	v26 =	vbroadcast v12, $0x9  }
0xb8: {  	v29 =	vld [tilespmem:s23+$0x10];
	v31 =	vadd.f32 v17, v13;
	v15 =	vbroadcast v12, $0xA;
	v13 =	vbroadcast v12, $0xB  }
0xb9: {  	v17 =	vld [tilespmem:s23+$0x50];
	v28 =	vbroadcast v12, $0x0;
	v30 =	vbroadcast v12, $0x1;
	s24 =	simm.s32 $0x80;
	v33 =	vadd.f32 v34, v33  }
.LBB2_3:
0xba: {  	p1 =	sne.s32 s24, $0x3180;
	v34 =	vld [tilespmem:s23+$0x0];
	v35 =	vbroadcast v12, $0x2;
	v36 =	vbroadcast v12, $0x3;
	v24 =	vadd.f32 v27, v24  }
0xbb: {  	v37 =	vbroadcast v12, $0x4;
	v38 =	vbroadcast v12, $0x5;
	v14 =	vadd.f32 v14, v31;
	v27 =	vld [tilespmem:s23+$0x20]  }
0xbc: {  	v39 =	vbroadcast v12, $0x6;
	v12 =	vbroadcast v12, $0x7;
	v11 =	vadd.f32 v11, v32;
	v31 =	vld [tilespmem:s23+$0x40]  }
0xbd: {  	v19 =	vmul.f32 v19, v22;
	v16 =	vmul.f32 v16, v23;
	v10 =	vadd.f32 v10, v33;
	v32 =	vld [tilespmem:s23+$0x60]  }
0xbe: {  	v20 =	vmul.f32 v20, v25;
	v18 =	vmul.f32 v18, v26;
	v8 =	vadd.f32 v8, v24;
	v22 =	vld [tilespmem:s23+$0xA0]  }
0xbf: {  	v5 =	vadd.f32 v5, v14;
	v24 =	vmul.f32 v29, v30;
	v23 =	vmul.f32 v34, v28;
	v25 =	vld [tilespmem:s23+$0xB0]  }
0xc0: {  	v4 =	vadd.f32 v4, v11;
	v21 =	vmul.f32 v21, v36;
	v14 =	vmul.f32 v27, v35;
	v11 =	vld [tilespmem:s23+$0xE0]  }
0xc1: {  	v17 =	vmul.f32 v17, v38;
	v3 =	vadd.f32 v3, v10;
	v26 =	vmul.f32 v31, v37;
	v10 =	vld [tilespmem:s23+$0xF0]  }
0xc2: {  	v9 =	vmul.f32 v9, v12;
	v2 =	vadd.f32 v2, v8;
	v27 =	vmul.f32 v32, v39  }
0xc3: {  	v12 =	vadd.f32 v17, v24;
	v8 =	vadd.f32 v26, v23;
	v15 =	vmul.f32 v22, v15  }
0xc4: {  	v9 =	vadd.f32 v9, v21;
	v14 =	vadd.f32 v27, v14;
	v13 =	vmul.f32 v25, v13  }
0xc5: {  	v12 =	vadd.f32 v18, v12;
	v8 =	vadd.f32 v20, v8;
	v7 =	vmul.f32 v11, v7  }
0xc6: {  	v11 =	vadd.f32 v15, v14;
	v9 =	vadd.f32 v13, v9;
	v6 =	vmul.f32 v10, v6  }
0xc7: {  	v10 =	vadd.f32 v16, v12;
	v8 =	vadd.f32 v19, v8  }
0xc8: {  	v7 =	vadd.f32 v7, v11;
	v6 =	vadd.f32 v6, v9  }
0xc9: {  	v4 =	vadd.f32 v4, v5;
	v2 =	vadd.f32 v2, v3  }
0xca: {  	v3 =	vadd.f32 v10, v8;
	v5 =	vadd.f32 v6, v7  }
0xcb: {  	v2 =	vadd.f32 v2, v4  }
0xcc: {  	v3 =	vadd.f32 v5, v3  }
0xcd: {  	[tilespmem:v1+s22+$0x0 ss:$0x1] =	vst.idx.msk $0xffff, v2  }
0xce: {  	s23 =	sadd.s32 $0x200, s23;
	[tilespmem:v1+s22+$0x10 ss:$0x1] =	vst.idx.msk $0xffff, v3  }
0xcf: {  	s22 =	sshra.s32 s24, $0x2;
	v2 =	vld [tilespmem:s23+$0xFFFFFFC0]  }
0xd0: {  	v3 =	vld.idx.msk [tilespmem:v0+s22+$0x0 ss:$0x1], $0xffff  }
0xd1: {  	v4 =	vld [tilespmem:s23+$0xFFFFFFD0]  }
0xd2: {  	v6 =	vld [tilespmem:s23+$0xFFFFFFE0]  }
0xd3: {  	v7 =	vld [tilespmem:s23+$0xFFFFFFF0]  }
0xd4: {  	v8 =	vld [tilespmem:s23+$0xFFFFFF80]  }
0xd5: {  	v9 =	vld [tilespmem:s23+$0xFFFFFF90]  }
0xd6: {  	v5 =	vbroadcast v3, $0xC;
	v11 =	vbroadcast v3, $0xD;
	v10 =	vld [tilespmem:s23+$0xFFFFFFA0]  }
0xd7: {  	v12 =	vbroadcast v3, $0xE;
	v14 =	vbroadcast v3, $0xF;
	v13 =	vld [tilespmem:s23+$0xFFFFFFB0]  }
0xd8: {  	v16 =	vbroadcast v3, $0x8;
	v17 =	vbroadcast v3, $0x9;
	v15 =	vld [tilespmem:s23+$0xFFFFFF00]  }
0xd9: {  	v19 =	vbroadcast v3, $0xA;
	v20 =	vbroadcast v3, $0xB;
	v18 =	vld [tilespmem:s23+$0xFFFFFF40]  }
0xda: {  	v21 =	vbroadcast v3, $0x0;
	v23 =	vbroadcast v3, $0x1;
	v22 =	vld [tilespmem:s23+$0xFFFFFF10]  }
0xdb: {  	v24 =	vbroadcast v3, $0x2;
	v25 =	vbroadcast v3, $0x3;
	v26 =	vld [tilespmem:s23+$0xFFFFFF50]  }
0xdc: {  	v28 =	vbroadcast v3, $0x4;
	v29 =	vbroadcast v3, $0x5;
	v27 =	vld [tilespmem:s23+$0xFFFFFF20]  }
0xdd: {  	v31 =	vbroadcast v3, $0x6;
	v32 =	vbroadcast v3, $0x7;
	v30 =	vld [tilespmem:s23+$0xFFFFFF60]  }
0xde: {  	v5 =	vmul.f32 v2, v5;
	v4 =	vmul.f32 v4, v11;
	v33 =	vld [tilespmem:s23+$0xFFFFFF30]  }
0xdf: {  	v3 =	vmul.f32 v6, v12;
	v2 =	vmul.f32 v7, v14;
	v34 =	vld [tilespmem:s23+$0xFFFFFF70]  }
0xe0: {  	v14 =	vmul.f32 v8, v16;
	v11 =	vmul.f32 v9, v17;
	v12 =	vld.idx.msk [tilespmem:v0+s22+$0x10 ss:$0x1], $0xffff  }
0xe1: {  	v10 =	vmul.f32 v10, v19;
	v8 =	vmul.f32 v13, v20  }
0xe2: {  	v13 =	vmul.f32 v15, v21;
	v15 =	vmul.f32 v22, v23  }
0xe3: {  	v35 =	vmul.f32 v27, v24;
	v24 =	vmul.f32 v33, v25;
	v16 =	vld [tilespmem:s23+$0xD0]  }
0xe4: {  	v17 =	vmul.f32 v18, v28;
	v28 =	vmul.f32 v26, v29;
	v19 =	vld [tilespmem:s23+$0xC0]  }
0xe5: {  	v33 =	vmul.f32 v30, v31;
	v27 =	vmul.f32 v34, v32;
	v18 =	vld [tilespmem:s23+$0x90]  }
.Ltmp0:
0xe6: {  	v22 =	vbroadcast v12, $0xC;
	v23 =	vbroadcast v12, $0xD;
	v20 =	vld [tilespmem:s23+$0x80];
	(pc) =	sbr.rel @p1 .LBB2_3-.Ltmp0, $4  }
0xe7: {  	v7 =	vbroadcast v12, $0xE;
	v6 =	vbroadcast v12, $0xF;
	v9 =	vld [tilespmem:s23+$0x70]  }
0xe8: {  	v31 =	vadd.f32 v17, v13;
	v25 =	vbroadcast v12, $0x8;
	v26 =	vbroadcast v12, $0x9;
	v17 =	vld [tilespmem:s23+$0x50]  }
0xe9: {  	v32 =	vadd.f32 v28, v15;
	v15 =	vbroadcast v12, $0xA;
	v13 =	vbroadcast v12, $0xB;
	v21 =	vld [tilespmem:s23+$0x30]  }
0xea: {  	s24 =	sadd.s32 $0x80, s24;
	v28 =	vbroadcast v12, $0x0;
	v30 =	vbroadcast v12, $0x1;
	v33 =	vadd.f32 v33, v35;
	v29 =	vld [tilespmem:s23+$0x10]  }
0xeb: {  	v34 =	vbroadcast v12, $0x2  }
0xec: {  	v0 =	vld [tilespmem:s23+$0x0];
	v35 =	vbroadcast v12, $0x3;
	v36 =	vbroadcast v12, $0x4  }
0xed: {  	v24 =	vadd.f32 v27, v24;
	v48 =	vld [tilespmem:s23+$0x20];
	v37 =	vbroadcast v12, $0x5;
	v38 =	vbroadcast v12, $0x6  }
0xee: {  	v14 =	vadd.f32 v14, v31;
	v49 =	vld [tilespmem:s23+$0x40];
	v50 =	vbroadcast v12, $0x7;
	v19 =	vmul.f32 v19, v22  }
0xef: {  	v11 =	vadd.f32 v11, v32;
	v51 =	vld [tilespmem:s23+$0x60];
	v16 =	vmul.f32 v16, v23;
	v20 =	vmul.f32 v20, v25  }
0xf0: {  	v18 =	vmul.f32 v18, v26;
	v54 =	vld [tilespmem:s23+$0xB0];
	v10 =	vadd.f32 v10, v33;
	v8 =	vadd.f32 v8, v24  }
0xf1: {  	v52 =	vld [tilespmem:s23+$0xA0];
	v5 =	vadd.f32 v5, v14;
	v17 =	vmul.f32 v17, v37;
	v9 =	vmul.f32 v9, v50  }
0xf2: {  	v58 =	vld [tilespmem:s23+$0xF0];
	v4 =	vadd.f32 v4, v11;
	v21 =	vmul.f32 v21, v35;
	v53 =	vmul.f32 v29, v30  }
0xf3: {  	v56 =	vld [tilespmem:s23+$0xE0];
	v3 =	vadd.f32 v3, v10;
	v0 =	vmul.f32 v0, v28;
	v55 =	vmul.f32 v48, v34  }
0xf4: {  	v2 =	vadd.f32 v2, v8;
	v57 =	vmul.f32 v49, v36;
	v59 =	vmul.f32 v51, v38  }
0xf5: {  	v9 =	vadd.f32 v9, v21;
	v13 =	vmul.f32 v54, v13;
	v60 =	vadd.f32 v17, v53  }
0xf6: {  	v61 =	vmul.f32 v52, v15;
	v0 =	vadd.f32 v57, v0;
	v14 =	vadd.f32 v59, v55  }
0xf7: {  	v6 =	vmul.f32 v58, v6;
	v9 =	vadd.f32 v13, v9;
	v8 =	vadd.f32 v18, v60  }
0xf8: {  	v7 =	vmul.f32 v56, v7;
	v0 =	vadd.f32 v20, v0;
	v62 =	vadd.f32 v61, v14  }
0xf9: {  	v6 =	vadd.f32 v6, v9;
	v8 =	vadd.f32 v16, v8  }
0xfa: {  	v0 =	vadd.f32 v19, v0;
	v7 =	vadd.f32 v7, v62  }
0xfb: {  	v4 =	vadd.f32 v4, v5;
	v2 =	vadd.f32 v2, v3  }
0xfc: {  	s19 =	smul.u32 $0xC8, s19;
	v0 =	vadd.f32 v8, v0;
	v63 =	vadd.f32 v6, v7  }
0xfd: {  	s21 =	smul.u32 $0x3200, s21;
	p1 =	sne.s32 s20, $0xA;
	v2 =	vadd.f32 v2, v4  }
.Ltmp1:
0xfe: {  	s19 =	sadd.s32 s7, s19;
	v0 =	vadd.f32 v63, v0;
	(pc) =	sbr.rel @p1 .LBB2_2-.Ltmp1, $4  }
0xff: {  	s21 =	sshrl.u32 s21, $0x2;
	s19 =	sshll.u32 s19, $0x1;
	[tilespmem:v1+s22+$0x0 ss:$0x1] =	vst.idx.msk $0xffff, v2  }
0x100: {  	s21 =	sadd.s32 $0x1DB00, s21;
	s19 =	sadd.s32 s6, s19;
	[tilespmem:v1+s22+$0x10 ss:$0x1] =	vst.idx.msk $0xffff, v0  }
0x101: {  	[hbm4b:s19+s3] =	stream.linear.scatter [tilespmem:s21], [sflag:$0x3], $0xC80, $0x38;
	[tilespmem:$0x1F400] =	vst v63  }
0x102: {  	p0 =	por !p0, !p0;
	s18 =	sadd.s32 $0xC80, s18;
	s19 =	smov.u32 s20  }
0x103: {  	s17 =	sadd.s32 $0x1, s17  }
0x104: {  	_ =	swait.ge [sflag:s1], $0xC80;
	p0 =	sne.s32 s17, s13  }
.Ltmp2:
0x105: {  	[sflag:s1] =	ssyncset.done $0x0;
	(pc) =	sbr.rel @p0 .LBB2_1-.Ltmp2, $4  }
0x106: {  	[sflag:s1] =	ssyncadd.s32 $0xFFFFF380  }
0x107: {  	_ =	swait.ge [sflag:s1], $0xC80  }
0x108: {  	[sflag:s1] =	ssyncset.done $0x0  }
0x109: {  	[sflag:s1] =	ssyncadd.s32 $0xFFFFF380  }
0x10a: {  	_ =	sfence.sel $0x180000  }
0x10b: {  	[bflag:$0x0] =	sbarrier.arrive $0xFFFF  }
0x10c: {  	_ =	strace $0x90000047  }
0x10d: {  	s0 =	stileid.u32;
	[bflag:$0x2] =	sbarrier.arrive $0xFFFF  }
0x10e: {  	p0 =	sne.s32 s0, $0x0;
	s0 =	rddreg [dreg:$0x2]  }
0x10f: {  	s0 =	sadd.s32 @!p0 $0x100000, s0  }
0x110: {  	[sflag:s0] =	ssyncadd.tile.s32 @!p0 $0x1;
	_ =	shalt  }
.Lfunc_end2:
_tile_overlayer_lowered:
.L_overlay_start_2:
0x111: {  	(tag) =	ssettag $0x2  }
0x112: {  	s0 =	rddreg [dreg:$0x0];
	s2 =	stileid.u32  }
0x113: {  	s1 =	rddreg [dreg:$0x1];
	p0 =	sne.s32 s2, $0x0  }
0x114: {  	s3 =	rddreg [dreg:$0x2];
	[bflag:$0x3] =	sbarrier.arrive $0xFFFF;
	s2 =	simm.s32 @!p0 $0x1C04  }
0x115: {  	[timem:s3], [sflag:s2] =	dma.local @!p0 [hbm:s0], s1  }
0x116: {  	s0 =	simm.s32 @!p0 $0x4  }
0x117: {  	_ =	swait.ge @!p0 [sflag:s0], s1  }
0x118: {  	s1 =	ssub.s32 @!p0 $0x0, s1;
	[sflag:s0] =	ssyncset.done @!p0 $0x0  }
0x119: {  	[sflag:s0] =	ssyncadd.s32 @!p0 s1  }
0x11a: {  	[bflag:$0x3] =	sbarrier.arrive $0xFFFF  }
0x11b: {  	_ =	shalt  }

</sc_bundles>
